<compile_context>
chip_gen: v7x
topology: tpu7x:2x2x1
jax: 0.10.2.dev20260603
libtpu: 0.0.44.dev20260713+nightly
codegen_flags: <defaults>
</compile_context>

<pallas_src>
import jax
import jax.numpy as jnp
from jax import lax
from jax.experimental import pallas as pl
from jax.experimental.pallas import tpu as pltpu
from jax.experimental.pallas import tpu_sc as plsc

N_NODES = 10000
PAD_ROWS = 112
N_PAD = N_NODES + PAD_ROWS
HID = 64
G_POOL = 64
NUM_CORES = 2
NUM_SUBCORES = 16
NW = NUM_CORES * NUM_SUBCORES
CHUNK = 128
GRP = 8
ROWS_PER_SUB = N_PAD // NUM_SUBCORES


def _sc_agg(nch, with_cnt):
    assert nch % GRP == 0
    mesh = plsc.VectorSubcoreMesh(
        core_axis_name="c", subcore_axis_name="s",
        num_cores=NUM_CORES, num_subcores=NUM_SUBCORES)
    agg_type = jax.ShapeDtypeStruct((NUM_CORES, N_PAD, HID), jnp.float32)
    if with_cnt:
        out_type = [agg_type,
                    jax.ShapeDtypeStruct((NUM_CORES * N_PAD,), jnp.float32)]
    else:
        out_type = agg_type
    scratch = [
        pltpu.VMEM((nch, CHUNK), jnp.int32),
        pltpu.VMEM((nch, CHUNK), jnp.int32),
        [pltpu.VMEM((CHUNK, HID), jnp.float32) for _ in range(GRP)],
        pltpu.VMEM_SHARED((N_PAD, HID), jnp.float32),
        pltpu.VMEM_SHARED((N_PAD,), jnp.float32),
        pltpu.VMEM((CHUNK,), jnp.float32),
        pltpu.VMEM((ROWS_PER_SUB,), jnp.float32),
        [pltpu.SemaphoreType.DMA for _ in range(GRP)],
        [pltpu.SemaphoreType.DMA for _ in range(GRP)],
        [pltpu.SemaphoreType.DMA for _ in range(GRP)],
    ]

    def body(*refs):
        if with_cnt:
            (src_hbm, dst_hbm, p_hbm, z2_hbm, ones_hbm, z1_hbm,
             out_hbm, cnt_hbm,
             src_v, dst_v, rows, agg_sh, cnt_sh, ones_v, cntb_v,
             gsem, ssem, csem) = refs
        else:
            (src_hbm, dst_hbm, p_hbm, z2_hbm,
             out_hbm,
             src_v, dst_v, rows, agg_sh, cnt_sh, ones_v, cntb_v,
             gsem, ssem, csem) = refs
        cid = lax.axis_index("c")
        sid = lax.axis_index("s")
        wid = cid * NUM_SUBCORES + sid
        rbase = sid * ROWS_PER_SUB
        def gather_start(j, b):
            jc = jnp.minimum(j, nch - 1)
            pltpu.async_copy(p_hbm.at[src_v.at[jc]], rows[b], gsem[b])

        def gather_wait(j, b):
            jc = jnp.minimum(j, nch - 1)
            pltpu.make_async_copy(p_hbm.at[src_v.at[jc]], rows[b],
                                  gsem[b]).wait()

        ngr = nch // GRP
        pltpu.sync_copy(src_hbm.at[wid], src_v)
        for b in range(GRP):
            gather_start(b, b)
        pltpu.sync_copy(dst_hbm.at[wid], dst_v)
        pltpu.sync_copy(z2_hbm, agg_sh.at[pl.ds(rbase, ROWS_PER_SUB)])
        if with_cnt:
            pltpu.sync_copy(z1_hbm, cntb_v)
            pltpu.sync_copy(cntb_v, cnt_sh.at[pl.ds(rbase, ROWS_PER_SUB)])
            pltpu.sync_copy(ones_hbm, ones_v)
        plsc.subcore_barrier()

        def group(g, carry):
            base = g * GRP
            for b in range(GRP):
                gather_wait(base + b, b)
                pltpu.async_copy(rows[b], agg_sh.at[dst_v.at[base + b]],
                                 ssem[b], add=True)
                if with_cnt:
                    pltpu.async_copy(ones_v, cnt_sh.at[dst_v.at[base + b]],
                                     csem[b], add=True)
            for b in range(GRP):
                pltpu.make_async_copy(rows[b], agg_sh.at[dst_v.at[base + b]],
                                      ssem[b]).wait()
                if with_cnt:
                    pltpu.make_async_copy(ones_v,
                                          cnt_sh.at[dst_v.at[base + b]],
                                          csem[b]).wait()
                gather_start(base + GRP + b, b)
            return carry

        lax.fori_loop(0, ngr, group, 0)
        for b in range(GRP):
            gather_wait(ngr * GRP + b, b)
        plsc.subcore_barrier()
        pltpu.sync_copy(agg_sh.at[pl.ds(rbase, ROWS_PER_SUB)],
                        out_hbm.at[cid, pl.ds(rbase, ROWS_PER_SUB)])
        if with_cnt:
            pltpu.sync_copy(cnt_sh.at[pl.ds(rbase, ROWS_PER_SUB)], cntb_v)
            pltpu.sync_copy(cntb_v,
                            cnt_hbm.at[pl.ds(cid * N_PAD + rbase,
                                             ROWS_PER_SUB)])

    return pl.kernel(body, out_type=out_type, mesh=mesh,
                     scratch_types=scratch,
                     compiler_params=pltpu.CompilerParams(
                         use_tc_tiling_on_sc=False))


def _tc_pre(x_ref, wlr_ref, bl_ref, p_ref, r_ref):
    pr = jnp.dot(x_ref[...], wlr_ref[...],
                 preferred_element_type=jnp.float32)
    p_ref[:N_NODES, :] = pr[:, :HID]
    p_ref[N_NODES:, :] = jnp.zeros((PAD_ROWS, HID), jnp.float32)
    r_ref[...] = pr[:, HID:] + bl_ref[...]


def _tc_mid_first(a_ref, cnt0_ref, cnt1_ref, r_ref, wlr_ref, bl_ref,
                  h_ref, p_ref, rn_ref, inv_ref):
    cnt = cnt0_ref[:N_NODES, :] + cnt1_ref[:N_NODES, :]
    inv = 1.0 / jnp.maximum(cnt, 1.0)
    inv_ref[...] = inv
    agg = a_ref[0, :N_NODES, :] + a_ref[1, :N_NODES, :]
    h = agg * inv + r_ref[...]
    h_ref[...] = h
    pr = jnp.dot(h, wlr_ref[...], preferred_element_type=jnp.float32)
    p_ref[:N_NODES, :] = pr[:, :HID]
    p_ref[N_NODES:, :] = jnp.zeros((PAD_ROWS, HID), jnp.float32)
    rn_ref[...] = pr[:, HID:] + bl_ref[...]


def _tc_mid(a_ref, inv_ref, r_ref, wlr_ref, bl_ref,
            h_ref, p_ref, rn_ref):
    agg = a_ref[0, :N_NODES, :] + a_ref[1, :N_NODES, :]
    h = agg * inv_ref[...] + r_ref[...]
    h_ref[...] = h
    pr = jnp.dot(h, wlr_ref[...], preferred_element_type=jnp.float32)
    p_ref[:N_NODES, :] = pr[:, :HID]
    p_ref[N_NODES:, :] = jnp.zeros((PAD_ROWS, HID), jnp.float32)
    rn_ref[...] = pr[:, HID:] + bl_ref[...]


def _tc_final(a_ref, inv_ref, r_ref, h1_ref, h2_ref, h3_ref, batch_ref,
              fc1w_ref, fc1b_ref, fc2w_ref, fc2b_ref, out_ref):
    agg = a_ref[0, :N_NODES, :] + a_ref[1, :N_NODES, :]
    h4 = agg * inv_ref[...] + r_ref[...]
    b = batch_ref[...]
    gids = lax.broadcasted_iota(jnp.int32, (G_POOL, N_NODES), 0)
    mask = (b == gids).astype(jnp.float32)
    s1 = jnp.dot(mask, h1_ref[...], preferred_element_type=jnp.float32)
    s2 = jnp.dot(mask, h2_ref[...], preferred_element_type=jnp.float32)
    s3 = jnp.dot(mask, h3_ref[...], preferred_element_type=jnp.float32)
    s4 = jnp.dot(mask, h4, preferred_element_type=jnp.float32)
    cnt = jnp.sum(mask, axis=1, keepdims=True)
    pooled = jnp.concatenate([s1, s2, s3, s4], axis=1) / jnp.maximum(cnt, 1.0)
    hh = jnp.maximum(
        jnp.dot(pooled, fc1w_ref[...], preferred_element_type=jnp.float32)
        + fc1b_ref[...], 0.0)
    out_ref[...] = jnp.dot(hh, fc2w_ref[...],
                           preferred_element_type=jnp.float32) + fc2b_ref[...]


def _tc_call(body, out_shapes):
    return pl.pallas_call(body, out_shape=out_shapes)


def kernel(x, edge_index, batch, Wl0, bl0, Wr0, Wl1, bl1, Wr1, Wl2, bl2, Wr2,
           Wl3, bl3, Wr3, fc1_w, fc1_b, fc2_w, fc2_b):
    E = edge_index.shape[1]
    nch = -(-E // (NW * CHUNK))
    nch = -(-nch // GRP) * GRP
    epad = nch * NW * CHUNK
    pad = epad - E
    src = edge_index[0]
    dst = edge_index[1]
    if pad:
        pad_idx = (N_NODES
                   + (jnp.arange(pad, dtype=jnp.int32) % PAD_ROWS))
        src = jnp.concatenate([src.astype(jnp.int32), pad_idx])
        dst = jnp.concatenate([dst.astype(jnp.int32), pad_idx])
    src3 = src.reshape(NW, nch, CHUNK)
    dst3 = dst.reshape(NW, nch, CHUNK)

    zeros2d = jnp.zeros((ROWS_PER_SUB, HID), jnp.float32)
    zeros1d = jnp.zeros((ROWS_PER_SUB,), jnp.float32)
    ones_c = jnp.ones((CHUNK,), jnp.float32)

    nhid = jax.ShapeDtypeStruct((N_NODES, HID), jnp.float32)
    phid = jax.ShapeDtypeStruct((N_PAD, HID), jnp.float32)
    ninv = jax.ShapeDtypeStruct((N_NODES, 1), jnp.float32)

    sc_first = _sc_agg(nch, with_cnt=True)
    sc_rest = _sc_agg(nch, with_cnt=False)

    Wlr0 = jnp.concatenate([Wl0, Wr0], axis=1)
    Wlr1 = jnp.concatenate([Wl1, Wr1], axis=1)
    Wlr2 = jnp.concatenate([Wl2, Wr2], axis=1)
    Wlr3 = jnp.concatenate([Wl3, Wr3], axis=1)

    p0, r0 = _tc_call(_tc_pre, [phid, nhid])(
        x, Wlr0, bl0.reshape(1, HID))
    a0, cntp = sc_first(src3, dst3, p0, zeros2d, ones_c, zeros1d)
    cntp = cntp.reshape(NUM_CORES, N_PAD)
    cnt0 = cntp[0].reshape(N_PAD, 1)
    cnt1 = cntp[1].reshape(N_PAD, 1)
    h1, p1, r1, inv = _tc_call(_tc_mid_first, [nhid, phid, nhid, ninv])(
        a0, cnt0, cnt1, r0, Wlr1, bl1.reshape(1, HID))
    a1 = sc_rest(src3, dst3, p1, zeros2d)
    h2, p2, r2 = _tc_call(_tc_mid, [nhid, phid, nhid])(
        a1, inv, r1, Wlr2, bl2.reshape(1, HID))
    a2 = sc_rest(src3, dst3, p2, zeros2d)
    h3, p3, r3 = _tc_call(_tc_mid, [nhid, phid, nhid])(
        a2, inv, r2, Wlr3, bl3.reshape(1, HID))
    a3 = sc_rest(src3, dst3, p3, zeros2d)
    out = _tc_call(_tc_final,
                   jax.ShapeDtypeStruct((G_POOL, fc2_w.shape[1]),
                                        jnp.float32))(
        a3, inv, r3, h1, h2, h3, batch.astype(jnp.int32).reshape(1, N_NODES),
        fc1_w, fc1_b.reshape(1, HID), fc2_w, fc2_b.reshape(1, fc2_w.shape[1]))
    return out

# --- scband reference (transcript-rebuilt; emitter-appended) ---
"""Pipeline reference for scband-graph-sage-63333587746871 (READ-ONLY COPY).

The authoritative reference and input builder live on the scoring server;
editing this copy changes nothing except your own understanding.
"""

import jax, jax.numpy as jnp
import numpy as np

N = 10000
E = 320000
D = 128
H = 64
G = 64

def setup_inputs(seed: int = 0):
    key = jax.random.key(seed)
    ks = jax.random.split(key, 24)
    inp = {}
    inp["x"] = jax.random.normal(ks[0], (N, D), jnp.float32)
    inp["edge_index"] = jax.random.randint(ks[1], (2, E), 0, N)
    inp["batch"] = jnp.sort(jax.random.randint(ks[2], (N,), 0, G))
    dims = [D, H, H, H]
    k = 3
    for l in range(4):
        din = dims[l]
        inp["Wl%d" % l] = jax.random.normal(ks[k], (din, H), jnp.float32) / np.sqrt(din); k += 1
        inp["bl%d" % l] = jnp.zeros((H,), jnp.float32)
        inp["Wr%d" % l] = jax.random.normal(ks[k], (din, H), jnp.float32) / np.sqrt(din); k += 1
    inp["fc1_w"] = jax.random.normal(ks[k], (4 * H, H), jnp.float32) / np.sqrt(4 * H); k += 1
    inp["fc1_b"] = jnp.zeros((H,), jnp.float32)
    inp["fc2_w"] = jax.random.normal(ks[k], (H, D), jnp.float32) / np.sqrt(H); k += 1
    inp["fc2_b"] = jnp.zeros((D,), jnp.float32)
    return inp

def _sage_conv(h, src, dst, Wl, bl, Wr):
    # PyG SAGEConv with mean aggregation: out = lin_l(mean_j x_j) + lin_r(x_i)
    msg = h[src]
    agg = jax.ops.segment_sum(msg, dst, num_segments=N)
    cnt = jax.ops.segment_sum(jnp.ones((src.shape[0], 1), h.dtype), dst, num_segments=N)
    mean = agg / jnp.maximum(cnt, 1.0)
    return mean @ Wl + bl + h @ Wr

def reference(x, edge_index, batch, Wl0, bl0, Wr0, Wl1, bl1, Wr1, Wl2, bl2, Wr2, Wl3, bl3, Wr3, fc1_w, fc1_b, fc2_w, fc2_b):
    src = edge_index[0]
    dst = edge_index[1]
    Ws = [(Wl0, bl0, Wr0), (Wl1, bl1, Wr1), (Wl2, bl2, Wr2), (Wl3, bl3, Wr3)]
    h = x
    x_all = []
    for (Wl, bl, Wr) in Ws:
        h = _sage_conv(h, src, dst, Wl, bl, Wr)
        x_all.append(h)
    xc = jnp.concatenate(x_all, axis=1)
    # global_mean_pool over batch vector
    s = jax.ops.segment_sum(xc, batch, num_segments=G)
    c = jax.ops.segment_sum(jnp.ones((N, 1), xc.dtype), batch, num_segments=G)
    pooled = s / jnp.maximum(c, 1.0)
    # dropout p=0.0 -> identity
    h1 = jax.nn.relu(pooled @ fc1_w + fc1_b)
    out = h1 @ fc2_w + fc2_b
    return out

if __name__ == "__main__":
    import jax
    _d = setup_inputs()
    print(jax.jit(kernel)(*tuple(_d.values())))

</pallas_src>

<mosaic_0001>
#map = affine_map<(d0, d1) -> (0, 0, 0)>
#map1 = affine_map<(d0, d1) -> (0, 0)>
module attributes {stable_mosaic.version = 14 : i64} {
  func.func @body(%arg0: i32, %arg1: i32, %arg2: memref<32x80x128xi32, #tpu.memory_space<hbm>>, %arg3: memref<32x80x128xi32, #tpu.memory_space<hbm>>, %arg4: memref<10112x64xf32, #tpu.memory_space<hbm>>, %arg5: memref<632x64xf32, #tpu.memory_space<hbm>>, %arg6: memref<2x10112x64xf32, #tpu.memory_space<hbm>>, %arg7: memref<80x128xi32, #tpu.memory_space<vmem>>, %arg8: memref<80x128xi32, #tpu.memory_space<vmem>>, %arg9: memref<128x64xf32, #tpu.memory_space<vmem>>, %arg10: memref<128x64xf32, #tpu.memory_space<vmem>>, %arg11: memref<128x64xf32, #tpu.memory_space<vmem>>, %arg12: memref<128x64xf32, #tpu.memory_space<vmem>>, %arg13: memref<128x64xf32, #tpu.memory_space<vmem>>, %arg14: memref<128x64xf32, #tpu.memory_space<vmem>>, %arg15: memref<128x64xf32, #tpu.memory_space<vmem>>, %arg16: memref<128x64xf32, #tpu.memory_space<vmem>>, %arg17: memref<10112x64xf32, #tpu.memory_space<vmem_shared>>, %arg18: memref<10112xf32, #tpu.memory_space<vmem_shared>>, %arg19: memref<128xf32, #tpu.memory_space<vmem>>, %arg20: memref<632xf32, #tpu.memory_space<vmem>>, %arg21: memref<!tpu.dma_semaphore, #tpu.memory_space<semaphore_mem>>, %arg22: memref<!tpu.dma_semaphore, #tpu.memory_space<semaphore_mem>>, %arg23: memref<!tpu.dma_semaphore, #tpu.memory_space<semaphore_mem>>, %arg24: memref<!tpu.dma_semaphore, #tpu.memory_space<semaphore_mem>>, %arg25: memref<!tpu.dma_semaphore, #tpu.memory_space<semaphore_mem>>, %arg26: memref<!tpu.dma_semaphore, #tpu.memory_space<semaphore_mem>>, %arg27: memref<!tpu.dma_semaphore, #tpu.memory_space<semaphore_mem>>, %arg28: memref<!tpu.dma_semaphore, #tpu.memory_space<semaphore_mem>>, %arg29: memref<!tpu.dma_semaphore, #tpu.memory_space<semaphore_mem>>, %arg30: memref<!tpu.dma_semaphore, #tpu.memory_space<semaphore_mem>>, %arg31: memref<!tpu.dma_semaphore, #tpu.memory_space<semaphore_mem>>, %arg32: memref<!tpu.dma_semaphore, #tpu.memory_space<semaphore_mem>>, %arg33: memref<!tpu.dma_semaphore, #tpu.memory_space<semaphore_mem>>, %arg34: memref<!tpu.dma_semaphore, #tpu.memory_space<semaphore_mem>>, %arg35: memref<!tpu.dma_semaphore, #tpu.memory_space<semaphore_mem>>, %arg36: memref<!tpu.dma_semaphore, #tpu.memory_space<semaphore_mem>>, %arg37: memref<!tpu.dma_semaphore, #tpu.memory_space<semaphore_mem>>, %arg38: memref<!tpu.dma_semaphore, #tpu.memory_space<semaphore_mem>>, %arg39: memref<!tpu.dma_semaphore, #tpu.memory_space<semaphore_mem>>, %arg40: memref<!tpu.dma_semaphore, #tpu.memory_space<semaphore_mem>>, %arg41: memref<!tpu.dma_semaphore, #tpu.memory_space<semaphore_mem>>, %arg42: memref<!tpu.dma_semaphore, #tpu.memory_space<semaphore_mem>>, %arg43: memref<!tpu.dma_semaphore, #tpu.memory_space<semaphore_mem>>, %arg44: memref<!tpu.dma_semaphore, #tpu.memory_space<semaphore_mem>>) attributes {dimension_semantics = [#tpu.dimension_semantics<core_parallel>, #tpu.dimension_semantics<subcore_parallel>], iteration_bounds = array<i64: 2, 16>, scalar_prefetch = 0 : i64, scratch_operands = 38 : i64, tpu.core_type = #tpu.core_type<sc_vector_subcore>, window_params = [{transform_indices = #map}, {transform_indices = #map}, {transform_indices = #map1}, {transform_indices = #map1}, {transform_indices = #map}]} {
    %mul3A = arith.constant 16 : i32
    %mul3A_0 = arith.muli %arg0, %mul3A : i32
    %add3A = arith.addi %mul3A_0, %arg1 : i32
    %mul3A_1 = arith.constant 632 : i32
    %mul3A_2 = arith.muli %arg1, %mul3A_1 : i32
    "tpu.region"() ({
      %run_scoped3A = tpu.sem_alloc : memref<!tpu.dma_semaphore, #tpu.memory_space<semaphore_mem>>
      %dma_start3A_150 = arith.constant 0 : i32
      %dma_start3A_151 = arith.constant 0 : i32
      %dma_start3A_152 = tpu.memref_slice %arg2[%add3A, %dma_start3A_150, %dma_start3A_151] : memref<32x80x128xi32, #tpu.memory_space<hbm>> -> memref<1x80x128xi32, #tpu.memory_space<hbm>>
      %dma_start3A_153 = tpu.memref_squeeze %dma_start3A_152 : memref<1x80x128xi32, #tpu.memory_space<hbm>> -> memref<80x128xi32, #tpu.memory_space<hbm>>
      %dma_start3A_154 = arith.constant 0 : i32
      %dma_start3A_155 = arith.constant 0 : i32
      %dma_start3A_156 = tpu.memref_slice %arg2[%add3A, %dma_start3A_154, %dma_start3A_155] : memref<32x80x128xi32, #tpu.memory_space<hbm>> -> memref<1x80x128xi32, #tpu.memory_space<hbm>>
      %dma_start3A_157 = tpu.memref_squeeze %dma_start3A_156 : memref<1x80x128xi32, #tpu.memory_space<hbm>> -> memref<80x128xi32, #tpu.memory_space<hbm>>
      tpu.enqueue_dma source(%dma_start3A_157 : memref<80x128xi32, #tpu.memory_space<hbm>>) target(%arg7 : memref<80x128xi32, #tpu.memory_space<vmem>>) target_semaphore(%run_scoped3A : memref<!tpu.dma_semaphore, #tpu.memory_space<semaphore_mem>>)
      %dma_wait3A_158 = arith.constant 0 : i32
      %dma_wait3A_159 = arith.constant 0 : i32
      %dma_wait3A_160 = tpu.memref_slice %arg2[%add3A, %dma_wait3A_158, %dma_wait3A_159] : memref<32x80x128xi32, #tpu.memory_space<hbm>> -> memref<1x80x128xi32, #tpu.memory_space<hbm>>
      %dma_wait3A_161 = tpu.memref_squeeze %dma_wait3A_160 : memref<1x80x128xi32, #tpu.memory_space<hbm>> -> memref<80x128xi32, #tpu.memory_space<hbm>>
      %dma_wait3A_162 = arith.constant 0 : i32
      %dma_wait3A_163 = arith.constant 0 : i32
      %dma_wait3A_164 = tpu.memref_slice %arg2[%add3A, %dma_wait3A_162, %dma_wait3A_163] : memref<32x80x128xi32, #tpu.memory_space<hbm>> -> memref<1x80x128xi32, #tpu.memory_space<hbm>>
      %dma_wait3A_165 = tpu.memref_squeeze %dma_wait3A_164 : memref<1x80x128xi32, #tpu.memory_space<hbm>> -> memref<80x128xi32, #tpu.memory_space<hbm>>
      tpu.wait_dma2 semaphore(%run_scoped3A : memref<!tpu.dma_semaphore, #tpu.memory_space<semaphore_mem>>) src(%dma_wait3A_165 : memref<80x128xi32, #tpu.memory_space<hbm>>) dst(%arg7 : memref<80x128xi32, #tpu.memory_space<vmem>>)
      tpu.yield
    }) : () -> ()
    %min3A = arith.constant 0 : i32
    %min3A_3 = arith.constant 79 : i32
    %min3A_4 = arith.minsi %min3A, %min3A_3 : i32
    %dma_start3A = arith.constant 0 : i32
    %dma_start3A_5 = tpu.memref_slice %arg7[%min3A_4, %dma_start3A] : memref<80x128xi32, #tpu.memory_space<vmem>> -> memref<1x128xi32, #tpu.memory_space<vmem>>
    %dma_start3A_6 = tpu.memref_squeeze %dma_start3A_5 : memref<1x128xi32, #tpu.memory_space<vmem>> -> memref<128xi32, #tpu.memory_space<vmem>>
    %dma_start3A_7 = arith.constant 0 : i32
    %dma_start3A_8 = arith.constant 0 : i32
    %dma_start3A_9 = tpu.memref_slice %arg4[%dma_start3A_7, %dma_start3A_8] : memref<10112x64xf32, #tpu.memory_space<hbm>> -> memref<10112x64xf32, #tpu.memory_space<hbm>>
    tpu.enqueue_indirect_dma source(%dma_start3A_9 : memref<10112x64xf32, #tpu.memory_space<hbm>>) target(%arg9 : memref<128x64xf32, #tpu.memory_space<vmem>>) offsets(%dma_start3A_6 : memref<128xi32, #tpu.memory_space<vmem>>) semaphore(%arg21 : memref<!tpu.dma_semaphore, #tpu.memory_space<semaphore_mem>>)
    %min3A_10 = arith.constant 1 : i32
    %min3A_11 = arith.constant 79 : i32
    %min3A_12 = arith.minsi %min3A_10, %min3A_11 : i32
    %dma_start3A_13 = arith.constant 0 : i32
    %dma_start3A_14 = tpu.memref_slice %arg7[%min3A_12, %dma_start3A_13] : memref<80x128xi32, #tpu.memory_space<vmem>> -> memref<1x128xi32, #tpu.memory_space<vmem>>
    %dma_start3A_15 = tpu.memref_squeeze %dma_start3A_14 : memref<1x128xi32, #tpu.memory_space<vmem>> -> memref<128xi32, #tpu.memory_space<vmem>>
    %dma_start3A_16 = arith.constant 0 : i32
    %dma_start3A_17 = arith.constant 0 : i32
    %dma_start3A_18 = tpu.memref_slice %arg4[%dma_start3A_16, %dma_start3A_17] : memref<10112x64xf32, #tpu.memory_space<hbm>> -> memref<10112x64xf32, #tpu.memory_space<hbm>>
    tpu.enqueue_indirect_dma source(%dma_start3A_18 : memref<10112x64xf32, #tpu.memory_space<hbm>>) target(%arg10 : memref<128x64xf32, #tpu.memory_space<vmem>>) offsets(%dma_start3A_15 : memref<128xi32, #tpu.memory_space<vmem>>) semaphore(%arg22 : memref<!tpu.dma_semaphore, #tpu.memory_space<semaphore_mem>>)
    %min3A_19 = arith.constant 2 : i32
    %min3A_20 = arith.constant 79 : i32
    %min3A_21 = arith.minsi %min3A_19, %min3A_20 : i32
    %dma_start3A_22 = arith.constant 0 : i32
    %dma_start3A_23 = tpu.memref_slice %arg7[%min3A_21, %dma_start3A_22] : memref<80x128xi32, #tpu.memory_space<vmem>> -> memref<1x128xi32, #tpu.memory_space<vmem>>
    %dma_start3A_24 = tpu.memref_squeeze %dma_start3A_23 : memref<1x128xi32, #tpu.memory_space<vmem>> -> memref<128xi32, #tpu.memory_space<vmem>>
    %dma_start3A_25 = arith.constant 0 : i32
    %dma_start3A_26 = arith.constant 0 : i32
    %dma_start3A_27 = tpu.memref_slice %arg4[%dma_start3A_25, %dma_start3A_26] : memref<10112x64xf32, #tpu.memory_space<hbm>> -> memref<10112x64xf32, #tpu.memory_space<hbm>>
    tpu.enqueue_indirect_dma source(%dma_start3A_27 : memref<10112x64xf32, #tpu.memory_space<hbm>>) target(%arg11 : memref<128x64xf32, #tpu.memory_space<vmem>>) offsets(%dma_start3A_24 : memref<128xi32, #tpu.memory_space<vmem>>) semaphore(%arg23 : memref<!tpu.dma_semaphore, #tpu.memory_space<semaphore_mem>>)
    %min3A_28 = arith.constant 3 : i32
    %min3A_29 = arith.constant 79 : i32
    %min3A_30 = arith.minsi %min3A_28, %min3A_29 : i32
    %dma_start3A_31 = arith.constant 0 : i32
    %dma_start3A_32 = tpu.memref_slice %arg7[%min3A_30, %dma_start3A_31] : memref<80x128xi32, #tpu.memory_space<vmem>> -> memref<1x128xi32, #tpu.memory_space<vmem>>
    %dma_start3A_33 = tpu.memref_squeeze %dma_start3A_32 : memref<1x128xi32, #tpu.memory_space<vmem>> -> memref<128xi32, #tpu.memory_space<vmem>>
    %dma_start3A_34 = arith.constant 0 : i32
    %dma_start3A_35 = arith.constant 0 : i32
    %dma_start3A_36 = tpu.memref_slice %arg4[%dma_start3A_34, %dma_start3A_35] : memref<10112x64xf32, #tpu.memory_space<hbm>> -> memref<10112x64xf32, #tpu.memory_space<hbm>>
    tpu.enqueue_indirect_dma source(%dma_start3A_36 : memref<10112x64xf32, #tpu.memory_space<hbm>>) target(%arg12 : memref<128x64xf32, #tpu.memory_space<vmem>>) offsets(%dma_start3A_33 : memref<128xi32, #tpu.memory_space<vmem>>) semaphore(%arg24 : memref<!tpu.dma_semaphore, #tpu.memory_space<semaphore_mem>>)
    %min3A_37 = arith.constant 4 : i32
    %min3A_38 = arith.constant 79 : i32
    %min3A_39 = arith.minsi %min3A_37, %min3A_38 : i32
    %dma_start3A_40 = arith.constant 0 : i32
    %dma_start3A_41 = tpu.memref_slice %arg7[%min3A_39, %dma_start3A_40] : memref<80x128xi32, #tpu.memory_space<vmem>> -> memref<1x128xi32, #tpu.memory_space<vmem>>
    %dma_start3A_42 = tpu.memref_squeeze %dma_start3A_41 : memref<1x128xi32, #tpu.memory_space<vmem>> -> memref<128xi32, #tpu.memory_space<vmem>>
    %dma_start3A_43 = arith.constant 0 : i32
    %dma_start3A_44 = arith.constant 0 : i32
    %dma_start3A_45 = tpu.memref_slice %arg4[%dma_start3A_43, %dma_start3A_44] : memref<10112x64xf32, #tpu.memory_space<hbm>> -> memref<10112x64xf32, #tpu.memory_space<hbm>>
    tpu.enqueue_indirect_dma source(%dma_start3A_45 : memref<10112x64xf32, #tpu.memory_space<hbm>>) target(%arg13 : memref<128x64xf32, #tpu.memory_space<vmem>>) offsets(%dma_start3A_42 : memref<128xi32, #tpu.memory_space<vmem>>) semaphore(%arg25 : memref<!tpu.dma_semaphore, #tpu.memory_space<semaphore_mem>>)
    %min3A_46 = arith.constant 5 : i32
    %min3A_47 = arith.constant 79 : i32
    %min3A_48 = arith.minsi %min3A_46, %min3A_47 : i32
    %dma_start3A_49 = arith.constant 0 : i32
    %dma_start3A_50 = tpu.memref_slice %arg7[%min3A_48, %dma_start3A_49] : memref<80x128xi32, #tpu.memory_space<vmem>> -> memref<1x128xi32, #tpu.memory_space<vmem>>
    %dma_start3A_51 = tpu.memref_squeeze %dma_start3A_50 : memref<1x128xi32, #tpu.memory_space<vmem>> -> memref<128xi32, #tpu.memory_space<vmem>>
    %dma_start3A_52 = arith.constant 0 : i32
    %dma_start3A_53 = arith.constant 0 : i32
    %dma_start3A_54 = tpu.memref_slice %arg4[%dma_start3A_52, %dma_start3A_53] : memref<10112x64xf32, #tpu.memory_space<hbm>> -> memref<10112x64xf32, #tpu.memory_space<hbm>>
    tpu.enqueue_indirect_dma source(%dma_start3A_54 : memref<10112x64xf32, #tpu.memory_space<hbm>>) target(%arg14 : memref<128x64xf32, #tpu.memory_space<vmem>>) offsets(%dma_start3A_51 : memref<128xi32, #tpu.memory_space<vmem>>) semaphore(%arg26 : memref<!tpu.dma_semaphore, #tpu.memory_space<semaphore_mem>>)
    %min3A_55 = arith.constant 6 : i32
    %min3A_56 = arith.constant 79 : i32
    %min3A_57 = arith.minsi %min3A_55, %min3A_56 : i32
    %dma_start3A_58 = arith.constant 0 : i32
    %dma_start3A_59 = tpu.memref_slice %arg7[%min3A_57, %dma_start3A_58] : memref<80x128xi32, #tpu.memory_space<vmem>> -> memref<1x128xi32, #tpu.memory_space<vmem>>
    %dma_start3A_60 = tpu.memref_squeeze %dma_start3A_59 : memref<1x128xi32, #tpu.memory_space<vmem>> -> memref<128xi32, #tpu.memory_space<vmem>>
    %dma_start3A_61 = arith.constant 0 : i32
    %dma_start3A_62 = arith.constant 0 : i32
    %dma_start3A_63 = tpu.memref_slice %arg4[%dma_start3A_61, %dma_start3A_62] : memref<10112x64xf32, #tpu.memory_space<hbm>> -> memref<10112x64xf32, #tpu.memory_space<hbm>>
    tpu.enqueue_indirect_dma source(%dma_start3A_63 : memref<10112x64xf32, #tpu.memory_space<hbm>>) target(%arg15 : memref<128x64xf32, #tpu.memory_space<vmem>>) offsets(%dma_start3A_60 : memref<128xi32, #tpu.memory_space<vmem>>) semaphore(%arg27 : memref<!tpu.dma_semaphore, #tpu.memory_space<semaphore_mem>>)
    %min3A_64 = arith.constant 7 : i32
    %min3A_65 = arith.constant 79 : i32
    %min3A_66 = arith.minsi %min3A_64, %min3A_65 : i32
    %dma_start3A_67 = arith.constant 0 : i32
    %dma_start3A_68 = tpu.memref_slice %arg7[%min3A_66, %dma_start3A_67] : memref<80x128xi32, #tpu.memory_space<vmem>> -> memref<1x128xi32, #tpu.memory_space<vmem>>
    %dma_start3A_69 = tpu.memref_squeeze %dma_start3A_68 : memref<1x128xi32, #tpu.memory_space<vmem>> -> memref<128xi32, #tpu.memory_space<vmem>>
    %dma_start3A_70 = arith.constant 0 : i32
    %dma_start3A_71 = arith.constant 0 : i32
    %dma_start3A_72 = tpu.memref_slice %arg4[%dma_start3A_70, %dma_start3A_71] : memref<10112x64xf32, #tpu.memory_space<hbm>> -> memref<10112x64xf32, #tpu.memory_space<hbm>>
    tpu.enqueue_indirect_dma source(%dma_start3A_72 : memref<10112x64xf32, #tpu.memory_space<hbm>>) target(%arg16 : memref<128x64xf32, #tpu.memory_space<vmem>>) offsets(%dma_start3A_69 : memref<128xi32, #tpu.memory_space<vmem>>) semaphore(%arg28 : memref<!tpu.dma_semaphore, #tpu.memory_space<semaphore_mem>>)
    "tpu.region"() ({
      %run_scoped3A = tpu.sem_alloc : memref<!tpu.dma_semaphore, #tpu.memory_space<semaphore_mem>>
      %dma_start3A_150 = arith.constant 0 : i32
      %dma_start3A_151 = arith.constant 0 : i32
      %dma_start3A_152 = tpu.memref_slice %arg3[%add3A, %dma_start3A_150, %dma_start3A_151] : memref<32x80x128xi32, #tpu.memory_space<hbm>> -> memref<1x80x128xi32, #tpu.memory_space<hbm>>
      %dma_start3A_153 = tpu.memref_squeeze %dma_start3A_152 : memref<1x80x128xi32, #tpu.memory_space<hbm>> -> memref<80x128xi32, #tpu.memory_space<hbm>>
      %dma_start3A_154 = arith.constant 0 : i32
      %dma_start3A_155 = arith.constant 0 : i32
      %dma_start3A_156 = tpu.memref_slice %arg3[%add3A, %dma_start3A_154, %dma_start3A_155] : memref<32x80x128xi32, #tpu.memory_space<hbm>> -> memref<1x80x128xi32, #tpu.memory_space<hbm>>
      %dma_start3A_157 = tpu.memref_squeeze %dma_start3A_156 : memref<1x80x128xi32, #tpu.memory_space<hbm>> -> memref<80x128xi32, #tpu.memory_space<hbm>>
      tpu.enqueue_dma source(%dma_start3A_157 : memref<80x128xi32, #tpu.memory_space<hbm>>) target(%arg8 : memref<80x128xi32, #tpu.memory_space<vmem>>) target_semaphore(%run_scoped3A : memref<!tpu.dma_semaphore, #tpu.memory_space<semaphore_mem>>)
      %dma_wait3A_158 = arith.constant 0 : i32
      %dma_wait3A_159 = arith.constant 0 : i32
      %dma_wait3A_160 = tpu.memref_slice %arg3[%add3A, %dma_wait3A_158, %dma_wait3A_159] : memref<32x80x128xi32, #tpu.memory_space<hbm>> -> memref<1x80x128xi32, #tpu.memory_space<hbm>>
      %dma_wait3A_161 = tpu.memref_squeeze %dma_wait3A_160 : memref<1x80x128xi32, #tpu.memory_space<hbm>> -> memref<80x128xi32, #tpu.memory_space<hbm>>
      %dma_wait3A_162 = arith.constant 0 : i32
      %dma_wait3A_163 = arith.constant 0 : i32
      %dma_wait3A_164 = tpu.memref_slice %arg3[%add3A, %dma_wait3A_162, %dma_wait3A_163] : memref<32x80x128xi32, #tpu.memory_space<hbm>> -> memref<1x80x128xi32, #tpu.memory_space<hbm>>
      %dma_wait3A_165 = tpu.memref_squeeze %dma_wait3A_164 : memref<1x80x128xi32, #tpu.memory_space<hbm>> -> memref<80x128xi32, #tpu.memory_space<hbm>>
      tpu.wait_dma2 semaphore(%run_scoped3A : memref<!tpu.dma_semaphore, #tpu.memory_space<semaphore_mem>>) src(%dma_wait3A_165 : memref<80x128xi32, #tpu.memory_space<hbm>>) dst(%arg8 : memref<80x128xi32, #tpu.memory_space<vmem>>)
      tpu.yield
    }) : () -> ()
    "tpu.region"() ({
      %run_scoped3A = tpu.sem_alloc : memref<!tpu.dma_semaphore, #tpu.memory_space<semaphore_mem>>
      %dma_start3A_150 = arith.constant 0 : i32
      %dma_start3A_151 = tpu.memref_slice %arg17[%mul3A_2, %dma_start3A_150] : memref<10112x64xf32, #tpu.memory_space<vmem_shared>> -> memref<632x64xf32, #tpu.memory_space<vmem_shared>>
      tpu.enqueue_dma source(%arg5 : memref<632x64xf32, #tpu.memory_space<hbm>>) target(%dma_start3A_151 : memref<632x64xf32, #tpu.memory_space<vmem_shared>>) target_semaphore(%run_scoped3A : memref<!tpu.dma_semaphore, #tpu.memory_space<semaphore_mem>>)
      %dma_wait3A_152 = arith.constant 0 : i32
      %dma_wait3A_153 = tpu.memref_slice %arg17[%mul3A_2, %dma_wait3A_152] : memref<10112x64xf32, #tpu.memory_space<vmem_shared>> -> memref<632x64xf32, #tpu.memory_space<vmem_shared>>
      tpu.wait_dma2 semaphore(%run_scoped3A : memref<!tpu.dma_semaphore, #tpu.memory_space<semaphore_mem>>) src(%arg5 : memref<632x64xf32, #tpu.memory_space<hbm>>) dst(%dma_wait3A_153 : memref<632x64xf32, #tpu.memory_space<vmem_shared>>)
      tpu.yield
    }) : () -> ()
    %barrier3A = arith.constant 0 : index
    tpu.barrier barrier_id(%barrier3A)
    %scan3A = arith.constant 0 : i32
    %scan3A_73 = arith.constant 0 : i32
    %scan3A_74 = arith.constant 10 : i32
    %scan3A_75 = arith.addi %scan3A_73, %scan3A_74 : i32
    %scan3A_76 = arith.constant 1 : i32
    scf.for %scan3A_150 = %scan3A_73 to %scan3A_75 step %scan3A_76  : i32 {
      %mul3A_151 = arith.constant 8 : i32
      %mul3A_152 = arith.muli %scan3A_150, %mul3A_151 : i32
      %add3A_153 = arith.constant 0 : i32
      %add3A_154 = arith.addi %mul3A_152, %add3A_153 : i32
      %min3A_155 = arith.constant 79 : i32
      %min3A_156 = arith.minsi %add3A_154, %min3A_155 : i32
      %dma_wait3A_157 = arith.constant 0 : i32
      %dma_wait3A_158 = tpu.memref_slice %arg7[%min3A_156, %dma_wait3A_157] : memref<80x128xi32, #tpu.memory_space<vmem>> -> memref<1x128xi32, #tpu.memory_space<vmem>>
      %dma_wait3A_159 = tpu.memref_squeeze %dma_wait3A_158 : memref<1x128xi32, #tpu.memory_space<vmem>> -> memref<128xi32, #tpu.memory_space<vmem>>
      %dma_wait3A_160 = arith.constant 0 : i32
      %dma_wait3A_161 = arith.constant 0 : i32
      %dma_wait3A_162 = tpu.memref_slice %arg4[%dma_wait3A_160, %dma_wait3A_161] : memref<10112x64xf32, #tpu.memory_space<hbm>> -> memref<10112x64xf32, #tpu.memory_space<hbm>>
      tpu.wait_indirect_dma semaphore(%arg21 : memref<!tpu.dma_semaphore, #tpu.memory_space<semaphore_mem>>) src(%dma_wait3A_162 : memref<10112x64xf32, #tpu.memory_space<hbm>>) dst(%arg9 : memref<128x64xf32, #tpu.memory_space<vmem>>)
      %add3A_163 = arith.constant 0 : i32
      %add3A_164 = arith.addi %mul3A_152, %add3A_163 : i32
      %dma_start3A_165 = arith.constant 0 : i32
      %dma_start3A_166 = tpu.memref_slice %arg8[%add3A_164, %dma_start3A_165] : memref<80x128xi32, #tpu.memory_space<vmem>> -> memref<1x128xi32, #tpu.memory_space<vmem>>
      %dma_start3A_167 = tpu.memref_squeeze %dma_start3A_166 : memref<1x128xi32, #tpu.memory_space<vmem>> -> memref<128xi32, #tpu.memory_space<vmem>>
      %dma_start3A_168 = arith.constant 0 : i32
      %dma_start3A_169 = arith.constant 0 : i32
      %dma_start3A_170 = tpu.memref_slice %arg17[%dma_start3A_168, %dma_start3A_169] : memref<10112x64xf32, #tpu.memory_space<vmem_shared>> -> memref<10112x64xf32, #tpu.memory_space<vmem_shared>>
      tpu.enqueue_indirect_dma source(%arg9 : memref<128x64xf32, #tpu.memory_space<vmem>>) target(%dma_start3A_170 : memref<10112x64xf32, #tpu.memory_space<vmem_shared>>) offsets(%dma_start3A_167 : memref<128xi32, #tpu.memory_space<vmem>>) semaphore(%arg29 : memref<!tpu.dma_semaphore, #tpu.memory_space<semaphore_mem>>) {add = true}
      %add3A_171 = arith.constant 1 : i32
      %add3A_172 = arith.addi %mul3A_152, %add3A_171 : i32
      %min3A_173 = arith.constant 79 : i32
      %min3A_174 = arith.minsi %add3A_172, %min3A_173 : i32
      %dma_wait3A_175 = arith.constant 0 : i32
      %dma_wait3A_176 = tpu.memref_slice %arg7[%min3A_174, %dma_wait3A_175] : memref<80x128xi32, #tpu.memory_space<vmem>> -> memref<1x128xi32, #tpu.memory_space<vmem>>
      %dma_wait3A_177 = tpu.memref_squeeze %dma_wait3A_176 : memref<1x128xi32, #tpu.memory_space<vmem>> -> memref<128xi32, #tpu.memory_space<vmem>>
      %dma_wait3A_178 = arith.constant 0 : i32
      %dma_wait3A_179 = arith.constant 0 : i32
      %dma_wait3A_180 = tpu.memref_slice %arg4[%dma_wait3A_178, %dma_wait3A_179] : memref<10112x64xf32, #tpu.memory_space<hbm>> -> memref<10112x64xf32, #tpu.memory_space<hbm>>
      tpu.wait_indirect_dma semaphore(%arg22 : memref<!tpu.dma_semaphore, #tpu.memory_space<semaphore_mem>>) src(%dma_wait3A_180 : memref<10112x64xf32, #tpu.memory_space<hbm>>) dst(%arg10 : memref<128x64xf32, #tpu.memory_space<vmem>>)
      %add3A_181 = arith.constant 1 : i32
      %add3A_182 = arith.addi %mul3A_152, %add3A_181 : i32
      %dma_start3A_183 = arith.constant 0 : i32
      %dma_start3A_184 = tpu.memref_slice %arg8[%add3A_182, %dma_start3A_183] : memref<80x128xi32, #tpu.memory_space<vmem>> -> memref<1x128xi32, #tpu.memory_space<vmem>>
      %dma_start3A_185 = tpu.memref_squeeze %dma_start3A_184 : memref<1x128xi32, #tpu.memory_space<vmem>> -> memref<128xi32, #tpu.memory_space<vmem>>
      %dma_start3A_186 = arith.constant 0 : i32
      %dma_start3A_187 = arith.constant 0 : i32
      %dma_start3A_188 = tpu.memref_slice %arg17[%dma_start3A_186, %dma_start3A_187] : memref<10112x64xf32, #tpu.memory_space<vmem_shared>> -> memref<10112x64xf32, #tpu.memory_space<vmem_shared>>
      tpu.enqueue_indirect_dma source(%arg10 : memref<128x64xf32, #tpu.memory_space<vmem>>) target(%dma_start3A_188 : memref<10112x64xf32, #tpu.memory_space<vmem_shared>>) offsets(%dma_start3A_185 : memref<128xi32, #tpu.memory_space<vmem>>) semaphore(%arg30 : memref<!tpu.dma_semaphore, #tpu.memory_space<semaphore_mem>>) {add = true}
      %add3A_189 = arith.constant 2 : i32
      %add3A_190 = arith.addi %mul3A_152, %add3A_189 : i32
      %min3A_191 = arith.constant 79 : i32
      %min3A_192 = arith.minsi %add3A_190, %min3A_191 : i32
      %dma_wait3A_193 = arith.constant 0 : i32
      %dma_wait3A_194 = tpu.memref_slice %arg7[%min3A_192, %dma_wait3A_193] : memref<80x128xi32, #tpu.memory_space<vmem>> -> memref<1x128xi32, #tpu.memory_space<vmem>>
      %dma_wait3A_195 = tpu.memref_squeeze %dma_wait3A_194 : memref<1x128xi32, #tpu.memory_space<vmem>> -> memref<128xi32, #tpu.memory_space<vmem>>
      %dma_wait3A_196 = arith.constant 0 : i32
      %dma_wait3A_197 = arith.constant 0 : i32
      %dma_wait3A_198 = tpu.memref_slice %arg4[%dma_wait3A_196, %dma_wait3A_197] : memref<10112x64xf32, #tpu.memory_space<hbm>> -> memref<10112x64xf32, #tpu.memory_space<hbm>>
      tpu.wait_indirect_dma semaphore(%arg23 : memref<!tpu.dma_semaphore, #tpu.memory_space<semaphore_mem>>) src(%dma_wait3A_198 : memref<10112x64xf32, #tpu.memory_space<hbm>>) dst(%arg11 : memref<128x64xf32, #tpu.memory_space<vmem>>)
      %add3A_199 = arith.constant 2 : i32
      %add3A_200 = arith.addi %mul3A_152, %add3A_199 : i32
      %dma_start3A_201 = arith.constant 0 : i32
      %dma_start3A_202 = tpu.memref_slice %arg8[%add3A_200, %dma_start3A_201] : memref<80x128xi32, #tpu.memory_space<vmem>> -> memref<1x128xi32, #tpu.memory_space<vmem>>
      %dma_start3A_203 = tpu.memref_squeeze %dma_start3A_202 : memref<1x128xi32, #tpu.memory_space<vmem>> -> memref<128xi32, #tpu.memory_space<vmem>>
      %dma_start3A_204 = arith.constant 0 : i32
      %dma_start3A_205 = arith.constant 0 : i32
      %dma_start3A_206 = tpu.memref_slice %arg17[%dma_start3A_204, %dma_start3A_205] : memref<10112x64xf32, #tpu.memory_space<vmem_shared>> -> memref<10112x64xf32, #tpu.memory_space<vmem_shared>>
      tpu.enqueue_indirect_dma source(%arg11 : memref<128x64xf32, #tpu.memory_space<vmem>>) target(%dma_start3A_206 : memref<10112x64xf32, #tpu.memory_space<vmem_shared>>) offsets(%dma_start3A_203 : memref<128xi32, #tpu.memory_space<vmem>>) semaphore(%arg31 : memref<!tpu.dma_semaphore, #tpu.memory_space<semaphore_mem>>) {add = true}
      %add3A_207 = arith.constant 3 : i32
      %add3A_208 = arith.addi %mul3A_152, %add3A_207 : i32
      %min3A_209 = arith.constant 79 : i32
      %min3A_210 = arith.minsi %add3A_208, %min3A_209 : i32
      %dma_wait3A_211 = arith.constant 0 : i32
      %dma_wait3A_212 = tpu.memref_slice %arg7[%min3A_210, %dma_wait3A_211] : memref<80x128xi32, #tpu.memory_space<vmem>> -> memref<1x128xi32, #tpu.memory_space<vmem>>
      %dma_wait3A_213 = tpu.memref_squeeze %dma_wait3A_212 : memref<1x128xi32, #tpu.memory_space<vmem>> -> memref<128xi32, #tpu.memory_space<vmem>>
      %dma_wait3A_214 = arith.constant 0 : i32
      %dma_wait3A_215 = arith.constant 0 : i32
      %dma_wait3A_216 = tpu.memref_slice %arg4[%dma_wait3A_214, %dma_wait3A_215] : memref<10112x64xf32, #tpu.memory_space<hbm>> -> memref<10112x64xf32, #tpu.memory_space<hbm>>
      tpu.wait_indirect_dma semaphore(%arg24 : memref<!tpu.dma_semaphore, #tpu.memory_space<semaphore_mem>>) src(%dma_wait3A_216 : memref<10112x64xf32, #tpu.memory_space<hbm>>) dst(%arg12 : memref<128x64xf32, #tpu.memory_space<vmem>>)
      %add3A_217 = arith.constant 3 : i32
      %add3A_218 = arith.addi %mul3A_152, %add3A_217 : i32
      %dma_start3A_219 = arith.constant 0 : i32
      %dma_start3A_220 = tpu.memref_slice %arg8[%add3A_218, %dma_start3A_219] : memref<80x128xi32, #tpu.memory_space<vmem>> -> memref<1x128xi32, #tpu.memory_space<vmem>>
      %dma_start3A_221 = tpu.memref_squeeze %dma_start3A_220 : memref<1x128xi32, #tpu.memory_space<vmem>> -> memref<128xi32, #tpu.memory_space<vmem>>
      %dma_start3A_222 = arith.constant 0 : i32
      %dma_start3A_223 = arith.constant 0 : i32
      %dma_start3A_224 = tpu.memref_slice %arg17[%dma_start3A_222, %dma_start3A_223] : memref<10112x64xf32, #tpu.memory_space<vmem_shared>> -> memref<10112x64xf32, #tpu.memory_space<vmem_shared>>
      tpu.enqueue_indirect_dma source(%arg12 : memref<128x64xf32, #tpu.memory_space<vmem>>) target(%dma_start3A_224 : memref<10112x64xf32, #tpu.memory_space<vmem_shared>>) offsets(%dma_start3A_221 : memref<128xi32, #tpu.memory_space<vmem>>) semaphore(%arg32 : memref<!tpu.dma_semaphore, #tpu.memory_space<semaphore_mem>>) {add = true}
      %add3A_225 = arith.constant 4 : i32
      %add3A_226 = arith.addi %mul3A_152, %add3A_225 : i32
      %min3A_227 = arith.constant 79 : i32
      %min3A_228 = arith.minsi %add3A_226, %min3A_227 : i32
      %dma_wait3A_229 = arith.constant 0 : i32
      %dma_wait3A_230 = tpu.memref_slice %arg7[%min3A_228, %dma_wait3A_229] : memref<80x128xi32, #tpu.memory_space<vmem>> -> memref<1x128xi32, #tpu.memory_space<vmem>>
      %dma_wait3A_231 = tpu.memref_squeeze %dma_wait3A_230 : memref<1x128xi32, #tpu.memory_space<vmem>> -> memref<128xi32, #tpu.memory_space<vmem>>
      %dma_wait3A_232 = arith.constant 0 : i32
      %dma_wait3A_233 = arith.constant 0 : i32
      %dma_wait3A_234 = tpu.memref_slice %arg4[%dma_wait3A_232, %dma_wait3A_233] : memref<10112x64xf32, #tpu.memory_space<hbm>> -> memref<10112x64xf32, #tpu.memory_space<hbm>>
      tpu.wait_indirect_dma semaphore(%arg25 : memref<!tpu.dma_semaphore, #tpu.memory_space<semaphore_mem>>) src(%dma_wait3A_234 : memref<10112x64xf32, #tpu.memory_space<hbm>>) dst(%arg13 : memref<128x64xf32, #tpu.memory_space<vmem>>)
      %add3A_235 = arith.constant 4 : i32
      %add3A_236 = arith.addi %mul3A_152, %add3A_235 : i32
      %dma_start3A_237 = arith.constant 0 : i32
      %dma_start3A_238 = tpu.memref_slice %arg8[%add3A_236, %dma_start3A_237] : memref<80x128xi32, #tpu.memory_space<vmem>> -> memref<1x128xi32, #tpu.memory_space<vmem>>
      %dma_start3A_239 = tpu.memref_squeeze %dma_start3A_238 : memref<1x128xi32, #tpu.memory_space<vmem>> -> memref<128xi32, #tpu.memory_space<vmem>>
      %dma_start3A_240 = arith.constant 0 : i32
      %dma_start3A_241 = arith.constant 0 : i32
      %dma_start3A_242 = tpu.memref_slice %arg17[%dma_start3A_240, %dma_start3A_241] : memref<10112x64xf32, #tpu.memory_space<vmem_shared>> -> memref<10112x64xf32, #tpu.memory_space<vmem_shared>>
      tpu.enqueue_indirect_dma source(%arg13 : memref<128x64xf32, #tpu.memory_space<vmem>>) target(%dma_start3A_242 : memref<10112x64xf32, #tpu.memory_space<vmem_shared>>) offsets(%dma_start3A_239 : memref<128xi32, #tpu.memory_space<vmem>>) semaphore(%arg33 : memref<!tpu.dma_semaphore, #tpu.memory_space<semaphore_mem>>) {add = true}
      %add3A_243 = arith.constant 5 : i32
      %add3A_244 = arith.addi %mul3A_152, %add3A_243 : i32
      %min3A_245 = arith.constant 79 : i32
      %min3A_246 = arith.minsi %add3A_244, %min3A_245 : i32
      %dma_wait3A_247 = arith.constant 0 : i32
      %dma_wait3A_248 = tpu.memref_slice %arg7[%min3A_246, %dma_wait3A_247] : memref<80x128xi32, #tpu.memory_space<vmem>> -> memref<1x128xi32, #tpu.memory_space<vmem>>
      %dma_wait3A_249 = tpu.memref_squeeze %dma_wait3A_248 : memref<1x128xi32, #tpu.memory_space<vmem>> -> memref<128xi32, #tpu.memory_space<vmem>>
      %dma_wait3A_250 = arith.constant 0 : i32
      %dma_wait3A_251 = arith.constant 0 : i32
      %dma_wait3A_252 = tpu.memref_slice %arg4[%dma_wait3A_250, %dma_wait3A_251] : memref<10112x64xf32, #tpu.memory_space<hbm>> -> memref<10112x64xf32, #tpu.memory_space<hbm>>
      tpu.wait_indirect_dma semaphore(%arg26 : memref<!tpu.dma_semaphore, #tpu.memory_space<semaphore_mem>>) src(%dma_wait3A_252 : memref<10112x64xf32, #tpu.memory_space<hbm>>) dst(%arg14 : memref<128x64xf32, #tpu.memory_space<vmem>>)
      %add3A_253 = arith.constant 5 : i32
      %add3A_254 = arith.addi %mul3A_152, %add3A_253 : i32
      %dma_start3A_255 = arith.constant 0 : i32
      %dma_start3A_256 = tpu.memref_slice %arg8[%add3A_254, %dma_start3A_255] : memref<80x128xi32, #tpu.memory_space<vmem>> -> memref<1x128xi32, #tpu.memory_space<vmem>>
      %dma_start3A_257 = tpu.memref_squeeze %dma_start3A_256 : memref<1x128xi32, #tpu.memory_space<vmem>> -> memref<128xi32, #tpu.memory_space<vmem>>
      %dma_start3A_258 = arith.constant 0 : i32
      %dma_start3A_259 = arith.constant 0 : i32
      %dma_start3A_260 = tpu.memref_slice %arg17[%dma_start3A_258, %dma_start3A_259] : memref<10112x64xf32, #tpu.memory_space<vmem_shared>> -> memref<10112x64xf32, #tpu.memory_space<vmem_shared>>
      tpu.enqueue_indirect_dma source(%arg14 : memref<128x64xf32, #tpu.memory_space<vmem>>) target(%dma_start3A_260 : memref<10112x64xf32, #tpu.memory_space<vmem_shared>>) offsets(%dma_start3A_257 : memref<128xi32, #tpu.memory_space<vmem>>) semaphore(%arg34 : memref<!tpu.dma_semaphore, #tpu.memory_space<semaphore_mem>>) {add = true}
      %add3A_261 = arith.constant 6 : i32
      %add3A_262 = arith.addi %mul3A_152, %add3A_261 : i32
      %min3A_263 = arith.constant 79 : i32
      %min3A_264 = arith.minsi %add3A_262, %min3A_263 : i32
      %dma_wait3A_265 = arith.constant 0 : i32
      %dma_wait3A_266 = tpu.memref_slice %arg7[%min3A_264, %dma_wait3A_265] : memref<80x128xi32, #tpu.memory_space<vmem>> -> memref<1x128xi32, #tpu.memory_space<vmem>>
      %dma_wait3A_267 = tpu.memref_squeeze %dma_wait3A_266 : memref<1x128xi32, #tpu.memory_space<vmem>> -> memref<128xi32, #tpu.memory_space<vmem>>
      %dma_wait3A_268 = arith.constant 0 : i32
      %dma_wait3A_269 = arith.constant 0 : i32
      %dma_wait3A_270 = tpu.memref_slice %arg4[%dma_wait3A_268, %dma_wait3A_269] : memref<10112x64xf32, #tpu.memory_space<hbm>> -> memref<10112x64xf32, #tpu.memory_space<hbm>>
      tpu.wait_indirect_dma semaphore(%arg27 : memref<!tpu.dma_semaphore, #tpu.memory_space<semaphore_mem>>) src(%dma_wait3A_270 : memref<10112x64xf32, #tpu.memory_space<hbm>>) dst(%arg15 : memref<128x64xf32, #tpu.memory_space<vmem>>)
      %add3A_271 = arith.constant 6 : i32
      %add3A_272 = arith.addi %mul3A_152, %add3A_271 : i32
      %dma_start3A_273 = arith.constant 0 : i32
      %dma_start3A_274 = tpu.memref_slice %arg8[%add3A_272, %dma_start3A_273] : memref<80x128xi32, #tpu.memory_space<vmem>> -> memref<1x128xi32, #tpu.memory_space<vmem>>
      %dma_start3A_275 = tpu.memref_squeeze %dma_start3A_274 : memref<1x128xi32, #tpu.memory_space<vmem>> -> memref<128xi32, #tpu.memory_space<vmem>>
      %dma_start3A_276 = arith.constant 0 : i32
      %dma_start3A_277 = arith.constant 0 : i32
      %dma_start3A_278 = tpu.memref_slice %arg17[%dma_start3A_276, %dma_start3A_277] : memref<10112x64xf32, #tpu.memory_space<vmem_shared>> -> memref<10112x64xf32, #tpu.memory_space<vmem_shared>>
      tpu.enqueue_indirect_dma source(%arg15 : memref<128x64xf32, #tpu.memory_space<vmem>>) target(%dma_start3A_278 : memref<10112x64xf32, #tpu.memory_space<vmem_shared>>) offsets(%dma_start3A_275 : memref<128xi32, #tpu.memory_space<vmem>>) semaphore(%arg35 : memref<!tpu.dma_semaphore, #tpu.memory_space<semaphore_mem>>) {add = true}
      %add3A_279 = arith.constant 7 : i32
      %add3A_280 = arith.addi %mul3A_152, %add3A_279 : i32
      %min3A_281 = arith.constant 79 : i32
      %min3A_282 = arith.minsi %add3A_280, %min3A_281 : i32
      %dma_wait3A_283 = arith.constant 0 : i32
      %dma_wait3A_284 = tpu.memref_slice %arg7[%min3A_282, %dma_wait3A_283] : memref<80x128xi32, #tpu.memory_space<vmem>> -> memref<1x128xi32, #tpu.memory_space<vmem>>
      %dma_wait3A_285 = tpu.memref_squeeze %dma_wait3A_284 : memref<1x128xi32, #tpu.memory_space<vmem>> -> memref<128xi32, #tpu.memory_space<vmem>>
      %dma_wait3A_286 = arith.constant 0 : i32
      %dma_wait3A_287 = arith.constant 0 : i32
      %dma_wait3A_288 = tpu.memref_slice %arg4[%dma_wait3A_286, %dma_wait3A_287] : memref<10112x64xf32, #tpu.memory_space<hbm>> -> memref<10112x64xf32, #tpu.memory_space<hbm>>
      tpu.wait_indirect_dma semaphore(%arg28 : memref<!tpu.dma_semaphore, #tpu.memory_space<semaphore_mem>>) src(%dma_wait3A_288 : memref<10112x64xf32, #tpu.memory_space<hbm>>) dst(%arg16 : memref<128x64xf32, #tpu.memory_space<vmem>>)
      %add3A_289 = arith.constant 7 : i32
      %add3A_290 = arith.addi %mul3A_152, %add3A_289 : i32
      %dma_start3A_291 = arith.constant 0 : i32
      %dma_start3A_292 = tpu.memref_slice %arg8[%add3A_290, %dma_start3A_291] : memref<80x128xi32, #tpu.memory_space<vmem>> -> memref<1x128xi32, #tpu.memory_space<vmem>>
      %dma_start3A_293 = tpu.memref_squeeze %dma_start3A_292 : memref<1x128xi32, #tpu.memory_space<vmem>> -> memref<128xi32, #tpu.memory_space<vmem>>
      %dma_start3A_294 = arith.constant 0 : i32
      %dma_start3A_295 = arith.constant 0 : i32
      %dma_start3A_296 = tpu.memref_slice %arg17[%dma_start3A_294, %dma_start3A_295] : memref<10112x64xf32, #tpu.memory_space<vmem_shared>> -> memref<10112x64xf32, #tpu.memory_space<vmem_shared>>
      tpu.enqueue_indirect_dma source(%arg16 : memref<128x64xf32, #tpu.memory_space<vmem>>) target(%dma_start3A_296 : memref<10112x64xf32, #tpu.memory_space<vmem_shared>>) offsets(%dma_start3A_293 : memref<128xi32, #tpu.memory_space<vmem>>) semaphore(%arg36 : memref<!tpu.dma_semaphore, #tpu.memory_space<semaphore_mem>>) {add = true}
      %add3A_297 = arith.constant 0 : i32
      %add3A_298 = arith.addi %mul3A_152, %add3A_297 : i32
      %dma_wait3A_299 = arith.constant 0 : i32
      %dma_wait3A_300 = tpu.memref_slice %arg8[%add3A_298, %dma_wait3A_299] : memref<80x128xi32, #tpu.memory_space<vmem>> -> memref<1x128xi32, #tpu.memory_space<vmem>>
      %dma_wait3A_301 = tpu.memref_squeeze %dma_wait3A_300 : memref<1x128xi32, #tpu.memory_space<vmem>> -> memref<128xi32, #tpu.memory_space<vmem>>
      %dma_wait3A_302 = arith.constant 0 : i32
      %dma_wait3A_303 = arith.constant 0 : i32
      %dma_wait3A_304 = tpu.memref_slice %arg17[%dma_wait3A_302, %dma_wait3A_303] : memref<10112x64xf32, #tpu.memory_space<vmem_shared>> -> memref<10112x64xf32, #tpu.memory_space<vmem_shared>>
      tpu.wait_indirect_dma semaphore(%arg29 : memref<!tpu.dma_semaphore, #tpu.memory_space<semaphore_mem>>) src(%arg9 : memref<128x64xf32, #tpu.memory_space<vmem>>) dst(%dma_wait3A_304 : memref<10112x64xf32, #tpu.memory_space<vmem_shared>>)
      %add3A_305 = arith.constant 8 : i32
      %add3A_306 = arith.addi %mul3A_152, %add3A_305 : i32
      %add3A_307 = arith.constant 0 : i32
      %add3A_308 = arith.addi %add3A_306, %add3A_307 : i32
      %min3A_309 = arith.constant 79 : i32
      %min3A_310 = arith.minsi %add3A_308, %min3A_309 : i32
      %dma_start3A_311 = arith.constant 0 : i32
      %dma_start3A_312 = tpu.memref_slice %arg7[%min3A_310, %dma_start3A_311] : memref<80x128xi32, #tpu.memory_space<vmem>> -> memref<1x128xi32, #tpu.memory_space<vmem>>
      %dma_start3A_313 = tpu.memref_squeeze %dma_start3A_312 : memref<1x128xi32, #tpu.memory_space<vmem>> -> memref<128xi32, #tpu.memory_space<vmem>>
      %dma_start3A_314 = arith.constant 0 : i32
      %dma_start3A_315 = arith.constant 0 : i32
      %dma_start3A_316 = tpu.memref_slice %arg4[%dma_start3A_314, %dma_start3A_315] : memref<10112x64xf32, #tpu.memory_space<hbm>> -> memref<10112x64xf32, #tpu.memory_space<hbm>>
      tpu.enqueue_indirect_dma source(%dma_start3A_316 : memref<10112x64xf32, #tpu.memory_space<hbm>>) target(%arg9 : memref<128x64xf32, #tpu.memory_space<vmem>>) offsets(%dma_start3A_313 : memref<128xi32, #tpu.memory_space<vmem>>) semaphore(%arg21 : memref<!tpu.dma_semaphore, #tpu.memory_space<semaphore_mem>>)
      %add3A_317 = arith.constant 1 : i32
      %add3A_318 = arith.addi %mul3A_152, %add3A_317 : i32
      %dma_wait3A_319 = arith.constant 0 : i32
      %dma_wait3A_320 = tpu.memref_slice %arg8[%add3A_318, %dma_wait3A_319] : memref<80x128xi32, #tpu.memory_space<vmem>> -> memref<1x128xi32, #tpu.memory_space<vmem>>
      %dma_wait3A_321 = tpu.memref_squeeze %dma_wait3A_320 : memref<1x128xi32, #tpu.memory_space<vmem>> -> memref<128xi32, #tpu.memory_space<vmem>>
      %dma_wait3A_322 = arith.constant 0 : i32
      %dma_wait3A_323 = arith.constant 0 : i32
      %dma_wait3A_324 = tpu.memref_slice %arg17[%dma_wait3A_322, %dma_wait3A_323] : memref<10112x64xf32, #tpu.memory_space<vmem_shared>> -> memref<10112x64xf32, #tpu.memory_space<vmem_shared>>
      tpu.wait_indirect_dma semaphore(%arg30 : memref<!tpu.dma_semaphore, #tpu.memory_space<semaphore_mem>>) src(%arg10 : memref<128x64xf32, #tpu.memory_space<vmem>>) dst(%dma_wait3A_324 : memref<10112x64xf32, #tpu.memory_space<vmem_shared>>)
      %add3A_325 = arith.constant 8 : i32
      %add3A_326 = arith.addi %mul3A_152, %add3A_325 : i32
      %add3A_327 = arith.constant 1 : i32
      %add3A_328 = arith.addi %add3A_326, %add3A_327 : i32
      %min3A_329 = arith.constant 79 : i32
      %min3A_330 = arith.minsi %add3A_328, %min3A_329 : i32
      %dma_start3A_331 = arith.constant 0 : i32
      %dma_start3A_332 = tpu.memref_slice %arg7[%min3A_330, %dma_start3A_331] : memref<80x128xi32, #tpu.memory_space<vmem>> -> memref<1x128xi32, #tpu.memory_space<vmem>>
      %dma_start3A_333 = tpu.memref_squeeze %dma_start3A_332 : memref<1x128xi32, #tpu.memory_space<vmem>> -> memref<128xi32, #tpu.memory_space<vmem>>
      %dma_start3A_334 = arith.constant 0 : i32
      %dma_start3A_335 = arith.constant 0 : i32
      %dma_start3A_336 = tpu.memref_slice %arg4[%dma_start3A_334, %dma_start3A_335] : memref<10112x64xf32, #tpu.memory_space<hbm>> -> memref<10112x64xf32, #tpu.memory_space<hbm>>
      tpu.enqueue_indirect_dma source(%dma_start3A_336 : memref<10112x64xf32, #tpu.memory_space<hbm>>) target(%arg10 : memref<128x64xf32, #tpu.memory_space<vmem>>) offsets(%dma_start3A_333 : memref<128xi32, #tpu.memory_space<vmem>>) semaphore(%arg22 : memref<!tpu.dma_semaphore, #tpu.memory_space<semaphore_mem>>)
      %add3A_337 = arith.constant 2 : i32
      %add3A_338 = arith.addi %mul3A_152, %add3A_337 : i32
      %dma_wait3A_339 = arith.constant 0 : i32
      %dma_wait3A_340 = tpu.memref_slice %arg8[%add3A_338, %dma_wait3A_339] : memref<80x128xi32, #tpu.memory_space<vmem>> -> memref<1x128xi32, #tpu.memory_space<vmem>>
      %dma_wait3A_341 = tpu.memref_squeeze %dma_wait3A_340 : memref<1x128xi32, #tpu.memory_space<vmem>> -> memref<128xi32, #tpu.memory_space<vmem>>
      %dma_wait3A_342 = arith.constant 0 : i32
      %dma_wait3A_343 = arith.constant 0 : i32
      %dma_wait3A_344 = tpu.memref_slice %arg17[%dma_wait3A_342, %dma_wait3A_343] : memref<10112x64xf32, #tpu.memory_space<vmem_shared>> -> memref<10112x64xf32, #tpu.memory_space<vmem_shared>>
      tpu.wait_indirect_dma semaphore(%arg31 : memref<!tpu.dma_semaphore, #tpu.memory_space<semaphore_mem>>) src(%arg11 : memref<128x64xf32, #tpu.memory_space<vmem>>) dst(%dma_wait3A_344 : memref<10112x64xf32, #tpu.memory_space<vmem_shared>>)
      %add3A_345 = arith.constant 8 : i32
      %add3A_346 = arith.addi %mul3A_152, %add3A_345 : i32
      %add3A_347 = arith.constant 2 : i32
      %add3A_348 = arith.addi %add3A_346, %add3A_347 : i32
      %min3A_349 = arith.constant 79 : i32
      %min3A_350 = arith.minsi %add3A_348, %min3A_349 : i32
      %dma_start3A_351 = arith.constant 0 : i32
      %dma_start3A_352 = tpu.memref_slice %arg7[%min3A_350, %dma_start3A_351] : memref<80x128xi32, #tpu.memory_space<vmem>> -> memref<1x128xi32, #tpu.memory_space<vmem>>
      %dma_start3A_353 = tpu.memref_squeeze %dma_start3A_352 : memref<1x128xi32, #tpu.memory_space<vmem>> -> memref<128xi32, #tpu.memory_space<vmem>>
      %dma_start3A_354 = arith.constant 0 : i32
      %dma_start3A_355 = arith.constant 0 : i32
      %dma_start3A_356 = tpu.memref_slice %arg4[%dma_start3A_354, %dma_start3A_355] : memref<10112x64xf32, #tpu.memory_space<hbm>> -> memref<10112x64xf32, #tpu.memory_space<hbm>>
      tpu.enqueue_indirect_dma source(%dma_start3A_356 : memref<10112x64xf32, #tpu.memory_space<hbm>>) target(%arg11 : memref<128x64xf32, #tpu.memory_space<vmem>>) offsets(%dma_start3A_353 : memref<128xi32, #tpu.memory_space<vmem>>) semaphore(%arg23 : memref<!tpu.dma_semaphore, #tpu.memory_space<semaphore_mem>>)
      %add3A_357 = arith.constant 3 : i32
      %add3A_358 = arith.addi %mul3A_152, %add3A_357 : i32
      %dma_wait3A_359 = arith.constant 0 : i32
      %dma_wait3A_360 = tpu.memref_slice %arg8[%add3A_358, %dma_wait3A_359] : memref<80x128xi32, #tpu.memory_space<vmem>> -> memref<1x128xi32, #tpu.memory_space<vmem>>
      %dma_wait3A_361 = tpu.memref_squeeze %dma_wait3A_360 : memref<1x128xi32, #tpu.memory_space<vmem>> -> memref<128xi32, #tpu.memory_space<vmem>>
      %dma_wait3A_362 = arith.constant 0 : i32
      %dma_wait3A_363 = arith.constant 0 : i32
      %dma_wait3A_364 = tpu.memref_slice %arg17[%dma_wait3A_362, %dma_wait3A_363] : memref<10112x64xf32, #tpu.memory_space<vmem_shared>> -> memref<10112x64xf32, #tpu.memory_space<vmem_shared>>
      tpu.wait_indirect_dma semaphore(%arg32 : memref<!tpu.dma_semaphore, #tpu.memory_space<semaphore_mem>>) src(%arg12 : memref<128x64xf32, #tpu.memory_space<vmem>>) dst(%dma_wait3A_364 : memref<10112x64xf32, #tpu.memory_space<vmem_shared>>)
      %add3A_365 = arith.constant 8 : i32
      %add3A_366 = arith.addi %mul3A_152, %add3A_365 : i32
      %add3A_367 = arith.constant 3 : i32
      %add3A_368 = arith.addi %add3A_366, %add3A_367 : i32
      %min3A_369 = arith.constant 79 : i32
      %min3A_370 = arith.minsi %add3A_368, %min3A_369 : i32
      %dma_start3A_371 = arith.constant 0 : i32
      %dma_start3A_372 = tpu.memref_slice %arg7[%min3A_370, %dma_start3A_371] : memref<80x128xi32, #tpu.memory_space<vmem>> -> memref<1x128xi32, #tpu.memory_space<vmem>>
      %dma_start3A_373 = tpu.memref_squeeze %dma_start3A_372 : memref<1x128xi32, #tpu.memory_space<vmem>> -> memref<128xi32, #tpu.memory_space<vmem>>
      %dma_start3A_374 = arith.constant 0 : i32
      %dma_start3A_375 = arith.constant 0 : i32
      %dma_start3A_376 = tpu.memref_slice %arg4[%dma_start3A_374, %dma_start3A_375] : memref<10112x64xf32, #tpu.memory_space<hbm>> -> memref<10112x64xf32, #tpu.memory_space<hbm>>
      tpu.enqueue_indirect_dma source(%dma_start3A_376 : memref<10112x64xf32, #tpu.memory_space<hbm>>) target(%arg12 : memref<128x64xf32, #tpu.memory_space<vmem>>) offsets(%dma_start3A_373 : memref<128xi32, #tpu.memory_space<vmem>>) semaphore(%arg24 : memref<!tpu.dma_semaphore, #tpu.memory_space<semaphore_mem>>)
      %add3A_377 = arith.constant 4 : i32
      %add3A_378 = arith.addi %mul3A_152, %add3A_377 : i32
      %dma_wait3A_379 = arith.constant 0 : i32
      %dma_wait3A_380 = tpu.memref_slice %arg8[%add3A_378, %dma_wait3A_379] : memref<80x128xi32, #tpu.memory_space<vmem>> -> memref<1x128xi32, #tpu.memory_space<vmem>>
      %dma_wait3A_381 = tpu.memref_squeeze %dma_wait3A_380 : memref<1x128xi32, #tpu.memory_space<vmem>> -> memref<128xi32, #tpu.memory_space<vmem>>
      %dma_wait3A_382 = arith.constant 0 : i32
      %dma_wait3A_383 = arith.constant 0 : i32
      %dma_wait3A_384 = tpu.memref_slice %arg17[%dma_wait3A_382, %dma_wait3A_383] : memref<10112x64xf32, #tpu.memory_space<vmem_shared>> -> memref<10112x64xf32, #tpu.memory_space<vmem_shared>>
      tpu.wait_indirect_dma semaphore(%arg33 : memref<!tpu.dma_semaphore, #tpu.memory_space<semaphore_mem>>) src(%arg13 : memref<128x64xf32, #tpu.memory_space<vmem>>) dst(%dma_wait3A_384 : memref<10112x64xf32, #tpu.memory_space<vmem_shared>>)
      %add3A_385 = arith.constant 8 : i32
      %add3A_386 = arith.addi %mul3A_152, %add3A_385 : i32
      %add3A_387 = arith.constant 4 : i32
      %add3A_388 = arith.addi %add3A_386, %add3A_387 : i32
      %min3A_389 = arith.constant 79 : i32
      %min3A_390 = arith.minsi %add3A_388, %min3A_389 : i32
      %dma_start3A_391 = arith.constant 0 : i32
      %dma_start3A_392 = tpu.memref_slice %arg7[%min3A_390, %dma_start3A_391] : memref<80x128xi32, #tpu.memory_space<vmem>> -> memref<1x128xi32, #tpu.memory_space<vmem>>
      %dma_start3A_393 = tpu.memref_squeeze %dma_start3A_392 : memref<1x128xi32, #tpu.memory_space<vmem>> -> memref<128xi32, #tpu.memory_space<vmem>>
      %dma_start3A_394 = arith.constant 0 : i32
      %dma_start3A_395 = arith.constant 0 : i32
      %dma_start3A_396 = tpu.memref_slice %arg4[%dma_start3A_394, %dma_start3A_395] : memref<10112x64xf32, #tpu.memory_space<hbm>> -> memref<10112x64xf32, #tpu.memory_space<hbm>>
      tpu.enqueue_indirect_dma source(%dma_start3A_396 : memref<10112x64xf32, #tpu.memory_space<hbm>>) target(%arg13 : memref<128x64xf32, #tpu.memory_space<vmem>>) offsets(%dma_start3A_393 : memref<128xi32, #tpu.memory_space<vmem>>) semaphore(%arg25 : memref<!tpu.dma_semaphore, #tpu.memory_space<semaphore_mem>>)
      %add3A_397 = arith.constant 5 : i32
      %add3A_398 = arith.addi %mul3A_152, %add3A_397 : i32
      %dma_wait3A_399 = arith.constant 0 : i32
      %dma_wait3A_400 = tpu.memref_slice %arg8[%add3A_398, %dma_wait3A_399] : memref<80x128xi32, #tpu.memory_space<vmem>> -> memref<1x128xi32, #tpu.memory_space<vmem>>
      %dma_wait3A_401 = tpu.memref_squeeze %dma_wait3A_400 : memref<1x128xi32, #tpu.memory_space<vmem>> -> memref<128xi32, #tpu.memory_space<vmem>>
      %dma_wait3A_402 = arith.constant 0 : i32
      %dma_wait3A_403 = arith.constant 0 : i32
      %dma_wait3A_404 = tpu.memref_slice %arg17[%dma_wait3A_402, %dma_wait3A_403] : memref<10112x64xf32, #tpu.memory_space<vmem_shared>> -> memref<10112x64xf32, #tpu.memory_space<vmem_shared>>
      tpu.wait_indirect_dma semaphore(%arg34 : memref<!tpu.dma_semaphore, #tpu.memory_space<semaphore_mem>>) src(%arg14 : memref<128x64xf32, #tpu.memory_space<vmem>>) dst(%dma_wait3A_404 : memref<10112x64xf32, #tpu.memory_space<vmem_shared>>)
      %add3A_405 = arith.constant 8 : i32
      %add3A_406 = arith.addi %mul3A_152, %add3A_405 : i32
      %add3A_407 = arith.constant 5 : i32
      %add3A_408 = arith.addi %add3A_406, %add3A_407 : i32
      %min3A_409 = arith.constant 79 : i32
      %min3A_410 = arith.minsi %add3A_408, %min3A_409 : i32
      %dma_start3A_411 = arith.constant 0 : i32
      %dma_start3A_412 = tpu.memref_slice %arg7[%min3A_410, %dma_start3A_411] : memref<80x128xi32, #tpu.memory_space<vmem>> -> memref<1x128xi32, #tpu.memory_space<vmem>>
      %dma_start3A_413 = tpu.memref_squeeze %dma_start3A_412 : memref<1x128xi32, #tpu.memory_space<vmem>> -> memref<128xi32, #tpu.memory_space<vmem>>
      %dma_start3A_414 = arith.constant 0 : i32
      %dma_start3A_415 = arith.constant 0 : i32
      %dma_start3A_416 = tpu.memref_slice %arg4[%dma_start3A_414, %dma_start3A_415] : memref<10112x64xf32, #tpu.memory_space<hbm>> -> memref<10112x64xf32, #tpu.memory_space<hbm>>
      tpu.enqueue_indirect_dma source(%dma_start3A_416 : memref<10112x64xf32, #tpu.memory_space<hbm>>) target(%arg14 : memref<128x64xf32, #tpu.memory_space<vmem>>) offsets(%dma_start3A_413 : memref<128xi32, #tpu.memory_space<vmem>>) semaphore(%arg26 : memref<!tpu.dma_semaphore, #tpu.memory_space<semaphore_mem>>)
      %add3A_417 = arith.constant 6 : i32
      %add3A_418 = arith.addi %mul3A_152, %add3A_417 : i32
      %dma_wait3A_419 = arith.constant 0 : i32
      %dma_wait3A_420 = tpu.memref_slice %arg8[%add3A_418, %dma_wait3A_419] : memref<80x128xi32, #tpu.memory_space<vmem>> -> memref<1x128xi32, #tpu.memory_space<vmem>>
      %dma_wait3A_421 = tpu.memref_squeeze %dma_wait3A_420 : memref<1x128xi32, #tpu.memory_space<vmem>> -> memref<128xi32, #tpu.memory_space<vmem>>
      %dma_wait3A_422 = arith.constant 0 : i32
      %dma_wait3A_423 = arith.constant 0 : i32
      %dma_wait3A_424 = tpu.memref_slice %arg17[%dma_wait3A_422, %dma_wait3A_423] : memref<10112x64xf32, #tpu.memory_space<vmem_shared>> -> memref<10112x64xf32, #tpu.memory_space<vmem_shared>>
      tpu.wait_indirect_dma semaphore(%arg35 : memref<!tpu.dma_semaphore, #tpu.memory_space<semaphore_mem>>) src(%arg15 : memref<128x64xf32, #tpu.memory_space<vmem>>) dst(%dma_wait3A_424 : memref<10112x64xf32, #tpu.memory_space<vmem_shared>>)
      %add3A_425 = arith.constant 8 : i32
      %add3A_426 = arith.addi %mul3A_152, %add3A_425 : i32
      %add3A_427 = arith.constant 6 : i32
      %add3A_428 = arith.addi %add3A_426, %add3A_427 : i32
      %min3A_429 = arith.constant 79 : i32
      %min3A_430 = arith.minsi %add3A_428, %min3A_429 : i32
      %dma_start3A_431 = arith.constant 0 : i32
      %dma_start3A_432 = tpu.memref_slice %arg7[%min3A_430, %dma_start3A_431] : memref<80x128xi32, #tpu.memory_space<vmem>> -> memref<1x128xi32, #tpu.memory_space<vmem>>
      %dma_start3A_433 = tpu.memref_squeeze %dma_start3A_432 : memref<1x128xi32, #tpu.memory_space<vmem>> -> memref<128xi32, #tpu.memory_space<vmem>>
      %dma_start3A_434 = arith.constant 0 : i32
      %dma_start3A_435 = arith.constant 0 : i32
      %dma_start3A_436 = tpu.memref_slice %arg4[%dma_start3A_434, %dma_start3A_435] : memref<10112x64xf32, #tpu.memory_space<hbm>> -> memref<10112x64xf32, #tpu.memory_space<hbm>>
      tpu.enqueue_indirect_dma source(%dma_start3A_436 : memref<10112x64xf32, #tpu.memory_space<hbm>>) target(%arg15 : memref<128x64xf32, #tpu.memory_space<vmem>>) offsets(%dma_start3A_433 : memref<128xi32, #tpu.memory_space<vmem>>) semaphore(%arg27 : memref<!tpu.dma_semaphore, #tpu.memory_space<semaphore_mem>>)
      %add3A_437 = arith.constant 7 : i32
      %add3A_438 = arith.addi %mul3A_152, %add3A_437 : i32
      %dma_wait3A_439 = arith.constant 0 : i32
      %dma_wait3A_440 = tpu.memref_slice %arg8[%add3A_438, %dma_wait3A_439] : memref<80x128xi32, #tpu.memory_space<vmem>> -> memref<1x128xi32, #tpu.memory_space<vmem>>
      %dma_wait3A_441 = tpu.memref_squeeze %dma_wait3A_440 : memref<1x128xi32, #tpu.memory_space<vmem>> -> memref<128xi32, #tpu.memory_space<vmem>>
      %dma_wait3A_442 = arith.constant 0 : i32
      %dma_wait3A_443 = arith.constant 0 : i32
      %dma_wait3A_444 = tpu.memref_slice %arg17[%dma_wait3A_442, %dma_wait3A_443] : memref<10112x64xf32, #tpu.memory_space<vmem_shared>> -> memref<10112x64xf32, #tpu.memory_space<vmem_shared>>
      tpu.wait_indirect_dma semaphore(%arg36 : memref<!tpu.dma_semaphore, #tpu.memory_space<semaphore_mem>>) src(%arg16 : memref<128x64xf32, #tpu.memory_space<vmem>>) dst(%dma_wait3A_444 : memref<10112x64xf32, #tpu.memory_space<vmem_shared>>)
      %add3A_445 = arith.constant 8 : i32
      %add3A_446 = arith.addi %mul3A_152, %add3A_445 : i32
      %add3A_447 = arith.constant 7 : i32
      %add3A_448 = arith.addi %add3A_446, %add3A_447 : i32
      %min3A_449 = arith.constant 79 : i32
      %min3A_450 = arith.minsi %add3A_448, %min3A_449 : i32
      %dma_start3A_451 = arith.constant 0 : i32
      %dma_start3A_452 = tpu.memref_slice %arg7[%min3A_450, %dma_start3A_451] : memref<80x128xi32, #tpu.memory_space<vmem>> -> memref<1x128xi32, #tpu.memory_space<vmem>>
      %dma_start3A_453 = tpu.memref_squeeze %dma_start3A_452 : memref<1x128xi32, #tpu.memory_space<vmem>> -> memref<128xi32, #tpu.memory_space<vmem>>
      %dma_start3A_454 = arith.constant 0 : i32
      %dma_start3A_455 = arith.constant 0 : i32
      %dma_start3A_456 = tpu.memref_slice %arg4[%dma_start3A_454, %dma_start3A_455] : memref<10112x64xf32, #tpu.memory_space<hbm>> -> memref<10112x64xf32, #tpu.memory_space<hbm>>
      tpu.enqueue_indirect_dma source(%dma_start3A_456 : memref<10112x64xf32, #tpu.memory_space<hbm>>) target(%arg16 : memref<128x64xf32, #tpu.memory_space<vmem>>) offsets(%dma_start3A_453 : memref<128xi32, #tpu.memory_space<vmem>>) semaphore(%arg28 : memref<!tpu.dma_semaphore, #tpu.memory_space<semaphore_mem>>)
    }
    %scan3A_77 = arith.constant 10 : i32
    %min3A_78 = arith.constant 80 : i32
    %min3A_79 = arith.constant 79 : i32
    %min3A_80 = arith.minsi %min3A_78, %min3A_79 : i32
    %dma_wait3A = arith.constant 0 : i32
    %dma_wait3A_81 = tpu.memref_slice %arg7[%min3A_80, %dma_wait3A] : memref<80x128xi32, #tpu.memory_space<vmem>> -> memref<1x128xi32, #tpu.memory_space<vmem>>
    %dma_wait3A_82 = tpu.memref_squeeze %dma_wait3A_81 : memref<1x128xi32, #tpu.memory_space<vmem>> -> memref<128xi32, #tpu.memory_space<vmem>>
    %dma_wait3A_83 = arith.constant 0 : i32
    %dma_wait3A_84 = arith.constant 0 : i32
    %dma_wait3A_85 = tpu.memref_slice %arg4[%dma_wait3A_83, %dma_wait3A_84] : memref<10112x64xf32, #tpu.memory_space<hbm>> -> memref<10112x64xf32, #tpu.memory_space<hbm>>
    tpu.wait_indirect_dma semaphore(%arg21 : memref<!tpu.dma_semaphore, #tpu.memory_space<semaphore_mem>>) src(%dma_wait3A_85 : memref<10112x64xf32, #tpu.memory_space<hbm>>) dst(%arg9 : memref<128x64xf32, #tpu.memory_space<vmem>>)
    %min3A_86 = arith.constant 81 : i32
    %min3A_87 = arith.constant 79 : i32
    %min3A_88 = arith.minsi %min3A_86, %min3A_87 : i32
    %dma_wait3A_89 = arith.constant 0 : i32
    %dma_wait3A_90 = tpu.memref_slice %arg7[%min3A_88, %dma_wait3A_89] : memref<80x128xi32, #tpu.memory_space<vmem>> -> memref<1x128xi32, #tpu.memory_space<vmem>>
    %dma_wait3A_91 = tpu.memref_squeeze %dma_wait3A_90 : memref<1x128xi32, #tpu.memory_space<vmem>> -> memref<128xi32, #tpu.memory_space<vmem>>
    %dma_wait3A_92 = arith.constant 0 : i32
    %dma_wait3A_93 = arith.constant 0 : i32
    %dma_wait3A_94 = tpu.memref_slice %arg4[%dma_wait3A_92, %dma_wait3A_93] : memref<10112x64xf32, #tpu.memory_space<hbm>> -> memref<10112x64xf32, #tpu.memory_space<hbm>>
    tpu.wait_indirect_dma semaphore(%arg22 : memref<!tpu.dma_semaphore, #tpu.memory_space<semaphore_mem>>) src(%dma_wait3A_94 : memref<10112x64xf32, #tpu.memory_space<hbm>>) dst(%arg10 : memref<128x64xf32, #tpu.memory_space<vmem>>)
    %min3A_95 = arith.constant 82 : i32
    %min3A_96 = arith.constant 79 : i32
    %min3A_97 = arith.minsi %min3A_95, %min3A_96 : i32
    %dma_wait3A_98 = arith.constant 0 : i32
    %dma_wait3A_99 = tpu.memref_slice %arg7[%min3A_97, %dma_wait3A_98] : memref<80x128xi32, #tpu.memory_space<vmem>> -> memref<1x128xi32, #tpu.memory_space<vmem>>
    %dma_wait3A_100 = tpu.memref_squeeze %dma_wait3A_99 : memref<1x128xi32, #tpu.memory_space<vmem>> -> memref<128xi32, #tpu.memory_space<vmem>>
    %dma_wait3A_101 = arith.constant 0 : i32
    %dma_wait3A_102 = arith.constant 0 : i32
    %dma_wait3A_103 = tpu.memref_slice %arg4[%dma_wait3A_101, %dma_wait3A_102] : memref<10112x64xf32, #tpu.memory_space<hbm>> -> memref<10112x64xf32, #tpu.memory_space<hbm>>
    tpu.wait_indirect_dma semaphore(%arg23 : memref<!tpu.dma_semaphore, #tpu.memory_space<semaphore_mem>>) src(%dma_wait3A_103 : memref<10112x64xf32, #tpu.memory_space<hbm>>) dst(%arg11 : memref<128x64xf32, #tpu.memory_space<vmem>>)
    %min3A_104 = arith.constant 83 : i32
    %min3A_105 = arith.constant 79 : i32
    %min3A_106 = arith.minsi %min3A_104, %min3A_105 : i32
    %dma_wait3A_107 = arith.constant 0 : i32
    %dma_wait3A_108 = tpu.memref_slice %arg7[%min3A_106, %dma_wait3A_107] : memref<80x128xi32, #tpu.memory_space<vmem>> -> memref<1x128xi32, #tpu.memory_space<vmem>>
    %dma_wait3A_109 = tpu.memref_squeeze %dma_wait3A_108 : memref<1x128xi32, #tpu.memory_space<vmem>> -> memref<128xi32, #tpu.memory_space<vmem>>
    %dma_wait3A_110 = arith.constant 0 : i32
    %dma_wait3A_111 = arith.constant 0 : i32
    %dma_wait3A_112 = tpu.memref_slice %arg4[%dma_wait3A_110, %dma_wait3A_111] : memref<10112x64xf32, #tpu.memory_space<hbm>> -> memref<10112x64xf32, #tpu.memory_space<hbm>>
    tpu.wait_indirect_dma semaphore(%arg24 : memref<!tpu.dma_semaphore, #tpu.memory_space<semaphore_mem>>) src(%dma_wait3A_112 : memref<10112x64xf32, #tpu.memory_space<hbm>>) dst(%arg12 : memref<128x64xf32, #tpu.memory_space<vmem>>)
    %min3A_113 = arith.constant 84 : i32
    %min3A_114 = arith.constant 79 : i32
    %min3A_115 = arith.minsi %min3A_113, %min3A_114 : i32
    %dma_wait3A_116 = arith.constant 0 : i32
    %dma_wait3A_117 = tpu.memref_slice %arg7[%min3A_115, %dma_wait3A_116] : memref<80x128xi32, #tpu.memory_space<vmem>> -> memref<1x128xi32, #tpu.memory_space<vmem>>
    %dma_wait3A_118 = tpu.memref_squeeze %dma_wait3A_117 : memref<1x128xi32, #tpu.memory_space<vmem>> -> memref<128xi32, #tpu.memory_space<vmem>>
    %dma_wait3A_119 = arith.constant 0 : i32
    %dma_wait3A_120 = arith.constant 0 : i32
    %dma_wait3A_121 = tpu.memref_slice %arg4[%dma_wait3A_119, %dma_wait3A_120] : memref<10112x64xf32, #tpu.memory_space<hbm>> -> memref<10112x64xf32, #tpu.memory_space<hbm>>
    tpu.wait_indirect_dma semaphore(%arg25 : memref<!tpu.dma_semaphore, #tpu.memory_space<semaphore_mem>>) src(%dma_wait3A_121 : memref<10112x64xf32, #tpu.memory_space<hbm>>) dst(%arg13 : memref<128x64xf32, #tpu.memory_space<vmem>>)
    %min3A_122 = arith.constant 85 : i32
    %min3A_123 = arith.constant 79 : i32
    %min3A_124 = arith.minsi %min3A_122, %min3A_123 : i32
    %dma_wait3A_125 = arith.constant 0 : i32
    %dma_wait3A_126 = tpu.memref_slice %arg7[%min3A_124, %dma_wait3A_125] : memref<80x128xi32, #tpu.memory_space<vmem>> -> memref<1x128xi32, #tpu.memory_space<vmem>>
    %dma_wait3A_127 = tpu.memref_squeeze %dma_wait3A_126 : memref<1x128xi32, #tpu.memory_space<vmem>> -> memref<128xi32, #tpu.memory_space<vmem>>
    %dma_wait3A_128 = arith.constant 0 : i32
    %dma_wait3A_129 = arith.constant 0 : i32
    %dma_wait3A_130 = tpu.memref_slice %arg4[%dma_wait3A_128, %dma_wait3A_129] : memref<10112x64xf32, #tpu.memory_space<hbm>> -> memref<10112x64xf32, #tpu.memory_space<hbm>>
    tpu.wait_indirect_dma semaphore(%arg26 : memref<!tpu.dma_semaphore, #tpu.memory_space<semaphore_mem>>) src(%dma_wait3A_130 : memref<10112x64xf32, #tpu.memory_space<hbm>>) dst(%arg14 : memref<128x64xf32, #tpu.memory_space<vmem>>)
    %min3A_131 = arith.constant 86 : i32
    %min3A_132 = arith.constant 79 : i32
    %min3A_133 = arith.minsi %min3A_131, %min3A_132 : i32
    %dma_wait3A_134 = arith.constant 0 : i32
    %dma_wait3A_135 = tpu.memref_slice %arg7[%min3A_133, %dma_wait3A_134] : memref<80x128xi32, #tpu.memory_space<vmem>> -> memref<1x128xi32, #tpu.memory_space<vmem>>
    %dma_wait3A_136 = tpu.memref_squeeze %dma_wait3A_135 : memref<1x128xi32, #tpu.memory_space<vmem>> -> memref<128xi32, #tpu.memory_space<vmem>>
    %dma_wait3A_137 = arith.constant 0 : i32
    %dma_wait3A_138 = arith.constant 0 : i32
    %dma_wait3A_139 = tpu.memref_slice %arg4[%dma_wait3A_137, %dma_wait3A_138] : memref<10112x64xf32, #tpu.memory_space<hbm>> -> memref<10112x64xf32, #tpu.memory_space<hbm>>
    tpu.wait_indirect_dma semaphore(%arg27 : memref<!tpu.dma_semaphore, #tpu.memory_space<semaphore_mem>>) src(%dma_wait3A_139 : memref<10112x64xf32, #tpu.memory_space<hbm>>) dst(%arg15 : memref<128x64xf32, #tpu.memory_space<vmem>>)
    %min3A_140 = arith.constant 87 : i32
    %min3A_141 = arith.constant 79 : i32
    %min3A_142 = arith.minsi %min3A_140, %min3A_141 : i32
    %dma_wait3A_143 = arith.constant 0 : i32
    %dma_wait3A_144 = tpu.memref_slice %arg7[%min3A_142, %dma_wait3A_143] : memref<80x128xi32, #tpu.memory_space<vmem>> -> memref<1x128xi32, #tpu.memory_space<vmem>>
    %dma_wait3A_145 = tpu.memref_squeeze %dma_wait3A_144 : memref<1x128xi32, #tpu.memory_space<vmem>> -> memref<128xi32, #tpu.memory_space<vmem>>
    %dma_wait3A_146 = arith.constant 0 : i32
    %dma_wait3A_147 = arith.constant 0 : i32
    %dma_wait3A_148 = tpu.memref_slice %arg4[%dma_wait3A_146, %dma_wait3A_147] : memref<10112x64xf32, #tpu.memory_space<hbm>> -> memref<10112x64xf32, #tpu.memory_space<hbm>>
    tpu.wait_indirect_dma semaphore(%arg28 : memref<!tpu.dma_semaphore, #tpu.memory_space<semaphore_mem>>) src(%dma_wait3A_148 : memref<10112x64xf32, #tpu.memory_space<hbm>>) dst(%arg16 : memref<128x64xf32, #tpu.memory_space<vmem>>)
    %barrier3A_149 = arith.constant 0 : index
    tpu.barrier barrier_id(%barrier3A_149)
    "tpu.region"() ({
      %run_scoped3A = tpu.sem_alloc : memref<!tpu.dma_semaphore, #tpu.memory_space<semaphore_mem>>
      %dma_start3A_150 = arith.constant 0 : i32
      %dma_start3A_151 = tpu.memref_slice %arg6[%arg0, %mul3A_2, %dma_start3A_150] : memref<2x10112x64xf32, #tpu.memory_space<hbm>> -> memref<1x632x64xf32, #tpu.memory_space<hbm>>
      %dma_start3A_152 = tpu.memref_squeeze %dma_start3A_151 : memref<1x632x64xf32, #tpu.memory_space<hbm>> -> memref<632x64xf32, #tpu.memory_space<hbm>>
      %dma_start3A_153 = arith.constant 0 : i32
      %dma_start3A_154 = tpu.memref_slice %arg17[%mul3A_2, %dma_start3A_153] : memref<10112x64xf32, #tpu.memory_space<vmem_shared>> -> memref<632x64xf32, #tpu.memory_space<vmem_shared>>
      tpu.enqueue_dma source(%dma_start3A_154 : memref<632x64xf32, #tpu.memory_space<vmem_shared>>) target(%dma_start3A_152 : memref<632x64xf32, #tpu.memory_space<hbm>>) target_semaphore(%run_scoped3A : memref<!tpu.dma_semaphore, #tpu.memory_space<semaphore_mem>>)
      %dma_wait3A_155 = arith.constant 0 : i32
      %dma_wait3A_156 = tpu.memref_slice %arg6[%arg0, %mul3A_2, %dma_wait3A_155] : memref<2x10112x64xf32, #tpu.memory_space<hbm>> -> memref<1x632x64xf32, #tpu.memory_space<hbm>>
      %dma_wait3A_157 = tpu.memref_squeeze %dma_wait3A_156 : memref<1x632x64xf32, #tpu.memory_space<hbm>> -> memref<632x64xf32, #tpu.memory_space<hbm>>
      %dma_wait3A_158 = arith.constant 0 : i32
      %dma_wait3A_159 = tpu.memref_slice %arg17[%mul3A_2, %dma_wait3A_158] : memref<10112x64xf32, #tpu.memory_space<vmem_shared>> -> memref<632x64xf32, #tpu.memory_space<vmem_shared>>
      tpu.wait_dma2 semaphore(%run_scoped3A : memref<!tpu.dma_semaphore, #tpu.memory_space<semaphore_mem>>) src(%dma_wait3A_159 : memref<632x64xf32, #tpu.memory_space<vmem_shared>>) dst(%dma_wait3A_157 : memref<632x64xf32, #tpu.memory_space<hbm>>)
      tpu.yield
    }) : () -> ()
    return
  }
}

#map = affine_map<(d0, d1) -> (0, 0, 0)>
#map1 = affine_map<(d0, d1) -> (0, 0)>
#map2 = affine_map<(d0, d1) -> (0)>
module attributes {stable_mosaic.version = 14 : i64} {
  func.func @body(%arg0: i32, %arg1: i32, %arg2: memref<32x80x128xi32, #tpu.memory_space<hbm>>, %arg3: memref<32x80x128xi32, #tpu.memory_space<hbm>>, %arg4: memref<10112x64xf32, #tpu.memory_space<hbm>>, %arg5: memref<632x64xf32, #tpu.memory_space<hbm>>, %arg6: memref<128xf32, #tpu.memory_space<hbm>>, %arg7: memref<632xf32, #tpu.memory_space<hbm>>, %arg8: memref<2x10112x64xf32, #tpu.memory_space<hbm>>, %arg9: memref<20224xf32, #tpu.memory_space<hbm>>, %arg10: memref<80x128xi32, #tpu.memory_space<vmem>>, %arg11: memref<80x128xi32, #tpu.memory_space<vmem>>, %arg12: memref<128x64xf32, #tpu.memory_space<vmem>>, %arg13: memref<128x64xf32, #tpu.memory_space<vmem>>, %arg14: memref<128x64xf32, #tpu.memory_space<vmem>>, %arg15: memref<128x64xf32, #tpu.memory_space<vmem>>, %arg16: memref<128x64xf32, #tpu.memory_space<vmem>>, %arg17: memref<128x64xf32, #tpu.memory_space<vmem>>, %arg18: memref<128x64xf32, #tpu.memory_space<vmem>>, %arg19: memref<128x64xf32, #tpu.memory_space<vmem>>, %arg20: memref<10112x64xf32, #tpu.memory_space<vmem_shared>>, %arg21: memref<10112xf32, #tpu.memory_space<vmem_shared>>, %arg22: memref<128xf32, #tpu.memory_space<vmem>>, %arg23: memref<632xf32, #tpu.memory_space<vmem>>, %arg24: memref<!tpu.dma_semaphore, #tpu.memory_space<semaphore_mem>>, %arg25: memref<!tpu.dma_semaphore, #tpu.memory_space<semaphore_mem>>, %arg26: memref<!tpu.dma_semaphore, #tpu.memory_space<semaphore_mem>>, %arg27: memref<!tpu.dma_semaphore, #tpu.memory_space<semaphore_mem>>, %arg28: memref<!tpu.dma_semaphore, #tpu.memory_space<semaphore_mem>>, %arg29: memref<!tpu.dma_semaphore, #tpu.memory_space<semaphore_mem>>, %arg30: memref<!tpu.dma_semaphore, #tpu.memory_space<semaphore_mem>>, %arg31: memref<!tpu.dma_semaphore, #tpu.memory_space<semaphore_mem>>, %arg32: memref<!tpu.dma_semaphore, #tpu.memory_space<semaphore_mem>>, %arg33: memref<!tpu.dma_semaphore, #tpu.memory_space<semaphore_mem>>, %arg34: memref<!tpu.dma_semaphore, #tpu.memory_space<semaphore_mem>>, %arg35: memref<!tpu.dma_semaphore, #tpu.memory_space<semaphore_mem>>, %arg36: memref<!tpu.dma_semaphore, #tpu.memory_space<semaphore_mem>>, %arg37: memref<!tpu.dma_semaphore, #tpu.memory_space<semaphore_mem>>, %arg38: memref<!tpu.dma_semaphore, #tpu.memory_space<semaphore_mem>>, %arg39: memref<!tpu.dma_semaphore, #tpu.memory_space<semaphore_mem>>, %arg40: memref<!tpu.dma_semaphore, #tpu.memory_space<semaphore_mem>>, %arg41: memref<!tpu.dma_semaphore, #tpu.memory_space<semaphore_mem>>, %arg42: memref<!tpu.dma_semaphore, #tpu.memory_space<semaphore_mem>>, %arg43: memref<!tpu.dma_semaphore, #tpu.memory_space<semaphore_mem>>, %arg44: memref<!tpu.dma_semaphore, #tpu.memory_space<semaphore_mem>>, %arg45: memref<!tpu.dma_semaphore, #tpu.memory_space<semaphore_mem>>, %arg46: memref<!tpu.dma_semaphore, #tpu.memory_space<semaphore_mem>>, %arg47: memref<!tpu.dma_semaphore, #tpu.memory_space<semaphore_mem>>) attributes {dimension_semantics = [#tpu.dimension_semantics<core_parallel>, #tpu.dimension_semantics<subcore_parallel>], iteration_bounds = array<i64: 2, 16>, scalar_prefetch = 0 : i64, scratch_operands = 38 : i64, tpu.core_type = #tpu.core_type<sc_vector_subcore>, window_params = [{transform_indices = #map}, {transform_indices = #map}, {transform_indices = #map1}, {transform_indices = #map1}, {transform_indices = #map2}, {transform_indices = #map2}, {transform_indices = #map}, {transform_indices = #map2}]} {
    %mul3A = arith.constant 16 : i32
    %mul3A_0 = arith.muli %arg0, %mul3A : i32
    %add3A = arith.addi %mul3A_0, %arg1 : i32
    %mul3A_1 = arith.constant 632 : i32
    %mul3A_2 = arith.muli %arg1, %mul3A_1 : i32
    "tpu.region"() ({
      %run_scoped3A = tpu.sem_alloc : memref<!tpu.dma_semaphore, #tpu.memory_space<semaphore_mem>>
      %dma_start3A_153 = arith.constant 0 : i32
      %dma_start3A_154 = arith.constant 0 : i32
      %dma_start3A_155 = tpu.memref_slice %arg2[%add3A, %dma_start3A_153, %dma_start3A_154] : memref<32x80x128xi32, #tpu.memory_space<hbm>> -> memref<1x80x128xi32, #tpu.memory_space<hbm>>
      %dma_start3A_156 = tpu.memref_squeeze %dma_start3A_155 : memref<1x80x128xi32, #tpu.memory_space<hbm>> -> memref<80x128xi32, #tpu.memory_space<hbm>>
      %dma_start3A_157 = arith.constant 0 : i32
      %dma_start3A_158 = arith.constant 0 : i32
      %dma_start3A_159 = tpu.memref_slice %arg2[%add3A, %dma_start3A_157, %dma_start3A_158] : memref<32x80x128xi32, #tpu.memory_space<hbm>> -> memref<1x80x128xi32, #tpu.memory_space<hbm>>
      %dma_start3A_160 = tpu.memref_squeeze %dma_start3A_159 : memref<1x80x128xi32, #tpu.memory_space<hbm>> -> memref<80x128xi32, #tpu.memory_space<hbm>>
      tpu.enqueue_dma source(%dma_start3A_160 : memref<80x128xi32, #tpu.memory_space<hbm>>) target(%arg10 : memref<80x128xi32, #tpu.memory_space<vmem>>) target_semaphore(%run_scoped3A : memref<!tpu.dma_semaphore, #tpu.memory_space<semaphore_mem>>)
      %dma_wait3A_161 = arith.constant 0 : i32
      %dma_wait3A_162 = arith.constant 0 : i32
      %dma_wait3A_163 = tpu.memref_slice %arg2[%add3A, %dma_wait3A_161, %dma_wait3A_162] : memref<32x80x128xi32, #tpu.memory_space<hbm>> -> memref<1x80x128xi32, #tpu.memory_space<hbm>>
      %dma_wait3A_164 = tpu.memref_squeeze %dma_wait3A_163 : memref<1x80x128xi32, #tpu.memory_space<hbm>> -> memref<80x128xi32, #tpu.memory_space<hbm>>
      %dma_wait3A_165 = arith.constant 0 : i32
      %dma_wait3A_166 = arith.constant 0 : i32
      %dma_wait3A_167 = tpu.memref_slice %arg2[%add3A, %dma_wait3A_165, %dma_wait3A_166] : memref<32x80x128xi32, #tpu.memory_space<hbm>> -> memref<1x80x128xi32, #tpu.memory_space<hbm>>
      %dma_wait3A_168 = tpu.memref_squeeze %dma_wait3A_167 : memref<1x80x128xi32, #tpu.memory_space<hbm>> -> memref<80x128xi32, #tpu.memory_space<hbm>>
      tpu.wait_dma2 semaphore(%run_scoped3A : memref<!tpu.dma_semaphore, #tpu.memory_space<semaphore_mem>>) src(%dma_wait3A_168 : memref<80x128xi32, #tpu.memory_space<hbm>>) dst(%arg10 : memref<80x128xi32, #tpu.memory_space<vmem>>)
      tpu.yield
    }) : () -> ()
    %min3A = arith.constant 0 : i32
    %min3A_3 = arith.constant 79 : i32
    %min3A_4 = arith.minsi %min3A, %min3A_3 : i32
    %dma_start3A = arith.constant 0 : i32
    %dma_start3A_5 = tpu.memref_slice %arg10[%min3A_4, %dma_start3A] : memref<80x128xi32, #tpu.memory_space<vmem>> -> memref<1x128xi32, #tpu.memory_space<vmem>>
    %dma_start3A_6 = tpu.memref_squeeze %dma_start3A_5 : memref<1x128xi32, #tpu.memory_space<vmem>> -> memref<128xi32, #tpu.memory_space<vmem>>
    %dma_start3A_7 = arith.constant 0 : i32
    %dma_start3A_8 = arith.constant 0 : i32
    %dma_start3A_9 = tpu.memref_slice %arg4[%dma_start3A_7, %dma_start3A_8] : memref<10112x64xf32, #tpu.memory_space<hbm>> -> memref<10112x64xf32, #tpu.memory_space<hbm>>
    tpu.enqueue_indirect_dma source(%dma_start3A_9 : memref<10112x64xf32, #tpu.memory_space<hbm>>) target(%arg12 : memref<128x64xf32, #tpu.memory_space<vmem>>) offsets(%dma_start3A_6 : memref<128xi32, #tpu.memory_space<vmem>>) semaphore(%arg24 : memref<!tpu.dma_semaphore, #tpu.memory_space<semaphore_mem>>)
    %min3A_10 = arith.constant 1 : i32
    %min3A_11 = arith.constant 79 : i32
    %min3A_12 = arith.minsi %min3A_10, %min3A_11 : i32
    %dma_start3A_13 = arith.constant 0 : i32
    %dma_start3A_14 = tpu.memref_slice %arg10[%min3A_12, %dma_start3A_13] : memref<80x128xi32, #tpu.memory_space<vmem>> -> memref<1x128xi32, #tpu.memory_space<vmem>>
    %dma_start3A_15 = tpu.memref_squeeze %dma_start3A_14 : memref<1x128xi32, #tpu.memory_space<vmem>> -> memref<128xi32, #tpu.memory_space<vmem>>
    %dma_start3A_16 = arith.constant 0 : i32
    %dma_start3A_17 = arith.constant 0 : i32
    %dma_start3A_18 = tpu.memref_slice %arg4[%dma_start3A_16, %dma_start3A_17] : memref<10112x64xf32, #tpu.memory_space<hbm>> -> memref<10112x64xf32, #tpu.memory_space<hbm>>
    tpu.enqueue_indirect_dma source(%dma_start3A_18 : memref<10112x64xf32, #tpu.memory_space<hbm>>) target(%arg13 : memref<128x64xf32, #tpu.memory_space<vmem>>) offsets(%dma_start3A_15 : memref<128xi32, #tpu.memory_space<vmem>>) semaphore(%arg25 : memref<!tpu.dma_semaphore, #tpu.memory_space<semaphore_mem>>)
    %min3A_19 = arith.constant 2 : i32
    %min3A_20 = arith.constant 79 : i32
    %min3A_21 = arith.minsi %min3A_19, %min3A_20 : i32
    %dma_start3A_22 = arith.constant 0 : i32
    %dma_start3A_23 = tpu.memref_slice %arg10[%min3A_21, %dma_start3A_22] : memref<80x128xi32, #tpu.memory_space<vmem>> -> memref<1x128xi32, #tpu.memory_space<vmem>>
    %dma_start3A_24 = tpu.memref_squeeze %dma_start3A_23 : memref<1x128xi32, #tpu.memory_space<vmem>> -> memref<128xi32, #tpu.memory_space<vmem>>
    %dma_start3A_25 = arith.constant 0 : i32
    %dma_start3A_26 = arith.constant 0 : i32
    %dma_start3A_27 = tpu.memref_slice %arg4[%dma_start3A_25, %dma_start3A_26] : memref<10112x64xf32, #tpu.memory_space<hbm>> -> memref<10112x64xf32, #tpu.memory_space<hbm>>
    tpu.enqueue_indirect_dma source(%dma_start3A_27 : memref<10112x64xf32, #tpu.memory_space<hbm>>) target(%arg14 : memref<128x64xf32, #tpu.memory_space<vmem>>) offsets(%dma_start3A_24 : memref<128xi32, #tpu.memory_space<vmem>>) semaphore(%arg26 : memref<!tpu.dma_semaphore, #tpu.memory_space<semaphore_mem>>)
    %min3A_28 = arith.constant 3 : i32
    %min3A_29 = arith.constant 79 : i32
    %min3A_30 = arith.minsi %min3A_28, %min3A_29 : i32
    %dma_start3A_31 = arith.constant 0 : i32
    %dma_start3A_32 = tpu.memref_slice %arg10[%min3A_30, %dma_start3A_31] : memref<80x128xi32, #tpu.memory_space<vmem>> -> memref<1x128xi32, #tpu.memory_space<vmem>>
    %dma_start3A_33 = tpu.memref_squeeze %dma_start3A_32 : memref<1x128xi32, #tpu.memory_space<vmem>> -> memref<128xi32, #tpu.memory_space<vmem>>
    %dma_start3A_34 = arith.constant 0 : i32
    %dma_start3A_35 = arith.constant 0 : i32
    %dma_start3A_36 = tpu.memref_slice %arg4[%dma_start3A_34, %dma_start3A_35] : memref<10112x64xf32, #tpu.memory_space<hbm>> -> memref<10112x64xf32, #tpu.memory_space<hbm>>
    tpu.enqueue_indirect_dma source(%dma_start3A_36 : memref<10112x64xf32, #tpu.memory_space<hbm>>) target(%arg15 : memref<128x64xf32, #tpu.memory_space<vmem>>) offsets(%dma_start3A_33 : memref<128xi32, #tpu.memory_space<vmem>>) semaphore(%arg27 : memref<!tpu.dma_semaphore, #tpu.memory_space<semaphore_mem>>)
    %min3A_37 = arith.constant 4 : i32
    %min3A_38 = arith.constant 79 : i32
    %min3A_39 = arith.minsi %min3A_37, %min3A_38 : i32
    %dma_start3A_40 = arith.constant 0 : i32
    %dma_start3A_41 = tpu.memref_slice %arg10[%min3A_39, %dma_start3A_40] : memref<80x128xi32, #tpu.memory_space<vmem>> -> memref<1x128xi32, #tpu.memory_space<vmem>>
    %dma_start3A_42 = tpu.memref_squeeze %dma_start3A_41 : memref<1x128xi32, #tpu.memory_space<vmem>> -> memref<128xi32, #tpu.memory_space<vmem>>
    %dma_start3A_43 = arith.constant 0 : i32
    %dma_start3A_44 = arith.constant 0 : i32
    %dma_start3A_45 = tpu.memref_slice %arg4[%dma_start3A_43, %dma_start3A_44] : memref<10112x64xf32, #tpu.memory_space<hbm>> -> memref<10112x64xf32, #tpu.memory_space<hbm>>
    tpu.enqueue_indirect_dma source(%dma_start3A_45 : memref<10112x64xf32, #tpu.memory_space<hbm>>) target(%arg16 : memref<128x64xf32, #tpu.memory_space<vmem>>) offsets(%dma_start3A_42 : memref<128xi32, #tpu.memory_space<vmem>>) semaphore(%arg28 : memref<!tpu.dma_semaphore, #tpu.memory_space<semaphore_mem>>)
    %min3A_46 = arith.constant 5 : i32
    %min3A_47 = arith.constant 79 : i32
    %min3A_48 = arith.minsi %min3A_46, %min3A_47 : i32
    %dma_start3A_49 = arith.constant 0 : i32
    %dma_start3A_50 = tpu.memref_slice %arg10[%min3A_48, %dma_start3A_49] : memref<80x128xi32, #tpu.memory_space<vmem>> -> memref<1x128xi32, #tpu.memory_space<vmem>>
    %dma_start3A_51 = tpu.memref_squeeze %dma_start3A_50 : memref<1x128xi32, #tpu.memory_space<vmem>> -> memref<128xi32, #tpu.memory_space<vmem>>
    %dma_start3A_52 = arith.constant 0 : i32
    %dma_start3A_53 = arith.constant 0 : i32
    %dma_start3A_54 = tpu.memref_slice %arg4[%dma_start3A_52, %dma_start3A_53] : memref<10112x64xf32, #tpu.memory_space<hbm>> -> memref<10112x64xf32, #tpu.memory_space<hbm>>
    tpu.enqueue_indirect_dma source(%dma_start3A_54 : memref<10112x64xf32, #tpu.memory_space<hbm>>) target(%arg17 : memref<128x64xf32, #tpu.memory_space<vmem>>) offsets(%dma_start3A_51 : memref<128xi32, #tpu.memory_space<vmem>>) semaphore(%arg29 : memref<!tpu.dma_semaphore, #tpu.memory_space<semaphore_mem>>)
    %min3A_55 = arith.constant 6 : i32
    %min3A_56 = arith.constant 79 : i32
    %min3A_57 = arith.minsi %min3A_55, %min3A_56 : i32
    %dma_start3A_58 = arith.constant 0 : i32
    %dma_start3A_59 = tpu.memref_slice %arg10[%min3A_57, %dma_start3A_58] : memref<80x128xi32, #tpu.memory_space<vmem>> -> memref<1x128xi32, #tpu.memory_space<vmem>>
    %dma_start3A_60 = tpu.memref_squeeze %dma_start3A_59 : memref<1x128xi32, #tpu.memory_space<vmem>> -> memref<128xi32, #tpu.memory_space<vmem>>
    %dma_start3A_61 = arith.constant 0 : i32
    %dma_start3A_62 = arith.constant 0 : i32
    %dma_start3A_63 = tpu.memref_slice %arg4[%dma_start3A_61, %dma_start3A_62] : memref<10112x64xf32, #tpu.memory_space<hbm>> -> memref<10112x64xf32, #tpu.memory_space<hbm>>
    tpu.enqueue_indirect_dma source(%dma_start3A_63 : memref<10112x64xf32, #tpu.memory_space<hbm>>) target(%arg18 : memref<128x64xf32, #tpu.memory_space<vmem>>) offsets(%dma_start3A_60 : memref<128xi32, #tpu.memory_space<vmem>>) semaphore(%arg30 : memref<!tpu.dma_semaphore, #tpu.memory_space<semaphore_mem>>)
    %min3A_64 = arith.constant 7 : i32
    %min3A_65 = arith.constant 79 : i32
    %min3A_66 = arith.minsi %min3A_64, %min3A_65 : i32
    %dma_start3A_67 = arith.constant 0 : i32
    %dma_start3A_68 = tpu.memref_slice %arg10[%min3A_66, %dma_start3A_67] : memref<80x128xi32, #tpu.memory_space<vmem>> -> memref<1x128xi32, #tpu.memory_space<vmem>>
    %dma_start3A_69 = tpu.memref_squeeze %dma_start3A_68 : memref<1x128xi32, #tpu.memory_space<vmem>> -> memref<128xi32, #tpu.memory_space<vmem>>
    %dma_start3A_70 = arith.constant 0 : i32
    %dma_start3A_71 = arith.constant 0 : i32
    %dma_start3A_72 = tpu.memref_slice %arg4[%dma_start3A_70, %dma_start3A_71] : memref<10112x64xf32, #tpu.memory_space<hbm>> -> memref<10112x64xf32, #tpu.memory_space<hbm>>
    tpu.enqueue_indirect_dma source(%dma_start3A_72 : memref<10112x64xf32, #tpu.memory_space<hbm>>) target(%arg19 : memref<128x64xf32, #tpu.memory_space<vmem>>) offsets(%dma_start3A_69 : memref<128xi32, #tpu.memory_space<vmem>>) semaphore(%arg31 : memref<!tpu.dma_semaphore, #tpu.memory_space<semaphore_mem>>)
    "tpu.region"() ({
      %run_scoped3A = tpu.sem_alloc : memref<!tpu.dma_semaphore, #tpu.memory_space<semaphore_mem>>
      %dma_start3A_153 = arith.constant 0 : i32
      %dma_start3A_154 = arith.constant 0 : i32
      %dma_start3A_155 = tpu.memref_slice %arg3[%add3A, %dma_start3A_153, %dma_start3A_154] : memref<32x80x128xi32, #tpu.memory_space<hbm>> -> memref<1x80x128xi32, #tpu.memory_space<hbm>>
      %dma_start3A_156 = tpu.memref_squeeze %dma_start3A_155 : memref<1x80x128xi32, #tpu.memory_space<hbm>> -> memref<80x128xi32, #tpu.memory_space<hbm>>
      %dma_start3A_157 = arith.constant 0 : i32
      %dma_start3A_158 = arith.constant 0 : i32
      %dma_start3A_159 = tpu.memref_slice %arg3[%add3A, %dma_start3A_157, %dma_start3A_158] : memref<32x80x128xi32, #tpu.memory_space<hbm>> -> memref<1x80x128xi32, #tpu.memory_space<hbm>>
      %dma_start3A_160 = tpu.memref_squeeze %dma_start3A_159 : memref<1x80x128xi32, #tpu.memory_space<hbm>> -> memref<80x128xi32, #tpu.memory_space<hbm>>
      tpu.enqueue_dma source(%dma_start3A_160 : memref<80x128xi32, #tpu.memory_space<hbm>>) target(%arg11 : memref<80x128xi32, #tpu.memory_space<vmem>>) target_semaphore(%run_scoped3A : memref<!tpu.dma_semaphore, #tpu.memory_space<semaphore_mem>>)
      %dma_wait3A_161 = arith.constant 0 : i32
      %dma_wait3A_162 = arith.constant 0 : i32
      %dma_wait3A_163 = tpu.memref_slice %arg3[%add3A, %dma_wait3A_161, %dma_wait3A_162] : memref<32x80x128xi32, #tpu.memory_space<hbm>> -> memref<1x80x128xi32, #tpu.memory_space<hbm>>
      %dma_wait3A_164 = tpu.memref_squeeze %dma_wait3A_163 : memref<1x80x128xi32, #tpu.memory_space<hbm>> -> memref<80x128xi32, #tpu.memory_space<hbm>>
      %dma_wait3A_165 = arith.constant 0 : i32
      %dma_wait3A_166 = arith.constant 0 : i32
      %dma_wait3A_167 = tpu.memref_slice %arg3[%add3A, %dma_wait3A_165, %dma_wait3A_166] : memref<32x80x128xi32, #tpu.memory_space<hbm>> -> memref<1x80x128xi32, #tpu.memory_space<hbm>>
      %dma_wait3A_168 = tpu.memref_squeeze %dma_wait3A_167 : memref<1x80x128xi32, #tpu.memory_space<hbm>> -> memref<80x128xi32, #tpu.memory_space<hbm>>
      tpu.wait_dma2 semaphore(%run_scoped3A : memref<!tpu.dma_semaphore, #tpu.memory_space<semaphore_mem>>) src(%dma_wait3A_168 : memref<80x128xi32, #tpu.memory_space<hbm>>) dst(%arg11 : memref<80x128xi32, #tpu.memory_space<vmem>>)
      tpu.yield
    }) : () -> ()
    "tpu.region"() ({
      %run_scoped3A = tpu.sem_alloc : memref<!tpu.dma_semaphore, #tpu.memory_space<semaphore_mem>>
      %dma_start3A_153 = arith.constant 0 : i32
      %dma_start3A_154 = tpu.memref_slice %arg20[%mul3A_2, %dma_start3A_153] : memref<10112x64xf32, #tpu.memory_space<vmem_shared>> -> memref<632x64xf32, #tpu.memory_space<vmem_shared>>
      tpu.enqueue_dma source(%arg5 : memref<632x64xf32, #tpu.memory_space<hbm>>) target(%dma_start3A_154 : memref<632x64xf32, #tpu.memory_space<vmem_shared>>) target_semaphore(%run_scoped3A : memref<!tpu.dma_semaphore, #tpu.memory_space<semaphore_mem>>)
      %dma_wait3A_155 = arith.constant 0 : i32
      %dma_wait3A_156 = tpu.memref_slice %arg20[%mul3A_2, %dma_wait3A_155] : memref<10112x64xf32, #tpu.memory_space<vmem_shared>> -> memref<632x64xf32, #tpu.memory_space<vmem_shared>>
      tpu.wait_dma2 semaphore(%run_scoped3A : memref<!tpu.dma_semaphore, #tpu.memory_space<semaphore_mem>>) src(%arg5 : memref<632x64xf32, #tpu.memory_space<hbm>>) dst(%dma_wait3A_156 : memref<632x64xf32, #tpu.memory_space<vmem_shared>>)
      tpu.yield
    }) : () -> ()
    "tpu.region"() ({
      %run_scoped3A = tpu.sem_alloc : memref<!tpu.dma_semaphore, #tpu.memory_space<semaphore_mem>>
      tpu.enqueue_dma source(%arg7 : memref<632xf32, #tpu.memory_space<hbm>>) target(%arg23 : memref<632xf32, #tpu.memory_space<vmem>>) target_semaphore(%run_scoped3A : memref<!tpu.dma_semaphore, #tpu.memory_space<semaphore_mem>>)
      tpu.wait_dma2 semaphore(%run_scoped3A : memref<!tpu.dma_semaphore, #tpu.memory_space<semaphore_mem>>) src(%arg7 : memref<632xf32, #tpu.memory_space<hbm>>) dst(%arg23 : memref<632xf32, #tpu.memory_space<vmem>>)
      tpu.yield
    }) : () -> ()
    "tpu.region"() ({
      %run_scoped3A = tpu.sem_alloc : memref<!tpu.dma_semaphore, #tpu.memory_space<semaphore_mem>>
      %dma_start3A_153 = tpu.memref_slice %arg21[%mul3A_2] : memref<10112xf32, #tpu.memory_space<vmem_shared>> -> memref<632xf32, #tpu.memory_space<vmem_shared>>
      %dma_start3A_154 = tpu.memref_slice %arg21[%mul3A_2] : memref<10112xf32, #tpu.memory_space<vmem_shared>> -> memref<632xf32, #tpu.memory_space<vmem_shared>>
      tpu.enqueue_dma source(%arg23 : memref<632xf32, #tpu.memory_space<vmem>>) target(%dma_start3A_154 : memref<632xf32, #tpu.memory_space<vmem_shared>>) target_semaphore(%run_scoped3A : memref<!tpu.dma_semaphore, #tpu.memory_space<semaphore_mem>>)
      %dma_wait3A_155 = tpu.memref_slice %arg21[%mul3A_2] : memref<10112xf32, #tpu.memory_space<vmem_shared>> -> memref<632xf32, #tpu.memory_space<vmem_shared>>
      %dma_wait3A_156 = tpu.memref_slice %arg21[%mul3A_2] : memref<10112xf32, #tpu.memory_space<vmem_shared>> -> memref<632xf32, #tpu.memory_space<vmem_shared>>
      tpu.wait_dma2 semaphore(%run_scoped3A : memref<!tpu.dma_semaphore, #tpu.memory_space<semaphore_mem>>) src(%arg23 : memref<632xf32, #tpu.memory_space<vmem>>) dst(%dma_wait3A_156 : memref<632xf32, #tpu.memory_space<vmem_shared>>)
      tpu.yield
    }) : () -> ()
    "tpu.region"() ({
      %run_scoped3A = tpu.sem_alloc : memref<!tpu.dma_semaphore, #tpu.memory_space<semaphore_mem>>
      tpu.enqueue_dma source(%arg6 : memref<128xf32, #tpu.memory_space<hbm>>) target(%arg22 : memref<128xf32, #tpu.memory_space<vmem>>) target_semaphore(%run_scoped3A : memref<!tpu.dma_semaphore, #tpu.memory_space<semaphore_mem>>)
      tpu.wait_dma2 semaphore(%run_scoped3A : memref<!tpu.dma_semaphore, #tpu.memory_space<semaphore_mem>>) src(%arg6 : memref<128xf32, #tpu.memory_space<hbm>>) dst(%arg22 : memref<128xf32, #tpu.memory_space<vmem>>)
      tpu.yield
    }) : () -> ()
    %barrier3A = arith.constant 0 : index
    tpu.barrier barrier_id(%barrier3A)
    %scan3A = arith.constant 0 : i32
    %scan3A_73 = arith.constant 0 : i32
    %scan3A_74 = arith.constant 10 : i32
    %scan3A_75 = arith.addi %scan3A_73, %scan3A_74 : i32
    %scan3A_76 = arith.constant 1 : i32
    scf.for %scan3A_153 = %scan3A_73 to %scan3A_75 step %scan3A_76  : i32 {
      %mul3A_154 = arith.constant 8 : i32
      %mul3A_155 = arith.muli %scan3A_153, %mul3A_154 : i32
      %add3A_156 = arith.constant 0 : i32
      %add3A_157 = arith.addi %mul3A_155, %add3A_156 : i32
      %min3A_158 = arith.constant 79 : i32
      %min3A_159 = arith.minsi %add3A_157, %min3A_158 : i32
      %dma_wait3A_160 = arith.constant 0 : i32
      %dma_wait3A_161 = tpu.memref_slice %arg10[%min3A_159, %dma_wait3A_160] : memref<80x128xi32, #tpu.memory_space<vmem>> -> memref<1x128xi32, #tpu.memory_space<vmem>>
      %dma_wait3A_162 = tpu.memref_squeeze %dma_wait3A_161 : memref<1x128xi32, #tpu.memory_space<vmem>> -> memref<128xi32, #tpu.memory_space<vmem>>
      %dma_wait3A_163 = arith.constant 0 : i32
      %dma_wait3A_164 = arith.constant 0 : i32
      %dma_wait3A_165 = tpu.memref_slice %arg4[%dma_wait3A_163, %dma_wait3A_164] : memref<10112x64xf32, #tpu.memory_space<hbm>> -> memref<10112x64xf32, #tpu.memory_space<hbm>>
      tpu.wait_indirect_dma semaphore(%arg24 : memref<!tpu.dma_semaphore, #tpu.memory_space<semaphore_mem>>) src(%dma_wait3A_165 : memref<10112x64xf32, #tpu.memory_space<hbm>>) dst(%arg12 : memref<128x64xf32, #tpu.memory_space<vmem>>)
      %add3A_166 = arith.constant 0 : i32
      %add3A_167 = arith.addi %mul3A_155, %add3A_166 : i32
      %dma_start3A_168 = arith.constant 0 : i32
      %dma_start3A_169 = tpu.memref_slice %arg11[%add3A_167, %dma_start3A_168] : memref<80x128xi32, #tpu.memory_space<vmem>> -> memref<1x128xi32, #tpu.memory_space<vmem>>
      %dma_start3A_170 = tpu.memref_squeeze %dma_start3A_169 : memref<1x128xi32, #tpu.memory_space<vmem>> -> memref<128xi32, #tpu.memory_space<vmem>>
      %dma_start3A_171 = arith.constant 0 : i32
      %dma_start3A_172 = arith.constant 0 : i32
      %dma_start3A_173 = tpu.memref_slice %arg20[%dma_start3A_171, %dma_start3A_172] : memref<10112x64xf32, #tpu.memory_space<vmem_shared>> -> memref<10112x64xf32, #tpu.memory_space<vmem_shared>>
      tpu.enqueue_indirect_dma source(%arg12 : memref<128x64xf32, #tpu.memory_space<vmem>>) target(%dma_start3A_173 : memref<10112x64xf32, #tpu.memory_space<vmem_shared>>) offsets(%dma_start3A_170 : memref<128xi32, #tpu.memory_space<vmem>>) semaphore(%arg32 : memref<!tpu.dma_semaphore, #tpu.memory_space<semaphore_mem>>) {add = true}
      %add3A_174 = arith.constant 0 : i32
      %add3A_175 = arith.addi %mul3A_155, %add3A_174 : i32
      %dma_start3A_176 = arith.constant 0 : i32
      %dma_start3A_177 = tpu.memref_slice %arg11[%add3A_175, %dma_start3A_176] : memref<80x128xi32, #tpu.memory_space<vmem>> -> memref<1x128xi32, #tpu.memory_space<vmem>>
      %dma_start3A_178 = tpu.memref_squeeze %dma_start3A_177 : memref<1x128xi32, #tpu.memory_space<vmem>> -> memref<128xi32, #tpu.memory_space<vmem>>
      %dma_start3A_179 = arith.constant 0 : i32
      %dma_start3A_180 = tpu.memref_slice %arg21[%dma_start3A_179] : memref<10112xf32, #tpu.memory_space<vmem_shared>> -> memref<10112xf32, #tpu.memory_space<vmem_shared>>
      tpu.enqueue_indirect_dma source(%arg22 : memref<128xf32, #tpu.memory_space<vmem>>) target(%dma_start3A_180 : memref<10112xf32, #tpu.memory_space<vmem_shared>>) offsets(%dma_start3A_178 : memref<128xi32, #tpu.memory_space<vmem>>) semaphore(%arg40 : memref<!tpu.dma_semaphore, #tpu.memory_space<semaphore_mem>>) {add = true}
      %add3A_181 = arith.constant 1 : i32
      %add3A_182 = arith.addi %mul3A_155, %add3A_181 : i32
      %min3A_183 = arith.constant 79 : i32
      %min3A_184 = arith.minsi %add3A_182, %min3A_183 : i32
      %dma_wait3A_185 = arith.constant 0 : i32
      %dma_wait3A_186 = tpu.memref_slice %arg10[%min3A_184, %dma_wait3A_185] : memref<80x128xi32, #tpu.memory_space<vmem>> -> memref<1x128xi32, #tpu.memory_space<vmem>>
      %dma_wait3A_187 = tpu.memref_squeeze %dma_wait3A_186 : memref<1x128xi32, #tpu.memory_space<vmem>> -> memref<128xi32, #tpu.memory_space<vmem>>
      %dma_wait3A_188 = arith.constant 0 : i32
      %dma_wait3A_189 = arith.constant 0 : i32
      %dma_wait3A_190 = tpu.memref_slice %arg4[%dma_wait3A_188, %dma_wait3A_189] : memref<10112x64xf32, #tpu.memory_space<hbm>> -> memref<10112x64xf32, #tpu.memory_space<hbm>>
      tpu.wait_indirect_dma semaphore(%arg25 : memref<!tpu.dma_semaphore, #tpu.memory_space<semaphore_mem>>) src(%dma_wait3A_190 : memref<10112x64xf32, #tpu.memory_space<hbm>>) dst(%arg13 : memref<128x64xf32, #tpu.memory_space<vmem>>)
      %add3A_191 = arith.constant 1 : i32
      %add3A_192 = arith.addi %mul3A_155, %add3A_191 : i32
      %dma_start3A_193 = arith.constant 0 : i32
      %dma_start3A_194 = tpu.memref_slice %arg11[%add3A_192, %dma_start3A_193] : memref<80x128xi32, #tpu.memory_space<vmem>> -> memref<1x128xi32, #tpu.memory_space<vmem>>
      %dma_start3A_195 = tpu.memref_squeeze %dma_start3A_194 : memref<1x128xi32, #tpu.memory_space<vmem>> -> memref<128xi32, #tpu.memory_space<vmem>>
      %dma_start3A_196 = arith.constant 0 : i32
      %dma_start3A_197 = arith.constant 0 : i32
      %dma_start3A_198 = tpu.memref_slice %arg20[%dma_start3A_196, %dma_start3A_197] : memref<10112x64xf32, #tpu.memory_space<vmem_shared>> -> memref<10112x64xf32, #tpu.memory_space<vmem_shared>>
      tpu.enqueue_indirect_dma source(%arg13 : memref<128x64xf32, #tpu.memory_space<vmem>>) target(%dma_start3A_198 : memref<10112x64xf32, #tpu.memory_space<vmem_shared>>) offsets(%dma_start3A_195 : memref<128xi32, #tpu.memory_space<vmem>>) semaphore(%arg33 : memref<!tpu.dma_semaphore, #tpu.memory_space<semaphore_mem>>) {add = true}
      %add3A_199 = arith.constant 1 : i32
      %add3A_200 = arith.addi %mul3A_155, %add3A_199 : i32
      %dma_start3A_201 = arith.constant 0 : i32
      %dma_start3A_202 = tpu.memref_slice %arg11[%add3A_200, %dma_start3A_201] : memref<80x128xi32, #tpu.memory_space<vmem>> -> memref<1x128xi32, #tpu.memory_space<vmem>>
      %dma_start3A_203 = tpu.memref_squeeze %dma_start3A_202 : memref<1x128xi32, #tpu.memory_space<vmem>> -> memref<128xi32, #tpu.memory_space<vmem>>
      %dma_start3A_204 = arith.constant 0 : i32
      %dma_start3A_205 = tpu.memref_slice %arg21[%dma_start3A_204] : memref<10112xf32, #tpu.memory_space<vmem_shared>> -> memref<10112xf32, #tpu.memory_space<vmem_shared>>
      tpu.enqueue_indirect_dma source(%arg22 : memref<128xf32, #tpu.memory_space<vmem>>) target(%dma_start3A_205 : memref<10112xf32, #tpu.memory_space<vmem_shared>>) offsets(%dma_start3A_203 : memref<128xi32, #tpu.memory_space<vmem>>) semaphore(%arg41 : memref<!tpu.dma_semaphore, #tpu.memory_space<semaphore_mem>>) {add = true}
      %add3A_206 = arith.constant 2 : i32
      %add3A_207 = arith.addi %mul3A_155, %add3A_206 : i32
      %min3A_208 = arith.constant 79 : i32
      %min3A_209 = arith.minsi %add3A_207, %min3A_208 : i32
      %dma_wait3A_210 = arith.constant 0 : i32
      %dma_wait3A_211 = tpu.memref_slice %arg10[%min3A_209, %dma_wait3A_210] : memref<80x128xi32, #tpu.memory_space<vmem>> -> memref<1x128xi32, #tpu.memory_space<vmem>>
      %dma_wait3A_212 = tpu.memref_squeeze %dma_wait3A_211 : memref<1x128xi32, #tpu.memory_space<vmem>> -> memref<128xi32, #tpu.memory_space<vmem>>
      %dma_wait3A_213 = arith.constant 0 : i32
      %dma_wait3A_214 = arith.constant 0 : i32
      %dma_wait3A_215 = tpu.memref_slice %arg4[%dma_wait3A_213, %dma_wait3A_214] : memref<10112x64xf32, #tpu.memory_space<hbm>> -> memref<10112x64xf32, #tpu.memory_space<hbm>>
      tpu.wait_indirect_dma semaphore(%arg26 : memref<!tpu.dma_semaphore, #tpu.memory_space<semaphore_mem>>) src(%dma_wait3A_215 : memref<10112x64xf32, #tpu.memory_space<hbm>>) dst(%arg14 : memref<128x64xf32, #tpu.memory_space<vmem>>)
      %add3A_216 = arith.constant 2 : i32
      %add3A_217 = arith.addi %mul3A_155, %add3A_216 : i32
      %dma_start3A_218 = arith.constant 0 : i32
      %dma_start3A_219 = tpu.memref_slice %arg11[%add3A_217, %dma_start3A_218] : memref<80x128xi32, #tpu.memory_space<vmem>> -> memref<1x128xi32, #tpu.memory_space<vmem>>
      %dma_start3A_220 = tpu.memref_squeeze %dma_start3A_219 : memref<1x128xi32, #tpu.memory_space<vmem>> -> memref<128xi32, #tpu.memory_space<vmem>>
      %dma_start3A_221 = arith.constant 0 : i32
      %dma_start3A_222 = arith.constant 0 : i32
      %dma_start3A_223 = tpu.memref_slice %arg20[%dma_start3A_221, %dma_start3A_222] : memref<10112x64xf32, #tpu.memory_space<vmem_shared>> -> memref<10112x64xf32, #tpu.memory_space<vmem_shared>>
      tpu.enqueue_indirect_dma source(%arg14 : memref<128x64xf32, #tpu.memory_space<vmem>>) target(%dma_start3A_223 : memref<10112x64xf32, #tpu.memory_space<vmem_shared>>) offsets(%dma_start3A_220 : memref<128xi32, #tpu.memory_space<vmem>>) semaphore(%arg34 : memref<!tpu.dma_semaphore, #tpu.memory_space<semaphore_mem>>) {add = true}
      %add3A_224 = arith.constant 2 : i32
      %add3A_225 = arith.addi %mul3A_155, %add3A_224 : i32
      %dma_start3A_226 = arith.constant 0 : i32
      %dma_start3A_227 = tpu.memref_slice %arg11[%add3A_225, %dma_start3A_226] : memref<80x128xi32, #tpu.memory_space<vmem>> -> memref<1x128xi32, #tpu.memory_space<vmem>>
      %dma_start3A_228 = tpu.memref_squeeze %dma_start3A_227 : memref<1x128xi32, #tpu.memory_space<vmem>> -> memref<128xi32, #tpu.memory_space<vmem>>
      %dma_start3A_229 = arith.constant 0 : i32
      %dma_start3A_230 = tpu.memref_slice %arg21[%dma_start3A_229] : memref<10112xf32, #tpu.memory_space<vmem_shared>> -> memref<10112xf32, #tpu.memory_space<vmem_shared>>
      tpu.enqueue_indirect_dma source(%arg22 : memref<128xf32, #tpu.memory_space<vmem>>) target(%dma_start3A_230 : memref<10112xf32, #tpu.memory_space<vmem_shared>>) offsets(%dma_start3A_228 : memref<128xi32, #tpu.memory_space<vmem>>) semaphore(%arg42 : memref<!tpu.dma_semaphore, #tpu.memory_space<semaphore_mem>>) {add = true}
      %add3A_231 = arith.constant 3 : i32
      %add3A_232 = arith.addi %mul3A_155, %add3A_231 : i32
      %min3A_233 = arith.constant 79 : i32
      %min3A_234 = arith.minsi %add3A_232, %min3A_233 : i32
      %dma_wait3A_235 = arith.constant 0 : i32
      %dma_wait3A_236 = tpu.memref_slice %arg10[%min3A_234, %dma_wait3A_235] : memref<80x128xi32, #tpu.memory_space<vmem>> -> memref<1x128xi32, #tpu.memory_space<vmem>>
      %dma_wait3A_237 = tpu.memref_squeeze %dma_wait3A_236 : memref<1x128xi32, #tpu.memory_space<vmem>> -> memref<128xi32, #tpu.memory_space<vmem>>
      %dma_wait3A_238 = arith.constant 0 : i32
      %dma_wait3A_239 = arith.constant 0 : i32
      %dma_wait3A_240 = tpu.memref_slice %arg4[%dma_wait3A_238, %dma_wait3A_239] : memref<10112x64xf32, #tpu.memory_space<hbm>> -> memref<10112x64xf32, #tpu.memory_space<hbm>>
      tpu.wait_indirect_dma semaphore(%arg27 : memref<!tpu.dma_semaphore, #tpu.memory_space<semaphore_mem>>) src(%dma_wait3A_240 : memref<10112x64xf32, #tpu.memory_space<hbm>>) dst(%arg15 : memref<128x64xf32, #tpu.memory_space<vmem>>)
      %add3A_241 = arith.constant 3 : i32
      %add3A_242 = arith.addi %mul3A_155, %add3A_241 : i32
      %dma_start3A_243 = arith.constant 0 : i32
      %dma_start3A_244 = tpu.memref_slice %arg11[%add3A_242, %dma_start3A_243] : memref<80x128xi32, #tpu.memory_space<vmem>> -> memref<1x128xi32, #tpu.memory_space<vmem>>
      %dma_start3A_245 = tpu.memref_squeeze %dma_start3A_244 : memref<1x128xi32, #tpu.memory_space<vmem>> -> memref<128xi32, #tpu.memory_space<vmem>>
      %dma_start3A_246 = arith.constant 0 : i32
      %dma_start3A_247 = arith.constant 0 : i32
      %dma_start3A_248 = tpu.memref_slice %arg20[%dma_start3A_246, %dma_start3A_247] : memref<10112x64xf32, #tpu.memory_space<vmem_shared>> -> memref<10112x64xf32, #tpu.memory_space<vmem_shared>>
      tpu.enqueue_indirect_dma source(%arg15 : memref<128x64xf32, #tpu.memory_space<vmem>>) target(%dma_start3A_248 : memref<10112x64xf32, #tpu.memory_space<vmem_shared>>) offsets(%dma_start3A_245 : memref<128xi32, #tpu.memory_space<vmem>>) semaphore(%arg35 : memref<!tpu.dma_semaphore, #tpu.memory_space<semaphore_mem>>) {add = true}
      %add3A_249 = arith.constant 3 : i32
      %add3A_250 = arith.addi %mul3A_155, %add3A_249 : i32
      %dma_start3A_251 = arith.constant 0 : i32
      %dma_start3A_252 = tpu.memref_slice %arg11[%add3A_250, %dma_start3A_251] : memref<80x128xi32, #tpu.memory_space<vmem>> -> memref<1x128xi32, #tpu.memory_space<vmem>>
      %dma_start3A_253 = tpu.memref_squeeze %dma_start3A_252 : memref<1x128xi32, #tpu.memory_space<vmem>> -> memref<128xi32, #tpu.memory_space<vmem>>
      %dma_start3A_254 = arith.constant 0 : i32
      %dma_start3A_255 = tpu.memref_slice %arg21[%dma_start3A_254] : memref<10112xf32, #tpu.memory_space<vmem_shared>> -> memref<10112xf32, #tpu.memory_space<vmem_shared>>
      tpu.enqueue_indirect_dma source(%arg22 : memref<128xf32, #tpu.memory_space<vmem>>) target(%dma_start3A_255 : memref<10112xf32, #tpu.memory_space<vmem_shared>>) offsets(%dma_start3A_253 : memref<128xi32, #tpu.memory_space<vmem>>) semaphore(%arg43 : memref<!tpu.dma_semaphore, #tpu.memory_space<semaphore_mem>>) {add = true}
      %add3A_256 = arith.constant 4 : i32
      %add3A_257 = arith.addi %mul3A_155, %add3A_256 : i32
      %min3A_258 = arith.constant 79 : i32
      %min3A_259 = arith.minsi %add3A_257, %min3A_258 : i32
      %dma_wait3A_260 = arith.constant 0 : i32
      %dma_wait3A_261 = tpu.memref_slice %arg10[%min3A_259, %dma_wait3A_260] : memref<80x128xi32, #tpu.memory_space<vmem>> -> memref<1x128xi32, #tpu.memory_space<vmem>>
      %dma_wait3A_262 = tpu.memref_squeeze %dma_wait3A_261 : memref<1x128xi32, #tpu.memory_space<vmem>> -> memref<128xi32, #tpu.memory_space<vmem>>
      %dma_wait3A_263 = arith.constant 0 : i32
      %dma_wait3A_264 = arith.constant 0 : i32
      %dma_wait3A_265 = tpu.memref_slice %arg4[%dma_wait3A_263, %dma_wait3A_264] : memref<10112x64xf32, #tpu.memory_space<hbm>> -> memref<10112x64xf32, #tpu.memory_space<hbm>>
      tpu.wait_indirect_dma semaphore(%arg28 : memref<!tpu.dma_semaphore, #tpu.memory_space<semaphore_mem>>) src(%dma_wait3A_265 : memref<10112x64xf32, #tpu.memory_space<hbm>>) dst(%arg16 : memref<128x64xf32, #tpu.memory_space<vmem>>)
      %add3A_266 = arith.constant 4 : i32
      %add3A_267 = arith.addi %mul3A_155, %add3A_266 : i32
      %dma_start3A_268 = arith.constant 0 : i32
      %dma_start3A_269 = tpu.memref_slice %arg11[%add3A_267, %dma_start3A_268] : memref<80x128xi32, #tpu.memory_space<vmem>> -> memref<1x128xi32, #tpu.memory_space<vmem>>
      %dma_start3A_270 = tpu.memref_squeeze %dma_start3A_269 : memref<1x128xi32, #tpu.memory_space<vmem>> -> memref<128xi32, #tpu.memory_space<vmem>>
      %dma_start3A_271 = arith.constant 0 : i32
      %dma_start3A_272 = arith.constant 0 : i32
      %dma_start3A_273 = tpu.memref_slice %arg20[%dma_start3A_271, %dma_start3A_272] : memref<10112x64xf32, #tpu.memory_space<vmem_shared>> -> memref<10112x64xf32, #tpu.memory_space<vmem_shared>>
      tpu.enqueue_indirect_dma source(%arg16 : memref<128x64xf32, #tpu.memory_space<vmem>>) target(%dma_start3A_273 : memref<10112x64xf32, #tpu.memory_space<vmem_shared>>) offsets(%dma_start3A_270 : memref<128xi32, #tpu.memory_space<vmem>>) semaphore(%arg36 : memref<!tpu.dma_semaphore, #tpu.memory_space<semaphore_mem>>) {add = true}
      %add3A_274 = arith.constant 4 : i32
      %add3A_275 = arith.addi %mul3A_155, %add3A_274 : i32
      %dma_start3A_276 = arith.constant 0 : i32
      %dma_start3A_277 = tpu.memref_slice %arg11[%add3A_275, %dma_start3A_276] : memref<80x128xi32, #tpu.memory_space<vmem>> -> memref<1x128xi32, #tpu.memory_space<vmem>>
      %dma_start3A_278 = tpu.memref_squeeze %dma_start3A_277 : memref<1x128xi32, #tpu.memory_space<vmem>> -> memref<128xi32, #tpu.memory_space<vmem>>
      %dma_start3A_279 = arith.constant 0 : i32
      %dma_start3A_280 = tpu.memref_slice %arg21[%dma_start3A_279] : memref<10112xf32, #tpu.memory_space<vmem_shared>> -> memref<10112xf32, #tpu.memory_space<vmem_shared>>
      tpu.enqueue_indirect_dma source(%arg22 : memref<128xf32, #tpu.memory_space<vmem>>) target(%dma_start3A_280 : memref<10112xf32, #tpu.memory_space<vmem_shared>>) offsets(%dma_start3A_278 : memref<128xi32, #tpu.memory_space<vmem>>) semaphore(%arg44 : memref<!tpu.dma_semaphore, #tpu.memory_space<semaphore_mem>>) {add = true}
      %add3A_281 = arith.constant 5 : i32
      %add3A_282 = arith.addi %mul3A_155, %add3A_281 : i32
      %min3A_283 = arith.constant 79 : i32
      %min3A_284 = arith.minsi %add3A_282, %min3A_283 : i32
      %dma_wait3A_285 = arith.constant 0 : i32
      %dma_wait3A_286 = tpu.memref_slice %arg10[%min3A_284, %dma_wait3A_285] : memref<80x128xi32, #tpu.memory_space<vmem>> -> memref<1x128xi32, #tpu.memory_space<vmem>>
      %dma_wait3A_287 = tpu.memref_squeeze %dma_wait3A_286 : memref<1x128xi32, #tpu.memory_space<vmem>> -> memref<128xi32, #tpu.memory_space<vmem>>
      %dma_wait3A_288 = arith.constant 0 : i32
      %dma_wait3A_289 = arith.constant 0 : i32
      %dma_wait3A_290 = tpu.memref_slice %arg4[%dma_wait3A_288, %dma_wait3A_289] : memref<10112x64xf32, #tpu.memory_space<hbm>> -> memref<10112x64xf32, #tpu.memory_space<hbm>>
      tpu.wait_indirect_dma semaphore(%arg29 : memref<!tpu.dma_semaphore, #tpu.memory_space<semaphore_mem>>) src(%dma_wait3A_290 : memref<10112x64xf32, #tpu.memory_space<hbm>>) dst(%arg17 : memref<128x64xf32, #tpu.memory_space<vmem>>)
      %add3A_291 = arith.constant 5 : i32
      %add3A_292 = arith.addi %mul3A_155, %add3A_291 : i32
      %dma_start3A_293 = arith.constant 0 : i32
      %dma_start3A_294 = tpu.memref_slice %arg11[%add3A_292, %dma_start3A_293] : memref<80x128xi32, #tpu.memory_space<vmem>> -> memref<1x128xi32, #tpu.memory_space<vmem>>
      %dma_start3A_295 = tpu.memref_squeeze %dma_start3A_294 : memref<1x128xi32, #tpu.memory_space<vmem>> -> memref<128xi32, #tpu.memory_space<vmem>>
      %dma_start3A_296 = arith.constant 0 : i32
      %dma_start3A_297 = arith.constant 0 : i32
      %dma_start3A_298 = tpu.memref_slice %arg20[%dma_start3A_296, %dma_start3A_297] : memref<10112x64xf32, #tpu.memory_space<vmem_shared>> -> memref<10112x64xf32, #tpu.memory_space<vmem_shared>>
      tpu.enqueue_indirect_dma source(%arg17 : memref<128x64xf32, #tpu.memory_space<vmem>>) target(%dma_start3A_298 : memref<10112x64xf32, #tpu.memory_space<vmem_shared>>) offsets(%dma_start3A_295 : memref<128xi32, #tpu.memory_space<vmem>>) semaphore(%arg37 : memref<!tpu.dma_semaphore, #tpu.memory_space<semaphore_mem>>) {add = true}
      %add3A_299 = arith.constant 5 : i32
      %add3A_300 = arith.addi %mul3A_155, %add3A_299 : i32
      %dma_start3A_301 = arith.constant 0 : i32
      %dma_start3A_302 = tpu.memref_slice %arg11[%add3A_300, %dma_start3A_301] : memref<80x128xi32, #tpu.memory_space<vmem>> -> memref<1x128xi32, #tpu.memory_space<vmem>>
      %dma_start3A_303 = tpu.memref_squeeze %dma_start3A_302 : memref<1x128xi32, #tpu.memory_space<vmem>> -> memref<128xi32, #tpu.memory_space<vmem>>
      %dma_start3A_304 = arith.constant 0 : i32
      %dma_start3A_305 = tpu.memref_slice %arg21[%dma_start3A_304] : memref<10112xf32, #tpu.memory_space<vmem_shared>> -> memref<10112xf32, #tpu.memory_space<vmem_shared>>
      tpu.enqueue_indirect_dma source(%arg22 : memref<128xf32, #tpu.memory_space<vmem>>) target(%dma_start3A_305 : memref<10112xf32, #tpu.memory_space<vmem_shared>>) offsets(%dma_start3A_303 : memref<128xi32, #tpu.memory_space<vmem>>) semaphore(%arg45 : memref<!tpu.dma_semaphore, #tpu.memory_space<semaphore_mem>>) {add = true}
      %add3A_306 = arith.constant 6 : i32
      %add3A_307 = arith.addi %mul3A_155, %add3A_306 : i32
      %min3A_308 = arith.constant 79 : i32
      %min3A_309 = arith.minsi %add3A_307, %min3A_308 : i32
      %dma_wait3A_310 = arith.constant 0 : i32
      %dma_wait3A_311 = tpu.memref_slice %arg10[%min3A_309, %dma_wait3A_310] : memref<80x128xi32, #tpu.memory_space<vmem>> -> memref<1x128xi32, #tpu.memory_space<vmem>>
      %dma_wait3A_312 = tpu.memref_squeeze %dma_wait3A_311 : memref<1x128xi32, #tpu.memory_space<vmem>> -> memref<128xi32, #tpu.memory_space<vmem>>
      %dma_wait3A_313 = arith.constant 0 : i32
      %dma_wait3A_314 = arith.constant 0 : i32
      %dma_wait3A_315 = tpu.memref_slice %arg4[%dma_wait3A_313, %dma_wait3A_314] : memref<10112x64xf32, #tpu.memory_space<hbm>> -> memref<10112x64xf32, #tpu.memory_space<hbm>>
      tpu.wait_indirect_dma semaphore(%arg30 : memref<!tpu.dma_semaphore, #tpu.memory_space<semaphore_mem>>) src(%dma_wait3A_315 : memref<10112x64xf32, #tpu.memory_space<hbm>>) dst(%arg18 : memref<128x64xf32, #tpu.memory_space<vmem>>)
      %add3A_316 = arith.constant 6 : i32
      %add3A_317 = arith.addi %mul3A_155, %add3A_316 : i32
      %dma_start3A_318 = arith.constant 0 : i32
      %dma_start3A_319 = tpu.memref_slice %arg11[%add3A_317, %dma_start3A_318] : memref<80x128xi32, #tpu.memory_space<vmem>> -> memref<1x128xi32, #tpu.memory_space<vmem>>
      %dma_start3A_320 = tpu.memref_squeeze %dma_start3A_319 : memref<1x128xi32, #tpu.memory_space<vmem>> -> memref<128xi32, #tpu.memory_space<vmem>>
      %dma_start3A_321 = arith.constant 0 : i32
      %dma_start3A_322 = arith.constant 0 : i32
      %dma_start3A_323 = tpu.memref_slice %arg20[%dma_start3A_321, %dma_start3A_322] : memref<10112x64xf32, #tpu.memory_space<vmem_shared>> -> memref<10112x64xf32, #tpu.memory_space<vmem_shared>>
      tpu.enqueue_indirect_dma source(%arg18 : memref<128x64xf32, #tpu.memory_space<vmem>>) target(%dma_start3A_323 : memref<10112x64xf32, #tpu.memory_space<vmem_shared>>) offsets(%dma_start3A_320 : memref<128xi32, #tpu.memory_space<vmem>>) semaphore(%arg38 : memref<!tpu.dma_semaphore, #tpu.memory_space<semaphore_mem>>) {add = true}
      %add3A_324 = arith.constant 6 : i32
      %add3A_325 = arith.addi %mul3A_155, %add3A_324 : i32
      %dma_start3A_326 = arith.constant 0 : i32
      %dma_start3A_327 = tpu.memref_slice %arg11[%add3A_325, %dma_start3A_326] : memref<80x128xi32, #tpu.memory_space<vmem>> -> memref<1x128xi32, #tpu.memory_space<vmem>>
      %dma_start3A_328 = tpu.memref_squeeze %dma_start3A_327 : memref<1x128xi32, #tpu.memory_space<vmem>> -> memref<128xi32, #tpu.memory_space<vmem>>
      %dma_start3A_329 = arith.constant 0 : i32
      %dma_start3A_330 = tpu.memref_slice %arg21[%dma_start3A_329] : memref<10112xf32, #tpu.memory_space<vmem_shared>> -> memref<10112xf32, #tpu.memory_space<vmem_shared>>
      tpu.enqueue_indirect_dma source(%arg22 : memref<128xf32, #tpu.memory_space<vmem>>) target(%dma_start3A_330 : memref<10112xf32, #tpu.memory_space<vmem_shared>>) offsets(%dma_start3A_328 : memref<128xi32, #tpu.memory_space<vmem>>) semaphore(%arg46 : memref<!tpu.dma_semaphore, #tpu.memory_space<semaphore_mem>>) {add = true}
      %add3A_331 = arith.constant 7 : i32
      %add3A_332 = arith.addi %mul3A_155, %add3A_331 : i32
      %min3A_333 = arith.constant 79 : i32
      %min3A_334 = arith.minsi %add3A_332, %min3A_333 : i32
      %dma_wait3A_335 = arith.constant 0 : i32
      %dma_wait3A_336 = tpu.memref_slice %arg10[%min3A_334, %dma_wait3A_335] : memref<80x128xi32, #tpu.memory_space<vmem>> -> memref<1x128xi32, #tpu.memory_space<vmem>>
      %dma_wait3A_337 = tpu.memref_squeeze %dma_wait3A_336 : memref<1x128xi32, #tpu.memory_space<vmem>> -> memref<128xi32, #tpu.memory_space<vmem>>
      %dma_wait3A_338 = arith.constant 0 : i32
      %dma_wait3A_339 = arith.constant 0 : i32
      %dma_wait3A_340 = tpu.memref_slice %arg4[%dma_wait3A_338, %dma_wait3A_339] : memref<10112x64xf32, #tpu.memory_space<hbm>> -> memref<10112x64xf32, #tpu.memory_space<hbm>>
      tpu.wait_indirect_dma semaphore(%arg31 : memref<!tpu.dma_semaphore, #tpu.memory_space<semaphore_mem>>) src(%dma_wait3A_340 : memref<10112x64xf32, #tpu.memory_space<hbm>>) dst(%arg19 : memref<128x64xf32, #tpu.memory_space<vmem>>)
      %add3A_341 = arith.constant 7 : i32
      %add3A_342 = arith.addi %mul3A_155, %add3A_341 : i32
      %dma_start3A_343 = arith.constant 0 : i32
      %dma_start3A_344 = tpu.memref_slice %arg11[%add3A_342, %dma_start3A_343] : memref<80x128xi32, #tpu.memory_space<vmem>> -> memref<1x128xi32, #tpu.memory_space<vmem>>
      %dma_start3A_345 = tpu.memref_squeeze %dma_start3A_344 : memref<1x128xi32, #tpu.memory_space<vmem>> -> memref<128xi32, #tpu.memory_space<vmem>>
      %dma_start3A_346 = arith.constant 0 : i32
      %dma_start3A_347 = arith.constant 0 : i32
      %dma_start3A_348 = tpu.memref_slice %arg20[%dma_start3A_346, %dma_start3A_347] : memref<10112x64xf32, #tpu.memory_space<vmem_shared>> -> memref<10112x64xf32, #tpu.memory_space<vmem_shared>>
      tpu.enqueue_indirect_dma source(%arg19 : memref<128x64xf32, #tpu.memory_space<vmem>>) target(%dma_start3A_348 : memref<10112x64xf32, #tpu.memory_space<vmem_shared>>) offsets(%dma_start3A_345 : memref<128xi32, #tpu.memory_space<vmem>>) semaphore(%arg39 : memref<!tpu.dma_semaphore, #tpu.memory_space<semaphore_mem>>) {add = true}
      %add3A_349 = arith.constant 7 : i32
      %add3A_350 = arith.addi %mul3A_155, %add3A_349 : i32
      %dma_start3A_351 = arith.constant 0 : i32
      %dma_start3A_352 = tpu.memref_slice %arg11[%add3A_350, %dma_start3A_351] : memref<80x128xi32, #tpu.memory_space<vmem>> -> memref<1x128xi32, #tpu.memory_space<vmem>>
      %dma_start3A_353 = tpu.memref_squeeze %dma_start3A_352 : memref<1x128xi32, #tpu.memory_space<vmem>> -> memref<128xi32, #tpu.memory_space<vmem>>
      %dma_start3A_354 = arith.constant 0 : i32
      %dma_start3A_355 = tpu.memref_slice %arg21[%dma_start3A_354] : memref<10112xf32, #tpu.memory_space<vmem_shared>> -> memref<10112xf32, #tpu.memory_space<vmem_shared>>
      tpu.enqueue_indirect_dma source(%arg22 : memref<128xf32, #tpu.memory_space<vmem>>) target(%dma_start3A_355 : memref<10112xf32, #tpu.memory_space<vmem_shared>>) offsets(%dma_start3A_353 : memref<128xi32, #tpu.memory_space<vmem>>) semaphore(%arg47 : memref<!tpu.dma_semaphore, #tpu.memory_space<semaphore_mem>>) {add = true}
      %add3A_356 = arith.constant 0 : i32
      %add3A_357 = arith.addi %mul3A_155, %add3A_356 : i32
      %dma_wait3A_358 = arith.constant 0 : i32
      %dma_wait3A_359 = tpu.memref_slice %arg11[%add3A_357, %dma_wait3A_358] : memref<80x128xi32, #tpu.memory_space<vmem>> -> memref<1x128xi32, #tpu.memory_space<vmem>>
      %dma_wait3A_360 = tpu.memref_squeeze %dma_wait3A_359 : memref<1x128xi32, #tpu.memory_space<vmem>> -> memref<128xi32, #tpu.memory_space<vmem>>
      %dma_wait3A_361 = arith.constant 0 : i32
      %dma_wait3A_362 = arith.constant 0 : i32
      %dma_wait3A_363 = tpu.memref_slice %arg20[%dma_wait3A_361, %dma_wait3A_362] : memref<10112x64xf32, #tpu.memory_space<vmem_shared>> -> memref<10112x64xf32, #tpu.memory_space<vmem_shared>>
      tpu.wait_indirect_dma semaphore(%arg32 : memref<!tpu.dma_semaphore, #tpu.memory_space<semaphore_mem>>) src(%arg12 : memref<128x64xf32, #tpu.memory_space<vmem>>) dst(%dma_wait3A_363 : memref<10112x64xf32, #tpu.memory_space<vmem_shared>>)
      %add3A_364 = arith.constant 0 : i32
      %add3A_365 = arith.addi %mul3A_155, %add3A_364 : i32
      %dma_wait3A_366 = arith.constant 0 : i32
      %dma_wait3A_367 = tpu.memref_slice %arg11[%add3A_365, %dma_wait3A_366] : memref<80x128xi32, #tpu.memory_space<vmem>> -> memref<1x128xi32, #tpu.memory_space<vmem>>
      %dma_wait3A_368 = tpu.memref_squeeze %dma_wait3A_367 : memref<1x128xi32, #tpu.memory_space<vmem>> -> memref<128xi32, #tpu.memory_space<vmem>>
      %dma_wait3A_369 = arith.constant 0 : i32
      %dma_wait3A_370 = tpu.memref_slice %arg21[%dma_wait3A_369] : memref<10112xf32, #tpu.memory_space<vmem_shared>> -> memref<10112xf32, #tpu.memory_space<vmem_shared>>
      tpu.wait_indirect_dma semaphore(%arg40 : memref<!tpu.dma_semaphore, #tpu.memory_space<semaphore_mem>>) src(%arg22 : memref<128xf32, #tpu.memory_space<vmem>>) dst(%dma_wait3A_370 : memref<10112xf32, #tpu.memory_space<vmem_shared>>)
      %add3A_371 = arith.constant 8 : i32
      %add3A_372 = arith.addi %mul3A_155, %add3A_371 : i32
      %add3A_373 = arith.constant 0 : i32
      %add3A_374 = arith.addi %add3A_372, %add3A_373 : i32
      %min3A_375 = arith.constant 79 : i32
      %min3A_376 = arith.minsi %add3A_374, %min3A_375 : i32
      %dma_start3A_377 = arith.constant 0 : i32
      %dma_start3A_378 = tpu.memref_slice %arg10[%min3A_376, %dma_start3A_377] : memref<80x128xi32, #tpu.memory_space<vmem>> -> memref<1x128xi32, #tpu.memory_space<vmem>>
      %dma_start3A_379 = tpu.memref_squeeze %dma_start3A_378 : memref<1x128xi32, #tpu.memory_space<vmem>> -> memref<128xi32, #tpu.memory_space<vmem>>
      %dma_start3A_380 = arith.constant 0 : i32
      %dma_start3A_381 = arith.constant 0 : i32
      %dma_start3A_382 = tpu.memref_slice %arg4[%dma_start3A_380, %dma_start3A_381] : memref<10112x64xf32, #tpu.memory_space<hbm>> -> memref<10112x64xf32, #tpu.memory_space<hbm>>
      tpu.enqueue_indirect_dma source(%dma_start3A_382 : memref<10112x64xf32, #tpu.memory_space<hbm>>) target(%arg12 : memref<128x64xf32, #tpu.memory_space<vmem>>) offsets(%dma_start3A_379 : memref<128xi32, #tpu.memory_space<vmem>>) semaphore(%arg24 : memref<!tpu.dma_semaphore, #tpu.memory_space<semaphore_mem>>)
      %add3A_383 = arith.constant 1 : i32
      %add3A_384 = arith.addi %mul3A_155, %add3A_383 : i32
      %dma_wait3A_385 = arith.constant 0 : i32
      %dma_wait3A_386 = tpu.memref_slice %arg11[%add3A_384, %dma_wait3A_385] : memref<80x128xi32, #tpu.memory_space<vmem>> -> memref<1x128xi32, #tpu.memory_space<vmem>>
      %dma_wait3A_387 = tpu.memref_squeeze %dma_wait3A_386 : memref<1x128xi32, #tpu.memory_space<vmem>> -> memref<128xi32, #tpu.memory_space<vmem>>
      %dma_wait3A_388 = arith.constant 0 : i32
      %dma_wait3A_389 = arith.constant 0 : i32
      %dma_wait3A_390 = tpu.memref_slice %arg20[%dma_wait3A_388, %dma_wait3A_389] : memref<10112x64xf32, #tpu.memory_space<vmem_shared>> -> memref<10112x64xf32, #tpu.memory_space<vmem_shared>>
      tpu.wait_indirect_dma semaphore(%arg33 : memref<!tpu.dma_semaphore, #tpu.memory_space<semaphore_mem>>) src(%arg13 : memref<128x64xf32, #tpu.memory_space<vmem>>) dst(%dma_wait3A_390 : memref<10112x64xf32, #tpu.memory_space<vmem_shared>>)
      %add3A_391 = arith.constant 1 : i32
      %add3A_392 = arith.addi %mul3A_155, %add3A_391 : i32
      %dma_wait3A_393 = arith.constant 0 : i32
      %dma_wait3A_394 = tpu.memref_slice %arg11[%add3A_392, %dma_wait3A_393] : memref<80x128xi32, #tpu.memory_space<vmem>> -> memref<1x128xi32, #tpu.memory_space<vmem>>
      %dma_wait3A_395 = tpu.memref_squeeze %dma_wait3A_394 : memref<1x128xi32, #tpu.memory_space<vmem>> -> memref<128xi32, #tpu.memory_space<vmem>>
      %dma_wait3A_396 = arith.constant 0 : i32
      %dma_wait3A_397 = tpu.memref_slice %arg21[%dma_wait3A_396] : memref<10112xf32, #tpu.memory_space<vmem_shared>> -> memref<10112xf32, #tpu.memory_space<vmem_shared>>
      tpu.wait_indirect_dma semaphore(%arg41 : memref<!tpu.dma_semaphore, #tpu.memory_space<semaphore_mem>>) src(%arg22 : memref<128xf32, #tpu.memory_space<vmem>>) dst(%dma_wait3A_397 : memref<10112xf32, #tpu.memory_space<vmem_shared>>)
      %add3A_398 = arith.constant 8 : i32
      %add3A_399 = arith.addi %mul3A_155, %add3A_398 : i32
      %add3A_400 = arith.constant 1 : i32
      %add3A_401 = arith.addi %add3A_399, %add3A_400 : i32
      %min3A_402 = arith.constant 79 : i32
      %min3A_403 = arith.minsi %add3A_401, %min3A_402 : i32
      %dma_start3A_404 = arith.constant 0 : i32
      %dma_start3A_405 = tpu.memref_slice %arg10[%min3A_403, %dma_start3A_404] : memref<80x128xi32, #tpu.memory_space<vmem>> -> memref<1x128xi32, #tpu.memory_space<vmem>>
      %dma_start3A_406 = tpu.memref_squeeze %dma_start3A_405 : memref<1x128xi32, #tpu.memory_space<vmem>> -> memref<128xi32, #tpu.memory_space<vmem>>
      %dma_start3A_407 = arith.constant 0 : i32
      %dma_start3A_408 = arith.constant 0 : i32
      %dma_start3A_409 = tpu.memref_slice %arg4[%dma_start3A_407, %dma_start3A_408] : memref<10112x64xf32, #tpu.memory_space<hbm>> -> memref<10112x64xf32, #tpu.memory_space<hbm>>
      tpu.enqueue_indirect_dma source(%dma_start3A_409 : memref<10112x64xf32, #tpu.memory_space<hbm>>) target(%arg13 : memref<128x64xf32, #tpu.memory_space<vmem>>) offsets(%dma_start3A_406 : memref<128xi32, #tpu.memory_space<vmem>>) semaphore(%arg25 : memref<!tpu.dma_semaphore, #tpu.memory_space<semaphore_mem>>)
      %add3A_410 = arith.constant 2 : i32
      %add3A_411 = arith.addi %mul3A_155, %add3A_410 : i32
      %dma_wait3A_412 = arith.constant 0 : i32
      %dma_wait3A_413 = tpu.memref_slice %arg11[%add3A_411, %dma_wait3A_412] : memref<80x128xi32, #tpu.memory_space<vmem>> -> memref<1x128xi32, #tpu.memory_space<vmem>>
      %dma_wait3A_414 = tpu.memref_squeeze %dma_wait3A_413 : memref<1x128xi32, #tpu.memory_space<vmem>> -> memref<128xi32, #tpu.memory_space<vmem>>
      %dma_wait3A_415 = arith.constant 0 : i32
      %dma_wait3A_416 = arith.constant 0 : i32
      %dma_wait3A_417 = tpu.memref_slice %arg20[%dma_wait3A_415, %dma_wait3A_416] : memref<10112x64xf32, #tpu.memory_space<vmem_shared>> -> memref<10112x64xf32, #tpu.memory_space<vmem_shared>>
      tpu.wait_indirect_dma semaphore(%arg34 : memref<!tpu.dma_semaphore, #tpu.memory_space<semaphore_mem>>) src(%arg14 : memref<128x64xf32, #tpu.memory_space<vmem>>) dst(%dma_wait3A_417 : memref<10112x64xf32, #tpu.memory_space<vmem_shared>>)
      %add3A_418 = arith.constant 2 : i32
      %add3A_419 = arith.addi %mul3A_155, %add3A_418 : i32
      %dma_wait3A_420 = arith.constant 0 : i32
      %dma_wait3A_421 = tpu.memref_slice %arg11[%add3A_419, %dma_wait3A_420] : memref<80x128xi32, #tpu.memory_space<vmem>> -> memref<1x128xi32, #tpu.memory_space<vmem>>
      %dma_wait3A_422 = tpu.memref_squeeze %dma_wait3A_421 : memref<1x128xi32, #tpu.memory_space<vmem>> -> memref<128xi32, #tpu.memory_space<vmem>>
      %dma_wait3A_423 = arith.constant 0 : i32
      %dma_wait3A_424 = tpu.memref_slice %arg21[%dma_wait3A_423] : memref<10112xf32, #tpu.memory_space<vmem_shared>> -> memref<10112xf32, #tpu.memory_space<vmem_shared>>
      tpu.wait_indirect_dma semaphore(%arg42 : memref<!tpu.dma_semaphore, #tpu.memory_space<semaphore_mem>>) src(%arg22 : memref<128xf32, #tpu.memory_space<vmem>>) dst(%dma_wait3A_424 : memref<10112xf32, #tpu.memory_space<vmem_shared>>)
      %add3A_425 = arith.constant 8 : i32
      %add3A_426 = arith.addi %mul3A_155, %add3A_425 : i32
      %add3A_427 = arith.constant 2 : i32
      %add3A_428 = arith.addi %add3A_426, %add3A_427 : i32
      %min3A_429 = arith.constant 79 : i32
      %min3A_430 = arith.minsi %add3A_428, %min3A_429 : i32
      %dma_start3A_431 = arith.constant 0 : i32
      %dma_start3A_432 = tpu.memref_slice %arg10[%min3A_430, %dma_start3A_431] : memref<80x128xi32, #tpu.memory_space<vmem>> -> memref<1x128xi32, #tpu.memory_space<vmem>>
      %dma_start3A_433 = tpu.memref_squeeze %dma_start3A_432 : memref<1x128xi32, #tpu.memory_space<vmem>> -> memref<128xi32, #tpu.memory_space<vmem>>
      %dma_start3A_434 = arith.constant 0 : i32
      %dma_start3A_435 = arith.constant 0 : i32
      %dma_start3A_436 = tpu.memref_slice %arg4[%dma_start3A_434, %dma_start3A_435] : memref<10112x64xf32, #tpu.memory_space<hbm>> -> memref<10112x64xf32, #tpu.memory_space<hbm>>
      tpu.enqueue_indirect_dma source(%dma_start3A_436 : memref<10112x64xf32, #tpu.memory_space<hbm>>) target(%arg14 : memref<128x64xf32, #tpu.memory_space<vmem>>) offsets(%dma_start3A_433 : memref<128xi32, #tpu.memory_space<vmem>>) semaphore(%arg26 : memref<!tpu.dma_semaphore, #tpu.memory_space<semaphore_mem>>)
      %add3A_437 = arith.constant 3 : i32
      %add3A_438 = arith.addi %mul3A_155, %add3A_437 : i32
      %dma_wait3A_439 = arith.constant 0 : i32
      %dma_wait3A_440 = tpu.memref_slice %arg11[%add3A_438, %dma_wait3A_439] : memref<80x128xi32, #tpu.memory_space<vmem>> -> memref<1x128xi32, #tpu.memory_space<vmem>>
      %dma_wait3A_441 = tpu.memref_squeeze %dma_wait3A_440 : memref<1x128xi32, #tpu.memory_space<vmem>> -> memref<128xi32, #tpu.memory_space<vmem>>
      %dma_wait3A_442 = arith.constant 0 : i32
      %dma_wait3A_443 = arith.constant 0 : i32
      %dma_wait3A_444 = tpu.memref_slice %arg20[%dma_wait3A_442, %dma_wait3A_443] : memref<10112x64xf32, #tpu.memory_space<vmem_shared>> -> memref<10112x64xf32, #tpu.memory_space<vmem_shared>>
      tpu.wait_indirect_dma semaphore(%arg35 : memref<!tpu.dma_semaphore, #tpu.memory_space<semaphore_mem>>) src(%arg15 : memref<128x64xf32, #tpu.memory_space<vmem>>) dst(%dma_wait3A_444 : memref<10112x64xf32, #tpu.memory_space<vmem_shared>>)
      %add3A_445 = arith.constant 3 : i32
      %add3A_446 = arith.addi %mul3A_155, %add3A_445 : i32
      %dma_wait3A_447 = arith.constant 0 : i32
      %dma_wait3A_448 = tpu.memref_slice %arg11[%add3A_446, %dma_wait3A_447] : memref<80x128xi32, #tpu.memory_space<vmem>> -> memref<1x128xi32, #tpu.memory_space<vmem>>
      %dma_wait3A_449 = tpu.memref_squeeze %dma_wait3A_448 : memref<1x128xi32, #tpu.memory_space<vmem>> -> memref<128xi32, #tpu.memory_space<vmem>>
      %dma_wait3A_450 = arith.constant 0 : i32
      %dma_wait3A_451 = tpu.memref_slice %arg21[%dma_wait3A_450] : memref<10112xf32, #tpu.memory_space<vmem_shared>> -> memref<10112xf32, #tpu.memory_space<vmem_shared>>
      tpu.wait_indirect_dma semaphore(%arg43 : memref<!tpu.dma_semaphore, #tpu.memory_space<semaphore_mem>>) src(%arg22 : memref<128xf32, #tpu.memory_space<vmem>>) dst(%dma_wait3A_451 : memref<10112xf32, #tpu.memory_space<vmem_shared>>)
      %add3A_452 = arith.constant 8 : i32
      %add3A_453 = arith.addi %mul3A_155, %add3A_452 : i32
      %add3A_454 = arith.constant 3 : i32
      %add3A_455 = arith.addi %add3A_453, %add3A_454 : i32
      %min3A_456 = arith.constant 79 : i32
      %min3A_457 = arith.minsi %add3A_455, %min3A_456 : i32
      %dma_start3A_458 = arith.constant 0 : i32
      %dma_start3A_459 = tpu.memref_slice %arg10[%min3A_457, %dma_start3A_458] : memref<80x128xi32, #tpu.memory_space<vmem>> -> memref<1x128xi32, #tpu.memory_space<vmem>>
      %dma_start3A_460 = tpu.memref_squeeze %dma_start3A_459 : memref<1x128xi32, #tpu.memory_space<vmem>> -> memref<128xi32, #tpu.memory_space<vmem>>
      %dma_start3A_461 = arith.constant 0 : i32
      %dma_start3A_462 = arith.constant 0 : i32
      %dma_start3A_463 = tpu.memref_slice %arg4[%dma_start3A_461, %dma_start3A_462] : memref<10112x64xf32, #tpu.memory_space<hbm>> -> memref<10112x64xf32, #tpu.memory_space<hbm>>
      tpu.enqueue_indirect_dma source(%dma_start3A_463 : memref<10112x64xf32, #tpu.memory_space<hbm>>) target(%arg15 : memref<128x64xf32, #tpu.memory_space<vmem>>) offsets(%dma_start3A_460 : memref<128xi32, #tpu.memory_space<vmem>>) semaphore(%arg27 : memref<!tpu.dma_semaphore, #tpu.memory_space<semaphore_mem>>)
      %add3A_464 = arith.constant 4 : i32
      %add3A_465 = arith.addi %mul3A_155, %add3A_464 : i32
      %dma_wait3A_466 = arith.constant 0 : i32
      %dma_wait3A_467 = tpu.memref_slice %arg11[%add3A_465, %dma_wait3A_466] : memref<80x128xi32, #tpu.memory_space<vmem>> -> memref<1x128xi32, #tpu.memory_space<vmem>>
      %dma_wait3A_468 = tpu.memref_squeeze %dma_wait3A_467 : memref<1x128xi32, #tpu.memory_space<vmem>> -> memref<128xi32, #tpu.memory_space<vmem>>
      %dma_wait3A_469 = arith.constant 0 : i32
      %dma_wait3A_470 = arith.constant 0 : i32
      %dma_wait3A_471 = tpu.memref_slice %arg20[%dma_wait3A_469, %dma_wait3A_470] : memref<10112x64xf32, #tpu.memory_space<vmem_shared>> -> memref<10112x64xf32, #tpu.memory_space<vmem_shared>>
      tpu.wait_indirect_dma semaphore(%arg36 : memref<!tpu.dma_semaphore, #tpu.memory_space<semaphore_mem>>) src(%arg16 : memref<128x64xf32, #tpu.memory_space<vmem>>) dst(%dma_wait3A_471 : memref<10112x64xf32, #tpu.memory_space<vmem_shared>>)
      %add3A_472 = arith.constant 4 : i32
      %add3A_473 = arith.addi %mul3A_155, %add3A_472 : i32
      %dma_wait3A_474 = arith.constant 0 : i32
      %dma_wait3A_475 = tpu.memref_slice %arg11[%add3A_473, %dma_wait3A_474] : memref<80x128xi32, #tpu.memory_space<vmem>> -> memref<1x128xi32, #tpu.memory_space<vmem>>
      %dma_wait3A_476 = tpu.memref_squeeze %dma_wait3A_475 : memref<1x128xi32, #tpu.memory_space<vmem>> -> memref<128xi32, #tpu.memory_space<vmem>>
      %dma_wait3A_477 = arith.constant 0 : i32
      %dma_wait3A_478 = tpu.memref_slice %arg21[%dma_wait3A_477] : memref<10112xf32, #tpu.memory_space<vmem_shared>> -> memref<10112xf32, #tpu.memory_space<vmem_shared>>
      tpu.wait_indirect_dma semaphore(%arg44 : memref<!tpu.dma_semaphore, #tpu.memory_space<semaphore_mem>>) src(%arg22 : memref<128xf32, #tpu.memory_space<vmem>>) dst(%dma_wait3A_478 : memref<10112xf32, #tpu.memory_space<vmem_shared>>)
      %add3A_479 = arith.constant 8 : i32
      %add3A_480 = arith.addi %mul3A_155, %add3A_479 : i32
      %add3A_481 = arith.constant 4 : i32
      %add3A_482 = arith.addi %add3A_480, %add3A_481 : i32
      %min3A_483 = arith.constant 79 : i32
      %min3A_484 = arith.minsi %add3A_482, %min3A_483 : i32
      %dma_start3A_485 = arith.constant 0 : i32
      %dma_start3A_486 = tpu.memref_slice %arg10[%min3A_484, %dma_start3A_485] : memref<80x128xi32, #tpu.memory_space<vmem>> -> memref<1x128xi32, #tpu.memory_space<vmem>>
      %dma_start3A_487 = tpu.memref_squeeze %dma_start3A_486 : memref<1x128xi32, #tpu.memory_space<vmem>> -> memref<128xi32, #tpu.memory_space<vmem>>
      %dma_start3A_488 = arith.constant 0 : i32
      %dma_start3A_489 = arith.constant 0 : i32
      %dma_start3A_490 = tpu.memref_slice %arg4[%dma_start3A_488, %dma_start3A_489] : memref<10112x64xf32, #tpu.memory_space<hbm>> -> memref<10112x64xf32, #tpu.memory_space<hbm>>
      tpu.enqueue_indirect_dma source(%dma_start3A_490 : memref<10112x64xf32, #tpu.memory_space<hbm>>) target(%arg16 : memref<128x64xf32, #tpu.memory_space<vmem>>) offsets(%dma_start3A_487 : memref<128xi32, #tpu.memory_space<vmem>>) semaphore(%arg28 : memref<!tpu.dma_semaphore, #tpu.memory_space<semaphore_mem>>)
      %add3A_491 = arith.constant 5 : i32
      %add3A_492 = arith.addi %mul3A_155, %add3A_491 : i32
      %dma_wait3A_493 = arith.constant 0 : i32
      %dma_wait3A_494 = tpu.memref_slice %arg11[%add3A_492, %dma_wait3A_493] : memref<80x128xi32, #tpu.memory_space<vmem>> -> memref<1x128xi32, #tpu.memory_space<vmem>>
      %dma_wait3A_495 = tpu.memref_squeeze %dma_wait3A_494 : memref<1x128xi32, #tpu.memory_space<vmem>> -> memref<128xi32, #tpu.memory_space<vmem>>
      %dma_wait3A_496 = arith.constant 0 : i32
      %dma_wait3A_497 = arith.constant 0 : i32
      %dma_wait3A_498 = tpu.memref_slice %arg20[%dma_wait3A_496, %dma_wait3A_497] : memref<10112x64xf32, #tpu.memory_space<vmem_shared>> -> memref<10112x64xf32, #tpu.memory_space<vmem_shared>>
      tpu.wait_indirect_dma semaphore(%arg37 : memref<!tpu.dma_semaphore, #tpu.memory_space<semaphore_mem>>) src(%arg17 : memref<128x64xf32, #tpu.memory_space<vmem>>) dst(%dma_wait3A_498 : memref<10112x64xf32, #tpu.memory_space<vmem_shared>>)
      %add3A_499 = arith.constant 5 : i32
      %add3A_500 = arith.addi %mul3A_155, %add3A_499 : i32
      %dma_wait3A_501 = arith.constant 0 : i32
      %dma_wait3A_502 = tpu.memref_slice %arg11[%add3A_500, %dma_wait3A_501] : memref<80x128xi32, #tpu.memory_space<vmem>> -> memref<1x128xi32, #tpu.memory_space<vmem>>
      %dma_wait3A_503 = tpu.memref_squeeze %dma_wait3A_502 : memref<1x128xi32, #tpu.memory_space<vmem>> -> memref<128xi32, #tpu.memory_space<vmem>>
      %dma_wait3A_504 = arith.constant 0 : i32
      %dma_wait3A_505 = tpu.memref_slice %arg21[%dma_wait3A_504] : memref<10112xf32, #tpu.memory_space<vmem_shared>> -> memref<10112xf32, #tpu.memory_space<vmem_shared>>
      tpu.wait_indirect_dma semaphore(%arg45 : memref<!tpu.dma_semaphore, #tpu.memory_space<semaphore_mem>>) src(%arg22 : memref<128xf32, #tpu.memory_space<vmem>>) dst(%dma_wait3A_505 : memref<10112xf32, #tpu.memory_space<vmem_shared>>)
      %add3A_506 = arith.constant 8 : i32
      %add3A_507 = arith.addi %mul3A_155, %add3A_506 : i32
      %add3A_508 = arith.constant 5 : i32
      %add3A_509 = arith.addi %add3A_507, %add3A_508 : i32
      %min3A_510 = arith.constant 79 : i32
      %min3A_511 = arith.minsi %add3A_509, %min3A_510 : i32
      %dma_start3A_512 = arith.constant 0 : i32
      %dma_start3A_513 = tpu.memref_slice %arg10[%min3A_511, %dma_start3A_512] : memref<80x128xi32, #tpu.memory_space<vmem>> -> memref<1x128xi32, #tpu.memory_space<vmem>>
      %dma_start3A_514 = tpu.memref_squeeze %dma_start3A_513 : memref<1x128xi32, #tpu.memory_space<vmem>> -> memref<128xi32, #tpu.memory_space<vmem>>
      %dma_start3A_515 = arith.constant 0 : i32
      %dma_start3A_516 = arith.constant 0 : i32
      %dma_start3A_517 = tpu.memref_slice %arg4[%dma_start3A_515, %dma_start3A_516] : memref<10112x64xf32, #tpu.memory_space<hbm>> -> memref<10112x64xf32, #tpu.memory_space<hbm>>
      tpu.enqueue_indirect_dma source(%dma_start3A_517 : memref<10112x64xf32, #tpu.memory_space<hbm>>) target(%arg17 : memref<128x64xf32, #tpu.memory_space<vmem>>) offsets(%dma_start3A_514 : memref<128xi32, #tpu.memory_space<vmem>>) semaphore(%arg29 : memref<!tpu.dma_semaphore, #tpu.memory_space<semaphore_mem>>)
      %add3A_518 = arith.constant 6 : i32
      %add3A_519 = arith.addi %mul3A_155, %add3A_518 : i32
      %dma_wait3A_520 = arith.constant 0 : i32
      %dma_wait3A_521 = tpu.memref_slice %arg11[%add3A_519, %dma_wait3A_520] : memref<80x128xi32, #tpu.memory_space<vmem>> -> memref<1x128xi32, #tpu.memory_space<vmem>>
      %dma_wait3A_522 = tpu.memref_squeeze %dma_wait3A_521 : memref<1x128xi32, #tpu.memory_space<vmem>> -> memref<128xi32, #tpu.memory_space<vmem>>
      %dma_wait3A_523 = arith.constant 0 : i32
      %dma_wait3A_524 = arith.constant 0 : i32
      %dma_wait3A_525 = tpu.memref_slice %arg20[%dma_wait3A_523, %dma_wait3A_524] : memref<10112x64xf32, #tpu.memory_space<vmem_shared>> -> memref<10112x64xf32, #tpu.memory_space<vmem_shared>>
      tpu.wait_indirect_dma semaphore(%arg38 : memref<!tpu.dma_semaphore, #tpu.memory_space<semaphore_mem>>) src(%arg18 : memref<128x64xf32, #tpu.memory_space<vmem>>) dst(%dma_wait3A_525 : memref<10112x64xf32, #tpu.memory_space<vmem_shared>>)
      %add3A_526 = arith.constant 6 : i32
      %add3A_527 = arith.addi %mul3A_155, %add3A_526 : i32
      %dma_wait3A_528 = arith.constant 0 : i32
      %dma_wait3A_529 = tpu.memref_slice %arg11[%add3A_527, %dma_wait3A_528] : memref<80x128xi32, #tpu.memory_space<vmem>> -> memref<1x128xi32, #tpu.memory_space<vmem>>
      %dma_wait3A_530 = tpu.memref_squeeze %dma_wait3A_529 : memref<1x128xi32, #tpu.memory_space<vmem>> -> memref<128xi32, #tpu.memory_space<vmem>>
      %dma_wait3A_531 = arith.constant 0 : i32
      %dma_wait3A_532 = tpu.memref_slice %arg21[%dma_wait3A_531] : memref<10112xf32, #tpu.memory_space<vmem_shared>> -> memref<10112xf32, #tpu.memory_space<vmem_shared>>
      tpu.wait_indirect_dma semaphore(%arg46 : memref<!tpu.dma_semaphore, #tpu.memory_space<semaphore_mem>>) src(%arg22 : memref<128xf32, #tpu.memory_space<vmem>>) dst(%dma_wait3A_532 : memref<10112xf32, #tpu.memory_space<vmem_shared>>)
      %add3A_533 = arith.constant 8 : i32
      %add3A_534 = arith.addi %mul3A_155, %add3A_533 : i32
      %add3A_535 = arith.constant 6 : i32
      %add3A_536 = arith.addi %add3A_534, %add3A_535 : i32
      %min3A_537 = arith.constant 79 : i32
      %min3A_538 = arith.minsi %add3A_536, %min3A_537 : i32
      %dma_start3A_539 = arith.constant 0 : i32
      %dma_start3A_540 = tpu.memref_slice %arg10[%min3A_538, %dma_start3A_539] : memref<80x128xi32, #tpu.memory_space<vmem>> -> memref<1x128xi32, #tpu.memory_space<vmem>>
      %dma_start3A_541 = tpu.memref_squeeze %dma_start3A_540 : memref<1x128xi32, #tpu.memory_space<vmem>> -> memref<128xi32, #tpu.memory_space<vmem>>
      %dma_start3A_542 = arith.constant 0 : i32
      %dma_start3A_543 = arith.constant 0 : i32
      %dma_start3A_544 = tpu.memref_slice %arg4[%dma_start3A_542, %dma_start3A_543] : memref<10112x64xf32, #tpu.memory_space<hbm>> -> memref<10112x64xf32, #tpu.memory_space<hbm>>
      tpu.enqueue_indirect_dma source(%dma_start3A_544 : memref<10112x64xf32, #tpu.memory_space<hbm>>) target(%arg18 : memref<128x64xf32, #tpu.memory_space<vmem>>) offsets(%dma_start3A_541 : memref<128xi32, #tpu.memory_space<vmem>>) semaphore(%arg30 : memref<!tpu.dma_semaphore, #tpu.memory_space<semaphore_mem>>)
      %add3A_545 = arith.constant 7 : i32
      %add3A_546 = arith.addi %mul3A_155, %add3A_545 : i32
      %dma_wait3A_547 = arith.constant 0 : i32
      %dma_wait3A_548 = tpu.memref_slice %arg11[%add3A_546, %dma_wait3A_547] : memref<80x128xi32, #tpu.memory_space<vmem>> -> memref<1x128xi32, #tpu.memory_space<vmem>>
      %dma_wait3A_549 = tpu.memref_squeeze %dma_wait3A_548 : memref<1x128xi32, #tpu.memory_space<vmem>> -> memref<128xi32, #tpu.memory_space<vmem>>
      %dma_wait3A_550 = arith.constant 0 : i32
      %dma_wait3A_551 = arith.constant 0 : i32
      %dma_wait3A_552 = tpu.memref_slice %arg20[%dma_wait3A_550, %dma_wait3A_551] : memref<10112x64xf32, #tpu.memory_space<vmem_shared>> -> memref<10112x64xf32, #tpu.memory_space<vmem_shared>>
      tpu.wait_indirect_dma semaphore(%arg39 : memref<!tpu.dma_semaphore, #tpu.memory_space<semaphore_mem>>) src(%arg19 : memref<128x64xf32, #tpu.memory_space<vmem>>) dst(%dma_wait3A_552 : memref<10112x64xf32, #tpu.memory_space<vmem_shared>>)
      %add3A_553 = arith.constant 7 : i32
      %add3A_554 = arith.addi %mul3A_155, %add3A_553 : i32
      %dma_wait3A_555 = arith.constant 0 : i32
      %dma_wait3A_556 = tpu.memref_slice %arg11[%add3A_554, %dma_wait3A_555] : memref<80x128xi32, #tpu.memory_space<vmem>> -> memref<1x128xi32, #tpu.memory_space<vmem>>
      %dma_wait3A_557 = tpu.memref_squeeze %dma_wait3A_556 : memref<1x128xi32, #tpu.memory_space<vmem>> -> memref<128xi32, #tpu.memory_space<vmem>>
      %dma_wait3A_558 = arith.constant 0 : i32
      %dma_wait3A_559 = tpu.memref_slice %arg21[%dma_wait3A_558] : memref<10112xf32, #tpu.memory_space<vmem_shared>> -> memref<10112xf32, #tpu.memory_space<vmem_shared>>
      tpu.wait_indirect_dma semaphore(%arg47 : memref<!tpu.dma_semaphore, #tpu.memory_space<semaphore_mem>>) src(%arg22 : memref<128xf32, #tpu.memory_space<vmem>>) dst(%dma_wait3A_559 : memref<10112xf32, #tpu.memory_space<vmem_shared>>)
      %add3A_560 = arith.constant 8 : i32
      %add3A_561 = arith.addi %mul3A_155, %add3A_560 : i32
      %add3A_562 = arith.constant 7 : i32
      %add3A_563 = arith.addi %add3A_561, %add3A_562 : i32
      %min3A_564 = arith.constant 79 : i32
      %min3A_565 = arith.minsi %add3A_563, %min3A_564 : i32
      %dma_start3A_566 = arith.constant 0 : i32
      %dma_start3A_567 = tpu.memref_slice %arg10[%min3A_565, %dma_start3A_566] : memref<80x128xi32, #tpu.memory_space<vmem>> -> memref<1x128xi32, #tpu.memory_space<vmem>>
      %dma_start3A_568 = tpu.memref_squeeze %dma_start3A_567 : memref<1x128xi32, #tpu.memory_space<vmem>> -> memref<128xi32, #tpu.memory_space<vmem>>
      %dma_start3A_569 = arith.constant 0 : i32
      %dma_start3A_570 = arith.constant 0 : i32
      %dma_start3A_571 = tpu.memref_slice %arg4[%dma_start3A_569, %dma_start3A_570] : memref<10112x64xf32, #tpu.memory_space<hbm>> -> memref<10112x64xf32, #tpu.memory_space<hbm>>
      tpu.enqueue_indirect_dma source(%dma_start3A_571 : memref<10112x64xf32, #tpu.memory_space<hbm>>) target(%arg19 : memref<128x64xf32, #tpu.memory_space<vmem>>) offsets(%dma_start3A_568 : memref<128xi32, #tpu.memory_space<vmem>>) semaphore(%arg31 : memref<!tpu.dma_semaphore, #tpu.memory_space<semaphore_mem>>)
    }
    %scan3A_77 = arith.constant 10 : i32
    %min3A_78 = arith.constant 80 : i32
    %min3A_79 = arith.constant 79 : i32
    %min3A_80 = arith.minsi %min3A_78, %min3A_79 : i32
    %dma_wait3A = arith.constant 0 : i32
    %dma_wait3A_81 = tpu.memref_slice %arg10[%min3A_80, %dma_wait3A] : memref<80x128xi32, #tpu.memory_space<vmem>> -> memref<1x128xi32, #tpu.memory_space<vmem>>
    %dma_wait3A_82 = tpu.memref_squeeze %dma_wait3A_81 : memref<1x128xi32, #tpu.memory_space<vmem>> -> memref<128xi32, #tpu.memory_space<vmem>>
    %dma_wait3A_83 = arith.constant 0 : i32
    %dma_wait3A_84 = arith.constant 0 : i32
    %dma_wait3A_85 = tpu.memref_slice %arg4[%dma_wait3A_83, %dma_wait3A_84] : memref<10112x64xf32, #tpu.memory_space<hbm>> -> memref<10112x64xf32, #tpu.memory_space<hbm>>
    tpu.wait_indirect_dma semaphore(%arg24 : memref<!tpu.dma_semaphore, #tpu.memory_space<semaphore_mem>>) src(%dma_wait3A_85 : memref<10112x64xf32, #tpu.memory_space<hbm>>) dst(%arg12 : memref<128x64xf32, #tpu.memory_space<vmem>>)
    %min3A_86 = arith.constant 81 : i32
    %min3A_87 = arith.constant 79 : i32
    %min3A_88 = arith.minsi %min3A_86, %min3A_87 : i32
    %dma_wait3A_89 = arith.constant 0 : i32
    %dma_wait3A_90 = tpu.memref_slice %arg10[%min3A_88, %dma_wait3A_89] : memref<80x128xi32, #tpu.memory_space<vmem>> -> memref<1x128xi32, #tpu.memory_space<vmem>>
    %dma_wait3A_91 = tpu.memref_squeeze %dma_wait3A_90 : memref<1x128xi32, #tpu.memory_space<vmem>> -> memref<128xi32, #tpu.memory_space<vmem>>
    %dma_wait3A_92 = arith.constant 0 : i32
    %dma_wait3A_93 = arith.constant 0 : i32
    %dma_wait3A_94 = tpu.memref_slice %arg4[%dma_wait3A_92, %dma_wait3A_93] : memref<10112x64xf32, #tpu.memory_space<hbm>> -> memref<10112x64xf32, #tpu.memory_space<hbm>>
    tpu.wait_indirect_dma semaphore(%arg25 : memref<!tpu.dma_semaphore, #tpu.memory_space<semaphore_mem>>) src(%dma_wait3A_94 : memref<10112x64xf32, #tpu.memory_space<hbm>>) dst(%arg13 : memref<128x64xf32, #tpu.memory_space<vmem>>)
    %min3A_95 = arith.constant 82 : i32
    %min3A_96 = arith.constant 79 : i32
    %min3A_97 = arith.minsi %min3A_95, %min3A_96 : i32
    %dma_wait3A_98 = arith.constant 0 : i32
    %dma_wait3A_99 = tpu.memref_slice %arg10[%min3A_97, %dma_wait3A_98] : memref<80x128xi32, #tpu.memory_space<vmem>> -> memref<1x128xi32, #tpu.memory_space<vmem>>
    %dma_wait3A_100 = tpu.memref_squeeze %dma_wait3A_99 : memref<1x128xi32, #tpu.memory_space<vmem>> -> memref<128xi32, #tpu.memory_space<vmem>>
    %dma_wait3A_101 = arith.constant 0 : i32
    %dma_wait3A_102 = arith.constant 0 : i32
    %dma_wait3A_103 = tpu.memref_slice %arg4[%dma_wait3A_101, %dma_wait3A_102] : memref<10112x64xf32, #tpu.memory_space<hbm>> -> memref<10112x64xf32, #tpu.memory_space<hbm>>
    tpu.wait_indirect_dma semaphore(%arg26 : memref<!tpu.dma_semaphore, #tpu.memory_space<semaphore_mem>>) src(%dma_wait3A_103 : memref<10112x64xf32, #tpu.memory_space<hbm>>) dst(%arg14 : memref<128x64xf32, #tpu.memory_space<vmem>>)
    %min3A_104 = arith.constant 83 : i32
    %min3A_105 = arith.constant 79 : i32
    %min3A_106 = arith.minsi %min3A_104, %min3A_105 : i32
    %dma_wait3A_107 = arith.constant 0 : i32
    %dma_wait3A_108 = tpu.memref_slice %arg10[%min3A_106, %dma_wait3A_107] : memref<80x128xi32, #tpu.memory_space<vmem>> -> memref<1x128xi32, #tpu.memory_space<vmem>>
    %dma_wait3A_109 = tpu.memref_squeeze %dma_wait3A_108 : memref<1x128xi32, #tpu.memory_space<vmem>> -> memref<128xi32, #tpu.memory_space<vmem>>
    %dma_wait3A_110 = arith.constant 0 : i32
    %dma_wait3A_111 = arith.constant 0 : i32
    %dma_wait3A_112 = tpu.memref_slice %arg4[%dma_wait3A_110, %dma_wait3A_111] : memref<10112x64xf32, #tpu.memory_space<hbm>> -> memref<10112x64xf32, #tpu.memory_space<hbm>>
    tpu.wait_indirect_dma semaphore(%arg27 : memref<!tpu.dma_semaphore, #tpu.memory_space<semaphore_mem>>) src(%dma_wait3A_112 : memref<10112x64xf32, #tpu.memory_space<hbm>>) dst(%arg15 : memref<128x64xf32, #tpu.memory_space<vmem>>)
    %min3A_113 = arith.constant 84 : i32
    %min3A_114 = arith.constant 79 : i32
    %min3A_115 = arith.minsi %min3A_113, %min3A_114 : i32
    %dma_wait3A_116 = arith.constant 0 : i32
    %dma_wait3A_117 = tpu.memref_slice %arg10[%min3A_115, %dma_wait3A_116] : memref<80x128xi32, #tpu.memory_space<vmem>> -> memref<1x128xi32, #tpu.memory_space<vmem>>
    %dma_wait3A_118 = tpu.memref_squeeze %dma_wait3A_117 : memref<1x128xi32, #tpu.memory_space<vmem>> -> memref<128xi32, #tpu.memory_space<vmem>>
    %dma_wait3A_119 = arith.constant 0 : i32
    %dma_wait3A_120 = arith.constant 0 : i32
    %dma_wait3A_121 = tpu.memref_slice %arg4[%dma_wait3A_119, %dma_wait3A_120] : memref<10112x64xf32, #tpu.memory_space<hbm>> -> memref<10112x64xf32, #tpu.memory_space<hbm>>
    tpu.wait_indirect_dma semaphore(%arg28 : memref<!tpu.dma_semaphore, #tpu.memory_space<semaphore_mem>>) src(%dma_wait3A_121 : memref<10112x64xf32, #tpu.memory_space<hbm>>) dst(%arg16 : memref<128x64xf32, #tpu.memory_space<vmem>>)
    %min3A_122 = arith.constant 85 : i32
    %min3A_123 = arith.constant 79 : i32
    %min3A_124 = arith.minsi %min3A_122, %min3A_123 : i32
    %dma_wait3A_125 = arith.constant 0 : i32
    %dma_wait3A_126 = tpu.memref_slice %arg10[%min3A_124, %dma_wait3A_125] : memref<80x128xi32, #tpu.memory_space<vmem>> -> memref<1x128xi32, #tpu.memory_space<vmem>>
    %dma_wait3A_127 = tpu.memref_squeeze %dma_wait3A_126 : memref<1x128xi32, #tpu.memory_space<vmem>> -> memref<128xi32, #tpu.memory_space<vmem>>
    %dma_wait3A_128 = arith.constant 0 : i32
    %dma_wait3A_129 = arith.constant 0 : i32
    %dma_wait3A_130 = tpu.memref_slice %arg4[%dma_wait3A_128, %dma_wait3A_129] : memref<10112x64xf32, #tpu.memory_space<hbm>> -> memref<10112x64xf32, #tpu.memory_space<hbm>>
    tpu.wait_indirect_dma semaphore(%arg29 : memref<!tpu.dma_semaphore, #tpu.memory_space<semaphore_mem>>) src(%dma_wait3A_130 : memref<10112x64xf32, #tpu.memory_space<hbm>>) dst(%arg17 : memref<128x64xf32, #tpu.memory_space<vmem>>)
    %min3A_131 = arith.constant 86 : i32
    %min3A_132 = arith.constant 79 : i32
    %min3A_133 = arith.minsi %min3A_131, %min3A_132 : i32
    %dma_wait3A_134 = arith.constant 0 : i32
    %dma_wait3A_135 = tpu.memref_slice %arg10[%min3A_133, %dma_wait3A_134] : memref<80x128xi32, #tpu.memory_space<vmem>> -> memref<1x128xi32, #tpu.memory_space<vmem>>
    %dma_wait3A_136 = tpu.memref_squeeze %dma_wait3A_135 : memref<1x128xi32, #tpu.memory_space<vmem>> -> memref<128xi32, #tpu.memory_space<vmem>>
    %dma_wait3A_137 = arith.constant 0 : i32
    %dma_wait3A_138 = arith.constant 0 : i32
    %dma_wait3A_139 = tpu.memref_slice %arg4[%dma_wait3A_137, %dma_wait3A_138] : memref<10112x64xf32, #tpu.memory_space<hbm>> -> memref<10112x64xf32, #tpu.memory_space<hbm>>
    tpu.wait_indirect_dma semaphore(%arg30 : memref<!tpu.dma_semaphore, #tpu.memory_space<semaphore_mem>>) src(%dma_wait3A_139 : memref<10112x64xf32, #tpu.memory_space<hbm>>) dst(%arg18 : memref<128x64xf32, #tpu.memory_space<vmem>>)
    %min3A_140 = arith.constant 87 : i32
    %min3A_141 = arith.constant 79 : i32
    %min3A_142 = arith.minsi %min3A_140, %min3A_141 : i32
    %dma_wait3A_143 = arith.constant 0 : i32
    %dma_wait3A_144 = tpu.memref_slice %arg10[%min3A_142, %dma_wait3A_143] : memref<80x128xi32, #tpu.memory_space<vmem>> -> memref<1x128xi32, #tpu.memory_space<vmem>>
    %dma_wait3A_145 = tpu.memref_squeeze %dma_wait3A_144 : memref<1x128xi32, #tpu.memory_space<vmem>> -> memref<128xi32, #tpu.memory_space<vmem>>
    %dma_wait3A_146 = arith.constant 0 : i32
    %dma_wait3A_147 = arith.constant 0 : i32
    %dma_wait3A_148 = tpu.memref_slice %arg4[%dma_wait3A_146, %dma_wait3A_147] : memref<10112x64xf32, #tpu.memory_space<hbm>> -> memref<10112x64xf32, #tpu.memory_space<hbm>>
    tpu.wait_indirect_dma semaphore(%arg31 : memref<!tpu.dma_semaphore, #tpu.memory_space<semaphore_mem>>) src(%dma_wait3A_148 : memref<10112x64xf32, #tpu.memory_space<hbm>>) dst(%arg19 : memref<128x64xf32, #tpu.memory_space<vmem>>)
    %barrier3A_149 = arith.constant 0 : index
    tpu.barrier barrier_id(%barrier3A_149)
    "tpu.region"() ({
      %run_scoped3A = tpu.sem_alloc : memref<!tpu.dma_semaphore, #tpu.memory_space<semaphore_mem>>
      %dma_start3A_153 = arith.constant 0 : i32
      %dma_start3A_154 = tpu.memref_slice %arg8[%arg0, %mul3A_2, %dma_start3A_153] : memref<2x10112x64xf32, #tpu.memory_space<hbm>> -> memref<1x632x64xf32, #tpu.memory_space<hbm>>
      %dma_start3A_155 = tpu.memref_squeeze %dma_start3A_154 : memref<1x632x64xf32, #tpu.memory_space<hbm>> -> memref<632x64xf32, #tpu.memory_space<hbm>>
      %dma_start3A_156 = arith.constant 0 : i32
      %dma_start3A_157 = tpu.memref_slice %arg20[%mul3A_2, %dma_start3A_156] : memref<10112x64xf32, #tpu.memory_space<vmem_shared>> -> memref<632x64xf32, #tpu.memory_space<vmem_shared>>
      tpu.enqueue_dma source(%dma_start3A_157 : memref<632x64xf32, #tpu.memory_space<vmem_shared>>) target(%dma_start3A_155 : memref<632x64xf32, #tpu.memory_space<hbm>>) target_semaphore(%run_scoped3A : memref<!tpu.dma_semaphore, #tpu.memory_space<semaphore_mem>>)
      %dma_wait3A_158 = arith.constant 0 : i32
      %dma_wait3A_159 = tpu.memref_slice %arg8[%arg0, %mul3A_2, %dma_wait3A_158] : memref<2x10112x64xf32, #tpu.memory_space<hbm>> -> memref<1x632x64xf32, #tpu.memory_space<hbm>>
      %dma_wait3A_160 = tpu.memref_squeeze %dma_wait3A_159 : memref<1x632x64xf32, #tpu.memory_space<hbm>> -> memref<632x64xf32, #tpu.memory_space<hbm>>
      %dma_wait3A_161 = arith.constant 0 : i32
      %dma_wait3A_162 = tpu.memref_slice %arg20[%mul3A_2, %dma_wait3A_161] : memref<10112x64xf32, #tpu.memory_space<vmem_shared>> -> memref<632x64xf32, #tpu.memory_space<vmem_shared>>
      tpu.wait_dma2 semaphore(%run_scoped3A : memref<!tpu.dma_semaphore, #tpu.memory_space<semaphore_mem>>) src(%dma_wait3A_162 : memref<632x64xf32, #tpu.memory_space<vmem_shared>>) dst(%dma_wait3A_160 : memref<632x64xf32, #tpu.memory_space<hbm>>)
      tpu.yield
    }) : () -> ()
    "tpu.region"() ({
      %run_scoped3A = tpu.sem_alloc : memref<!tpu.dma_semaphore, #tpu.memory_space<semaphore_mem>>
      %dma_start3A_153 = tpu.memref_slice %arg21[%mul3A_2] : memref<10112xf32, #tpu.memory_space<vmem_shared>> -> memref<632xf32, #tpu.memory_space<vmem_shared>>
      %dma_start3A_154 = tpu.memref_slice %arg21[%mul3A_2] : memref<10112xf32, #tpu.memory_space<vmem_shared>> -> memref<632xf32, #tpu.memory_space<vmem_shared>>
      tpu.enqueue_dma source(%dma_start3A_154 : memref<632xf32, #tpu.memory_space<vmem_shared>>) target(%arg23 : memref<632xf32, #tpu.memory_space<vmem>>) target_semaphore(%run_scoped3A : memref<!tpu.dma_semaphore, #tpu.memory_space<semaphore_mem>>)
      %dma_wait3A_155 = tpu.memref_slice %arg21[%mul3A_2] : memref<10112xf32, #tpu.memory_space<vmem_shared>> -> memref<632xf32, #tpu.memory_space<vmem_shared>>
      %dma_wait3A_156 = tpu.memref_slice %arg21[%mul3A_2] : memref<10112xf32, #tpu.memory_space<vmem_shared>> -> memref<632xf32, #tpu.memory_space<vmem_shared>>
      tpu.wait_dma2 semaphore(%run_scoped3A : memref<!tpu.dma_semaphore, #tpu.memory_space<semaphore_mem>>) src(%dma_wait3A_156 : memref<632xf32, #tpu.memory_space<vmem_shared>>) dst(%arg23 : memref<632xf32, #tpu.memory_space<vmem>>)
      tpu.yield
    }) : () -> ()
    %mul3A_150 = arith.constant 10112 : i32
    %mul3A_151 = arith.muli %arg0, %mul3A_150 : i32
    %add3A_152 = arith.addi %mul3A_151, %mul3A_2 : i32
    "tpu.region"() ({
      %run_scoped3A = tpu.sem_alloc : memref<!tpu.dma_semaphore, #tpu.memory_space<semaphore_mem>>
      %dma_start3A_153 = tpu.memref_slice %arg9[%add3A_152] : memref<20224xf32, #tpu.memory_space<hbm>> -> memref<632xf32, #tpu.memory_space<hbm>>
      %dma_start3A_154 = tpu.memref_slice %arg9[%add3A_152] : memref<20224xf32, #tpu.memory_space<hbm>> -> memref<632xf32, #tpu.memory_space<hbm>>
      tpu.enqueue_dma source(%arg23 : memref<632xf32, #tpu.memory_space<vmem>>) target(%dma_start3A_154 : memref<632xf32, #tpu.memory_space<hbm>>) target_semaphore(%run_scoped3A : memref<!tpu.dma_semaphore, #tpu.memory_space<semaphore_mem>>)
      %dma_wait3A_155 = tpu.memref_slice %arg9[%add3A_152] : memref<20224xf32, #tpu.memory_space<hbm>> -> memref<632xf32, #tpu.memory_space<hbm>>
      %dma_wait3A_156 = tpu.memref_slice %arg9[%add3A_152] : memref<20224xf32, #tpu.memory_space<hbm>> -> memref<632xf32, #tpu.memory_space<hbm>>
      tpu.wait_dma2 semaphore(%run_scoped3A : memref<!tpu.dma_semaphore, #tpu.memory_space<semaphore_mem>>) src(%arg23 : memref<632xf32, #tpu.memory_space<vmem>>) dst(%dma_wait3A_156 : memref<632xf32, #tpu.memory_space<hbm>>)
      tpu.yield
    }) : () -> ()
    return
  }
}

#map = affine_map<(d0, d1) -> (0, 0, 0)>
#map1 = affine_map<(d0, d1) -> (0, 0)>
module attributes {stable_mosaic.version = 14 : i64} {
  func.func @body(%arg0: i32, %arg1: i32, %arg2: memref<32x80x128xi32, #tpu.memory_space<hbm>>, %arg3: memref<32x80x128xi32, #tpu.memory_space<hbm>>, %arg4: memref<10112x64xf32, #tpu.memory_space<hbm>>, %arg5: memref<632x64xf32, #tpu.memory_space<hbm>>, %arg6: memref<2x10112x64xf32, #tpu.memory_space<hbm>>, %arg7: memref<80x128xi32, #tpu.memory_space<vmem>>, %arg8: memref<80x128xi32, #tpu.memory_space<vmem>>, %arg9: memref<128x64xf32, #tpu.memory_space<vmem>>, %arg10: memref<128x64xf32, #tpu.memory_space<vmem>>, %arg11: memref<128x64xf32, #tpu.memory_space<vmem>>, %arg12: memref<128x64xf32, #tpu.memory_space<vmem>>, %arg13: memref<128x64xf32, #tpu.memory_space<vmem>>, %arg14: memref<128x64xf32, #tpu.memory_space<vmem>>, %arg15: memref<128x64xf32, #tpu.memory_space<vmem>>, %arg16: memref<128x64xf32, #tpu.memory_space<vmem>>, %arg17: memref<10112x64xf32, #tpu.memory_space<vmem_shared>>, %arg18: memref<10112xf32, #tpu.memory_space<vmem_shared>>, %arg19: memref<128xf32, #tpu.memory_space<vmem>>, %arg20: memref<632xf32, #tpu.memory_space<vmem>>, %arg21: memref<!tpu.dma_semaphore, #tpu.memory_space<semaphore_mem>>, %arg22: memref<!tpu.dma_semaphore, #tpu.memory_space<semaphore_mem>>, %arg23: memref<!tpu.dma_semaphore, #tpu.memory_space<semaphore_mem>>, %arg24: memref<!tpu.dma_semaphore, #tpu.memory_space<semaphore_mem>>, %arg25: memref<!tpu.dma_semaphore, #tpu.memory_space<semaphore_mem>>, %arg26: memref<!tpu.dma_semaphore, #tpu.memory_space<semaphore_mem>>, %arg27: memref<!tpu.dma_semaphore, #tpu.memory_space<semaphore_mem>>, %arg28: memref<!tpu.dma_semaphore, #tpu.memory_space<semaphore_mem>>, %arg29: memref<!tpu.dma_semaphore, #tpu.memory_space<semaphore_mem>>, %arg30: memref<!tpu.dma_semaphore, #tpu.memory_space<semaphore_mem>>, %arg31: memref<!tpu.dma_semaphore, #tpu.memory_space<semaphore_mem>>, %arg32: memref<!tpu.dma_semaphore, #tpu.memory_space<semaphore_mem>>, %arg33: memref<!tpu.dma_semaphore, #tpu.memory_space<semaphore_mem>>, %arg34: memref<!tpu.dma_semaphore, #tpu.memory_space<semaphore_mem>>, %arg35: memref<!tpu.dma_semaphore, #tpu.memory_space<semaphore_mem>>, %arg36: memref<!tpu.dma_semaphore, #tpu.memory_space<semaphore_mem>>, %arg37: memref<!tpu.dma_semaphore, #tpu.memory_space<semaphore_mem>>, %arg38: memref<!tpu.dma_semaphore, #tpu.memory_space<semaphore_mem>>, %arg39: memref<!tpu.dma_semaphore, #tpu.memory_space<semaphore_mem>>, %arg40: memref<!tpu.dma_semaphore, #tpu.memory_space<semaphore_mem>>, %arg41: memref<!tpu.dma_semaphore, #tpu.memory_space<semaphore_mem>>, %arg42: memref<!tpu.dma_semaphore, #tpu.memory_space<semaphore_mem>>, %arg43: memref<!tpu.dma_semaphore, #tpu.memory_space<semaphore_mem>>, %arg44: memref<!tpu.dma_semaphore, #tpu.memory_space<semaphore_mem>>) attributes {dimension_semantics = [#tpu.dimension_semantics<core_parallel>, #tpu.dimension_semantics<subcore_parallel>], iteration_bounds = array<i64: 2, 16>, scalar_prefetch = 0 : i64, scratch_operands = 38 : i64, tpu.core_type = #tpu.core_type<sc_vector_subcore>, window_params = [{transform_indices = #map}, {transform_indices = #map}, {transform_indices = #map1}, {transform_indices = #map1}, {transform_indices = #map}]} {
    %mul3A = arith.constant 16 : i32
    %mul3A_0 = arith.muli %arg0, %mul3A : i32
    %add3A = arith.addi %mul3A_0, %arg1 : i32
    %mul3A_1 = arith.constant 632 : i32
    %mul3A_2 = arith.muli %arg1, %mul3A_1 : i32
    "tpu.region"() ({
      %run_scoped3A = tpu.sem_alloc : memref<!tpu.dma_semaphore, #tpu.memory_space<semaphore_mem>>
      %dma_start3A_150 = arith.constant 0 : i32
      %dma_start3A_151 = arith.constant 0 : i32
      %dma_start3A_152 = tpu.memref_slice %arg2[%add3A, %dma_start3A_150, %dma_start3A_151] : memref<32x80x128xi32, #tpu.memory_space<hbm>> -> memref<1x80x128xi32, #tpu.memory_space<hbm>>
      %dma_start3A_153 = tpu.memref_squeeze %dma_start3A_152 : memref<1x80x128xi32, #tpu.memory_space<hbm>> -> memref<80x128xi32, #tpu.memory_space<hbm>>
      %dma_start3A_154 = arith.constant 0 : i32
      %dma_start3A_155 = arith.constant 0 : i32
      %dma_start3A_156 = tpu.memref_slice %arg2[%add3A, %dma_start3A_154, %dma_start3A_155] : memref<32x80x128xi32, #tpu.memory_space<hbm>> -> memref<1x80x128xi32, #tpu.memory_space<hbm>>
      %dma_start3A_157 = tpu.memref_squeeze %dma_start3A_156 : memref<1x80x128xi32, #tpu.memory_space<hbm>> -> memref<80x128xi32, #tpu.memory_space<hbm>>
      tpu.enqueue_dma source(%dma_start3A_157 : memref<80x128xi32, #tpu.memory_space<hbm>>) target(%arg7 : memref<80x128xi32, #tpu.memory_space<vmem>>) target_semaphore(%run_scoped3A : memref<!tpu.dma_semaphore, #tpu.memory_space<semaphore_mem>>)
      %dma_wait3A_158 = arith.constant 0 : i32
      %dma_wait3A_159 = arith.constant 0 : i32
      %dma_wait3A_160 = tpu.memref_slice %arg2[%add3A, %dma_wait3A_158, %dma_wait3A_159] : memref<32x80x128xi32, #tpu.memory_space<hbm>> -> memref<1x80x128xi32, #tpu.memory_space<hbm>>
      %dma_wait3A_161 = tpu.memref_squeeze %dma_wait3A_160 : memref<1x80x128xi32, #tpu.memory_space<hbm>> -> memref<80x128xi32, #tpu.memory_space<hbm>>
      %dma_wait3A_162 = arith.constant 0 : i32
      %dma_wait3A_163 = arith.constant 0 : i32
      %dma_wait3A_164 = tpu.memref_slice %arg2[%add3A, %dma_wait3A_162, %dma_wait3A_163] : memref<32x80x128xi32, #tpu.memory_space<hbm>> -> memref<1x80x128xi32, #tpu.memory_space<hbm>>
      %dma_wait3A_165 = tpu.memref_squeeze %dma_wait3A_164 : memref<1x80x128xi32, #tpu.memory_space<hbm>> -> memref<80x128xi32, #tpu.memory_space<hbm>>
      tpu.wait_dma2 semaphore(%run_scoped3A : memref<!tpu.dma_semaphore, #tpu.memory_space<semaphore_mem>>) src(%dma_wait3A_165 : memref<80x128xi32, #tpu.memory_space<hbm>>) dst(%arg7 : memref<80x128xi32, #tpu.memory_space<vmem>>)
      tpu.yield
    }) : () -> ()
    %min3A = arith.constant 0 : i32
    %min3A_3 = arith.constant 79 : i32
    %min3A_4 = arith.minsi %min3A, %min3A_3 : i32
    %dma_start3A = arith.constant 0 : i32
    %dma_start3A_5 = tpu.memref_slice %arg7[%min3A_4, %dma_start3A] : memref<80x128xi32, #tpu.memory_space<vmem>> -> memref<1x128xi32, #tpu.memory_space<vmem>>
    %dma_start3A_6 = tpu.memref_squeeze %dma_start3A_5 : memref<1x128xi32, #tpu.memory_space<vmem>> -> memref<128xi32, #tpu.memory_space<vmem>>
    %dma_start3A_7 = arith.constant 0 : i32
    %dma_start3A_8 = arith.constant 0 : i32
    %dma_start3A_9 = tpu.memref_slice %arg4[%dma_start3A_7, %dma_start3A_8] : memref<10112x64xf32, #tpu.memory_space<hbm>> -> memref<10112x64xf32, #tpu.memory_space<hbm>>
    tpu.enqueue_indirect_dma source(%dma_start3A_9 : memref<10112x64xf32, #tpu.memory_space<hbm>>) target(%arg9 : memref<128x64xf32, #tpu.memory_space<vmem>>) offsets(%dma_start3A_6 : memref<128xi32, #tpu.memory_space<vmem>>) semaphore(%arg21 : memref<!tpu.dma_semaphore, #tpu.memory_space<semaphore_mem>>)
    %min3A_10 = arith.constant 1 : i32
    %min3A_11 = arith.constant 79 : i32
    %min3A_12 = arith.minsi %min3A_10, %min3A_11 : i32
    %dma_start3A_13 = arith.constant 0 : i32
    %dma_start3A_14 = tpu.memref_slice %arg7[%min3A_12, %dma_start3A_13] : memref<80x128xi32, #tpu.memory_space<vmem>> -> memref<1x128xi32, #tpu.memory_space<vmem>>
    %dma_start3A_15 = tpu.memref_squeeze %dma_start3A_14 : memref<1x128xi32, #tpu.memory_space<vmem>> -> memref<128xi32, #tpu.memory_space<vmem>>
    %dma_start3A_16 = arith.constant 0 : i32
    %dma_start3A_17 = arith.constant 0 : i32
    %dma_start3A_18 = tpu.memref_slice %arg4[%dma_start3A_16, %dma_start3A_17] : memref<10112x64xf32, #tpu.memory_space<hbm>> -> memref<10112x64xf32, #tpu.memory_space<hbm>>
    tpu.enqueue_indirect_dma source(%dma_start3A_18 : memref<10112x64xf32, #tpu.memory_space<hbm>>) target(%arg10 : memref<128x64xf32, #tpu.memory_space<vmem>>) offsets(%dma_start3A_15 : memref<128xi32, #tpu.memory_space<vmem>>) semaphore(%arg22 : memref<!tpu.dma_semaphore, #tpu.memory_space<semaphore_mem>>)
    %min3A_19 = arith.constant 2 : i32
    %min3A_20 = arith.constant 79 : i32
    %min3A_21 = arith.minsi %min3A_19, %min3A_20 : i32
    %dma_start3A_22 = arith.constant 0 : i32
    %dma_start3A_23 = tpu.memref_slice %arg7[%min3A_21, %dma_start3A_22] : memref<80x128xi32, #tpu.memory_space<vmem>> -> memref<1x128xi32, #tpu.memory_space<vmem>>
    %dma_start3A_24 = tpu.memref_squeeze %dma_start3A_23 : memref<1x128xi32, #tpu.memory_space<vmem>> -> memref<128xi32, #tpu.memory_space<vmem>>
    %dma_start3A_25 = arith.constant 0 : i32
    %dma_start3A_26 = arith.constant 0 : i32
    %dma_start3A_27 = tpu.memref_slice %arg4[%dma_start3A_25, %dma_start3A_26] : memref<10112x64xf32, #tpu.memory_space<hbm>> -> memref<10112x64xf32, #tpu.memory_space<hbm>>
    tpu.enqueue_indirect_dma source(%dma_start3A_27 : memref<10112x64xf32, #tpu.memory_space<hbm>>) target(%arg11 : memref<128x64xf32, #tpu.memory_space<vmem>>) offsets(%dma_start3A_24 : memref<128xi32, #tpu.memory_space<vmem>>) semaphore(%arg23 : memref<!tpu.dma_semaphore, #tpu.memory_space<semaphore_mem>>)
    %min3A_28 = arith.constant 3 : i32
    %min3A_29 = arith.constant 79 : i32
    %min3A_30 = arith.minsi %min3A_28, %min3A_29 : i32
    %dma_start3A_31 = arith.constant 0 : i32
    %dma_start3A_32 = tpu.memref_slice %arg7[%min3A_30, %dma_start3A_31] : memref<80x128xi32, #tpu.memory_space<vmem>> -> memref<1x128xi32, #tpu.memory_space<vmem>>
    %dma_start3A_33 = tpu.memref_squeeze %dma_start3A_32 : memref<1x128xi32, #tpu.memory_space<vmem>> -> memref<128xi32, #tpu.memory_space<vmem>>
    %dma_start3A_34 = arith.constant 0 : i32
    %dma_start3A_35 = arith.constant 0 : i32
    %dma_start3A_36 = tpu.memref_slice %arg4[%dma_start3A_34, %dma_start3A_35] : memref<10112x64xf32, #tpu.memory_space<hbm>> -> memref<10112x64xf32, #tpu.memory_space<hbm>>
    tpu.enqueue_indirect_dma source(%dma_start3A_36 : memref<10112x64xf32, #tpu.memory_space<hbm>>) target(%arg12 : memref<128x64xf32, #tpu.memory_space<vmem>>) offsets(%dma_start3A_33 : memref<128xi32, #tpu.memory_space<vmem>>) semaphore(%arg24 : memref<!tpu.dma_semaphore, #tpu.memory_space<semaphore_mem>>)
    %min3A_37 = arith.constant 4 : i32
    %min3A_38 = arith.constant 79 : i32
    %min3A_39 = arith.minsi %min3A_37, %min3A_38 : i32
    %dma_start3A_40 = arith.constant 0 : i32
    %dma_start3A_41 = tpu.memref_slice %arg7[%min3A_39, %dma_start3A_40] : memref<80x128xi32, #tpu.memory_space<vmem>> -> memref<1x128xi32, #tpu.memory_space<vmem>>
    %dma_start3A_42 = tpu.memref_squeeze %dma_start3A_41 : memref<1x128xi32, #tpu.memory_space<vmem>> -> memref<128xi32, #tpu.memory_space<vmem>>
    %dma_start3A_43 = arith.constant 0 : i32
    %dma_start3A_44 = arith.constant 0 : i32
    %dma_start3A_45 = tpu.memref_slice %arg4[%dma_start3A_43, %dma_start3A_44] : memref<10112x64xf32, #tpu.memory_space<hbm>> -> memref<10112x64xf32, #tpu.memory_space<hbm>>
    tpu.enqueue_indirect_dma source(%dma_start3A_45 : memref<10112x64xf32, #tpu.memory_space<hbm>>) target(%arg13 : memref<128x64xf32, #tpu.memory_space<vmem>>) offsets(%dma_start3A_42 : memref<128xi32, #tpu.memory_space<vmem>>) semaphore(%arg25 : memref<!tpu.dma_semaphore, #tpu.memory_space<semaphore_mem>>)
    %min3A_46 = arith.constant 5 : i32
    %min3A_47 = arith.constant 79 : i32
    %min3A_48 = arith.minsi %min3A_46, %min3A_47 : i32
    %dma_start3A_49 = arith.constant 0 : i32
    %dma_start3A_50 = tpu.memref_slice %arg7[%min3A_48, %dma_start3A_49] : memref<80x128xi32, #tpu.memory_space<vmem>> -> memref<1x128xi32, #tpu.memory_space<vmem>>
    %dma_start3A_51 = tpu.memref_squeeze %dma_start3A_50 : memref<1x128xi32, #tpu.memory_space<vmem>> -> memref<128xi32, #tpu.memory_space<vmem>>
    %dma_start3A_52 = arith.constant 0 : i32
    %dma_start3A_53 = arith.constant 0 : i32
    %dma_start3A_54 = tpu.memref_slice %arg4[%dma_start3A_52, %dma_start3A_53] : memref<10112x64xf32, #tpu.memory_space<hbm>> -> memref<10112x64xf32, #tpu.memory_space<hbm>>
    tpu.enqueue_indirect_dma source(%dma_start3A_54 : memref<10112x64xf32, #tpu.memory_space<hbm>>) target(%arg14 : memref<128x64xf32, #tpu.memory_space<vmem>>) offsets(%dma_start3A_51 : memref<128xi32, #tpu.memory_space<vmem>>) semaphore(%arg26 : memref<!tpu.dma_semaphore, #tpu.memory_space<semaphore_mem>>)
    %min3A_55 = arith.constant 6 : i32
    %min3A_56 = arith.constant 79 : i32
    %min3A_57 = arith.minsi %min3A_55, %min3A_56 : i32
    %dma_start3A_58 = arith.constant 0 : i32
    %dma_start3A_59 = tpu.memref_slice %arg7[%min3A_57, %dma_start3A_58] : memref<80x128xi32, #tpu.memory_space<vmem>> -> memref<1x128xi32, #tpu.memory_space<vmem>>
    %dma_start3A_60 = tpu.memref_squeeze %dma_start3A_59 : memref<1x128xi32, #tpu.memory_space<vmem>> -> memref<128xi32, #tpu.memory_space<vmem>>
    %dma_start3A_61 = arith.constant 0 : i32
    %dma_start3A_62 = arith.constant 0 : i32
    %dma_start3A_63 = tpu.memref_slice %arg4[%dma_start3A_61, %dma_start3A_62] : memref<10112x64xf32, #tpu.memory_space<hbm>> -> memref<10112x64xf32, #tpu.memory_space<hbm>>
    tpu.enqueue_indirect_dma source(%dma_start3A_63 : memref<10112x64xf32, #tpu.memory_space<hbm>>) target(%arg15 : memref<128x64xf32, #tpu.memory_space<vmem>>) offsets(%dma_start3A_60 : memref<128xi32, #tpu.memory_space<vmem>>) semaphore(%arg27 : memref<!tpu.dma_semaphore, #tpu.memory_space<semaphore_mem>>)
    %min3A_64 = arith.constant 7 : i32
    %min3A_65 = arith.constant 79 : i32
    %min3A_66 = arith.minsi %min3A_64, %min3A_65 : i32
    %dma_start3A_67 = arith.constant 0 : i32
    %dma_start3A_68 = tpu.memref_slice %arg7[%min3A_66, %dma_start3A_67] : memref<80x128xi32, #tpu.memory_space<vmem>> -> memref<1x128xi32, #tpu.memory_space<vmem>>
    %dma_start3A_69 = tpu.memref_squeeze %dma_start3A_68 : memref<1x128xi32, #tpu.memory_space<vmem>> -> memref<128xi32, #tpu.memory_space<vmem>>
    %dma_start3A_70 = arith.constant 0 : i32
    %dma_start3A_71 = arith.constant 0 : i32
    %dma_start3A_72 = tpu.memref_slice %arg4[%dma_start3A_70, %dma_start3A_71] : memref<10112x64xf32, #tpu.memory_space<hbm>> -> memref<10112x64xf32, #tpu.memory_space<hbm>>
    tpu.enqueue_indirect_dma source(%dma_start3A_72 : memref<10112x64xf32, #tpu.memory_space<hbm>>) target(%arg16 : memref<128x64xf32, #tpu.memory_space<vmem>>) offsets(%dma_start3A_69 : memref<128xi32, #tpu.memory_space<vmem>>) semaphore(%arg28 : memref<!tpu.dma_semaphore, #tpu.memory_space<semaphore_mem>>)
    "tpu.region"() ({
      %run_scoped3A = tpu.sem_alloc : memref<!tpu.dma_semaphore, #tpu.memory_space<semaphore_mem>>
      %dma_start3A_150 = arith.constant 0 : i32
      %dma_start3A_151 = arith.constant 0 : i32
      %dma_start3A_152 = tpu.memref_slice %arg3[%add3A, %dma_start3A_150, %dma_start3A_151] : memref<32x80x128xi32, #tpu.memory_space<hbm>> -> memref<1x80x128xi32, #tpu.memory_space<hbm>>
      %dma_start3A_153 = tpu.memref_squeeze %dma_start3A_152 : memref<1x80x128xi32, #tpu.memory_space<hbm>> -> memref<80x128xi32, #tpu.memory_space<hbm>>
      %dma_start3A_154 = arith.constant 0 : i32
      %dma_start3A_155 = arith.constant 0 : i32
      %dma_start3A_156 = tpu.memref_slice %arg3[%add3A, %dma_start3A_154, %dma_start3A_155] : memref<32x80x128xi32, #tpu.memory_space<hbm>> -> memref<1x80x128xi32, #tpu.memory_space<hbm>>
      %dma_start3A_157 = tpu.memref_squeeze %dma_start3A_156 : memref<1x80x128xi32, #tpu.memory_space<hbm>> -> memref<80x128xi32, #tpu.memory_space<hbm>>
      tpu.enqueue_dma source(%dma_start3A_157 : memref<80x128xi32, #tpu.memory_space<hbm>>) target(%arg8 : memref<80x128xi32, #tpu.memory_space<vmem>>) target_semaphore(%run_scoped3A : memref<!tpu.dma_semaphore, #tpu.memory_space<semaphore_mem>>)
      %dma_wait3A_158 = arith.constant 0 : i32
      %dma_wait3A_159 = arith.constant 0 : i32
      %dma_wait3A_160 = tpu.memref_slice %arg3[%add3A, %dma_wait3A_158, %dma_wait3A_159] : memref<32x80x128xi32, #tpu.memory_space<hbm>> -> memref<1x80x128xi32, #tpu.memory_space<hbm>>
      %dma_wait3A_161 = tpu.memref_squeeze %dma_wait3A_160 : memref<1x80x128xi32, #tpu.memory_space<hbm>> -> memref<80x128xi32, #tpu.memory_space<hbm>>
      %dma_wait3A_162 = arith.constant 0 : i32
      %dma_wait3A_163 = arith.constant 0 : i32
      %dma_wait3A_164 = tpu.memref_slice %arg3[%add3A, %dma_wait3A_162, %dma_wait3A_163] : memref<32x80x128xi32, #tpu.memory_space<hbm>> -> memref<1x80x128xi32, #tpu.memory_space<hbm>>
      %dma_wait3A_165 = tpu.memref_squeeze %dma_wait3A_164 : memref<1x80x128xi32, #tpu.memory_space<hbm>> -> memref<80x128xi32, #tpu.memory_space<hbm>>
      tpu.wait_dma2 semaphore(%run_scoped3A : memref<!tpu.dma_semaphore, #tpu.memory_space<semaphore_mem>>) src(%dma_wait3A_165 : memref<80x128xi32, #tpu.memory_space<hbm>>) dst(%arg8 : memref<80x128xi32, #tpu.memory_space<vmem>>)
      tpu.yield
    }) : () -> ()
    "tpu.region"() ({
      %run_scoped3A = tpu.sem_alloc : memref<!tpu.dma_semaphore, #tpu.memory_space<semaphore_mem>>
      %dma_start3A_150 = arith.constant 0 : i32
      %dma_start3A_151 = tpu.memref_slice %arg17[%mul3A_2, %dma_start3A_150] : memref<10112x64xf32, #tpu.memory_space<vmem_shared>> -> memref<632x64xf32, #tpu.memory_space<vmem_shared>>
      tpu.enqueue_dma source(%arg5 : memref<632x64xf32, #tpu.memory_space<hbm>>) target(%dma_start3A_151 : memref<632x64xf32, #tpu.memory_space<vmem_shared>>) target_semaphore(%run_scoped3A : memref<!tpu.dma_semaphore, #tpu.memory_space<semaphore_mem>>)
      %dma_wait3A_152 = arith.constant 0 : i32
      %dma_wait3A_153 = tpu.memref_slice %arg17[%mul3A_2, %dma_wait3A_152] : memref<10112x64xf32, #tpu.memory_space<vmem_shared>> -> memref<632x64xf32, #tpu.memory_space<vmem_shared>>
      tpu.wait_dma2 semaphore(%run_scoped3A : memref<!tpu.dma_semaphore, #tpu.memory_space<semaphore_mem>>) src(%arg5 : memref<632x64xf32, #tpu.memory_space<hbm>>) dst(%dma_wait3A_153 : memref<632x64xf32, #tpu.memory_space<vmem_shared>>)
      tpu.yield
    }) : () -> ()
    %barrier3A = arith.constant 0 : index
    tpu.barrier barrier_id(%barrier3A)
    %scan3A = arith.constant 0 : i32
    %scan3A_73 = arith.constant 0 : i32
    %scan3A_74 = arith.constant 10 : i32
    %scan3A_75 = arith.addi %scan3A_73, %scan3A_74 : i32
    %scan3A_76 = arith.constant 1 : i32
    scf.for %scan3A_150 = %scan3A_73 to %scan3A_75 step %scan3A_76  : i32 {
      %mul3A_151 = arith.constant 8 : i32
      %mul3A_152 = arith.muli %scan3A_150, %mul3A_151 : i32
      %add3A_153 = arith.constant 0 : i32
      %add3A_154 = arith.addi %mul3A_152, %add3A_153 : i32
      %min3A_155 = arith.constant 79 : i32
      %min3A_156 = arith.minsi %add3A_154, %min3A_155 : i32
      %dma_wait3A_157 = arith.constant 0 : i32
      %dma_wait3A_158 = tpu.memref_slice %arg7[%min3A_156, %dma_wait3A_157] : memref<80x128xi32, #tpu.memory_space<vmem>> -> memref<1x128xi32, #tpu.memory_space<vmem>>
      %dma_wait3A_159 = tpu.memref_squeeze %dma_wait3A_158 : memref<1x128xi32, #tpu.memory_space<vmem>> -> memref<128xi32, #tpu.memory_space<vmem>>
      %dma_wait3A_160 = arith.constant 0 : i32
      %dma_wait3A_161 = arith.constant 0 : i32
      %dma_wait3A_162 = tpu.memref_slice %arg4[%dma_wait3A_160, %dma_wait3A_161] : memref<10112x64xf32, #tpu.memory_space<hbm>> -> memref<10112x64xf32, #tpu.memory_space<hbm>>
      tpu.wait_indirect_dma semaphore(%arg21 : memref<!tpu.dma_semaphore, #tpu.memory_space<semaphore_mem>>) src(%dma_wait3A_162 : memref<10112x64xf32, #tpu.memory_space<hbm>>) dst(%arg9 : memref<128x64xf32, #tpu.memory_space<vmem>>)
      %add3A_163 = arith.constant 0 : i32
      %add3A_164 = arith.addi %mul3A_152, %add3A_163 : i32
      %dma_start3A_165 = arith.constant 0 : i32
      %dma_start3A_166 = tpu.memref_slice %arg8[%add3A_164, %dma_start3A_165] : memref<80x128xi32, #tpu.memory_space<vmem>> -> memref<1x128xi32, #tpu.memory_space<vmem>>
      %dma_start3A_167 = tpu.memref_squeeze %dma_start3A_166 : memref<1x128xi32, #tpu.memory_space<vmem>> -> memref<128xi32, #tpu.memory_space<vmem>>
      %dma_start3A_168 = arith.constant 0 : i32
      %dma_start3A_169 = arith.constant 0 : i32
      %dma_start3A_170 = tpu.memref_slice %arg17[%dma_start3A_168, %dma_start3A_169] : memref<10112x64xf32, #tpu.memory_space<vmem_shared>> -> memref<10112x64xf32, #tpu.memory_space<vmem_shared>>
      tpu.enqueue_indirect_dma source(%arg9 : memref<128x64xf32, #tpu.memory_space<vmem>>) target(%dma_start3A_170 : memref<10112x64xf32, #tpu.memory_space<vmem_shared>>) offsets(%dma_start3A_167 : memref<128xi32, #tpu.memory_space<vmem>>) semaphore(%arg29 : memref<!tpu.dma_semaphore, #tpu.memory_space<semaphore_mem>>) {add = true}
      %add3A_171 = arith.constant 1 : i32
      %add3A_172 = arith.addi %mul3A_152, %add3A_171 : i32
      %min3A_173 = arith.constant 79 : i32
      %min3A_174 = arith.minsi %add3A_172, %min3A_173 : i32
      %dma_wait3A_175 = arith.constant 0 : i32
      %dma_wait3A_176 = tpu.memref_slice %arg7[%min3A_174, %dma_wait3A_175] : memref<80x128xi32, #tpu.memory_space<vmem>> -> memref<1x128xi32, #tpu.memory_space<vmem>>
      %dma_wait3A_177 = tpu.memref_squeeze %dma_wait3A_176 : memref<1x128xi32, #tpu.memory_space<vmem>> -> memref<128xi32, #tpu.memory_space<vmem>>
      %dma_wait3A_178 = arith.constant 0 : i32
      %dma_wait3A_179 = arith.constant 0 : i32
      %dma_wait3A_180 = tpu.memref_slice %arg4[%dma_wait3A_178, %dma_wait3A_179] : memref<10112x64xf32, #tpu.memory_space<hbm>> -> memref<10112x64xf32, #tpu.memory_space<hbm>>
      tpu.wait_indirect_dma semaphore(%arg22 : memref<!tpu.dma_semaphore, #tpu.memory_space<semaphore_mem>>) src(%dma_wait3A_180 : memref<10112x64xf32, #tpu.memory_space<hbm>>) dst(%arg10 : memref<128x64xf32, #tpu.memory_space<vmem>>)
      %add3A_181 = arith.constant 1 : i32
      %add3A_182 = arith.addi %mul3A_152, %add3A_181 : i32
      %dma_start3A_183 = arith.constant 0 : i32
      %dma_start3A_184 = tpu.memref_slice %arg8[%add3A_182, %dma_start3A_183] : memref<80x128xi32, #tpu.memory_space<vmem>> -> memref<1x128xi32, #tpu.memory_space<vmem>>
      %dma_start3A_185 = tpu.memref_squeeze %dma_start3A_184 : memref<1x128xi32, #tpu.memory_space<vmem>> -> memref<128xi32, #tpu.memory_space<vmem>>
      %dma_start3A_186 = arith.constant 0 : i32
      %dma_start3A_187 = arith.constant 0 : i32
      %dma_start3A_188 = tpu.memref_slice %arg17[%dma_start3A_186, %dma_start3A_187] : memref<10112x64xf32, #tpu.memory_space<vmem_shared>> -> memref<10112x64xf32, #tpu.memory_space<vmem_shared>>
      tpu.enqueue_indirect_dma source(%arg10 : memref<128x64xf32, #tpu.memory_space<vmem>>) target(%dma_start3A_188 : memref<10112x64xf32, #tpu.memory_space<vmem_shared>>) offsets(%dma_start3A_185 : memref<128xi32, #tpu.memory_space<vmem>>) semaphore(%arg30 : memref<!tpu.dma_semaphore, #tpu.memory_space<semaphore_mem>>) {add = true}
      %add3A_189 = arith.constant 2 : i32
      %add3A_190 = arith.addi %mul3A_152, %add3A_189 : i32
      %min3A_191 = arith.constant 79 : i32
      %min3A_192 = arith.minsi %add3A_190, %min3A_191 : i32
      %dma_wait3A_193 = arith.constant 0 : i32
      %dma_wait3A_194 = tpu.memref_slice %arg7[%min3A_192, %dma_wait3A_193] : memref<80x128xi32, #tpu.memory_space<vmem>> -> memref<1x128xi32, #tpu.memory_space<vmem>>
      %dma_wait3A_195 = tpu.memref_squeeze %dma_wait3A_194 : memref<1x128xi32, #tpu.memory_space<vmem>> -> memref<128xi32, #tpu.memory_space<vmem>>
      %dma_wait3A_196 = arith.constant 0 : i32
      %dma_wait3A_197 = arith.constant 0 : i32
      %dma_wait3A_198 = tpu.memref_slice %arg4[%dma_wait3A_196, %dma_wait3A_197] : memref<10112x64xf32, #tpu.memory_space<hbm>> -> memref<10112x64xf32, #tpu.memory_space<hbm>>
      tpu.wait_indirect_dma semaphore(%arg23 : memref<!tpu.dma_semaphore, #tpu.memory_space<semaphore_mem>>) src(%dma_wait3A_198 : memref<10112x64xf32, #tpu.memory_space<hbm>>) dst(%arg11 : memref<128x64xf32, #tpu.memory_space<vmem>>)
      %add3A_199 = arith.constant 2 : i32
      %add3A_200 = arith.addi %mul3A_152, %add3A_199 : i32
      %dma_start3A_201 = arith.constant 0 : i32
      %dma_start3A_202 = tpu.memref_slice %arg8[%add3A_200, %dma_start3A_201] : memref<80x128xi32, #tpu.memory_space<vmem>> -> memref<1x128xi32, #tpu.memory_space<vmem>>
      %dma_start3A_203 = tpu.memref_squeeze %dma_start3A_202 : memref<1x128xi32, #tpu.memory_space<vmem>> -> memref<128xi32, #tpu.memory_space<vmem>>
      %dma_start3A_204 = arith.constant 0 : i32
      %dma_start3A_205 = arith.constant 0 : i32
      %dma_start3A_206 = tpu.memref_slice %arg17[%dma_start3A_204, %dma_start3A_205] : memref<10112x64xf32, #tpu.memory_space<vmem_shared>> -> memref<10112x64xf32, #tpu.memory_space<vmem_shared>>
      tpu.enqueue_indirect_dma source(%arg11 : memref<128x64xf32, #tpu.memory_space<vmem>>) target(%dma_start3A_206 : memref<10112x64xf32, #tpu.memory_space<vmem_shared>>) offsets(%dma_start3A_203 : memref<128xi32, #tpu.memory_space<vmem>>) semaphore(%arg31 : memref<!tpu.dma_semaphore, #tpu.memory_space<semaphore_mem>>) {add = true}
      %add3A_207 = arith.constant 3 : i32
      %add3A_208 = arith.addi %mul3A_152, %add3A_207 : i32
      %min3A_209 = arith.constant 79 : i32
      %min3A_210 = arith.minsi %add3A_208, %min3A_209 : i32
      %dma_wait3A_211 = arith.constant 0 : i32
      %dma_wait3A_212 = tpu.memref_slice %arg7[%min3A_210, %dma_wait3A_211] : memref<80x128xi32, #tpu.memory_space<vmem>> -> memref<1x128xi32, #tpu.memory_space<vmem>>
      %dma_wait3A_213 = tpu.memref_squeeze %dma_wait3A_212 : memref<1x128xi32, #tpu.memory_space<vmem>> -> memref<128xi32, #tpu.memory_space<vmem>>
      %dma_wait3A_214 = arith.constant 0 : i32
      %dma_wait3A_215 = arith.constant 0 : i32
      %dma_wait3A_216 = tpu.memref_slice %arg4[%dma_wait3A_214, %dma_wait3A_215] : memref<10112x64xf32, #tpu.memory_space<hbm>> -> memref<10112x64xf32, #tpu.memory_space<hbm>>
      tpu.wait_indirect_dma semaphore(%arg24 : memref<!tpu.dma_semaphore, #tpu.memory_space<semaphore_mem>>) src(%dma_wait3A_216 : memref<10112x64xf32, #tpu.memory_space<hbm>>) dst(%arg12 : memref<128x64xf32, #tpu.memory_space<vmem>>)
      %add3A_217 = arith.constant 3 : i32
      %add3A_218 = arith.addi %mul3A_152, %add3A_217 : i32
      %dma_start3A_219 = arith.constant 0 : i32
      %dma_start3A_220 = tpu.memref_slice %arg8[%add3A_218, %dma_start3A_219] : memref<80x128xi32, #tpu.memory_space<vmem>> -> memref<1x128xi32, #tpu.memory_space<vmem>>
      %dma_start3A_221 = tpu.memref_squeeze %dma_start3A_220 : memref<1x128xi32, #tpu.memory_space<vmem>> -> memref<128xi32, #tpu.memory_space<vmem>>
      %dma_start3A_222 = arith.constant 0 : i32
      %dma_start3A_223 = arith.constant 0 : i32
      %dma_start3A_224 = tpu.memref_slice %arg17[%dma_start3A_222, %dma_start3A_223] : memref<10112x64xf32, #tpu.memory_space<vmem_shared>> -> memref<10112x64xf32, #tpu.memory_space<vmem_shared>>
      tpu.enqueue_indirect_dma source(%arg12 : memref<128x64xf32, #tpu.memory_space<vmem>>) target(%dma_start3A_224 : memref<10112x64xf32, #tpu.memory_space<vmem_shared>>) offsets(%dma_start3A_221 : memref<128xi32, #tpu.memory_space<vmem>>) semaphore(%arg32 : memref<!tpu.dma_semaphore, #tpu.memory_space<semaphore_mem>>) {add = true}
      %add3A_225 = arith.constant 4 : i32
      %add3A_226 = arith.addi %mul3A_152, %add3A_225 : i32
      %min3A_227 = arith.constant 79 : i32
      %min3A_228 = arith.minsi %add3A_226, %min3A_227 : i32
      %dma_wait3A_229 = arith.constant 0 : i32
      %dma_wait3A_230 = tpu.memref_slice %arg7[%min3A_228, %dma_wait3A_229] : memref<80x128xi32, #tpu.memory_space<vmem>> -> memref<1x128xi32, #tpu.memory_space<vmem>>
      %dma_wait3A_231 = tpu.memref_squeeze %dma_wait3A_230 : memref<1x128xi32, #tpu.memory_space<vmem>> -> memref<128xi32, #tpu.memory_space<vmem>>
      %dma_wait3A_232 = arith.constant 0 : i32
      %dma_wait3A_233 = arith.constant 0 : i32
      %dma_wait3A_234 = tpu.memref_slice %arg4[%dma_wait3A_232, %dma_wait3A_233] : memref<10112x64xf32, #tpu.memory_space<hbm>> -> memref<10112x64xf32, #tpu.memory_space<hbm>>
      tpu.wait_indirect_dma semaphore(%arg25 : memref<!tpu.dma_semaphore, #tpu.memory_space<semaphore_mem>>) src(%dma_wait3A_234 : memref<10112x64xf32, #tpu.memory_space<hbm>>) dst(%arg13 : memref<128x64xf32, #tpu.memory_space<vmem>>)
      %add3A_235 = arith.constant 4 : i32
      %add3A_236 = arith.addi %mul3A_152, %add3A_235 : i32
      %dma_start3A_237 = arith.constant 0 : i32
      %dma_start3A_238 = tpu.memref_slice %arg8[%add3A_236, %dma_start3A_237] : memref<80x128xi32, #tpu.memory_space<vmem>> -> memref<1x128xi32, #tpu.memory_space<vmem>>
      %dma_start3A_239 = tpu.memref_squeeze %dma_start3A_238 : memref<1x128xi32, #tpu.memory_space<vmem>> -> memref<128xi32, #tpu.memory_space<vmem>>
      %dma_start3A_240 = arith.constant 0 : i32
      %dma_start3A_241 = arith.constant 0 : i32
      %dma_start3A_242 = tpu.memref_slice %arg17[%dma_start3A_240, %dma_start3A_241] : memref<10112x64xf32, #tpu.memory_space<vmem_shared>> -> memref<10112x64xf32, #tpu.memory_space<vmem_shared>>
      tpu.enqueue_indirect_dma source(%arg13 : memref<128x64xf32, #tpu.memory_space<vmem>>) target(%dma_start3A_242 : memref<10112x64xf32, #tpu.memory_space<vmem_shared>>) offsets(%dma_start3A_239 : memref<128xi32, #tpu.memory_space<vmem>>) semaphore(%arg33 : memref<!tpu.dma_semaphore, #tpu.memory_space<semaphore_mem>>) {add = true}
      %add3A_243 = arith.constant 5 : i32
      %add3A_244 = arith.addi %mul3A_152, %add3A_243 : i32
      %min3A_245 = arith.constant 79 : i32
      %min3A_246 = arith.minsi %add3A_244, %min3A_245 : i32
      %dma_wait3A_247 = arith.constant 0 : i32
      %dma_wait3A_248 = tpu.memref_slice %arg7[%min3A_246, %dma_wait3A_247] : memref<80x128xi32, #tpu.memory_space<vmem>> -> memref<1x128xi32, #tpu.memory_space<vmem>>
      %dma_wait3A_249 = tpu.memref_squeeze %dma_wait3A_248 : memref<1x128xi32, #tpu.memory_space<vmem>> -> memref<128xi32, #tpu.memory_space<vmem>>
      %dma_wait3A_250 = arith.constant 0 : i32
      %dma_wait3A_251 = arith.constant 0 : i32
      %dma_wait3A_252 = tpu.memref_slice %arg4[%dma_wait3A_250, %dma_wait3A_251] : memref<10112x64xf32, #tpu.memory_space<hbm>> -> memref<10112x64xf32, #tpu.memory_space<hbm>>
      tpu.wait_indirect_dma semaphore(%arg26 : memref<!tpu.dma_semaphore, #tpu.memory_space<semaphore_mem>>) src(%dma_wait3A_252 : memref<10112x64xf32, #tpu.memory_space<hbm>>) dst(%arg14 : memref<128x64xf32, #tpu.memory_space<vmem>>)
      %add3A_253 = arith.constant 5 : i32
      %add3A_254 = arith.addi %mul3A_152, %add3A_253 : i32
      %dma_start3A_255 = arith.constant 0 : i32
      %dma_start3A_256 = tpu.memref_slice %arg8[%add3A_254, %dma_start3A_255] : memref<80x128xi32, #tpu.memory_space<vmem>> -> memref<1x128xi32, #tpu.memory_space<vmem>>
      %dma_start3A_257 = tpu.memref_squeeze %dma_start3A_256 : memref<1x128xi32, #tpu.memory_space<vmem>> -> memref<128xi32, #tpu.memory_space<vmem>>
      %dma_start3A_258 = arith.constant 0 : i32
      %dma_start3A_259 = arith.constant 0 : i32
      %dma_start3A_260 = tpu.memref_slice %arg17[%dma_start3A_258, %dma_start3A_259] : memref<10112x64xf32, #tpu.memory_space<vmem_shared>> -> memref<10112x64xf32, #tpu.memory_space<vmem_shared>>
      tpu.enqueue_indirect_dma source(%arg14 : memref<128x64xf32, #tpu.memory_space<vmem>>) target(%dma_start3A_260 : memref<10112x64xf32, #tpu.memory_space<vmem_shared>>) offsets(%dma_start3A_257 : memref<128xi32, #tpu.memory_space<vmem>>) semaphore(%arg34 : memref<!tpu.dma_semaphore, #tpu.memory_space<semaphore_mem>>) {add = true}
      %add3A_261 = arith.constant 6 : i32
      %add3A_262 = arith.addi %mul3A_152, %add3A_261 : i32
      %min3A_263 = arith.constant 79 : i32
      %min3A_264 = arith.minsi %add3A_262, %min3A_263 : i32
      %dma_wait3A_265 = arith.constant 0 : i32
      %dma_wait3A_266 = tpu.memref_slice %arg7[%min3A_264, %dma_wait3A_265] : memref<80x128xi32, #tpu.memory_space<vmem>> -> memref<1x128xi32, #tpu.memory_space<vmem>>
      %dma_wait3A_267 = tpu.memref_squeeze %dma_wait3A_266 : memref<1x128xi32, #tpu.memory_space<vmem>> -> memref<128xi32, #tpu.memory_space<vmem>>
      %dma_wait3A_268 = arith.constant 0 : i32
      %dma_wait3A_269 = arith.constant 0 : i32
      %dma_wait3A_270 = tpu.memref_slice %arg4[%dma_wait3A_268, %dma_wait3A_269] : memref<10112x64xf32, #tpu.memory_space<hbm>> -> memref<10112x64xf32, #tpu.memory_space<hbm>>
      tpu.wait_indirect_dma semaphore(%arg27 : memref<!tpu.dma_semaphore, #tpu.memory_space<semaphore_mem>>) src(%dma_wait3A_270 : memref<10112x64xf32, #tpu.memory_space<hbm>>) dst(%arg15 : memref<128x64xf32, #tpu.memory_space<vmem>>)
      %add3A_271 = arith.constant 6 : i32
      %add3A_272 = arith.addi %mul3A_152, %add3A_271 : i32
      %dma_start3A_273 = arith.constant 0 : i32
      %dma_start3A_274 = tpu.memref_slice %arg8[%add3A_272, %dma_start3A_273] : memref<80x128xi32, #tpu.memory_space<vmem>> -> memref<1x128xi32, #tpu.memory_space<vmem>>
      %dma_start3A_275 = tpu.memref_squeeze %dma_start3A_274 : memref<1x128xi32, #tpu.memory_space<vmem>> -> memref<128xi32, #tpu.memory_space<vmem>>
      %dma_start3A_276 = arith.constant 0 : i32
      %dma_start3A_277 = arith.constant 0 : i32
      %dma_start3A_278 = tpu.memref_slice %arg17[%dma_start3A_276, %dma_start3A_277] : memref<10112x64xf32, #tpu.memory_space<vmem_shared>> -> memref<10112x64xf32, #tpu.memory_space<vmem_shared>>
      tpu.enqueue_indirect_dma source(%arg15 : memref<128x64xf32, #tpu.memory_space<vmem>>) target(%dma_start3A_278 : memref<10112x64xf32, #tpu.memory_space<vmem_shared>>) offsets(%dma_start3A_275 : memref<128xi32, #tpu.memory_space<vmem>>) semaphore(%arg35 : memref<!tpu.dma_semaphore, #tpu.memory_space<semaphore_mem>>) {add = true}
      %add3A_279 = arith.constant 7 : i32
      %add3A_280 = arith.addi %mul3A_152, %add3A_279 : i32
      %min3A_281 = arith.constant 79 : i32
      %min3A_282 = arith.minsi %add3A_280, %min3A_281 : i32
      %dma_wait3A_283 = arith.constant 0 : i32
      %dma_wait3A_284 = tpu.memref_slice %arg7[%min3A_282, %dma_wait3A_283] : memref<80x128xi32, #tpu.memory_space<vmem>> -> memref<1x128xi32, #tpu.memory_space<vmem>>
      %dma_wait3A_285 = tpu.memref_squeeze %dma_wait3A_284 : memref<1x128xi32, #tpu.memory_space<vmem>> -> memref<128xi32, #tpu.memory_space<vmem>>
      %dma_wait3A_286 = arith.constant 0 : i32
      %dma_wait3A_287 = arith.constant 0 : i32
      %dma_wait3A_288 = tpu.memref_slice %arg4[%dma_wait3A_286, %dma_wait3A_287] : memref<10112x64xf32, #tpu.memory_space<hbm>> -> memref<10112x64xf32, #tpu.memory_space<hbm>>
      tpu.wait_indirect_dma semaphore(%arg28 : memref<!tpu.dma_semaphore, #tpu.memory_space<semaphore_mem>>) src(%dma_wait3A_288 : memref<10112x64xf32, #tpu.memory_space<hbm>>) dst(%arg16 : memref<128x64xf32, #tpu.memory_space<vmem>>)
      %add3A_289 = arith.constant 7 : i32
      %add3A_290 = arith.addi %mul3A_152, %add3A_289 : i32
      %dma_start3A_291 = arith.constant 0 : i32
      %dma_start3A_292 = tpu.memref_slice %arg8[%add3A_290, %dma_start3A_291] : memref<80x128xi32, #tpu.memory_space<vmem>> -> memref<1x128xi32, #tpu.memory_space<vmem>>
      %dma_start3A_293 = tpu.memref_squeeze %dma_start3A_292 : memref<1x128xi32, #tpu.memory_space<vmem>> -> memref<128xi32, #tpu.memory_space<vmem>>
      %dma_start3A_294 = arith.constant 0 : i32
      %dma_start3A_295 = arith.constant 0 : i32
      %dma_start3A_296 = tpu.memref_slice %arg17[%dma_start3A_294, %dma_start3A_295] : memref<10112x64xf32, #tpu.memory_space<vmem_shared>> -> memref<10112x64xf32, #tpu.memory_space<vmem_shared>>
      tpu.enqueue_indirect_dma source(%arg16 : memref<128x64xf32, #tpu.memory_space<vmem>>) target(%dma_start3A_296 : memref<10112x64xf32, #tpu.memory_space<vmem_shared>>) offsets(%dma_start3A_293 : memref<128xi32, #tpu.memory_space<vmem>>) semaphore(%arg36 : memref<!tpu.dma_semaphore, #tpu.memory_space<semaphore_mem>>) {add = true}
      %add3A_297 = arith.constant 0 : i32
      %add3A_298 = arith.addi %mul3A_152, %add3A_297 : i32
      %dma_wait3A_299 = arith.constant 0 : i32
      %dma_wait3A_300 = tpu.memref_slice %arg8[%add3A_298, %dma_wait3A_299] : memref<80x128xi32, #tpu.memory_space<vmem>> -> memref<1x128xi32, #tpu.memory_space<vmem>>
      %dma_wait3A_301 = tpu.memref_squeeze %dma_wait3A_300 : memref<1x128xi32, #tpu.memory_space<vmem>> -> memref<128xi32, #tpu.memory_space<vmem>>
      %dma_wait3A_302 = arith.constant 0 : i32
      %dma_wait3A_303 = arith.constant 0 : i32
      %dma_wait3A_304 = tpu.memref_slice %arg17[%dma_wait3A_302, %dma_wait3A_303] : memref<10112x64xf32, #tpu.memory_space<vmem_shared>> -> memref<10112x64xf32, #tpu.memory_space<vmem_shared>>
      tpu.wait_indirect_dma semaphore(%arg29 : memref<!tpu.dma_semaphore, #tpu.memory_space<semaphore_mem>>) src(%arg9 : memref<128x64xf32, #tpu.memory_space<vmem>>) dst(%dma_wait3A_304 : memref<10112x64xf32, #tpu.memory_space<vmem_shared>>)
      %add3A_305 = arith.constant 8 : i32
      %add3A_306 = arith.addi %mul3A_152, %add3A_305 : i32
      %add3A_307 = arith.constant 0 : i32
      %add3A_308 = arith.addi %add3A_306, %add3A_307 : i32
      %min3A_309 = arith.constant 79 : i32
      %min3A_310 = arith.minsi %add3A_308, %min3A_309 : i32
      %dma_start3A_311 = arith.constant 0 : i32
      %dma_start3A_312 = tpu.memref_slice %arg7[%min3A_310, %dma_start3A_311] : memref<80x128xi32, #tpu.memory_space<vmem>> -> memref<1x128xi32, #tpu.memory_space<vmem>>
      %dma_start3A_313 = tpu.memref_squeeze %dma_start3A_312 : memref<1x128xi32, #tpu.memory_space<vmem>> -> memref<128xi32, #tpu.memory_space<vmem>>
      %dma_start3A_314 = arith.constant 0 : i32
      %dma_start3A_315 = arith.constant 0 : i32
      %dma_start3A_316 = tpu.memref_slice %arg4[%dma_start3A_314, %dma_start3A_315] : memref<10112x64xf32, #tpu.memory_space<hbm>> -> memref<10112x64xf32, #tpu.memory_space<hbm>>
      tpu.enqueue_indirect_dma source(%dma_start3A_316 : memref<10112x64xf32, #tpu.memory_space<hbm>>) target(%arg9 : memref<128x64xf32, #tpu.memory_space<vmem>>) offsets(%dma_start3A_313 : memref<128xi32, #tpu.memory_space<vmem>>) semaphore(%arg21 : memref<!tpu.dma_semaphore, #tpu.memory_space<semaphore_mem>>)
      %add3A_317 = arith.constant 1 : i32
      %add3A_318 = arith.addi %mul3A_152, %add3A_317 : i32
      %dma_wait3A_319 = arith.constant 0 : i32
      %dma_wait3A_320 = tpu.memref_slice %arg8[%add3A_318, %dma_wait3A_319] : memref<80x128xi32, #tpu.memory_space<vmem>> -> memref<1x128xi32, #tpu.memory_space<vmem>>
      %dma_wait3A_321 = tpu.memref_squeeze %dma_wait3A_320 : memref<1x128xi32, #tpu.memory_space<vmem>> -> memref<128xi32, #tpu.memory_space<vmem>>
      %dma_wait3A_322 = arith.constant 0 : i32
      %dma_wait3A_323 = arith.constant 0 : i32
      %dma_wait3A_324 = tpu.memref_slice %arg17[%dma_wait3A_322, %dma_wait3A_323] : memref<10112x64xf32, #tpu.memory_space<vmem_shared>> -> memref<10112x64xf32, #tpu.memory_space<vmem_shared>>
      tpu.wait_indirect_dma semaphore(%arg30 : memref<!tpu.dma_semaphore, #tpu.memory_space<semaphore_mem>>) src(%arg10 : memref<128x64xf32, #tpu.memory_space<vmem>>) dst(%dma_wait3A_324 : memref<10112x64xf32, #tpu.memory_space<vmem_shared>>)
      %add3A_325 = arith.constant 8 : i32
      %add3A_326 = arith.addi %mul3A_152, %add3A_325 : i32
      %add3A_327 = arith.constant 1 : i32
      %add3A_328 = arith.addi %add3A_326, %add3A_327 : i32
      %min3A_329 = arith.constant 79 : i32
      %min3A_330 = arith.minsi %add3A_328, %min3A_329 : i32
      %dma_start3A_331 = arith.constant 0 : i32
      %dma_start3A_332 = tpu.memref_slice %arg7[%min3A_330, %dma_start3A_331] : memref<80x128xi32, #tpu.memory_space<vmem>> -> memref<1x128xi32, #tpu.memory_space<vmem>>
      %dma_start3A_333 = tpu.memref_squeeze %dma_start3A_332 : memref<1x128xi32, #tpu.memory_space<vmem>> -> memref<128xi32, #tpu.memory_space<vmem>>
      %dma_start3A_334 = arith.constant 0 : i32
      %dma_start3A_335 = arith.constant 0 : i32
      %dma_start3A_336 = tpu.memref_slice %arg4[%dma_start3A_334, %dma_start3A_335] : memref<10112x64xf32, #tpu.memory_space<hbm>> -> memref<10112x64xf32, #tpu.memory_space<hbm>>
      tpu.enqueue_indirect_dma source(%dma_start3A_336 : memref<10112x64xf32, #tpu.memory_space<hbm>>) target(%arg10 : memref<128x64xf32, #tpu.memory_space<vmem>>) offsets(%dma_start3A_333 : memref<128xi32, #tpu.memory_space<vmem>>) semaphore(%arg22 : memref<!tpu.dma_semaphore, #tpu.memory_space<semaphore_mem>>)
      %add3A_337 = arith.constant 2 : i32
      %add3A_338 = arith.addi %mul3A_152, %add3A_337 : i32
      %dma_wait3A_339 = arith.constant 0 : i32
      %dma_wait3A_340 = tpu.memref_slice %arg8[%add3A_338, %dma_wait3A_339] : memref<80x128xi32, #tpu.memory_space<vmem>> -> memref<1x128xi32, #tpu.memory_space<vmem>>
      %dma_wait3A_341 = tpu.memref_squeeze %dma_wait3A_340 : memref<1x128xi32, #tpu.memory_space<vmem>> -> memref<128xi32, #tpu.memory_space<vmem>>
      %dma_wait3A_342 = arith.constant 0 : i32
      %dma_wait3A_343 = arith.constant 0 : i32
      %dma_wait3A_344 = tpu.memref_slice %arg17[%dma_wait3A_342, %dma_wait3A_343] : memref<10112x64xf32, #tpu.memory_space<vmem_shared>> -> memref<10112x64xf32, #tpu.memory_space<vmem_shared>>
      tpu.wait_indirect_dma semaphore(%arg31 : memref<!tpu.dma_semaphore, #tpu.memory_space<semaphore_mem>>) src(%arg11 : memref<128x64xf32, #tpu.memory_space<vmem>>) dst(%dma_wait3A_344 : memref<10112x64xf32, #tpu.memory_space<vmem_shared>>)
      %add3A_345 = arith.constant 8 : i32
      %add3A_346 = arith.addi %mul3A_152, %add3A_345 : i32
      %add3A_347 = arith.constant 2 : i32
      %add3A_348 = arith.addi %add3A_346, %add3A_347 : i32
      %min3A_349 = arith.constant 79 : i32
      %min3A_350 = arith.minsi %add3A_348, %min3A_349 : i32
      %dma_start3A_351 = arith.constant 0 : i32
      %dma_start3A_352 = tpu.memref_slice %arg7[%min3A_350, %dma_start3A_351] : memref<80x128xi32, #tpu.memory_space<vmem>> -> memref<1x128xi32, #tpu.memory_space<vmem>>
      %dma_start3A_353 = tpu.memref_squeeze %dma_start3A_352 : memref<1x128xi32, #tpu.memory_space<vmem>> -> memref<128xi32, #tpu.memory_space<vmem>>
      %dma_start3A_354 = arith.constant 0 : i32
      %dma_start3A_355 = arith.constant 0 : i32
      %dma_start3A_356 = tpu.memref_slice %arg4[%dma_start3A_354, %dma_start3A_355] : memref<10112x64xf32, #tpu.memory_space<hbm>> -> memref<10112x64xf32, #tpu.memory_space<hbm>>
      tpu.enqueue_indirect_dma source(%dma_start3A_356 : memref<10112x64xf32, #tpu.memory_space<hbm>>) target(%arg11 : memref<128x64xf32, #tpu.memory_space<vmem>>) offsets(%dma_start3A_353 : memref<128xi32, #tpu.memory_space<vmem>>) semaphore(%arg23 : memref<!tpu.dma_semaphore, #tpu.memory_space<semaphore_mem>>)
      %add3A_357 = arith.constant 3 : i32
      %add3A_358 = arith.addi %mul3A_152, %add3A_357 : i32
      %dma_wait3A_359 = arith.constant 0 : i32
      %dma_wait3A_360 = tpu.memref_slice %arg8[%add3A_358, %dma_wait3A_359] : memref<80x128xi32, #tpu.memory_space<vmem>> -> memref<1x128xi32, #tpu.memory_space<vmem>>
      %dma_wait3A_361 = tpu.memref_squeeze %dma_wait3A_360 : memref<1x128xi32, #tpu.memory_space<vmem>> -> memref<128xi32, #tpu.memory_space<vmem>>
      %dma_wait3A_362 = arith.constant 0 : i32
      %dma_wait3A_363 = arith.constant 0 : i32
      %dma_wait3A_364 = tpu.memref_slice %arg17[%dma_wait3A_362, %dma_wait3A_363] : memref<10112x64xf32, #tpu.memory_space<vmem_shared>> -> memref<10112x64xf32, #tpu.memory_space<vmem_shared>>
      tpu.wait_indirect_dma semaphore(%arg32 : memref<!tpu.dma_semaphore, #tpu.memory_space<semaphore_mem>>) src(%arg12 : memref<128x64xf32, #tpu.memory_space<vmem>>) dst(%dma_wait3A_364 : memref<10112x64xf32, #tpu.memory_space<vmem_shared>>)
      %add3A_365 = arith.constant 8 : i32
      %add3A_366 = arith.addi %mul3A_152, %add3A_365 : i32
      %add3A_367 = arith.constant 3 : i32
      %add3A_368 = arith.addi %add3A_366, %add3A_367 : i32
      %min3A_369 = arith.constant 79 : i32
      %min3A_370 = arith.minsi %add3A_368, %min3A_369 : i32
      %dma_start3A_371 = arith.constant 0 : i32
      %dma_start3A_372 = tpu.memref_slice %arg7[%min3A_370, %dma_start3A_371] : memref<80x128xi32, #tpu.memory_space<vmem>> -> memref<1x128xi32, #tpu.memory_space<vmem>>
      %dma_start3A_373 = tpu.memref_squeeze %dma_start3A_372 : memref<1x128xi32, #tpu.memory_space<vmem>> -> memref<128xi32, #tpu.memory_space<vmem>>
      %dma_start3A_374 = arith.constant 0 : i32
      %dma_start3A_375 = arith.constant 0 : i32
      %dma_start3A_376 = tpu.memref_slice %arg4[%dma_start3A_374, %dma_start3A_375] : memref<10112x64xf32, #tpu.memory_space<hbm>> -> memref<10112x64xf32, #tpu.memory_space<hbm>>
      tpu.enqueue_indirect_dma source(%dma_start3A_376 : memref<10112x64xf32, #tpu.memory_space<hbm>>) target(%arg12 : memref<128x64xf32, #tpu.memory_space<vmem>>) offsets(%dma_start3A_373 : memref<128xi32, #tpu.memory_space<vmem>>) semaphore(%arg24 : memref<!tpu.dma_semaphore, #tpu.memory_space<semaphore_mem>>)
      %add3A_377 = arith.constant 4 : i32
      %add3A_378 = arith.addi %mul3A_152, %add3A_377 : i32
      %dma_wait3A_379 = arith.constant 0 : i32
      %dma_wait3A_380 = tpu.memref_slice %arg8[%add3A_378, %dma_wait3A_379] : memref<80x128xi32, #tpu.memory_space<vmem>> -> memref<1x128xi32, #tpu.memory_space<vmem>>
      %dma_wait3A_381 = tpu.memref_squeeze %dma_wait3A_380 : memref<1x128xi32, #tpu.memory_space<vmem>> -> memref<128xi32, #tpu.memory_space<vmem>>
      %dma_wait3A_382 = arith.constant 0 : i32
      %dma_wait3A_383 = arith.constant 0 : i32
      %dma_wait3A_384 = tpu.memref_slice %arg17[%dma_wait3A_382, %dma_wait3A_383] : memref<10112x64xf32, #tpu.memory_space<vmem_shared>> -> memref<10112x64xf32, #tpu.memory_space<vmem_shared>>
      tpu.wait_indirect_dma semaphore(%arg33 : memref<!tpu.dma_semaphore, #tpu.memory_space<semaphore_mem>>) src(%arg13 : memref<128x64xf32, #tpu.memory_space<vmem>>) dst(%dma_wait3A_384 : memref<10112x64xf32, #tpu.memory_space<vmem_shared>>)
      %add3A_385 = arith.constant 8 : i32
      %add3A_386 = arith.addi %mul3A_152, %add3A_385 : i32
      %add3A_387 = arith.constant 4 : i32
      %add3A_388 = arith.addi %add3A_386, %add3A_387 : i32
      %min3A_389 = arith.constant 79 : i32
      %min3A_390 = arith.minsi %add3A_388, %min3A_389 : i32
      %dma_start3A_391 = arith.constant 0 : i32
      %dma_start3A_392 = tpu.memref_slice %arg7[%min3A_390, %dma_start3A_391] : memref<80x128xi32, #tpu.memory_space<vmem>> -> memref<1x128xi32, #tpu.memory_space<vmem>>
      %dma_start3A_393 = tpu.memref_squeeze %dma_start3A_392 : memref<1x128xi32, #tpu.memory_space<vmem>> -> memref<128xi32, #tpu.memory_space<vmem>>
      %dma_start3A_394 = arith.constant 0 : i32
      %dma_start3A_395 = arith.constant 0 : i32
      %dma_start3A_396 = tpu.memref_slice %arg4[%dma_start3A_394, %dma_start3A_395] : memref<10112x64xf32, #tpu.memory_space<hbm>> -> memref<10112x64xf32, #tpu.memory_space<hbm>>
      tpu.enqueue_indirect_dma source(%dma_start3A_396 : memref<10112x64xf32, #tpu.memory_space<hbm>>) target(%arg13 : memref<128x64xf32, #tpu.memory_space<vmem>>) offsets(%dma_start3A_393 : memref<128xi32, #tpu.memory_space<vmem>>) semaphore(%arg25 : memref<!tpu.dma_semaphore, #tpu.memory_space<semaphore_mem>>)
      %add3A_397 = arith.constant 5 : i32
      %add3A_398 = arith.addi %mul3A_152, %add3A_397 : i32
      %dma_wait3A_399 = arith.constant 0 : i32
      %dma_wait3A_400 = tpu.memref_slice %arg8[%add3A_398, %dma_wait3A_399] : memref<80x128xi32, #tpu.memory_space<vmem>> -> memref<1x128xi32, #tpu.memory_space<vmem>>
      %dma_wait3A_401 = tpu.memref_squeeze %dma_wait3A_400 : memref<1x128xi32, #tpu.memory_space<vmem>> -> memref<128xi32, #tpu.memory_space<vmem>>
      %dma_wait3A_402 = arith.constant 0 : i32
      %dma_wait3A_403 = arith.constant 0 : i32
      %dma_wait3A_404 = tpu.memref_slice %arg17[%dma_wait3A_402, %dma_wait3A_403] : memref<10112x64xf32, #tpu.memory_space<vmem_shared>> -> memref<10112x64xf32, #tpu.memory_space<vmem_shared>>
      tpu.wait_indirect_dma semaphore(%arg34 : memref<!tpu.dma_semaphore, #tpu.memory_space<semaphore_mem>>) src(%arg14 : memref<128x64xf32, #tpu.memory_space<vmem>>) dst(%dma_wait3A_404 : memref<10112x64xf32, #tpu.memory_space<vmem_shared>>)
      %add3A_405 = arith.constant 8 : i32
      %add3A_406 = arith.addi %mul3A_152, %add3A_405 : i32
      %add3A_407 = arith.constant 5 : i32
      %add3A_408 = arith.addi %add3A_406, %add3A_407 : i32
      %min3A_409 = arith.constant 79 : i32
      %min3A_410 = arith.minsi %add3A_408, %min3A_409 : i32
      %dma_start3A_411 = arith.constant 0 : i32
      %dma_start3A_412 = tpu.memref_slice %arg7[%min3A_410, %dma_start3A_411] : memref<80x128xi32, #tpu.memory_space<vmem>> -> memref<1x128xi32, #tpu.memory_space<vmem>>
      %dma_start3A_413 = tpu.memref_squeeze %dma_start3A_412 : memref<1x128xi32, #tpu.memory_space<vmem>> -> memref<128xi32, #tpu.memory_space<vmem>>
      %dma_start3A_414 = arith.constant 0 : i32
      %dma_start3A_415 = arith.constant 0 : i32
      %dma_start3A_416 = tpu.memref_slice %arg4[%dma_start3A_414, %dma_start3A_415] : memref<10112x64xf32, #tpu.memory_space<hbm>> -> memref<10112x64xf32, #tpu.memory_space<hbm>>
      tpu.enqueue_indirect_dma source(%dma_start3A_416 : memref<10112x64xf32, #tpu.memory_space<hbm>>) target(%arg14 : memref<128x64xf32, #tpu.memory_space<vmem>>) offsets(%dma_start3A_413 : memref<128xi32, #tpu.memory_space<vmem>>) semaphore(%arg26 : memref<!tpu.dma_semaphore, #tpu.memory_space<semaphore_mem>>)
      %add3A_417 = arith.constant 6 : i32
      %add3A_418 = arith.addi %mul3A_152, %add3A_417 : i32
      %dma_wait3A_419 = arith.constant 0 : i32
      %dma_wait3A_420 = tpu.memref_slice %arg8[%add3A_418, %dma_wait3A_419] : memref<80x128xi32, #tpu.memory_space<vmem>> -> memref<1x128xi32, #tpu.memory_space<vmem>>
      %dma_wait3A_421 = tpu.memref_squeeze %dma_wait3A_420 : memref<1x128xi32, #tpu.memory_space<vmem>> -> memref<128xi32, #tpu.memory_space<vmem>>
      %dma_wait3A_422 = arith.constant 0 : i32
      %dma_wait3A_423 = arith.constant 0 : i32
      %dma_wait3A_424 = tpu.memref_slice %arg17[%dma_wait3A_422, %dma_wait3A_423] : memref<10112x64xf32, #tpu.memory_space<vmem_shared>> -> memref<10112x64xf32, #tpu.memory_space<vmem_shared>>
      tpu.wait_indirect_dma semaphore(%arg35 : memref<!tpu.dma_semaphore, #tpu.memory_space<semaphore_mem>>) src(%arg15 : memref<128x64xf32, #tpu.memory_space<vmem>>) dst(%dma_wait3A_424 : memref<10112x64xf32, #tpu.memory_space<vmem_shared>>)
      %add3A_425 = arith.constant 8 : i32
      %add3A_426 = arith.addi %mul3A_152, %add3A_425 : i32
      %add3A_427 = arith.constant 6 : i32
      %add3A_428 = arith.addi %add3A_426, %add3A_427 : i32
      %min3A_429 = arith.constant 79 : i32
      %min3A_430 = arith.minsi %add3A_428, %min3A_429 : i32
      %dma_start3A_431 = arith.constant 0 : i32
      %dma_start3A_432 = tpu.memref_slice %arg7[%min3A_430, %dma_start3A_431] : memref<80x128xi32, #tpu.memory_space<vmem>> -> memref<1x128xi32, #tpu.memory_space<vmem>>
      %dma_start3A_433 = tpu.memref_squeeze %dma_start3A_432 : memref<1x128xi32, #tpu.memory_space<vmem>> -> memref<128xi32, #tpu.memory_space<vmem>>
      %dma_start3A_434 = arith.constant 0 : i32
      %dma_start3A_435 = arith.constant 0 : i32
      %dma_start3A_436 = tpu.memref_slice %arg4[%dma_start3A_434, %dma_start3A_435] : memref<10112x64xf32, #tpu.memory_space<hbm>> -> memref<10112x64xf32, #tpu.memory_space<hbm>>
      tpu.enqueue_indirect_dma source(%dma_start3A_436 : memref<10112x64xf32, #tpu.memory_space<hbm>>) target(%arg15 : memref<128x64xf32, #tpu.memory_space<vmem>>) offsets(%dma_start3A_433 : memref<128xi32, #tpu.memory_space<vmem>>) semaphore(%arg27 : memref<!tpu.dma_semaphore, #tpu.memory_space<semaphore_mem>>)
      %add3A_437 = arith.constant 7 : i32
      %add3A_438 = arith.addi %mul3A_152, %add3A_437 : i32
      %dma_wait3A_439 = arith.constant 0 : i32
      %dma_wait3A_440 = tpu.memref_slice %arg8[%add3A_438, %dma_wait3A_439] : memref<80x128xi32, #tpu.memory_space<vmem>> -> memref<1x128xi32, #tpu.memory_space<vmem>>
      %dma_wait3A_441 = tpu.memref_squeeze %dma_wait3A_440 : memref<1x128xi32, #tpu.memory_space<vmem>> -> memref<128xi32, #tpu.memory_space<vmem>>
      %dma_wait3A_442 = arith.constant 0 : i32
      %dma_wait3A_443 = arith.constant 0 : i32
      %dma_wait3A_444 = tpu.memref_slice %arg17[%dma_wait3A_442, %dma_wait3A_443] : memref<10112x64xf32, #tpu.memory_space<vmem_shared>> -> memref<10112x64xf32, #tpu.memory_space<vmem_shared>>
      tpu.wait_indirect_dma semaphore(%arg36 : memref<!tpu.dma_semaphore, #tpu.memory_space<semaphore_mem>>) src(%arg16 : memref<128x64xf32, #tpu.memory_space<vmem>>) dst(%dma_wait3A_444 : memref<10112x64xf32, #tpu.memory_space<vmem_shared>>)
      %add3A_445 = arith.constant 8 : i32
      %add3A_446 = arith.addi %mul3A_152, %add3A_445 : i32
      %add3A_447 = arith.constant 7 : i32
      %add3A_448 = arith.addi %add3A_446, %add3A_447 : i32
      %min3A_449 = arith.constant 79 : i32
      %min3A_450 = arith.minsi %add3A_448, %min3A_449 : i32
      %dma_start3A_451 = arith.constant 0 : i32
      %dma_start3A_452 = tpu.memref_slice %arg7[%min3A_450, %dma_start3A_451] : memref<80x128xi32, #tpu.memory_space<vmem>> -> memref<1x128xi32, #tpu.memory_space<vmem>>
      %dma_start3A_453 = tpu.memref_squeeze %dma_start3A_452 : memref<1x128xi32, #tpu.memory_space<vmem>> -> memref<128xi32, #tpu.memory_space<vmem>>
      %dma_start3A_454 = arith.constant 0 : i32
      %dma_start3A_455 = arith.constant 0 : i32
      %dma_start3A_456 = tpu.memref_slice %arg4[%dma_start3A_454, %dma_start3A_455] : memref<10112x64xf32, #tpu.memory_space<hbm>> -> memref<10112x64xf32, #tpu.memory_space<hbm>>
      tpu.enqueue_indirect_dma source(%dma_start3A_456 : memref<10112x64xf32, #tpu.memory_space<hbm>>) target(%arg16 : memref<128x64xf32, #tpu.memory_space<vmem>>) offsets(%dma_start3A_453 : memref<128xi32, #tpu.memory_space<vmem>>) semaphore(%arg28 : memref<!tpu.dma_semaphore, #tpu.memory_space<semaphore_mem>>)
    }
    %scan3A_77 = arith.constant 10 : i32
    %min3A_78 = arith.constant 80 : i32
    %min3A_79 = arith.constant 79 : i32
    %min3A_80 = arith.minsi %min3A_78, %min3A_79 : i32
    %dma_wait3A = arith.constant 0 : i32
    %dma_wait3A_81 = tpu.memref_slice %arg7[%min3A_80, %dma_wait3A] : memref<80x128xi32, #tpu.memory_space<vmem>> -> memref<1x128xi32, #tpu.memory_space<vmem>>
    %dma_wait3A_82 = tpu.memref_squeeze %dma_wait3A_81 : memref<1x128xi32, #tpu.memory_space<vmem>> -> memref<128xi32, #tpu.memory_space<vmem>>
    %dma_wait3A_83 = arith.constant 0 : i32
    %dma_wait3A_84 = arith.constant 0 : i32
    %dma_wait3A_85 = tpu.memref_slice %arg4[%dma_wait3A_83, %dma_wait3A_84] : memref<10112x64xf32, #tpu.memory_space<hbm>> -> memref<10112x64xf32, #tpu.memory_space<hbm>>
    tpu.wait_indirect_dma semaphore(%arg21 : memref<!tpu.dma_semaphore, #tpu.memory_space<semaphore_mem>>) src(%dma_wait3A_85 : memref<10112x64xf32, #tpu.memory_space<hbm>>) dst(%arg9 : memref<128x64xf32, #tpu.memory_space<vmem>>)
    %min3A_86 = arith.constant 81 : i32
    %min3A_87 = arith.constant 79 : i32
    %min3A_88 = arith.minsi %min3A_86, %min3A_87 : i32
    %dma_wait3A_89 = arith.constant 0 : i32
    %dma_wait3A_90 = tpu.memref_slice %arg7[%min3A_88, %dma_wait3A_89] : memref<80x128xi32, #tpu.memory_space<vmem>> -> memref<1x128xi32, #tpu.memory_space<vmem>>
    %dma_wait3A_91 = tpu.memref_squeeze %dma_wait3A_90 : memref<1x128xi32, #tpu.memory_space<vmem>> -> memref<128xi32, #tpu.memory_space<vmem>>
    %dma_wait3A_92 = arith.constant 0 : i32
    %dma_wait3A_93 = arith.constant 0 : i32
    %dma_wait3A_94 = tpu.memref_slice %arg4[%dma_wait3A_92, %dma_wait3A_93] : memref<10112x64xf32, #tpu.memory_space<hbm>> -> memref<10112x64xf32, #tpu.memory_space<hbm>>
    tpu.wait_indirect_dma semaphore(%arg22 : memref<!tpu.dma_semaphore, #tpu.memory_space<semaphore_mem>>) src(%dma_wait3A_94 : memref<10112x64xf32, #tpu.memory_space<hbm>>) dst(%arg10 : memref<128x64xf32, #tpu.memory_space<vmem>>)
    %min3A_95 = arith.constant 82 : i32
    %min3A_96 = arith.constant 79 : i32
    %min3A_97 = arith.minsi %min3A_95, %min3A_96 : i32
    %dma_wait3A_98 = arith.constant 0 : i32
    %dma_wait3A_99 = tpu.memref_slice %arg7[%min3A_97, %dma_wait3A_98] : memref<80x128xi32, #tpu.memory_space<vmem>> -> memref<1x128xi32, #tpu.memory_space<vmem>>
    %dma_wait3A_100 = tpu.memref_squeeze %dma_wait3A_99 : memref<1x128xi32, #tpu.memory_space<vmem>> -> memref<128xi32, #tpu.memory_space<vmem>>
    %dma_wait3A_101 = arith.constant 0 : i32
    %dma_wait3A_102 = arith.constant 0 : i32
    %dma_wait3A_103 = tpu.memref_slice %arg4[%dma_wait3A_101, %dma_wait3A_102] : memref<10112x64xf32, #tpu.memory_space<hbm>> -> memref<10112x64xf32, #tpu.memory_space<hbm>>
    tpu.wait_indirect_dma semaphore(%arg23 : memref<!tpu.dma_semaphore, #tpu.memory_space<semaphore_mem>>) src(%dma_wait3A_103 : memref<10112x64xf32, #tpu.memory_space<hbm>>) dst(%arg11 : memref<128x64xf32, #tpu.memory_space<vmem>>)
    %min3A_104 = arith.constant 83 : i32
    %min3A_105 = arith.constant 79 : i32
    %min3A_106 = arith.minsi %min3A_104, %min3A_105 : i32
    %dma_wait3A_107 = arith.constant 0 : i32
    %dma_wait3A_108 = tpu.memref_slice %arg7[%min3A_106, %dma_wait3A_107] : memref<80x128xi32, #tpu.memory_space<vmem>> -> memref<1x128xi32, #tpu.memory_space<vmem>>
    %dma_wait3A_109 = tpu.memref_squeeze %dma_wait3A_108 : memref<1x128xi32, #tpu.memory_space<vmem>> -> memref<128xi32, #tpu.memory_space<vmem>>
    %dma_wait3A_110 = arith.constant 0 : i32
    %dma_wait3A_111 = arith.constant 0 : i32
    %dma_wait3A_112 = tpu.memref_slice %arg4[%dma_wait3A_110, %dma_wait3A_111] : memref<10112x64xf32, #tpu.memory_space<hbm>> -> memref<10112x64xf32, #tpu.memory_space<hbm>>
    tpu.wait_indirect_dma semaphore(%arg24 : memref<!tpu.dma_semaphore, #tpu.memory_space<semaphore_mem>>) src(%dma_wait3A_112 : memref<10112x64xf32, #tpu.memory_space<hbm>>) dst(%arg12 : memref<128x64xf32, #tpu.memory_space<vmem>>)
    %min3A_113 = arith.constant 84 : i32
    %min3A_114 = arith.constant 79 : i32
    %min3A_115 = arith.minsi %min3A_113, %min3A_114 : i32
    %dma_wait3A_116 = arith.constant 0 : i32
    %dma_wait3A_117 = tpu.memref_slice %arg7[%min3A_115, %dma_wait3A_116] : memref<80x128xi32, #tpu.memory_space<vmem>> -> memref<1x128xi32, #tpu.memory_space<vmem>>
    %dma_wait3A_118 = tpu.memref_squeeze %dma_wait3A_117 : memref<1x128xi32, #tpu.memory_space<vmem>> -> memref<128xi32, #tpu.memory_space<vmem>>
    %dma_wait3A_119 = arith.constant 0 : i32
    %dma_wait3A_120 = arith.constant 0 : i32
    %dma_wait3A_121 = tpu.memref_slice %arg4[%dma_wait3A_119, %dma_wait3A_120] : memref<10112x64xf32, #tpu.memory_space<hbm>> -> memref<10112x64xf32, #tpu.memory_space<hbm>>
    tpu.wait_indirect_dma semaphore(%arg25 : memref<!tpu.dma_semaphore, #tpu.memory_space<semaphore_mem>>) src(%dma_wait3A_121 : memref<10112x64xf32, #tpu.memory_space<hbm>>) dst(%arg13 : memref<128x64xf32, #tpu.memory_space<vmem>>)
    %min3A_122 = arith.constant 85 : i32
    %min3A_123 = arith.constant 79 : i32
    %min3A_124 = arith.minsi %min3A_122, %min3A_123 : i32
    %dma_wait3A_125 = arith.constant 0 : i32
    %dma_wait3A_126 = tpu.memref_slice %arg7[%min3A_124, %dma_wait3A_125] : memref<80x128xi32, #tpu.memory_space<vmem>> -> memref<1x128xi32, #tpu.memory_space<vmem>>
    %dma_wait3A_127 = tpu.memref_squeeze %dma_wait3A_126 : memref<1x128xi32, #tpu.memory_space<vmem>> -> memref<128xi32, #tpu.memory_space<vmem>>
    %dma_wait3A_128 = arith.constant 0 : i32
    %dma_wait3A_129 = arith.constant 0 : i32
    %dma_wait3A_130 = tpu.memref_slice %arg4[%dma_wait3A_128, %dma_wait3A_129] : memref<10112x64xf32, #tpu.memory_space<hbm>> -> memref<10112x64xf32, #tpu.memory_space<hbm>>
    tpu.wait_indirect_dma semaphore(%arg26 : memref<!tpu.dma_semaphore, #tpu.memory_space<semaphore_mem>>) src(%dma_wait3A_130 : memref<10112x64xf32, #tpu.memory_space<hbm>>) dst(%arg14 : memref<128x64xf32, #tpu.memory_space<vmem>>)
    %min3A_131 = arith.constant 86 : i32
    %min3A_132 = arith.constant 79 : i32
    %min3A_133 = arith.minsi %min3A_131, %min3A_132 : i32
    %dma_wait3A_134 = arith.constant 0 : i32
    %dma_wait3A_135 = tpu.memref_slice %arg7[%min3A_133, %dma_wait3A_134] : memref<80x128xi32, #tpu.memory_space<vmem>> -> memref<1x128xi32, #tpu.memory_space<vmem>>
    %dma_wait3A_136 = tpu.memref_squeeze %dma_wait3A_135 : memref<1x128xi32, #tpu.memory_space<vmem>> -> memref<128xi32, #tpu.memory_space<vmem>>
    %dma_wait3A_137 = arith.constant 0 : i32
    %dma_wait3A_138 = arith.constant 0 : i32
    %dma_wait3A_139 = tpu.memref_slice %arg4[%dma_wait3A_137, %dma_wait3A_138] : memref<10112x64xf32, #tpu.memory_space<hbm>> -> memref<10112x64xf32, #tpu.memory_space<hbm>>
    tpu.wait_indirect_dma semaphore(%arg27 : memref<!tpu.dma_semaphore, #tpu.memory_space<semaphore_mem>>) src(%dma_wait3A_139 : memref<10112x64xf32, #tpu.memory_space<hbm>>) dst(%arg15 : memref<128x64xf32, #tpu.memory_space<vmem>>)
    %min3A_140 = arith.constant 87 : i32
    %min3A_141 = arith.constant 79 : i32
    %min3A_142 = arith.minsi %min3A_140, %min3A_141 : i32
    %dma_wait3A_143 = arith.constant 0 : i32
    %dma_wait3A_144 = tpu.memref_slice %arg7[%min3A_142, %dma_wait3A_143] : memref<80x128xi32, #tpu.memory_space<vmem>> -> memref<1x128xi32, #tpu.memory_space<vmem>>
    %dma_wait3A_145 = tpu.memref_squeeze %dma_wait3A_144 : memref<1x128xi32, #tpu.memory_space<vmem>> -> memref<128xi32, #tpu.memory_space<vmem>>
    %dma_wait3A_146 = arith.constant 0 : i32
    %dma_wait3A_147 = arith.constant 0 : i32
    %dma_wait3A_148 = tpu.memref_slice %arg4[%dma_wait3A_146, %dma_wait3A_147] : memref<10112x64xf32, #tpu.memory_space<hbm>> -> memref<10112x64xf32, #tpu.memory_space<hbm>>
    tpu.wait_indirect_dma semaphore(%arg28 : memref<!tpu.dma_semaphore, #tpu.memory_space<semaphore_mem>>) src(%dma_wait3A_148 : memref<10112x64xf32, #tpu.memory_space<hbm>>) dst(%arg16 : memref<128x64xf32, #tpu.memory_space<vmem>>)
    %barrier3A_149 = arith.constant 0 : index
    tpu.barrier barrier_id(%barrier3A_149)
    "tpu.region"() ({
      %run_scoped3A = tpu.sem_alloc : memref<!tpu.dma_semaphore, #tpu.memory_space<semaphore_mem>>
      %dma_start3A_150 = arith.constant 0 : i32
      %dma_start3A_151 = tpu.memref_slice %arg6[%arg0, %mul3A_2, %dma_start3A_150] : memref<2x10112x64xf32, #tpu.memory_space<hbm>> -> memref<1x632x64xf32, #tpu.memory_space<hbm>>
      %dma_start3A_152 = tpu.memref_squeeze %dma_start3A_151 : memref<1x632x64xf32, #tpu.memory_space<hbm>> -> memref<632x64xf32, #tpu.memory_space<hbm>>
      %dma_start3A_153 = arith.constant 0 : i32
      %dma_start3A_154 = tpu.memref_slice %arg17[%mul3A_2, %dma_start3A_153] : memref<10112x64xf32, #tpu.memory_space<vmem_shared>> -> memref<632x64xf32, #tpu.memory_space<vmem_shared>>
      tpu.enqueue_dma source(%dma_start3A_154 : memref<632x64xf32, #tpu.memory_space<vmem_shared>>) target(%dma_start3A_152 : memref<632x64xf32, #tpu.memory_space<hbm>>) target_semaphore(%run_scoped3A : memref<!tpu.dma_semaphore, #tpu.memory_space<semaphore_mem>>)
      %dma_wait3A_155 = arith.constant 0 : i32
      %dma_wait3A_156 = tpu.memref_slice %arg6[%arg0, %mul3A_2, %dma_wait3A_155] : memref<2x10112x64xf32, #tpu.memory_space<hbm>> -> memref<1x632x64xf32, #tpu.memory_space<hbm>>
      %dma_wait3A_157 = tpu.memref_squeeze %dma_wait3A_156 : memref<1x632x64xf32, #tpu.memory_space<hbm>> -> memref<632x64xf32, #tpu.memory_space<hbm>>
      %dma_wait3A_158 = arith.constant 0 : i32
      %dma_wait3A_159 = tpu.memref_slice %arg17[%mul3A_2, %dma_wait3A_158] : memref<10112x64xf32, #tpu.memory_space<vmem_shared>> -> memref<632x64xf32, #tpu.memory_space<vmem_shared>>
      tpu.wait_dma2 semaphore(%run_scoped3A : memref<!tpu.dma_semaphore, #tpu.memory_space<semaphore_mem>>) src(%dma_wait3A_159 : memref<632x64xf32, #tpu.memory_space<vmem_shared>>) dst(%dma_wait3A_157 : memref<632x64xf32, #tpu.memory_space<hbm>>)
      tpu.yield
    }) : () -> ()
    return
  }
}

#map = affine_map<(d0, d1) -> (0, 0, 0)>
#map1 = affine_map<(d0, d1) -> (0, 0)>
module attributes {stable_mosaic.version = 14 : i64} {
  func.func @body(%arg0: i32, %arg1: i32, %arg2: memref<32x80x128xi32, #tpu.memory_space<hbm>>, %arg3: memref<32x80x128xi32, #tpu.memory_space<hbm>>, %arg4: memref<10112x64xf32, #tpu.memory_space<hbm>>, %arg5: memref<632x64xf32, #tpu.memory_space<hbm>>, %arg6: memref<2x10112x64xf32, #tpu.memory_space<hbm>>, %arg7: memref<80x128xi32, #tpu.memory_space<vmem>>, %arg8: memref<80x128xi32, #tpu.memory_space<vmem>>, %arg9: memref<128x64xf32, #tpu.memory_space<vmem>>, %arg10: memref<128x64xf32, #tpu.memory_space<vmem>>, %arg11: memref<128x64xf32, #tpu.memory_space<vmem>>, %arg12: memref<128x64xf32, #tpu.memory_space<vmem>>, %arg13: memref<128x64xf32, #tpu.memory_space<vmem>>, %arg14: memref<128x64xf32, #tpu.memory_space<vmem>>, %arg15: memref<128x64xf32, #tpu.memory_space<vmem>>, %arg16: memref<128x64xf32, #tpu.memory_space<vmem>>, %arg17: memref<10112x64xf32, #tpu.memory_space<vmem_shared>>, %arg18: memref<10112xf32, #tpu.memory_space<vmem_shared>>, %arg19: memref<128xf32, #tpu.memory_space<vmem>>, %arg20: memref<632xf32, #tpu.memory_space<vmem>>, %arg21: memref<!tpu.dma_semaphore, #tpu.memory_space<semaphore_mem>>, %arg22: memref<!tpu.dma_semaphore, #tpu.memory_space<semaphore_mem>>, %arg23: memref<!tpu.dma_semaphore, #tpu.memory_space<semaphore_mem>>, %arg24: memref<!tpu.dma_semaphore, #tpu.memory_space<semaphore_mem>>, %arg25: memref<!tpu.dma_semaphore, #tpu.memory_space<semaphore_mem>>, %arg26: memref<!tpu.dma_semaphore, #tpu.memory_space<semaphore_mem>>, %arg27: memref<!tpu.dma_semaphore, #tpu.memory_space<semaphore_mem>>, %arg28: memref<!tpu.dma_semaphore, #tpu.memory_space<semaphore_mem>>, %arg29: memref<!tpu.dma_semaphore, #tpu.memory_space<semaphore_mem>>, %arg30: memref<!tpu.dma_semaphore, #tpu.memory_space<semaphore_mem>>, %arg31: memref<!tpu.dma_semaphore, #tpu.memory_space<semaphore_mem>>, %arg32: memref<!tpu.dma_semaphore, #tpu.memory_space<semaphore_mem>>, %arg33: memref<!tpu.dma_semaphore, #tpu.memory_space<semaphore_mem>>, %arg34: memref<!tpu.dma_semaphore, #tpu.memory_space<semaphore_mem>>, %arg35: memref<!tpu.dma_semaphore, #tpu.memory_space<semaphore_mem>>, %arg36: memref<!tpu.dma_semaphore, #tpu.memory_space<semaphore_mem>>, %arg37: memref<!tpu.dma_semaphore, #tpu.memory_space<semaphore_mem>>, %arg38: memref<!tpu.dma_semaphore, #tpu.memory_space<semaphore_mem>>, %arg39: memref<!tpu.dma_semaphore, #tpu.memory_space<semaphore_mem>>, %arg40: memref<!tpu.dma_semaphore, #tpu.memory_space<semaphore_mem>>, %arg41: memref<!tpu.dma_semaphore, #tpu.memory_space<semaphore_mem>>, %arg42: memref<!tpu.dma_semaphore, #tpu.memory_space<semaphore_mem>>, %arg43: memref<!tpu.dma_semaphore, #tpu.memory_space<semaphore_mem>>, %arg44: memref<!tpu.dma_semaphore, #tpu.memory_space<semaphore_mem>>) attributes {dimension_semantics = [#tpu.dimension_semantics<core_parallel>, #tpu.dimension_semantics<subcore_parallel>], iteration_bounds = array<i64: 2, 16>, scalar_prefetch = 0 : i64, scratch_operands = 38 : i64, tpu.core_type = #tpu.core_type<sc_vector_subcore>, window_params = [{transform_indices = #map}, {transform_indices = #map}, {transform_indices = #map1}, {transform_indices = #map1}, {transform_indices = #map}]} {
    %mul3A = arith.constant 16 : i32
    %mul3A_0 = arith.muli %arg0, %mul3A : i32
    %add3A = arith.addi %mul3A_0, %arg1 : i32
    %mul3A_1 = arith.constant 632 : i32
    %mul3A_2 = arith.muli %arg1, %mul3A_1 : i32
    "tpu.region"() ({
      %run_scoped3A = tpu.sem_alloc : memref<!tpu.dma_semaphore, #tpu.memory_space<semaphore_mem>>
      %dma_start3A_150 = arith.constant 0 : i32
      %dma_start3A_151 = arith.constant 0 : i32
      %dma_start3A_152 = tpu.memref_slice %arg2[%add3A, %dma_start3A_150, %dma_start3A_151] : memref<32x80x128xi32, #tpu.memory_space<hbm>> -> memref<1x80x128xi32, #tpu.memory_space<hbm>>
      %dma_start3A_153 = tpu.memref_squeeze %dma_start3A_152 : memref<1x80x128xi32, #tpu.memory_space<hbm>> -> memref<80x128xi32, #tpu.memory_space<hbm>>
      %dma_start3A_154 = arith.constant 0 : i32
      %dma_start3A_155 = arith.constant 0 : i32
      %dma_start3A_156 = tpu.memref_slice %arg2[%add3A, %dma_start3A_154, %dma_start3A_155] : memref<32x80x128xi32, #tpu.memory_space<hbm>> -> memref<1x80x128xi32, #tpu.memory_space<hbm>>
      %dma_start3A_157 = tpu.memref_squeeze %dma_start3A_156 : memref<1x80x128xi32, #tpu.memory_space<hbm>> -> memref<80x128xi32, #tpu.memory_space<hbm>>
      tpu.enqueue_dma source(%dma_start3A_157 : memref<80x128xi32, #tpu.memory_space<hbm>>) target(%arg7 : memref<80x128xi32, #tpu.memory_space<vmem>>) target_semaphore(%run_scoped3A : memref<!tpu.dma_semaphore, #tpu.memory_space<semaphore_mem>>)
      %dma_wait3A_158 = arith.constant 0 : i32
      %dma_wait3A_159 = arith.constant 0 : i32
      %dma_wait3A_160 = tpu.memref_slice %arg2[%add3A, %dma_wait3A_158, %dma_wait3A_159] : memref<32x80x128xi32, #tpu.memory_space<hbm>> -> memref<1x80x128xi32, #tpu.memory_space<hbm>>
      %dma_wait3A_161 = tpu.memref_squeeze %dma_wait3A_160 : memref<1x80x128xi32, #tpu.memory_space<hbm>> -> memref<80x128xi32, #tpu.memory_space<hbm>>
      %dma_wait3A_162 = arith.constant 0 : i32
      %dma_wait3A_163 = arith.constant 0 : i32
      %dma_wait3A_164 = tpu.memref_slice %arg2[%add3A, %dma_wait3A_162, %dma_wait3A_163] : memref<32x80x128xi32, #tpu.memory_space<hbm>> -> memref<1x80x128xi32, #tpu.memory_space<hbm>>
      %dma_wait3A_165 = tpu.memref_squeeze %dma_wait3A_164 : memref<1x80x128xi32, #tpu.memory_space<hbm>> -> memref<80x128xi32, #tpu.memory_space<hbm>>
      tpu.wait_dma2 semaphore(%run_scoped3A : memref<!tpu.dma_semaphore, #tpu.memory_space<semaphore_mem>>) src(%dma_wait3A_165 : memref<80x128xi32, #tpu.memory_space<hbm>>) dst(%arg7 : memref<80x128xi32, #tpu.memory_space<vmem>>)
      tpu.yield
    }) : () -> ()
    %min3A = arith.constant 0 : i32
    %min3A_3 = arith.constant 79 : i32
    %min3A_4 = arith.minsi %min3A, %min3A_3 : i32
    %dma_start3A = arith.constant 0 : i32
    %dma_start3A_5 = tpu.memref_slice %arg7[%min3A_4, %dma_start3A] : memref<80x128xi32, #tpu.memory_space<vmem>> -> memref<1x128xi32, #tpu.memory_space<vmem>>
    %dma_start3A_6 = tpu.memref_squeeze %dma_start3A_5 : memref<1x128xi32, #tpu.memory_space<vmem>> -> memref<128xi32, #tpu.memory_space<vmem>>
    %dma_start3A_7 = arith.constant 0 : i32
    %dma_start3A_8 = arith.constant 0 : i32
    %dma_start3A_9 = tpu.memref_slice %arg4[%dma_start3A_7, %dma_start3A_8] : memref<10112x64xf32, #tpu.memory_space<hbm>> -> memref<10112x64xf32, #tpu.memory_space<hbm>>
    tpu.enqueue_indirect_dma source(%dma_start3A_9 : memref<10112x64xf32, #tpu.memory_space<hbm>>) target(%arg9 : memref<128x64xf32, #tpu.memory_space<vmem>>) offsets(%dma_start3A_6 : memref<128xi32, #tpu.memory_space<vmem>>) semaphore(%arg21 : memref<!tpu.dma_semaphore, #tpu.memory_space<semaphore_mem>>)
    %min3A_10 = arith.constant 1 : i32
    %min3A_11 = arith.constant 79 : i32
    %min3A_12 = arith.minsi %min3A_10, %min3A_11 : i32
    %dma_start3A_13 = arith.constant 0 : i32
    %dma_start3A_14 = tpu.memref_slice %arg7[%min3A_12, %dma_start3A_13] : memref<80x128xi32, #tpu.memory_space<vmem>> -> memref<1x128xi32, #tpu.memory_space<vmem>>
    %dma_start3A_15 = tpu.memref_squeeze %dma_start3A_14 : memref<1x128xi32, #tpu.memory_space<vmem>> -> memref<128xi32, #tpu.memory_space<vmem>>
    %dma_start3A_16 = arith.constant 0 : i32
    %dma_start3A_17 = arith.constant 0 : i32
    %dma_start3A_18 = tpu.memref_slice %arg4[%dma_start3A_16, %dma_start3A_17] : memref<10112x64xf32, #tpu.memory_space<hbm>> -> memref<10112x64xf32, #tpu.memory_space<hbm>>
    tpu.enqueue_indirect_dma source(%dma_start3A_18 : memref<10112x64xf32, #tpu.memory_space<hbm>>) target(%arg10 : memref<128x64xf32, #tpu.memory_space<vmem>>) offsets(%dma_start3A_15 : memref<128xi32, #tpu.memory_space<vmem>>) semaphore(%arg22 : memref<!tpu.dma_semaphore, #tpu.memory_space<semaphore_mem>>)
    %min3A_19 = arith.constant 2 : i32
    %min3A_20 = arith.constant 79 : i32
    %min3A_21 = arith.minsi %min3A_19, %min3A_20 : i32
    %dma_start3A_22 = arith.constant 0 : i32
    %dma_start3A_23 = tpu.memref_slice %arg7[%min3A_21, %dma_start3A_22] : memref<80x128xi32, #tpu.memory_space<vmem>> -> memref<1x128xi32, #tpu.memory_space<vmem>>
    %dma_start3A_24 = tpu.memref_squeeze %dma_start3A_23 : memref<1x128xi32, #tpu.memory_space<vmem>> -> memref<128xi32, #tpu.memory_space<vmem>>
    %dma_start3A_25 = arith.constant 0 : i32
    %dma_start3A_26 = arith.constant 0 : i32
    %dma_start3A_27 = tpu.memref_slice %arg4[%dma_start3A_25, %dma_start3A_26] : memref<10112x64xf32, #tpu.memory_space<hbm>> -> memref<10112x64xf32, #tpu.memory_space<hbm>>
    tpu.enqueue_indirect_dma source(%dma_start3A_27 : memref<10112x64xf32, #tpu.memory_space<hbm>>) target(%arg11 : memref<128x64xf32, #tpu.memory_space<vmem>>) offsets(%dma_start3A_24 : memref<128xi32, #tpu.memory_space<vmem>>) semaphore(%arg23 : memref<!tpu.dma_semaphore, #tpu.memory_space<semaphore_mem>>)
    %min3A_28 = arith.constant 3 : i32
    %min3A_29 = arith.constant 79 : i32
    %min3A_30 = arith.minsi %min3A_28, %min3A_29 : i32
    %dma_start3A_31 = arith.constant 0 : i32
    %dma_start3A_32 = tpu.memref_slice %arg7[%min3A_30, %dma_start3A_31] : memref<80x128xi32, #tpu.memory_space<vmem>> -> memref<1x128xi32, #tpu.memory_space<vmem>>
    %dma_start3A_33 = tpu.memref_squeeze %dma_start3A_32 : memref<1x128xi32, #tpu.memory_space<vmem>> -> memref<128xi32, #tpu.memory_space<vmem>>
    %dma_start3A_34 = arith.constant 0 : i32
    %dma_start3A_35 = arith.constant 0 : i32
    %dma_start3A_36 = tpu.memref_slice %arg4[%dma_start3A_34, %dma_start3A_35] : memref<10112x64xf32, #tpu.memory_space<hbm>> -> memref<10112x64xf32, #tpu.memory_space<hbm>>
    tpu.enqueue_indirect_dma source(%dma_start3A_36 : memref<10112x64xf32, #tpu.memory_space<hbm>>) target(%arg12 : memref<128x64xf32, #tpu.memory_space<vmem>>) offsets(%dma_start3A_33 : memref<128xi32, #tpu.memory_space<vmem>>) semaphore(%arg24 : memref<!tpu.dma_semaphore, #tpu.memory_space<semaphore_mem>>)
    %min3A_37 = arith.constant 4 : i32
    %min3A_38 = arith.constant 79 : i32
    %min3A_39 = arith.minsi %min3A_37, %min3A_38 : i32
    %dma_start3A_40 = arith.constant 0 : i32
    %dma_start3A_41 = tpu.memref_slice %arg7[%min3A_39, %dma_start3A_40] : memref<80x128xi32, #tpu.memory_space<vmem>> -> memref<1x128xi32, #tpu.memory_space<vmem>>
    %dma_start3A_42 = tpu.memref_squeeze %dma_start3A_41 : memref<1x128xi32, #tpu.memory_space<vmem>> -> memref<128xi32, #tpu.memory_space<vmem>>
    %dma_start3A_43 = arith.constant 0 : i32
    %dma_start3A_44 = arith.constant 0 : i32
    %dma_start3A_45 = tpu.memref_slice %arg4[%dma_start3A_43, %dma_start3A_44] : memref<10112x64xf32, #tpu.memory_space<hbm>> -> memref<10112x64xf32, #tpu.memory_space<hbm>>
    tpu.enqueue_indirect_dma source(%dma_start3A_45 : memref<10112x64xf32, #tpu.memory_space<hbm>>) target(%arg13 : memref<128x64xf32, #tpu.memory_space<vmem>>) offsets(%dma_start3A_42 : memref<128xi32, #tpu.memory_space<vmem>>) semaphore(%arg25 : memref<!tpu.dma_semaphore, #tpu.memory_space<semaphore_mem>>)
    %min3A_46 = arith.constant 5 : i32
    %min3A_47 = arith.constant 79 : i32
    %min3A_48 = arith.minsi %min3A_46, %min3A_47 : i32
    %dma_start3A_49 = arith.constant 0 : i32
    %dma_start3A_50 = tpu.memref_slice %arg7[%min3A_48, %dma_start3A_49] : memref<80x128xi32, #tpu.memory_space<vmem>> -> memref<1x128xi32, #tpu.memory_space<vmem>>
    %dma_start3A_51 = tpu.memref_squeeze %dma_start3A_50 : memref<1x128xi32, #tpu.memory_space<vmem>> -> memref<128xi32, #tpu.memory_space<vmem>>
    %dma_start3A_52 = arith.constant 0 : i32
    %dma_start3A_53 = arith.constant 0 : i32
    %dma_start3A_54 = tpu.memref_slice %arg4[%dma_start3A_52, %dma_start3A_53] : memref<10112x64xf32, #tpu.memory_space<hbm>> -> memref<10112x64xf32, #tpu.memory_space<hbm>>
    tpu.enqueue_indirect_dma source(%dma_start3A_54 : memref<10112x64xf32, #tpu.memory_space<hbm>>) target(%arg14 : memref<128x64xf32, #tpu.memory_space<vmem>>) offsets(%dma_start3A_51 : memref<128xi32, #tpu.memory_space<vmem>>) semaphore(%arg26 : memref<!tpu.dma_semaphore, #tpu.memory_space<semaphore_mem>>)
    %min3A_55 = arith.constant 6 : i32
    %min3A_56 = arith.constant 79 : i32
    %min3A_57 = arith.minsi %min3A_55, %min3A_56 : i32
    %dma_start3A_58 = arith.constant 0 : i32
    %dma_start3A_59 = tpu.memref_slice %arg7[%min3A_57, %dma_start3A_58] : memref<80x128xi32, #tpu.memory_space<vmem>> -> memref<1x128xi32, #tpu.memory_space<vmem>>
    %dma_start3A_60 = tpu.memref_squeeze %dma_start3A_59 : memref<1x128xi32, #tpu.memory_space<vmem>> -> memref<128xi32, #tpu.memory_space<vmem>>
    %dma_start3A_61 = arith.constant 0 : i32
    %dma_start3A_62 = arith.constant 0 : i32
    %dma_start3A_63 = tpu.memref_slice %arg4[%dma_start3A_61, %dma_start3A_62] : memref<10112x64xf32, #tpu.memory_space<hbm>> -> memref<10112x64xf32, #tpu.memory_space<hbm>>
    tpu.enqueue_indirect_dma source(%dma_start3A_63 : memref<10112x64xf32, #tpu.memory_space<hbm>>) target(%arg15 : memref<128x64xf32, #tpu.memory_space<vmem>>) offsets(%dma_start3A_60 : memref<128xi32, #tpu.memory_space<vmem>>) semaphore(%arg27 : memref<!tpu.dma_semaphore, #tpu.memory_space<semaphore_mem>>)
    %min3A_64 = arith.constant 7 : i32
    %min3A_65 = arith.constant 79 : i32
    %min3A_66 = arith.minsi %min3A_64, %min3A_65 : i32
    %dma_start3A_67 = arith.constant 0 : i32
    %dma_start3A_68 = tpu.memref_slice %arg7[%min3A_66, %dma_start3A_67] : memref<80x128xi32, #tpu.memory_space<vmem>> -> memref<1x128xi32, #tpu.memory_space<vmem>>
    %dma_start3A_69 = tpu.memref_squeeze %dma_start3A_68 : memref<1x128xi32, #tpu.memory_space<vmem>> -> memref<128xi32, #tpu.memory_space<vmem>>
    %dma_start3A_70 = arith.constant 0 : i32
    %dma_start3A_71 = arith.constant 0 : i32
    %dma_start3A_72 = tpu.memref_slice %arg4[%dma_start3A_70, %dma_start3A_71] : memref<10112x64xf32, #tpu.memory_space<hbm>> -> memref<10112x64xf32, #tpu.memory_space<hbm>>
    tpu.enqueue_indirect_dma source(%dma_start3A_72 : memref<10112x64xf32, #tpu.memory_space<hbm>>) target(%arg16 : memref<128x64xf32, #tpu.memory_space<vmem>>) offsets(%dma_start3A_69 : memref<128xi32, #tpu.memory_space<vmem>>) semaphore(%arg28 : memref<!tpu.dma_semaphore, #tpu.memory_space<semaphore_mem>>)
    "tpu.region"() ({
      %run_scoped3A = tpu.sem_alloc : memref<!tpu.dma_semaphore, #tpu.memory_space<semaphore_mem>>
      %dma_start3A_150 = arith.constant 0 : i32
      %dma_start3A_151 = arith.constant 0 : i32
      %dma_start3A_152 = tpu.memref_slice %arg3[%add3A, %dma_start3A_150, %dma_start3A_151] : memref<32x80x128xi32, #tpu.memory_space<hbm>> -> memref<1x80x128xi32, #tpu.memory_space<hbm>>
      %dma_start3A_153 = tpu.memref_squeeze %dma_start3A_152 : memref<1x80x128xi32, #tpu.memory_space<hbm>> -> memref<80x128xi32, #tpu.memory_space<hbm>>
      %dma_start3A_154 = arith.constant 0 : i32
      %dma_start3A_155 = arith.constant 0 : i32
      %dma_start3A_156 = tpu.memref_slice %arg3[%add3A, %dma_start3A_154, %dma_start3A_155] : memref<32x80x128xi32, #tpu.memory_space<hbm>> -> memref<1x80x128xi32, #tpu.memory_space<hbm>>
      %dma_start3A_157 = tpu.memref_squeeze %dma_start3A_156 : memref<1x80x128xi32, #tpu.memory_space<hbm>> -> memref<80x128xi32, #tpu.memory_space<hbm>>
      tpu.enqueue_dma source(%dma_start3A_157 : memref<80x128xi32, #tpu.memory_space<hbm>>) target(%arg8 : memref<80x128xi32, #tpu.memory_space<vmem>>) target_semaphore(%run_scoped3A : memref<!tpu.dma_semaphore, #tpu.memory_space<semaphore_mem>>)
      %dma_wait3A_158 = arith.constant 0 : i32
      %dma_wait3A_159 = arith.constant 0 : i32
      %dma_wait3A_160 = tpu.memref_slice %arg3[%add3A, %dma_wait3A_158, %dma_wait3A_159] : memref<32x80x128xi32, #tpu.memory_space<hbm>> -> memref<1x80x128xi32, #tpu.memory_space<hbm>>
      %dma_wait3A_161 = tpu.memref_squeeze %dma_wait3A_160 : memref<1x80x128xi32, #tpu.memory_space<hbm>> -> memref<80x128xi32, #tpu.memory_space<hbm>>
      %dma_wait3A_162 = arith.constant 0 : i32
      %dma_wait3A_163 = arith.constant 0 : i32
      %dma_wait3A_164 = tpu.memref_slice %arg3[%add3A, %dma_wait3A_162, %dma_wait3A_163] : memref<32x80x128xi32, #tpu.memory_space<hbm>> -> memref<1x80x128xi32, #tpu.memory_space<hbm>>
      %dma_wait3A_165 = tpu.memref_squeeze %dma_wait3A_164 : memref<1x80x128xi32, #tpu.memory_space<hbm>> -> memref<80x128xi32, #tpu.memory_space<hbm>>
      tpu.wait_dma2 semaphore(%run_scoped3A : memref<!tpu.dma_semaphore, #tpu.memory_space<semaphore_mem>>) src(%dma_wait3A_165 : memref<80x128xi32, #tpu.memory_space<hbm>>) dst(%arg8 : memref<80x128xi32, #tpu.memory_space<vmem>>)
      tpu.yield
    }) : () -> ()
    "tpu.region"() ({
      %run_scoped3A = tpu.sem_alloc : memref<!tpu.dma_semaphore, #tpu.memory_space<semaphore_mem>>
      %dma_start3A_150 = arith.constant 0 : i32
      %dma_start3A_151 = tpu.memref_slice %arg17[%mul3A_2, %dma_start3A_150] : memref<10112x64xf32, #tpu.memory_space<vmem_shared>> -> memref<632x64xf32, #tpu.memory_space<vmem_shared>>
      tpu.enqueue_dma source(%arg5 : memref<632x64xf32, #tpu.memory_space<hbm>>) target(%dma_start3A_151 : memref<632x64xf32, #tpu.memory_space<vmem_shared>>) target_semaphore(%run_scoped3A : memref<!tpu.dma_semaphore, #tpu.memory_space<semaphore_mem>>)
      %dma_wait3A_152 = arith.constant 0 : i32
      %dma_wait3A_153 = tpu.memref_slice %arg17[%mul3A_2, %dma_wait3A_152] : memref<10112x64xf32, #tpu.memory_space<vmem_shared>> -> memref<632x64xf32, #tpu.memory_space<vmem_shared>>
      tpu.wait_dma2 semaphore(%run_scoped3A : memref<!tpu.dma_semaphore, #tpu.memory_space<semaphore_mem>>) src(%arg5 : memref<632x64xf32, #tpu.memory_space<hbm>>) dst(%dma_wait3A_153 : memref<632x64xf32, #tpu.memory_space<vmem_shared>>)
      tpu.yield
    }) : () -> ()
    %barrier3A = arith.constant 0 : index
    tpu.barrier barrier_id(%barrier3A)
    %scan3A = arith.constant 0 : i32
    %scan3A_73 = arith.constant 0 : i32
    %scan3A_74 = arith.constant 10 : i32
    %scan3A_75 = arith.addi %scan3A_73, %scan3A_74 : i32
    %scan3A_76 = arith.constant 1 : i32
    scf.for %scan3A_150 = %scan3A_73 to %scan3A_75 step %scan3A_76  : i32 {
      %mul3A_151 = arith.constant 8 : i32
      %mul3A_152 = arith.muli %scan3A_150, %mul3A_151 : i32
      %add3A_153 = arith.constant 0 : i32
      %add3A_154 = arith.addi %mul3A_152, %add3A_153 : i32
      %min3A_155 = arith.constant 79 : i32
      %min3A_156 = arith.minsi %add3A_154, %min3A_155 : i32
      %dma_wait3A_157 = arith.constant 0 : i32
      %dma_wait3A_158 = tpu.memref_slice %arg7[%min3A_156, %dma_wait3A_157] : memref<80x128xi32, #tpu.memory_space<vmem>> -> memref<1x128xi32, #tpu.memory_space<vmem>>
      %dma_wait3A_159 = tpu.memref_squeeze %dma_wait3A_158 : memref<1x128xi32, #tpu.memory_space<vmem>> -> memref<128xi32, #tpu.memory_space<vmem>>
      %dma_wait3A_160 = arith.constant 0 : i32
      %dma_wait3A_161 = arith.constant 0 : i32
      %dma_wait3A_162 = tpu.memref_slice %arg4[%dma_wait3A_160, %dma_wait3A_161] : memref<10112x64xf32, #tpu.memory_space<hbm>> -> memref<10112x64xf32, #tpu.memory_space<hbm>>
      tpu.wait_indirect_dma semaphore(%arg21 : memref<!tpu.dma_semaphore, #tpu.memory_space<semaphore_mem>>) src(%dma_wait3A_162 : memref<10112x64xf32, #tpu.memory_space<hbm>>) dst(%arg9 : memref<128x64xf32, #tpu.memory_space<vmem>>)
      %add3A_163 = arith.constant 0 : i32
      %add3A_164 = arith.addi %mul3A_152, %add3A_163 : i32
      %dma_start3A_165 = arith.constant 0 : i32
      %dma_start3A_166 = tpu.memref_slice %arg8[%add3A_164, %dma_start3A_165] : memref<80x128xi32, #tpu.memory_space<vmem>> -> memref<1x128xi32, #tpu.memory_space<vmem>>
      %dma_start3A_167 = tpu.memref_squeeze %dma_start3A_166 : memref<1x128xi32, #tpu.memory_space<vmem>> -> memref<128xi32, #tpu.memory_space<vmem>>
      %dma_start3A_168 = arith.constant 0 : i32
      %dma_start3A_169 = arith.constant 0 : i32
      %dma_start3A_170 = tpu.memref_slice %arg17[%dma_start3A_168, %dma_start3A_169] : memref<10112x64xf32, #tpu.memory_space<vmem_shared>> -> memref<10112x64xf32, #tpu.memory_space<vmem_shared>>
      tpu.enqueue_indirect_dma source(%arg9 : memref<128x64xf32, #tpu.memory_space<vmem>>) target(%dma_start3A_170 : memref<10112x64xf32, #tpu.memory_space<vmem_shared>>) offsets(%dma_start3A_167 : memref<128xi32, #tpu.memory_space<vmem>>) semaphore(%arg29 : memref<!tpu.dma_semaphore, #tpu.memory_space<semaphore_mem>>) {add = true}
      %add3A_171 = arith.constant 1 : i32
      %add3A_172 = arith.addi %mul3A_152, %add3A_171 : i32
      %min3A_173 = arith.constant 79 : i32
      %min3A_174 = arith.minsi %add3A_172, %min3A_173 : i32
      %dma_wait3A_175 = arith.constant 0 : i32
      %dma_wait3A_176 = tpu.memref_slice %arg7[%min3A_174, %dma_wait3A_175] : memref<80x128xi32, #tpu.memory_space<vmem>> -> memref<1x128xi32, #tpu.memory_space<vmem>>
      %dma_wait3A_177 = tpu.memref_squeeze %dma_wait3A_176 : memref<1x128xi32, #tpu.memory_space<vmem>> -> memref<128xi32, #tpu.memory_space<vmem>>
      %dma_wait3A_178 = arith.constant 0 : i32
      %dma_wait3A_179 = arith.constant 0 : i32
      %dma_wait3A_180 = tpu.memref_slice %arg4[%dma_wait3A_178, %dma_wait3A_179] : memref<10112x64xf32, #tpu.memory_space<hbm>> -> memref<10112x64xf32, #tpu.memory_space<hbm>>
      tpu.wait_indirect_dma semaphore(%arg22 : memref<!tpu.dma_semaphore, #tpu.memory_space<semaphore_mem>>) src(%dma_wait3A_180 : memref<10112x64xf32, #tpu.memory_space<hbm>>) dst(%arg10 : memref<128x64xf32, #tpu.memory_space<vmem>>)
      %add3A_181 = arith.constant 1 : i32
      %add3A_182 = arith.addi %mul3A_152, %add3A_181 : i32
      %dma_start3A_183 = arith.constant 0 : i32
      %dma_start3A_184 = tpu.memref_slice %arg8[%add3A_182, %dma_start3A_183] : memref<80x128xi32, #tpu.memory_space<vmem>> -> memref<1x128xi32, #tpu.memory_space<vmem>>
      %dma_start3A_185 = tpu.memref_squeeze %dma_start3A_184 : memref<1x128xi32, #tpu.memory_space<vmem>> -> memref<128xi32, #tpu.memory_space<vmem>>
      %dma_start3A_186 = arith.constant 0 : i32
      %dma_start3A_187 = arith.constant 0 : i32
      %dma_start3A_188 = tpu.memref_slice %arg17[%dma_start3A_186, %dma_start3A_187] : memref<10112x64xf32, #tpu.memory_space<vmem_shared>> -> memref<10112x64xf32, #tpu.memory_space<vmem_shared>>
      tpu.enqueue_indirect_dma source(%arg10 : memref<128x64xf32, #tpu.memory_space<vmem>>) target(%dma_start3A_188 : memref<10112x64xf32, #tpu.memory_space<vmem_shared>>) offsets(%dma_start3A_185 : memref<128xi32, #tpu.memory_space<vmem>>) semaphore(%arg30 : memref<!tpu.dma_semaphore, #tpu.memory_space<semaphore_mem>>) {add = true}
      %add3A_189 = arith.constant 2 : i32
      %add3A_190 = arith.addi %mul3A_152, %add3A_189 : i32
      %min3A_191 = arith.constant 79 : i32
      %min3A_192 = arith.minsi %add3A_190, %min3A_191 : i32
      %dma_wait3A_193 = arith.constant 0 : i32
      %dma_wait3A_194 = tpu.memref_slice %arg7[%min3A_192, %dma_wait3A_193] : memref<80x128xi32, #tpu.memory_space<vmem>> -> memref<1x128xi32, #tpu.memory_space<vmem>>
      %dma_wait3A_195 = tpu.memref_squeeze %dma_wait3A_194 : memref<1x128xi32, #tpu.memory_space<vmem>> -> memref<128xi32, #tpu.memory_space<vmem>>
      %dma_wait3A_196 = arith.constant 0 : i32
      %dma_wait3A_197 = arith.constant 0 : i32
      %dma_wait3A_198 = tpu.memref_slice %arg4[%dma_wait3A_196, %dma_wait3A_197] : memref<10112x64xf32, #tpu.memory_space<hbm>> -> memref<10112x64xf32, #tpu.memory_space<hbm>>
      tpu.wait_indirect_dma semaphore(%arg23 : memref<!tpu.dma_semaphore, #tpu.memory_space<semaphore_mem>>) src(%dma_wait3A_198 : memref<10112x64xf32, #tpu.memory_space<hbm>>) dst(%arg11 : memref<128x64xf32, #tpu.memory_space<vmem>>)
      %add3A_199 = arith.constant 2 : i32
      %add3A_200 = arith.addi %mul3A_152, %add3A_199 : i32
      %dma_start3A_201 = arith.constant 0 : i32
      %dma_start3A_202 = tpu.memref_slice %arg8[%add3A_200, %dma_start3A_201] : memref<80x128xi32, #tpu.memory_space<vmem>> -> memref<1x128xi32, #tpu.memory_space<vmem>>
      %dma_start3A_203 = tpu.memref_squeeze %dma_start3A_202 : memref<1x128xi32, #tpu.memory_space<vmem>> -> memref<128xi32, #tpu.memory_space<vmem>>
      %dma_start3A_204 = arith.constant 0 : i32
      %dma_start3A_205 = arith.constant 0 : i32
      %dma_start3A_206 = tpu.memref_slice %arg17[%dma_start3A_204, %dma_start3A_205] : memref<10112x64xf32, #tpu.memory_space<vmem_shared>> -> memref<10112x64xf32, #tpu.memory_space<vmem_shared>>
      tpu.enqueue_indirect_dma source(%arg11 : memref<128x64xf32, #tpu.memory_space<vmem>>) target(%dma_start3A_206 : memref<10112x64xf32, #tpu.memory_space<vmem_shared>>) offsets(%dma_start3A_203 : memref<128xi32, #tpu.memory_space<vmem>>) semaphore(%arg31 : memref<!tpu.dma_semaphore, #tpu.memory_space<semaphore_mem>>) {add = true}
      %add3A_207 = arith.constant 3 : i32
      %add3A_208 = arith.addi %mul3A_152, %add3A_207 : i32
      %min3A_209 = arith.constant 79 : i32
      %min3A_210 = arith.minsi %add3A_208, %min3A_209 : i32
      %dma_wait3A_211 = arith.constant 0 : i32
      %dma_wait3A_212 = tpu.memref_slice %arg7[%min3A_210, %dma_wait3A_211] : memref<80x128xi32, #tpu.memory_space<vmem>> -> memref<1x128xi32, #tpu.memory_space<vmem>>
      %dma_wait3A_213 = tpu.memref_squeeze %dma_wait3A_212 : memref<1x128xi32, #tpu.memory_space<vmem>> -> memref<128xi32, #tpu.memory_space<vmem>>
      %dma_wait3A_214 = arith.constant 0 : i32
      %dma_wait3A_215 = arith.constant 0 : i32
      %dma_wait3A_216 = tpu.memref_slice %arg4[%dma_wait3A_214, %dma_wait3A_215] : memref<10112x64xf32, #tpu.memory_space<hbm>> -> memref<10112x64xf32, #tpu.memory_space<hbm>>
      tpu.wait_indirect_dma semaphore(%arg24 : memref<!tpu.dma_semaphore, #tpu.memory_space<semaphore_mem>>) src(%dma_wait3A_216 : memref<10112x64xf32, #tpu.memory_space<hbm>>) dst(%arg12 : memref<128x64xf32, #tpu.memory_space<vmem>>)
      %add3A_217 = arith.constant 3 : i32
      %add3A_218 = arith.addi %mul3A_152, %add3A_217 : i32
      %dma_start3A_219 = arith.constant 0 : i32
      %dma_start3A_220 = tpu.memref_slice %arg8[%add3A_218, %dma_start3A_219] : memref<80x128xi32, #tpu.memory_space<vmem>> -> memref<1x128xi32, #tpu.memory_space<vmem>>
      %dma_start3A_221 = tpu.memref_squeeze %dma_start3A_220 : memref<1x128xi32, #tpu.memory_space<vmem>> -> memref<128xi32, #tpu.memory_space<vmem>>
      %dma_start3A_222 = arith.constant 0 : i32
      %dma_start3A_223 = arith.constant 0 : i32
      %dma_start3A_224 = tpu.memref_slice %arg17[%dma_start3A_222, %dma_start3A_223] : memref<10112x64xf32, #tpu.memory_space<vmem_shared>> -> memref<10112x64xf32, #tpu.memory_space<vmem_shared>>
      tpu.enqueue_indirect_dma source(%arg12 : memref<128x64xf32, #tpu.memory_space<vmem>>) target(%dma_start3A_224 : memref<10112x64xf32, #tpu.memory_space<vmem_shared>>) offsets(%dma_start3A_221 : memref<128xi32, #tpu.memory_space<vmem>>) semaphore(%arg32 : memref<!tpu.dma_semaphore, #tpu.memory_space<semaphore_mem>>) {add = true}
      %add3A_225 = arith.constant 4 : i32
      %add3A_226 = arith.addi %mul3A_152, %add3A_225 : i32
      %min3A_227 = arith.constant 79 : i32
      %min3A_228 = arith.minsi %add3A_226, %min3A_227 : i32
      %dma_wait3A_229 = arith.constant 0 : i32
      %dma_wait3A_230 = tpu.memref_slice %arg7[%min3A_228, %dma_wait3A_229] : memref<80x128xi32, #tpu.memory_space<vmem>> -> memref<1x128xi32, #tpu.memory_space<vmem>>
      %dma_wait3A_231 = tpu.memref_squeeze %dma_wait3A_230 : memref<1x128xi32, #tpu.memory_space<vmem>> -> memref<128xi32, #tpu.memory_space<vmem>>
      %dma_wait3A_232 = arith.constant 0 : i32
      %dma_wait3A_233 = arith.constant 0 : i32
      %dma_wait3A_234 = tpu.memref_slice %arg4[%dma_wait3A_232, %dma_wait3A_233] : memref<10112x64xf32, #tpu.memory_space<hbm>> -> memref<10112x64xf32, #tpu.memory_space<hbm>>
      tpu.wait_indirect_dma semaphore(%arg25 : memref<!tpu.dma_semaphore, #tpu.memory_space<semaphore_mem>>) src(%dma_wait3A_234 : memref<10112x64xf32, #tpu.memory_space<hbm>>) dst(%arg13 : memref<128x64xf32, #tpu.memory_space<vmem>>)
      %add3A_235 = arith.constant 4 : i32
      %add3A_236 = arith.addi %mul3A_152, %add3A_235 : i32
      %dma_start3A_237 = arith.constant 0 : i32
      %dma_start3A_238 = tpu.memref_slice %arg8[%add3A_236, %dma_start3A_237] : memref<80x128xi32, #tpu.memory_space<vmem>> -> memref<1x128xi32, #tpu.memory_space<vmem>>
      %dma_start3A_239 = tpu.memref_squeeze %dma_start3A_238 : memref<1x128xi32, #tpu.memory_space<vmem>> -> memref<128xi32, #tpu.memory_space<vmem>>
      %dma_start3A_240 = arith.constant 0 : i32
      %dma_start3A_241 = arith.constant 0 : i32
      %dma_start3A_242 = tpu.memref_slice %arg17[%dma_start3A_240, %dma_start3A_241] : memref<10112x64xf32, #tpu.memory_space<vmem_shared>> -> memref<10112x64xf32, #tpu.memory_space<vmem_shared>>
      tpu.enqueue_indirect_dma source(%arg13 : memref<128x64xf32, #tpu.memory_space<vmem>>) target(%dma_start3A_242 : memref<10112x64xf32, #tpu.memory_space<vmem_shared>>) offsets(%dma_start3A_239 : memref<128xi32, #tpu.memory_space<vmem>>) semaphore(%arg33 : memref<!tpu.dma_semaphore, #tpu.memory_space<semaphore_mem>>) {add = true}
      %add3A_243 = arith.constant 5 : i32
      %add3A_244 = arith.addi %mul3A_152, %add3A_243 : i32
      %min3A_245 = arith.constant 79 : i32
      %min3A_246 = arith.minsi %add3A_244, %min3A_245 : i32
      %dma_wait3A_247 = arith.constant 0 : i32
      %dma_wait3A_248 = tpu.memref_slice %arg7[%min3A_246, %dma_wait3A_247] : memref<80x128xi32, #tpu.memory_space<vmem>> -> memref<1x128xi32, #tpu.memory_space<vmem>>
      %dma_wait3A_249 = tpu.memref_squeeze %dma_wait3A_248 : memref<1x128xi32, #tpu.memory_space<vmem>> -> memref<128xi32, #tpu.memory_space<vmem>>
      %dma_wait3A_250 = arith.constant 0 : i32
      %dma_wait3A_251 = arith.constant 0 : i32
      %dma_wait3A_252 = tpu.memref_slice %arg4[%dma_wait3A_250, %dma_wait3A_251] : memref<10112x64xf32, #tpu.memory_space<hbm>> -> memref<10112x64xf32, #tpu.memory_space<hbm>>
      tpu.wait_indirect_dma semaphore(%arg26 : memref<!tpu.dma_semaphore, #tpu.memory_space<semaphore_mem>>) src(%dma_wait3A_252 : memref<10112x64xf32, #tpu.memory_space<hbm>>) dst(%arg14 : memref<128x64xf32, #tpu.memory_space<vmem>>)
      %add3A_253 = arith.constant 5 : i32
      %add3A_254 = arith.addi %mul3A_152, %add3A_253 : i32
      %dma_start3A_255 = arith.constant 0 : i32
      %dma_start3A_256 = tpu.memref_slice %arg8[%add3A_254, %dma_start3A_255] : memref<80x128xi32, #tpu.memory_space<vmem>> -> memref<1x128xi32, #tpu.memory_space<vmem>>
      %dma_start3A_257 = tpu.memref_squeeze %dma_start3A_256 : memref<1x128xi32, #tpu.memory_space<vmem>> -> memref<128xi32, #tpu.memory_space<vmem>>
      %dma_start3A_258 = arith.constant 0 : i32
      %dma_start3A_259 = arith.constant 0 : i32
      %dma_start3A_260 = tpu.memref_slice %arg17[%dma_start3A_258, %dma_start3A_259] : memref<10112x64xf32, #tpu.memory_space<vmem_shared>> -> memref<10112x64xf32, #tpu.memory_space<vmem_shared>>
      tpu.enqueue_indirect_dma source(%arg14 : memref<128x64xf32, #tpu.memory_space<vmem>>) target(%dma_start3A_260 : memref<10112x64xf32, #tpu.memory_space<vmem_shared>>) offsets(%dma_start3A_257 : memref<128xi32, #tpu.memory_space<vmem>>) semaphore(%arg34 : memref<!tpu.dma_semaphore, #tpu.memory_space<semaphore_mem>>) {add = true}
      %add3A_261 = arith.constant 6 : i32
      %add3A_262 = arith.addi %mul3A_152, %add3A_261 : i32
      %min3A_263 = arith.constant 79 : i32
      %min3A_264 = arith.minsi %add3A_262, %min3A_263 : i32
      %dma_wait3A_265 = arith.constant 0 : i32
      %dma_wait3A_266 = tpu.memref_slice %arg7[%min3A_264, %dma_wait3A_265] : memref<80x128xi32, #tpu.memory_space<vmem>> -> memref<1x128xi32, #tpu.memory_space<vmem>>
      %dma_wait3A_267 = tpu.memref_squeeze %dma_wait3A_266 : memref<1x128xi32, #tpu.memory_space<vmem>> -> memref<128xi32, #tpu.memory_space<vmem>>
      %dma_wait3A_268 = arith.constant 0 : i32
      %dma_wait3A_269 = arith.constant 0 : i32
      %dma_wait3A_270 = tpu.memref_slice %arg4[%dma_wait3A_268, %dma_wait3A_269] : memref<10112x64xf32, #tpu.memory_space<hbm>> -> memref<10112x64xf32, #tpu.memory_space<hbm>>
      tpu.wait_indirect_dma semaphore(%arg27 : memref<!tpu.dma_semaphore, #tpu.memory_space<semaphore_mem>>) src(%dma_wait3A_270 : memref<10112x64xf32, #tpu.memory_space<hbm>>) dst(%arg15 : memref<128x64xf32, #tpu.memory_space<vmem>>)
      %add3A_271 = arith.constant 6 : i32
      %add3A_272 = arith.addi %mul3A_152, %add3A_271 : i32
      %dma_start3A_273 = arith.constant 0 : i32
      %dma_start3A_274 = tpu.memref_slice %arg8[%add3A_272, %dma_start3A_273] : memref<80x128xi32, #tpu.memory_space<vmem>> -> memref<1x128xi32, #tpu.memory_space<vmem>>
      %dma_start3A_275 = tpu.memref_squeeze %dma_start3A_274 : memref<1x128xi32, #tpu.memory_space<vmem>> -> memref<128xi32, #tpu.memory_space<vmem>>
      %dma_start3A_276 = arith.constant 0 : i32
      %dma_start3A_277 = arith.constant 0 : i32
      %dma_start3A_278 = tpu.memref_slice %arg17[%dma_start3A_276, %dma_start3A_277] : memref<10112x64xf32, #tpu.memory_space<vmem_shared>> -> memref<10112x64xf32, #tpu.memory_space<vmem_shared>>
      tpu.enqueue_indirect_dma source(%arg15 : memref<128x64xf32, #tpu.memory_space<vmem>>) target(%dma_start3A_278 : memref<10112x64xf32, #tpu.memory_space<vmem_shared>>) offsets(%dma_start3A_275 : memref<128xi32, #tpu.memory_space<vmem>>) semaphore(%arg35 : memref<!tpu.dma_semaphore, #tpu.memory_space<semaphore_mem>>) {add = true}
      %add3A_279 = arith.constant 7 : i32
      %add3A_280 = arith.addi %mul3A_152, %add3A_279 : i32
      %min3A_281 = arith.constant 79 : i32
      %min3A_282 = arith.minsi %add3A_280, %min3A_281 : i32
      %dma_wait3A_283 = arith.constant 0 : i32
      %dma_wait3A_284 = tpu.memref_slice %arg7[%min3A_282, %dma_wait3A_283] : memref<80x128xi32, #tpu.memory_space<vmem>> -> memref<1x128xi32, #tpu.memory_space<vmem>>
      %dma_wait3A_285 = tpu.memref_squeeze %dma_wait3A_284 : memref<1x128xi32, #tpu.memory_space<vmem>> -> memref<128xi32, #tpu.memory_space<vmem>>
      %dma_wait3A_286 = arith.constant 0 : i32
      %dma_wait3A_287 = arith.constant 0 : i32
      %dma_wait3A_288 = tpu.memref_slice %arg4[%dma_wait3A_286, %dma_wait3A_287] : memref<10112x64xf32, #tpu.memory_space<hbm>> -> memref<10112x64xf32, #tpu.memory_space<hbm>>
      tpu.wait_indirect_dma semaphore(%arg28 : memref<!tpu.dma_semaphore, #tpu.memory_space<semaphore_mem>>) src(%dma_wait3A_288 : memref<10112x64xf32, #tpu.memory_space<hbm>>) dst(%arg16 : memref<128x64xf32, #tpu.memory_space<vmem>>)
      %add3A_289 = arith.constant 7 : i32
      %add3A_290 = arith.addi %mul3A_152, %add3A_289 : i32
      %dma_start3A_291 = arith.constant 0 : i32
      %dma_start3A_292 = tpu.memref_slice %arg8[%add3A_290, %dma_start3A_291] : memref<80x128xi32, #tpu.memory_space<vmem>> -> memref<1x128xi32, #tpu.memory_space<vmem>>
      %dma_start3A_293 = tpu.memref_squeeze %dma_start3A_292 : memref<1x128xi32, #tpu.memory_space<vmem>> -> memref<128xi32, #tpu.memory_space<vmem>>
      %dma_start3A_294 = arith.constant 0 : i32
      %dma_start3A_295 = arith.constant 0 : i32
      %dma_start3A_296 = tpu.memref_slice %arg17[%dma_start3A_294, %dma_start3A_295] : memref<10112x64xf32, #tpu.memory_space<vmem_shared>> -> memref<10112x64xf32, #tpu.memory_space<vmem_shared>>
      tpu.enqueue_indirect_dma source(%arg16 : memref<128x64xf32, #tpu.memory_space<vmem>>) target(%dma_start3A_296 : memref<10112x64xf32, #tpu.memory_space<vmem_shared>>) offsets(%dma_start3A_293 : memref<128xi32, #tpu.memory_space<vmem>>) semaphore(%arg36 : memref<!tpu.dma_semaphore, #tpu.memory_space<semaphore_mem>>) {add = true}
      %add3A_297 = arith.constant 0 : i32
      %add3A_298 = arith.addi %mul3A_152, %add3A_297 : i32
      %dma_wait3A_299 = arith.constant 0 : i32
      %dma_wait3A_300 = tpu.memref_slice %arg8[%add3A_298, %dma_wait3A_299] : memref<80x128xi32, #tpu.memory_space<vmem>> -> memref<1x128xi32, #tpu.memory_space<vmem>>
      %dma_wait3A_301 = tpu.memref_squeeze %dma_wait3A_300 : memref<1x128xi32, #tpu.memory_space<vmem>> -> memref<128xi32, #tpu.memory_space<vmem>>
      %dma_wait3A_302 = arith.constant 0 : i32
      %dma_wait3A_303 = arith.constant 0 : i32
      %dma_wait3A_304 = tpu.memref_slice %arg17[%dma_wait3A_302, %dma_wait3A_303] : memref<10112x64xf32, #tpu.memory_space<vmem_shared>> -> memref<10112x64xf32, #tpu.memory_space<vmem_shared>>
      tpu.wait_indirect_dma semaphore(%arg29 : memref<!tpu.dma_semaphore, #tpu.memory_space<semaphore_mem>>) src(%arg9 : memref<128x64xf32, #tpu.memory_space<vmem>>) dst(%dma_wait3A_304 : memref<10112x64xf32, #tpu.memory_space<vmem_shared>>)
      %add3A_305 = arith.constant 8 : i32
      %add3A_306 = arith.addi %mul3A_152, %add3A_305 : i32
      %add3A_307 = arith.constant 0 : i32
      %add3A_308 = arith.addi %add3A_306, %add3A_307 : i32
      %min3A_309 = arith.constant 79 : i32
      %min3A_310 = arith.minsi %add3A_308, %min3A_309 : i32
      %dma_start3A_311 = arith.constant 0 : i32
      %dma_start3A_312 = tpu.memref_slice %arg7[%min3A_310, %dma_start3A_311] : memref<80x128xi32, #tpu.memory_space<vmem>> -> memref<1x128xi32, #tpu.memory_space<vmem>>
      %dma_start3A_313 = tpu.memref_squeeze %dma_start3A_312 : memref<1x128xi32, #tpu.memory_space<vmem>> -> memref<128xi32, #tpu.memory_space<vmem>>
      %dma_start3A_314 = arith.constant 0 : i32
      %dma_start3A_315 = arith.constant 0 : i32
      %dma_start3A_316 = tpu.memref_slice %arg4[%dma_start3A_314, %dma_start3A_315] : memref<10112x64xf32, #tpu.memory_space<hbm>> -> memref<10112x64xf32, #tpu.memory_space<hbm>>
      tpu.enqueue_indirect_dma source(%dma_start3A_316 : memref<10112x64xf32, #tpu.memory_space<hbm>>) target(%arg9 : memref<128x64xf32, #tpu.memory_space<vmem>>) offsets(%dma_start3A_313 : memref<128xi32, #tpu.memory_space<vmem>>) semaphore(%arg21 : memref<!tpu.dma_semaphore, #tpu.memory_space<semaphore_mem>>)
      %add3A_317 = arith.constant 1 : i32
      %add3A_318 = arith.addi %mul3A_152, %add3A_317 : i32
      %dma_wait3A_319 = arith.constant 0 : i32
      %dma_wait3A_320 = tpu.memref_slice %arg8[%add3A_318, %dma_wait3A_319] : memref<80x128xi32, #tpu.memory_space<vmem>> -> memref<1x128xi32, #tpu.memory_space<vmem>>
      %dma_wait3A_321 = tpu.memref_squeeze %dma_wait3A_320 : memref<1x128xi32, #tpu.memory_space<vmem>> -> memref<128xi32, #tpu.memory_space<vmem>>
      %dma_wait3A_322 = arith.constant 0 : i32
      %dma_wait3A_323 = arith.constant 0 : i32
      %dma_wait3A_324 = tpu.memref_slice %arg17[%dma_wait3A_322, %dma_wait3A_323] : memref<10112x64xf32, #tpu.memory_space<vmem_shared>> -> memref<10112x64xf32, #tpu.memory_space<vmem_shared>>
      tpu.wait_indirect_dma semaphore(%arg30 : memref<!tpu.dma_semaphore, #tpu.memory_space<semaphore_mem>>) src(%arg10 : memref<128x64xf32, #tpu.memory_space<vmem>>) dst(%dma_wait3A_324 : memref<10112x64xf32, #tpu.memory_space<vmem_shared>>)
      %add3A_325 = arith.constant 8 : i32
      %add3A_326 = arith.addi %mul3A_152, %add3A_325 : i32
      %add3A_327 = arith.constant 1 : i32
      %add3A_328 = arith.addi %add3A_326, %add3A_327 : i32
      %min3A_329 = arith.constant 79 : i32
      %min3A_330 = arith.minsi %add3A_328, %min3A_329 : i32
      %dma_start3A_331 = arith.constant 0 : i32
      %dma_start3A_332 = tpu.memref_slice %arg7[%min3A_330, %dma_start3A_331] : memref<80x128xi32, #tpu.memory_space<vmem>> -> memref<1x128xi32, #tpu.memory_space<vmem>>
      %dma_start3A_333 = tpu.memref_squeeze %dma_start3A_332 : memref<1x128xi32, #tpu.memory_space<vmem>> -> memref<128xi32, #tpu.memory_space<vmem>>
      %dma_start3A_334 = arith.constant 0 : i32
      %dma_start3A_335 = arith.constant 0 : i32
      %dma_start3A_336 = tpu.memref_slice %arg4[%dma_start3A_334, %dma_start3A_335] : memref<10112x64xf32, #tpu.memory_space<hbm>> -> memref<10112x64xf32, #tpu.memory_space<hbm>>
      tpu.enqueue_indirect_dma source(%dma_start3A_336 : memref<10112x64xf32, #tpu.memory_space<hbm>>) target(%arg10 : memref<128x64xf32, #tpu.memory_space<vmem>>) offsets(%dma_start3A_333 : memref<128xi32, #tpu.memory_space<vmem>>) semaphore(%arg22 : memref<!tpu.dma_semaphore, #tpu.memory_space<semaphore_mem>>)
      %add3A_337 = arith.constant 2 : i32
      %add3A_338 = arith.addi %mul3A_152, %add3A_337 : i32
      %dma_wait3A_339 = arith.constant 0 : i32
      %dma_wait3A_340 = tpu.memref_slice %arg8[%add3A_338, %dma_wait3A_339] : memref<80x128xi32, #tpu.memory_space<vmem>> -> memref<1x128xi32, #tpu.memory_space<vmem>>
      %dma_wait3A_341 = tpu.memref_squeeze %dma_wait3A_340 : memref<1x128xi32, #tpu.memory_space<vmem>> -> memref<128xi32, #tpu.memory_space<vmem>>
      %dma_wait3A_342 = arith.constant 0 : i32
      %dma_wait3A_343 = arith.constant 0 : i32
      %dma_wait3A_344 = tpu.memref_slice %arg17[%dma_wait3A_342, %dma_wait3A_343] : memref<10112x64xf32, #tpu.memory_space<vmem_shared>> -> memref<10112x64xf32, #tpu.memory_space<vmem_shared>>
      tpu.wait_indirect_dma semaphore(%arg31 : memref<!tpu.dma_semaphore, #tpu.memory_space<semaphore_mem>>) src(%arg11 : memref<128x64xf32, #tpu.memory_space<vmem>>) dst(%dma_wait3A_344 : memref<10112x64xf32, #tpu.memory_space<vmem_shared>>)
      %add3A_345 = arith.constant 8 : i32
      %add3A_346 = arith.addi %mul3A_152, %add3A_345 : i32
      %add3A_347 = arith.constant 2 : i32
      %add3A_348 = arith.addi %add3A_346, %add3A_347 : i32
      %min3A_349 = arith.constant 79 : i32
      %min3A_350 = arith.minsi %add3A_348, %min3A_349 : i32
      %dma_start3A_351 = arith.constant 0 : i32
      %dma_start3A_352 = tpu.memref_slice %arg7[%min3A_350, %dma_start3A_351] : memref<80x128xi32, #tpu.memory_space<vmem>> -> memref<1x128xi32, #tpu.memory_space<vmem>>
      %dma_start3A_353 = tpu.memref_squeeze %dma_start3A_352 : memref<1x128xi32, #tpu.memory_space<vmem>> -> memref<128xi32, #tpu.memory_space<vmem>>
      %dma_start3A_354 = arith.constant 0 : i32
      %dma_start3A_355 = arith.constant 0 : i32
      %dma_start3A_356 = tpu.memref_slice %arg4[%dma_start3A_354, %dma_start3A_355] : memref<10112x64xf32, #tpu.memory_space<hbm>> -> memref<10112x64xf32, #tpu.memory_space<hbm>>
      tpu.enqueue_indirect_dma source(%dma_start3A_356 : memref<10112x64xf32, #tpu.memory_space<hbm>>) target(%arg11 : memref<128x64xf32, #tpu.memory_space<vmem>>) offsets(%dma_start3A_353 : memref<128xi32, #tpu.memory_space<vmem>>) semaphore(%arg23 : memref<!tpu.dma_semaphore, #tpu.memory_space<semaphore_mem>>)
      %add3A_357 = arith.constant 3 : i32
      %add3A_358 = arith.addi %mul3A_152, %add3A_357 : i32
      %dma_wait3A_359 = arith.constant 0 : i32
      %dma_wait3A_360 = tpu.memref_slice %arg8[%add3A_358, %dma_wait3A_359] : memref<80x128xi32, #tpu.memory_space<vmem>> -> memref<1x128xi32, #tpu.memory_space<vmem>>
      %dma_wait3A_361 = tpu.memref_squeeze %dma_wait3A_360 : memref<1x128xi32, #tpu.memory_space<vmem>> -> memref<128xi32, #tpu.memory_space<vmem>>
      %dma_wait3A_362 = arith.constant 0 : i32
      %dma_wait3A_363 = arith.constant 0 : i32
      %dma_wait3A_364 = tpu.memref_slice %arg17[%dma_wait3A_362, %dma_wait3A_363] : memref<10112x64xf32, #tpu.memory_space<vmem_shared>> -> memref<10112x64xf32, #tpu.memory_space<vmem_shared>>
      tpu.wait_indirect_dma semaphore(%arg32 : memref<!tpu.dma_semaphore, #tpu.memory_space<semaphore_mem>>) src(%arg12 : memref<128x64xf32, #tpu.memory_space<vmem>>) dst(%dma_wait3A_364 : memref<10112x64xf32, #tpu.memory_space<vmem_shared>>)
      %add3A_365 = arith.constant 8 : i32
      %add3A_366 = arith.addi %mul3A_152, %add3A_365 : i32
      %add3A_367 = arith.constant 3 : i32
      %add3A_368 = arith.addi %add3A_366, %add3A_367 : i32
      %min3A_369 = arith.constant 79 : i32
      %min3A_370 = arith.minsi %add3A_368, %min3A_369 : i32
      %dma_start3A_371 = arith.constant 0 : i32
      %dma_start3A_372 = tpu.memref_slice %arg7[%min3A_370, %dma_start3A_371] : memref<80x128xi32, #tpu.memory_space<vmem>> -> memref<1x128xi32, #tpu.memory_space<vmem>>
      %dma_start3A_373 = tpu.memref_squeeze %dma_start3A_372 : memref<1x128xi32, #tpu.memory_space<vmem>> -> memref<128xi32, #tpu.memory_space<vmem>>
      %dma_start3A_374 = arith.constant 0 : i32
      %dma_start3A_375 = arith.constant 0 : i32
      %dma_start3A_376 = tpu.memref_slice %arg4[%dma_start3A_374, %dma_start3A_375] : memref<10112x64xf32, #tpu.memory_space<hbm>> -> memref<10112x64xf32, #tpu.memory_space<hbm>>
      tpu.enqueue_indirect_dma source(%dma_start3A_376 : memref<10112x64xf32, #tpu.memory_space<hbm>>) target(%arg12 : memref<128x64xf32, #tpu.memory_space<vmem>>) offsets(%dma_start3A_373 : memref<128xi32, #tpu.memory_space<vmem>>) semaphore(%arg24 : memref<!tpu.dma_semaphore, #tpu.memory_space<semaphore_mem>>)
      %add3A_377 = arith.constant 4 : i32
      %add3A_378 = arith.addi %mul3A_152, %add3A_377 : i32
      %dma_wait3A_379 = arith.constant 0 : i32
      %dma_wait3A_380 = tpu.memref_slice %arg8[%add3A_378, %dma_wait3A_379] : memref<80x128xi32, #tpu.memory_space<vmem>> -> memref<1x128xi32, #tpu.memory_space<vmem>>
      %dma_wait3A_381 = tpu.memref_squeeze %dma_wait3A_380 : memref<1x128xi32, #tpu.memory_space<vmem>> -> memref<128xi32, #tpu.memory_space<vmem>>
      %dma_wait3A_382 = arith.constant 0 : i32
      %dma_wait3A_383 = arith.constant 0 : i32
      %dma_wait3A_384 = tpu.memref_slice %arg17[%dma_wait3A_382, %dma_wait3A_383] : memref<10112x64xf32, #tpu.memory_space<vmem_shared>> -> memref<10112x64xf32, #tpu.memory_space<vmem_shared>>
      tpu.wait_indirect_dma semaphore(%arg33 : memref<!tpu.dma_semaphore, #tpu.memory_space<semaphore_mem>>) src(%arg13 : memref<128x64xf32, #tpu.memory_space<vmem>>) dst(%dma_wait3A_384 : memref<10112x64xf32, #tpu.memory_space<vmem_shared>>)
      %add3A_385 = arith.constant 8 : i32
      %add3A_386 = arith.addi %mul3A_152, %add3A_385 : i32
      %add3A_387 = arith.constant 4 : i32
      %add3A_388 = arith.addi %add3A_386, %add3A_387 : i32
      %min3A_389 = arith.constant 79 : i32
      %min3A_390 = arith.minsi %add3A_388, %min3A_389 : i32
      %dma_start3A_391 = arith.constant 0 : i32
      %dma_start3A_392 = tpu.memref_slice %arg7[%min3A_390, %dma_start3A_391] : memref<80x128xi32, #tpu.memory_space<vmem>> -> memref<1x128xi32, #tpu.memory_space<vmem>>
      %dma_start3A_393 = tpu.memref_squeeze %dma_start3A_392 : memref<1x128xi32, #tpu.memory_space<vmem>> -> memref<128xi32, #tpu.memory_space<vmem>>
      %dma_start3A_394 = arith.constant 0 : i32
      %dma_start3A_395 = arith.constant 0 : i32
      %dma_start3A_396 = tpu.memref_slice %arg4[%dma_start3A_394, %dma_start3A_395] : memref<10112x64xf32, #tpu.memory_space<hbm>> -> memref<10112x64xf32, #tpu.memory_space<hbm>>
      tpu.enqueue_indirect_dma source(%dma_start3A_396 : memref<10112x64xf32, #tpu.memory_space<hbm>>) target(%arg13 : memref<128x64xf32, #tpu.memory_space<vmem>>) offsets(%dma_start3A_393 : memref<128xi32, #tpu.memory_space<vmem>>) semaphore(%arg25 : memref<!tpu.dma_semaphore, #tpu.memory_space<semaphore_mem>>)
      %add3A_397 = arith.constant 5 : i32
      %add3A_398 = arith.addi %mul3A_152, %add3A_397 : i32
      %dma_wait3A_399 = arith.constant 0 : i32
      %dma_wait3A_400 = tpu.memref_slice %arg8[%add3A_398, %dma_wait3A_399] : memref<80x128xi32, #tpu.memory_space<vmem>> -> memref<1x128xi32, #tpu.memory_space<vmem>>
      %dma_wait3A_401 = tpu.memref_squeeze %dma_wait3A_400 : memref<1x128xi32, #tpu.memory_space<vmem>> -> memref<128xi32, #tpu.memory_space<vmem>>
      %dma_wait3A_402 = arith.constant 0 : i32
      %dma_wait3A_403 = arith.constant 0 : i32
      %dma_wait3A_404 = tpu.memref_slice %arg17[%dma_wait3A_402, %dma_wait3A_403] : memref<10112x64xf32, #tpu.memory_space<vmem_shared>> -> memref<10112x64xf32, #tpu.memory_space<vmem_shared>>
      tpu.wait_indirect_dma semaphore(%arg34 : memref<!tpu.dma_semaphore, #tpu.memory_space<semaphore_mem>>) src(%arg14 : memref<128x64xf32, #tpu.memory_space<vmem>>) dst(%dma_wait3A_404 : memref<10112x64xf32, #tpu.memory_space<vmem_shared>>)
      %add3A_405 = arith.constant 8 : i32
      %add3A_406 = arith.addi %mul3A_152, %add3A_405 : i32
      %add3A_407 = arith.constant 5 : i32
      %add3A_408 = arith.addi %add3A_406, %add3A_407 : i32
      %min3A_409 = arith.constant 79 : i32
      %min3A_410 = arith.minsi %add3A_408, %min3A_409 : i32
      %dma_start3A_411 = arith.constant 0 : i32
      %dma_start3A_412 = tpu.memref_slice %arg7[%min3A_410, %dma_start3A_411] : memref<80x128xi32, #tpu.memory_space<vmem>> -> memref<1x128xi32, #tpu.memory_space<vmem>>
      %dma_start3A_413 = tpu.memref_squeeze %dma_start3A_412 : memref<1x128xi32, #tpu.memory_space<vmem>> -> memref<128xi32, #tpu.memory_space<vmem>>
      %dma_start3A_414 = arith.constant 0 : i32
      %dma_start3A_415 = arith.constant 0 : i32
      %dma_start3A_416 = tpu.memref_slice %arg4[%dma_start3A_414, %dma_start3A_415] : memref<10112x64xf32, #tpu.memory_space<hbm>> -> memref<10112x64xf32, #tpu.memory_space<hbm>>
      tpu.enqueue_indirect_dma source(%dma_start3A_416 : memref<10112x64xf32, #tpu.memory_space<hbm>>) target(%arg14 : memref<128x64xf32, #tpu.memory_space<vmem>>) offsets(%dma_start3A_413 : memref<128xi32, #tpu.memory_space<vmem>>) semaphore(%arg26 : memref<!tpu.dma_semaphore, #tpu.memory_space<semaphore_mem>>)
      %add3A_417 = arith.constant 6 : i32
      %add3A_418 = arith.addi %mul3A_152, %add3A_417 : i32
      %dma_wait3A_419 = arith.constant 0 : i32
      %dma_wait3A_420 = tpu.memref_slice %arg8[%add3A_418, %dma_wait3A_419] : memref<80x128xi32, #tpu.memory_space<vmem>> -> memref<1x128xi32, #tpu.memory_space<vmem>>
      %dma_wait3A_421 = tpu.memref_squeeze %dma_wait3A_420 : memref<1x128xi32, #tpu.memory_space<vmem>> -> memref<128xi32, #tpu.memory_space<vmem>>
      %dma_wait3A_422 = arith.constant 0 : i32
      %dma_wait3A_423 = arith.constant 0 : i32
      %dma_wait3A_424 = tpu.memref_slice %arg17[%dma_wait3A_422, %dma_wait3A_423] : memref<10112x64xf32, #tpu.memory_space<vmem_shared>> -> memref<10112x64xf32, #tpu.memory_space<vmem_shared>>
      tpu.wait_indirect_dma semaphore(%arg35 : memref<!tpu.dma_semaphore, #tpu.memory_space<semaphore_mem>>) src(%arg15 : memref<128x64xf32, #tpu.memory_space<vmem>>) dst(%dma_wait3A_424 : memref<10112x64xf32, #tpu.memory_space<vmem_shared>>)
      %add3A_425 = arith.constant 8 : i32
      %add3A_426 = arith.addi %mul3A_152, %add3A_425 : i32
      %add3A_427 = arith.constant 6 : i32
      %add3A_428 = arith.addi %add3A_426, %add3A_427 : i32
      %min3A_429 = arith.constant 79 : i32
      %min3A_430 = arith.minsi %add3A_428, %min3A_429 : i32
      %dma_start3A_431 = arith.constant 0 : i32
      %dma_start3A_432 = tpu.memref_slice %arg7[%min3A_430, %dma_start3A_431] : memref<80x128xi32, #tpu.memory_space<vmem>> -> memref<1x128xi32, #tpu.memory_space<vmem>>
      %dma_start3A_433 = tpu.memref_squeeze %dma_start3A_432 : memref<1x128xi32, #tpu.memory_space<vmem>> -> memref<128xi32, #tpu.memory_space<vmem>>
      %dma_start3A_434 = arith.constant 0 : i32
      %dma_start3A_435 = arith.constant 0 : i32
      %dma_start3A_436 = tpu.memref_slice %arg4[%dma_start3A_434, %dma_start3A_435] : memref<10112x64xf32, #tpu.memory_space<hbm>> -> memref<10112x64xf32, #tpu.memory_space<hbm>>
      tpu.enqueue_indirect_dma source(%dma_start3A_436 : memref<10112x64xf32, #tpu.memory_space<hbm>>) target(%arg15 : memref<128x64xf32, #tpu.memory_space<vmem>>) offsets(%dma_start3A_433 : memref<128xi32, #tpu.memory_space<vmem>>) semaphore(%arg27 : memref<!tpu.dma_semaphore, #tpu.memory_space<semaphore_mem>>)
      %add3A_437 = arith.constant 7 : i32
      %add3A_438 = arith.addi %mul3A_152, %add3A_437 : i32
      %dma_wait3A_439 = arith.constant 0 : i32
      %dma_wait3A_440 = tpu.memref_slice %arg8[%add3A_438, %dma_wait3A_439] : memref<80x128xi32, #tpu.memory_space<vmem>> -> memref<1x128xi32, #tpu.memory_space<vmem>>
      %dma_wait3A_441 = tpu.memref_squeeze %dma_wait3A_440 : memref<1x128xi32, #tpu.memory_space<vmem>> -> memref<128xi32, #tpu.memory_space<vmem>>
      %dma_wait3A_442 = arith.constant 0 : i32
      %dma_wait3A_443 = arith.constant 0 : i32
      %dma_wait3A_444 = tpu.memref_slice %arg17[%dma_wait3A_442, %dma_wait3A_443] : memref<10112x64xf32, #tpu.memory_space<vmem_shared>> -> memref<10112x64xf32, #tpu.memory_space<vmem_shared>>
      tpu.wait_indirect_dma semaphore(%arg36 : memref<!tpu.dma_semaphore, #tpu.memory_space<semaphore_mem>>) src(%arg16 : memref<128x64xf32, #tpu.memory_space<vmem>>) dst(%dma_wait3A_444 : memref<10112x64xf32, #tpu.memory_space<vmem_shared>>)
      %add3A_445 = arith.constant 8 : i32
      %add3A_446 = arith.addi %mul3A_152, %add3A_445 : i32
      %add3A_447 = arith.constant 7 : i32
      %add3A_448 = arith.addi %add3A_446, %add3A_447 : i32
      %min3A_449 = arith.constant 79 : i32
      %min3A_450 = arith.minsi %add3A_448, %min3A_449 : i32
      %dma_start3A_451 = arith.constant 0 : i32
      %dma_start3A_452 = tpu.memref_slice %arg7[%min3A_450, %dma_start3A_451] : memref<80x128xi32, #tpu.memory_space<vmem>> -> memref<1x128xi32, #tpu.memory_space<vmem>>
      %dma_start3A_453 = tpu.memref_squeeze %dma_start3A_452 : memref<1x128xi32, #tpu.memory_space<vmem>> -> memref<128xi32, #tpu.memory_space<vmem>>
      %dma_start3A_454 = arith.constant 0 : i32
      %dma_start3A_455 = arith.constant 0 : i32
      %dma_start3A_456 = tpu.memref_slice %arg4[%dma_start3A_454, %dma_start3A_455] : memref<10112x64xf32, #tpu.memory_space<hbm>> -> memref<10112x64xf32, #tpu.memory_space<hbm>>
      tpu.enqueue_indirect_dma source(%dma_start3A_456 : memref<10112x64xf32, #tpu.memory_space<hbm>>) target(%arg16 : memref<128x64xf32, #tpu.memory_space<vmem>>) offsets(%dma_start3A_453 : memref<128xi32, #tpu.memory_space<vmem>>) semaphore(%arg28 : memref<!tpu.dma_semaphore, #tpu.memory_space<semaphore_mem>>)
    }
    %scan3A_77 = arith.constant 10 : i32
    %min3A_78 = arith.constant 80 : i32
    %min3A_79 = arith.constant 79 : i32
    %min3A_80 = arith.minsi %min3A_78, %min3A_79 : i32
    %dma_wait3A = arith.constant 0 : i32
    %dma_wait3A_81 = tpu.memref_slice %arg7[%min3A_80, %dma_wait3A] : memref<80x128xi32, #tpu.memory_space<vmem>> -> memref<1x128xi32, #tpu.memory_space<vmem>>
    %dma_wait3A_82 = tpu.memref_squeeze %dma_wait3A_81 : memref<1x128xi32, #tpu.memory_space<vmem>> -> memref<128xi32, #tpu.memory_space<vmem>>
    %dma_wait3A_83 = arith.constant 0 : i32
    %dma_wait3A_84 = arith.constant 0 : i32
    %dma_wait3A_85 = tpu.memref_slice %arg4[%dma_wait3A_83, %dma_wait3A_84] : memref<10112x64xf32, #tpu.memory_space<hbm>> -> memref<10112x64xf32, #tpu.memory_space<hbm>>
    tpu.wait_indirect_dma semaphore(%arg21 : memref<!tpu.dma_semaphore, #tpu.memory_space<semaphore_mem>>) src(%dma_wait3A_85 : memref<10112x64xf32, #tpu.memory_space<hbm>>) dst(%arg9 : memref<128x64xf32, #tpu.memory_space<vmem>>)
    %min3A_86 = arith.constant 81 : i32
    %min3A_87 = arith.constant 79 : i32
    %min3A_88 = arith.minsi %min3A_86, %min3A_87 : i32
    %dma_wait3A_89 = arith.constant 0 : i32
    %dma_wait3A_90 = tpu.memref_slice %arg7[%min3A_88, %dma_wait3A_89] : memref<80x128xi32, #tpu.memory_space<vmem>> -> memref<1x128xi32, #tpu.memory_space<vmem>>
    %dma_wait3A_91 = tpu.memref_squeeze %dma_wait3A_90 : memref<1x128xi32, #tpu.memory_space<vmem>> -> memref<128xi32, #tpu.memory_space<vmem>>
    %dma_wait3A_92 = arith.constant 0 : i32
    %dma_wait3A_93 = arith.constant 0 : i32
    %dma_wait3A_94 = tpu.memref_slice %arg4[%dma_wait3A_92, %dma_wait3A_93] : memref<10112x64xf32, #tpu.memory_space<hbm>> -> memref<10112x64xf32, #tpu.memory_space<hbm>>
    tpu.wait_indirect_dma semaphore(%arg22 : memref<!tpu.dma_semaphore, #tpu.memory_space<semaphore_mem>>) src(%dma_wait3A_94 : memref<10112x64xf32, #tpu.memory_space<hbm>>) dst(%arg10 : memref<128x64xf32, #tpu.memory_space<vmem>>)
    %min3A_95 = arith.constant 82 : i32
    %min3A_96 = arith.constant 79 : i32
    %min3A_97 = arith.minsi %min3A_95, %min3A_96 : i32
    %dma_wait3A_98 = arith.constant 0 : i32
    %dma_wait3A_99 = tpu.memref_slice %arg7[%min3A_97, %dma_wait3A_98] : memref<80x128xi32, #tpu.memory_space<vmem>> -> memref<1x128xi32, #tpu.memory_space<vmem>>
    %dma_wait3A_100 = tpu.memref_squeeze %dma_wait3A_99 : memref<1x128xi32, #tpu.memory_space<vmem>> -> memref<128xi32, #tpu.memory_space<vmem>>
    %dma_wait3A_101 = arith.constant 0 : i32
    %dma_wait3A_102 = arith.constant 0 : i32
    %dma_wait3A_103 = tpu.memref_slice %arg4[%dma_wait3A_101, %dma_wait3A_102] : memref<10112x64xf32, #tpu.memory_space<hbm>> -> memref<10112x64xf32, #tpu.memory_space<hbm>>
    tpu.wait_indirect_dma semaphore(%arg23 : memref<!tpu.dma_semaphore, #tpu.memory_space<semaphore_mem>>) src(%dma_wait3A_103 : memref<10112x64xf32, #tpu.memory_space<hbm>>) dst(%arg11 : memref<128x64xf32, #tpu.memory_space<vmem>>)
    %min3A_104 = arith.constant 83 : i32
    %min3A_105 = arith.constant 79 : i32
    %min3A_106 = arith.minsi %min3A_104, %min3A_105 : i32
    %dma_wait3A_107 = arith.constant 0 : i32
    %dma_wait3A_108 = tpu.memref_slice %arg7[%min3A_106, %dma_wait3A_107] : memref<80x128xi32, #tpu.memory_space<vmem>> -> memref<1x128xi32, #tpu.memory_space<vmem>>
    %dma_wait3A_109 = tpu.memref_squeeze %dma_wait3A_108 : memref<1x128xi32, #tpu.memory_space<vmem>> -> memref<128xi32, #tpu.memory_space<vmem>>
    %dma_wait3A_110 = arith.constant 0 : i32
    %dma_wait3A_111 = arith.constant 0 : i32
    %dma_wait3A_112 = tpu.memref_slice %arg4[%dma_wait3A_110, %dma_wait3A_111] : memref<10112x64xf32, #tpu.memory_space<hbm>> -> memref<10112x64xf32, #tpu.memory_space<hbm>>
    tpu.wait_indirect_dma semaphore(%arg24 : memref<!tpu.dma_semaphore, #tpu.memory_space<semaphore_mem>>) src(%dma_wait3A_112 : memref<10112x64xf32, #tpu.memory_space<hbm>>) dst(%arg12 : memref<128x64xf32, #tpu.memory_space<vmem>>)
    %min3A_113 = arith.constant 84 : i32
    %min3A_114 = arith.constant 79 : i32
    %min3A_115 = arith.minsi %min3A_113, %min3A_114 : i32
    %dma_wait3A_116 = arith.constant 0 : i32
    %dma_wait3A_117 = tpu.memref_slice %arg7[%min3A_115, %dma_wait3A_116] : memref<80x128xi32, #tpu.memory_space<vmem>> -> memref<1x128xi32, #tpu.memory_space<vmem>>
    %dma_wait3A_118 = tpu.memref_squeeze %dma_wait3A_117 : memref<1x128xi32, #tpu.memory_space<vmem>> -> memref<128xi32, #tpu.memory_space<vmem>>
    %dma_wait3A_119 = arith.constant 0 : i32
    %dma_wait3A_120 = arith.constant 0 : i32
    %dma_wait3A_121 = tpu.memref_slice %arg4[%dma_wait3A_119, %dma_wait3A_120] : memref<10112x64xf32, #tpu.memory_space<hbm>> -> memref<10112x64xf32, #tpu.memory_space<hbm>>
    tpu.wait_indirect_dma semaphore(%arg25 : memref<!tpu.dma_semaphore, #tpu.memory_space<semaphore_mem>>) src(%dma_wait3A_121 : memref<10112x64xf32, #tpu.memory_space<hbm>>) dst(%arg13 : memref<128x64xf32, #tpu.memory_space<vmem>>)
    %min3A_122 = arith.constant 85 : i32
    %min3A_123 = arith.constant 79 : i32
    %min3A_124 = arith.minsi %min3A_122, %min3A_123 : i32
    %dma_wait3A_125 = arith.constant 0 : i32
    %dma_wait3A_126 = tpu.memref_slice %arg7[%min3A_124, %dma_wait3A_125] : memref<80x128xi32, #tpu.memory_space<vmem>> -> memref<1x128xi32, #tpu.memory_space<vmem>>
    %dma_wait3A_127 = tpu.memref_squeeze %dma_wait3A_126 : memref<1x128xi32, #tpu.memory_space<vmem>> -> memref<128xi32, #tpu.memory_space<vmem>>
    %dma_wait3A_128 = arith.constant 0 : i32
    %dma_wait3A_129 = arith.constant 0 : i32
    %dma_wait3A_130 = tpu.memref_slice %arg4[%dma_wait3A_128, %dma_wait3A_129] : memref<10112x64xf32, #tpu.memory_space<hbm>> -> memref<10112x64xf32, #tpu.memory_space<hbm>>
    tpu.wait_indirect_dma semaphore(%arg26 : memref<!tpu.dma_semaphore, #tpu.memory_space<semaphore_mem>>) src(%dma_wait3A_130 : memref<10112x64xf32, #tpu.memory_space<hbm>>) dst(%arg14 : memref<128x64xf32, #tpu.memory_space<vmem>>)
    %min3A_131 = arith.constant 86 : i32
    %min3A_132 = arith.constant 79 : i32
    %min3A_133 = arith.minsi %min3A_131, %min3A_132 : i32
    %dma_wait3A_134 = arith.constant 0 : i32
    %dma_wait3A_135 = tpu.memref_slice %arg7[%min3A_133, %dma_wait3A_134] : memref<80x128xi32, #tpu.memory_space<vmem>> -> memref<1x128xi32, #tpu.memory_space<vmem>>
    %dma_wait3A_136 = tpu.memref_squeeze %dma_wait3A_135 : memref<1x128xi32, #tpu.memory_space<vmem>> -> memref<128xi32, #tpu.memory_space<vmem>>
    %dma_wait3A_137 = arith.constant 0 : i32
    %dma_wait3A_138 = arith.constant 0 : i32
    %dma_wait3A_139 = tpu.memref_slice %arg4[%dma_wait3A_137, %dma_wait3A_138] : memref<10112x64xf32, #tpu.memory_space<hbm>> -> memref<10112x64xf32, #tpu.memory_space<hbm>>
    tpu.wait_indirect_dma semaphore(%arg27 : memref<!tpu.dma_semaphore, #tpu.memory_space<semaphore_mem>>) src(%dma_wait3A_139 : memref<10112x64xf32, #tpu.memory_space<hbm>>) dst(%arg15 : memref<128x64xf32, #tpu.memory_space<vmem>>)
    %min3A_140 = arith.constant 87 : i32
    %min3A_141 = arith.constant 79 : i32
    %min3A_142 = arith.minsi %min3A_140, %min3A_141 : i32
    %dma_wait3A_143 = arith.constant 0 : i32
    %dma_wait3A_144 = tpu.memref_slice %arg7[%min3A_142, %dma_wait3A_143] : memref<80x128xi32, #tpu.memory_space<vmem>> -> memref<1x128xi32, #tpu.memory_space<vmem>>
    %dma_wait3A_145 = tpu.memref_squeeze %dma_wait3A_144 : memref<1x128xi32, #tpu.memory_space<vmem>> -> memref<128xi32, #tpu.memory_space<vmem>>
    %dma_wait3A_146 = arith.constant 0 : i32
    %dma_wait3A_147 = arith.constant 0 : i32
    %dma_wait3A_148 = tpu.memref_slice %arg4[%dma_wait3A_146, %dma_wait3A_147] : memref<10112x64xf32, #tpu.memory_space<hbm>> -> memref<10112x64xf32, #tpu.memory_space<hbm>>
    tpu.wait_indirect_dma semaphore(%arg28 : memref<!tpu.dma_semaphore, #tpu.memory_space<semaphore_mem>>) src(%dma_wait3A_148 : memref<10112x64xf32, #tpu.memory_space<hbm>>) dst(%arg16 : memref<128x64xf32, #tpu.memory_space<vmem>>)
    %barrier3A_149 = arith.constant 0 : index
    tpu.barrier barrier_id(%barrier3A_149)
    "tpu.region"() ({
      %run_scoped3A = tpu.sem_alloc : memref<!tpu.dma_semaphore, #tpu.memory_space<semaphore_mem>>
      %dma_start3A_150 = arith.constant 0 : i32
      %dma_start3A_151 = tpu.memref_slice %arg6[%arg0, %mul3A_2, %dma_start3A_150] : memref<2x10112x64xf32, #tpu.memory_space<hbm>> -> memref<1x632x64xf32, #tpu.memory_space<hbm>>
      %dma_start3A_152 = tpu.memref_squeeze %dma_start3A_151 : memref<1x632x64xf32, #tpu.memory_space<hbm>> -> memref<632x64xf32, #tpu.memory_space<hbm>>
      %dma_start3A_153 = arith.constant 0 : i32
      %dma_start3A_154 = tpu.memref_slice %arg17[%mul3A_2, %dma_start3A_153] : memref<10112x64xf32, #tpu.memory_space<vmem_shared>> -> memref<632x64xf32, #tpu.memory_space<vmem_shared>>
      tpu.enqueue_dma source(%dma_start3A_154 : memref<632x64xf32, #tpu.memory_space<vmem_shared>>) target(%dma_start3A_152 : memref<632x64xf32, #tpu.memory_space<hbm>>) target_semaphore(%run_scoped3A : memref<!tpu.dma_semaphore, #tpu.memory_space<semaphore_mem>>)
      %dma_wait3A_155 = arith.constant 0 : i32
      %dma_wait3A_156 = tpu.memref_slice %arg6[%arg0, %mul3A_2, %dma_wait3A_155] : memref<2x10112x64xf32, #tpu.memory_space<hbm>> -> memref<1x632x64xf32, #tpu.memory_space<hbm>>
      %dma_wait3A_157 = tpu.memref_squeeze %dma_wait3A_156 : memref<1x632x64xf32, #tpu.memory_space<hbm>> -> memref<632x64xf32, #tpu.memory_space<hbm>>
      %dma_wait3A_158 = arith.constant 0 : i32
      %dma_wait3A_159 = tpu.memref_slice %arg17[%mul3A_2, %dma_wait3A_158] : memref<10112x64xf32, #tpu.memory_space<vmem_shared>> -> memref<632x64xf32, #tpu.memory_space<vmem_shared>>
      tpu.wait_dma2 semaphore(%run_scoped3A : memref<!tpu.dma_semaphore, #tpu.memory_space<semaphore_mem>>) src(%dma_wait3A_159 : memref<632x64xf32, #tpu.memory_space<vmem_shared>>) dst(%dma_wait3A_157 : memref<632x64xf32, #tpu.memory_space<hbm>>)
      tpu.yield
    }) : () -> ()
    return
  }
}

module attributes {stable_mosaic.version = 14 : i64} {
  func.func @_tc_pre(%arg0: memref<10000x128xf32, #tpu.memory_space<vmem>>, %arg1: memref<128x128xf32, #tpu.memory_space<vmem>>, %arg2: memref<1x64xf32, #tpu.memory_space<vmem>>, %arg3: memref<10112x64xf32, #tpu.memory_space<vmem>>, %arg4: memref<10000x64xf32, #tpu.memory_space<vmem>>) attributes {dimension_semantics = [], scalar_prefetch = 0 : i64, scratch_operands = 0 : i64, tpu.core_type = #tpu.core_type<tc>} {
    %get3A = arith.constant 0 : index
    %get3A_0 = arith.constant 0 : index
    %get3A_1 = vector.load %arg0[%get3A, %get3A_0] : memref<10000x128xf32, #tpu.memory_space<vmem>>, vector<10000x128xf32>
    %get3A_2 = arith.constant 0 : index
    %get3A_3 = arith.constant 0 : index
    %get3A_4 = vector.load %arg1[%get3A_2, %get3A_3] : memref<128x128xf32, #tpu.memory_space<vmem>>, vector<128x128xf32>
    %dot_general3A = arith.constant dense<0.000000e+00> : vector<10000x128xf32>
    %dot_general3A_5 = tpu.matmul %get3A_1, %get3A_4, %dot_general3A {dimension_numbers = #tpu.dot_dimension_numbers<[1], [0], [0], [1], [0, 0, 1, 1], [], []>, transpose_lhs_hint = false} : vector<10000x128xf32>, vector<128x128xf32>, vector<10000x128xf32> -> vector<10000x128xf32>
    %slice3A = vector.extract_strided_slice %dot_general3A_5 {offsets = [0, 0], sizes = [10000, 64], strides = [1, 1]} : vector<10000x128xf32> to vector<10000x64xf32>
    %swap3A = arith.constant 0 : index
    %swap3A_6 = arith.constant 0 : index
    %swap3A_7 = vector.load %arg3[%swap3A, %swap3A_6] : memref<10112x64xf32, #tpu.memory_space<vmem>>, vector<10000x64xf32>
    tpu.vector_store %arg3[%swap3A, %swap3A_6], %slice3A {strides = array<i32>} : memref<10112x64xf32, #tpu.memory_space<vmem>>, vector<10000x64xf32>,
    %broadcast_in_dim3A = arith.constant 0.000000e+00 : f32
    %broadcast_in_dim3A_8 = vector.broadcast %broadcast_in_dim3A : f32 to vector<112x64xf32>
    %swap3A_9 = arith.constant 10000 : index
    %swap3A_10 = arith.constant 0 : index
    %swap3A_11 = vector.load %arg3[%swap3A_9, %swap3A_10] : memref<10112x64xf32, #tpu.memory_space<vmem>>, vector<112x64xf32>
    tpu.vector_store %arg3[%swap3A_9, %swap3A_10], %broadcast_in_dim3A_8 {strides = array<i32>} : memref<10112x64xf32, #tpu.memory_space<vmem>>, vector<112x64xf32>,
    %slice3A_12 = vector.extract_strided_slice %dot_general3A_5 {offsets = [0, 64], sizes = [10000, 64], strides = [1, 1]} : vector<10000x128xf32> to vector<10000x64xf32>
    %get3A_13 = arith.constant 0 : index
    %get3A_14 = arith.constant 0 : index
    %get3A_15 = vector.load %arg2[%get3A_13, %get3A_14] : memref<1x64xf32, #tpu.memory_space<vmem>>, vector<1x64xf32>
    %add3A = vector.broadcast %get3A_15 : vector<1x64xf32> to vector<10000x64xf32>
    %add3A_16 = arith.addf %slice3A_12, %add3A : vector<10000x64xf32>
    %swap3A_17 = arith.constant 0 : index
    %swap3A_18 = arith.constant 0 : index
    %swap3A_19 = vector.load %arg4[%swap3A_17, %swap3A_18] : memref<10000x64xf32, #tpu.memory_space<vmem>>, vector<10000x64xf32>
    tpu.vector_store %arg4[%swap3A_17, %swap3A_18], %add3A_16 {strides = array<i32>} : memref<10000x64xf32, #tpu.memory_space<vmem>>, vector<10000x64xf32>,
    return
  }
}

module attributes {stable_mosaic.version = 14 : i64} {
  func.func @_tc_mid_first(%arg0: memref<2x10112x64xf32, #tpu.memory_space<vmem>>, %arg1: memref<10112x1xf32, #tpu.memory_space<vmem>>, %arg2: memref<10112x1xf32, #tpu.memory_space<vmem>>, %arg3: memref<10000x64xf32, #tpu.memory_space<vmem>>, %arg4: memref<64x128xf32, #tpu.memory_space<vmem>>, %arg5: memref<1x64xf32, #tpu.memory_space<vmem>>, %arg6: memref<10000x64xf32, #tpu.memory_space<vmem>>, %arg7: memref<10112x64xf32, #tpu.memory_space<vmem>>, %arg8: memref<10000x64xf32, #tpu.memory_space<vmem>>, %arg9: memref<10000x1xf32, #tpu.memory_space<vmem>>) attributes {dimension_semantics = [], scalar_prefetch = 0 : i64, scratch_operands = 0 : i64, tpu.core_type = #tpu.core_type<tc>} {
    %get3A = arith.constant 0 : index
    %get3A_0 = arith.constant 0 : index
    %get3A_1 = vector.load %arg1[%get3A, %get3A_0] : memref<10112x1xf32, #tpu.memory_space<vmem>>, vector<10000x1xf32>
    %get3A_2 = arith.constant 0 : index
    %get3A_3 = arith.constant 0 : index
    %get3A_4 = vector.load %arg2[%get3A_2, %get3A_3] : memref<10112x1xf32, #tpu.memory_space<vmem>>, vector<10000x1xf32>
    %add3A = arith.addf %get3A_1, %get3A_4 : vector<10000x1xf32>
    %max3A = arith.constant 1.000000e+00 : f32
    %max3A_5 = vector.broadcast %max3A : f32 to vector<10000x1xf32>
    %max3A_6 = arith.maximumf %add3A, %max3A_5 : vector<10000x1xf32>
    %div3A = arith.constant 1.000000e+00 : f32
    %div3A_7 = vector.broadcast %div3A : f32 to vector<10000x1xf32>
    %div3A_8 = arith.divf %div3A_7, %max3A_6 : vector<10000x1xf32>
    %swap3A = arith.constant 0 : index
    %swap3A_9 = arith.constant 0 : index
    %swap3A_10 = vector.load %arg9[%swap3A, %swap3A_9] : memref<10000x1xf32, #tpu.memory_space<vmem>>, vector<10000x1xf32>
    tpu.vector_store %arg9[%swap3A, %swap3A_9], %div3A_8 {strides = array<i32>} : memref<10000x1xf32, #tpu.memory_space<vmem>>, vector<10000x1xf32>,
    %get3A_11 = arith.constant 0 : index
    %get3A_12 = arith.constant 0 : index
    %get3A_13 = arith.constant 0 : index
    %get3A_14 = vector.load %arg0[%get3A_11, %get3A_12, %get3A_13] : memref<2x10112x64xf32, #tpu.memory_space<vmem>>, vector<1x10000x64xf32>
    %get3A_15 = vector.shape_cast %get3A_14 : vector<1x10000x64xf32> to vector<10000x64xf32>
    %get3A_16 = arith.constant 1 : index
    %get3A_17 = arith.constant 0 : index
    %get3A_18 = arith.constant 0 : index
    %get3A_19 = vector.load %arg0[%get3A_16, %get3A_17, %get3A_18] : memref<2x10112x64xf32, #tpu.memory_space<vmem>>, vector<1x10000x64xf32>
    %get3A_20 = vector.shape_cast %get3A_19 : vector<1x10000x64xf32> to vector<10000x64xf32>
    %add3A_21 = arith.addf %get3A_15, %get3A_20 : vector<10000x64xf32>
    %mul3A = vector.broadcast %div3A_8 : vector<10000x1xf32> to vector<10000x64xf32>
    %mul3A_22 = arith.mulf %add3A_21, %mul3A : vector<10000x64xf32>
    %get3A_23 = arith.constant 0 : index
    %get3A_24 = arith.constant 0 : index
    %get3A_25 = vector.load %arg3[%get3A_23, %get3A_24] : memref<10000x64xf32, #tpu.memory_space<vmem>>, vector<10000x64xf32>
    %add3A_26 = arith.addf %mul3A_22, %get3A_25 : vector<10000x64xf32>
    %swap3A_27 = arith.constant 0 : index
    %swap3A_28 = arith.constant 0 : index
    %swap3A_29 = vector.load %arg6[%swap3A_27, %swap3A_28] : memref<10000x64xf32, #tpu.memory_space<vmem>>, vector<10000x64xf32>
    tpu.vector_store %arg6[%swap3A_27, %swap3A_28], %add3A_26 {strides = array<i32>} : memref<10000x64xf32, #tpu.memory_space<vmem>>, vector<10000x64xf32>,
    %get3A_30 = arith.constant 0 : index
    %get3A_31 = arith.constant 0 : index
    %get3A_32 = vector.load %arg4[%get3A_30, %get3A_31] : memref<64x128xf32, #tpu.memory_space<vmem>>, vector<64x128xf32>
    %dot_general3A = arith.constant dense<0.000000e+00> : vector<10000x128xf32>
    %dot_general3A_33 = tpu.matmul %add3A_26, %get3A_32, %dot_general3A {dimension_numbers = #tpu.dot_dimension_numbers<[1], [0], [0], [1], [0, 0, 1, 1], [], []>, transpose_lhs_hint = false} : vector<10000x64xf32>, vector<64x128xf32>, vector<10000x128xf32> -> vector<10000x128xf32>
    %slice3A = vector.extract_strided_slice %dot_general3A_33 {offsets = [0, 0], sizes = [10000, 64], strides = [1, 1]} : vector<10000x128xf32> to vector<10000x64xf32>
    %swap3A_34 = arith.constant 0 : index
    %swap3A_35 = arith.constant 0 : index
    %swap3A_36 = vector.load %arg7[%swap3A_34, %swap3A_35] : memref<10112x64xf32, #tpu.memory_space<vmem>>, vector<10000x64xf32>
    tpu.vector_store %arg7[%swap3A_34, %swap3A_35], %slice3A {strides = array<i32>} : memref<10112x64xf32, #tpu.memory_space<vmem>>, vector<10000x64xf32>,
    %broadcast_in_dim3A = arith.constant 0.000000e+00 : f32
    %broadcast_in_dim3A_37 = vector.broadcast %broadcast_in_dim3A : f32 to vector<112x64xf32>
    %swap3A_38 = arith.constant 10000 : index
    %swap3A_39 = arith.constant 0 : index
    %swap3A_40 = vector.load %arg7[%swap3A_38, %swap3A_39] : memref<10112x64xf32, #tpu.memory_space<vmem>>, vector<112x64xf32>
    tpu.vector_store %arg7[%swap3A_38, %swap3A_39], %broadcast_in_dim3A_37 {strides = array<i32>} : memref<10112x64xf32, #tpu.memory_space<vmem>>, vector<112x64xf32>,
    %slice3A_41 = vector.extract_strided_slice %dot_general3A_33 {offsets = [0, 64], sizes = [10000, 64], strides = [1, 1]} : vector<10000x128xf32> to vector<10000x64xf32>
    %get3A_42 = arith.constant 0 : index
    %get3A_43 = arith.constant 0 : index
    %get3A_44 = vector.load %arg5[%get3A_42, %get3A_43] : memref<1x64xf32, #tpu.memory_space<vmem>>, vector<1x64xf32>
    %add3A_45 = vector.broadcast %get3A_44 : vector<1x64xf32> to vector<10000x64xf32>
    %add3A_46 = arith.addf %slice3A_41, %add3A_45 : vector<10000x64xf32>
    %swap3A_47 = arith.constant 0 : index
    %swap3A_48 = arith.constant 0 : index
    %swap3A_49 = vector.load %arg8[%swap3A_47, %swap3A_48] : memref<10000x64xf32, #tpu.memory_space<vmem>>, vector<10000x64xf32>
    tpu.vector_store %arg8[%swap3A_47, %swap3A_48], %add3A_46 {strides = array<i32>} : memref<10000x64xf32, #tpu.memory_space<vmem>>, vector<10000x64xf32>,
    return
  }
}

module attributes {stable_mosaic.version = 14 : i64} {
  func.func @_tc_mid(%arg0: memref<2x10112x64xf32, #tpu.memory_space<vmem>>, %arg1: memref<10000x1xf32, #tpu.memory_space<vmem>>, %arg2: memref<10000x64xf32, #tpu.memory_space<vmem>>, %arg3: memref<64x128xf32, #tpu.memory_space<vmem>>, %arg4: memref<1x64xf32, #tpu.memory_space<vmem>>, %arg5: memref<10000x64xf32, #tpu.memory_space<vmem>>, %arg6: memref<10112x64xf32, #tpu.memory_space<vmem>>, %arg7: memref<10000x64xf32, #tpu.memory_space<vmem>>) attributes {dimension_semantics = [], scalar_prefetch = 0 : i64, scratch_operands = 0 : i64, tpu.core_type = #tpu.core_type<tc>} {
    %get3A = arith.constant 0 : index
    %get3A_0 = arith.constant 0 : index
    %get3A_1 = arith.constant 0 : index
    %get3A_2 = vector.load %arg0[%get3A, %get3A_0, %get3A_1] : memref<2x10112x64xf32, #tpu.memory_space<vmem>>, vector<1x10000x64xf32>
    %get3A_3 = vector.shape_cast %get3A_2 : vector<1x10000x64xf32> to vector<10000x64xf32>
    %get3A_4 = arith.constant 1 : index
    %get3A_5 = arith.constant 0 : index
    %get3A_6 = arith.constant 0 : index
    %get3A_7 = vector.load %arg0[%get3A_4, %get3A_5, %get3A_6] : memref<2x10112x64xf32, #tpu.memory_space<vmem>>, vector<1x10000x64xf32>
    %get3A_8 = vector.shape_cast %get3A_7 : vector<1x10000x64xf32> to vector<10000x64xf32>
    %add3A = arith.addf %get3A_3, %get3A_8 : vector<10000x64xf32>
    %get3A_9 = arith.constant 0 : index
    %get3A_10 = arith.constant 0 : index
    %get3A_11 = vector.load %arg1[%get3A_9, %get3A_10] : memref<10000x1xf32, #tpu.memory_space<vmem>>, vector<10000x1xf32>
    %mul3A = vector.broadcast %get3A_11 : vector<10000x1xf32> to vector<10000x64xf32>
    %mul3A_12 = arith.mulf %add3A, %mul3A : vector<10000x64xf32>
    %get3A_13 = arith.constant 0 : index
    %get3A_14 = arith.constant 0 : index
    %get3A_15 = vector.load %arg2[%get3A_13, %get3A_14] : memref<10000x64xf32, #tpu.memory_space<vmem>>, vector<10000x64xf32>
    %add3A_16 = arith.addf %mul3A_12, %get3A_15 : vector<10000x64xf32>
    %swap3A = arith.constant 0 : index
    %swap3A_17 = arith.constant 0 : index
    %swap3A_18 = vector.load %arg5[%swap3A, %swap3A_17] : memref<10000x64xf32, #tpu.memory_space<vmem>>, vector<10000x64xf32>
    tpu.vector_store %arg5[%swap3A, %swap3A_17], %add3A_16 {strides = array<i32>} : memref<10000x64xf32, #tpu.memory_space<vmem>>, vector<10000x64xf32>,
    %get3A_19 = arith.constant 0 : index
    %get3A_20 = arith.constant 0 : index
    %get3A_21 = vector.load %arg3[%get3A_19, %get3A_20] : memref<64x128xf32, #tpu.memory_space<vmem>>, vector<64x128xf32>
    %dot_general3A = arith.constant dense<0.000000e+00> : vector<10000x128xf32>
    %dot_general3A_22 = tpu.matmul %add3A_16, %get3A_21, %dot_general3A {dimension_numbers = #tpu.dot_dimension_numbers<[1], [0], [0], [1], [0, 0, 1, 1], [], []>, transpose_lhs_hint = false} : vector<10000x64xf32>, vector<64x128xf32>, vector<10000x128xf32> -> vector<10000x128xf32>
    %slice3A = vector.extract_strided_slice %dot_general3A_22 {offsets = [0, 0], sizes = [10000, 64], strides = [1, 1]} : vector<10000x128xf32> to vector<10000x64xf32>
    %swap3A_23 = arith.constant 0 : index
    %swap3A_24 = arith.constant 0 : index
    %swap3A_25 = vector.load %arg6[%swap3A_23, %swap3A_24] : memref<10112x64xf32, #tpu.memory_space<vmem>>, vector<10000x64xf32>
    tpu.vector_store %arg6[%swap3A_23, %swap3A_24], %slice3A {strides = array<i32>} : memref<10112x64xf32, #tpu.memory_space<vmem>>, vector<10000x64xf32>,
    %broadcast_in_dim3A = arith.constant 0.000000e+00 : f32
    %broadcast_in_dim3A_26 = vector.broadcast %broadcast_in_dim3A : f32 to vector<112x64xf32>
    %swap3A_27 = arith.constant 10000 : index
    %swap3A_28 = arith.constant 0 : index
    %swap3A_29 = vector.load %arg6[%swap3A_27, %swap3A_28] : memref<10112x64xf32, #tpu.memory_space<vmem>>, vector<112x64xf32>
    tpu.vector_store %arg6[%swap3A_27, %swap3A_28], %broadcast_in_dim3A_26 {strides = array<i32>} : memref<10112x64xf32, #tpu.memory_space<vmem>>, vector<112x64xf32>,
    %slice3A_30 = vector.extract_strided_slice %dot_general3A_22 {offsets = [0, 64], sizes = [10000, 64], strides = [1, 1]} : vector<10000x128xf32> to vector<10000x64xf32>
    %get3A_31 = arith.constant 0 : index
    %get3A_32 = arith.constant 0 : index
    %get3A_33 = vector.load %arg4[%get3A_31, %get3A_32] : memref<1x64xf32, #tpu.memory_space<vmem>>, vector<1x64xf32>
    %add3A_34 = vector.broadcast %get3A_33 : vector<1x64xf32> to vector<10000x64xf32>
    %add3A_35 = arith.addf %slice3A_30, %add3A_34 : vector<10000x64xf32>
    %swap3A_36 = arith.constant 0 : index
    %swap3A_37 = arith.constant 0 : index
    %swap3A_38 = vector.load %arg7[%swap3A_36, %swap3A_37] : memref<10000x64xf32, #tpu.memory_space<vmem>>, vector<10000x64xf32>
    tpu.vector_store %arg7[%swap3A_36, %swap3A_37], %add3A_35 {strides = array<i32>} : memref<10000x64xf32, #tpu.memory_space<vmem>>, vector<10000x64xf32>,
    return
  }
}

module attributes {stable_mosaic.version = 14 : i64} {
  func.func @_tc_final(%arg0: memref<2x10112x64xf32, #tpu.memory_space<vmem>>, %arg1: memref<10000x1xf32, #tpu.memory_space<vmem>>, %arg2: memref<10000x64xf32, #tpu.memory_space<vmem>>, %arg3: memref<10000x64xf32, #tpu.memory_space<vmem>>, %arg4: memref<10000x64xf32, #tpu.memory_space<vmem>>, %arg5: memref<10000x64xf32, #tpu.memory_space<vmem>>, %arg6: memref<1x10000xi32, #tpu.memory_space<vmem>>, %arg7: memref<256x64xf32, #tpu.memory_space<vmem>>, %arg8: memref<1x64xf32, #tpu.memory_space<vmem>>, %arg9: memref<64x128xf32, #tpu.memory_space<vmem>>, %arg10: memref<1x128xf32, #tpu.memory_space<vmem>>, %arg11: memref<64x128xf32, #tpu.memory_space<vmem>>) attributes {dimension_semantics = [], scalar_prefetch = 0 : i64, scratch_operands = 0 : i64, tpu.core_type = #tpu.core_type<tc>} {
    %get3A = arith.constant 0 : index
    %get3A_0 = arith.constant 0 : index
    %get3A_1 = arith.constant 0 : index
    %get3A_2 = vector.load %arg0[%get3A, %get3A_0, %get3A_1] : memref<2x10112x64xf32, #tpu.memory_space<vmem>>, vector<1x10000x64xf32>
    %get3A_3 = vector.shape_cast %get3A_2 : vector<1x10000x64xf32> to vector<10000x64xf32>
    %get3A_4 = arith.constant 1 : index
    %get3A_5 = arith.constant 0 : index
    %get3A_6 = arith.constant 0 : index
    %get3A_7 = vector.load %arg0[%get3A_4, %get3A_5, %get3A_6] : memref<2x10112x64xf32, #tpu.memory_space<vmem>>, vector<1x10000x64xf32>
    %get3A_8 = vector.shape_cast %get3A_7 : vector<1x10000x64xf32> to vector<10000x64xf32>
    %add3A = arith.addf %get3A_3, %get3A_8 : vector<10000x64xf32>
    %get3A_9 = arith.constant 0 : index
    %get3A_10 = arith.constant 0 : index
    %get3A_11 = vector.load %arg1[%get3A_9, %get3A_10] : memref<10000x1xf32, #tpu.memory_space<vmem>>, vector<10000x1xf32>
    %mul3A = vector.broadcast %get3A_11 : vector<10000x1xf32> to vector<10000x64xf32>
    %mul3A_12 = arith.mulf %add3A, %mul3A : vector<10000x64xf32>
    %get3A_13 = arith.constant 0 : index
    %get3A_14 = arith.constant 0 : index
    %get3A_15 = vector.load %arg2[%get3A_13, %get3A_14] : memref<10000x64xf32, #tpu.memory_space<vmem>>, vector<10000x64xf32>
    %add3A_16 = arith.addf %mul3A_12, %get3A_15 : vector<10000x64xf32>
    %get3A_17 = arith.constant 0 : index
    %get3A_18 = arith.constant 0 : index
    %get3A_19 = vector.load %arg6[%get3A_17, %get3A_18] : memref<1x10000xi32, #tpu.memory_space<vmem>>, vector<1x10000xi32>
    %iota3A = tpu.iota {dimensions = array<i32: 0>} : vector<64x10000xi32>
    %eq3A = vector.broadcast %get3A_19 : vector<1x10000xi32> to vector<64x10000xi32>
    %eq3A_20 = arith.cmpi eq, %eq3A, %iota3A : vector<64x10000xi32>
    %convert_element_type3A = arith.extui %eq3A_20 : vector<64x10000xi1> to vector<64x10000xi32>
    %convert_element_type3A_21 = arith.sitofp %convert_element_type3A : vector<64x10000xi32> to vector<64x10000xf32>
    %get3A_22 = arith.constant 0 : index
    %get3A_23 = arith.constant 0 : index
    %get3A_24 = vector.load %arg3[%get3A_22, %get3A_23] : memref<10000x64xf32, #tpu.memory_space<vmem>>, vector<10000x64xf32>
    %dot_general3A = arith.constant dense<0.000000e+00> : vector<64x64xf32>
    %dot_general3A_25 = tpu.matmul %convert_element_type3A_21, %get3A_24, %dot_general3A {dimension_numbers = #tpu.dot_dimension_numbers<[1], [0], [0], [1], [0, 0, 1, 1], [], []>, transpose_lhs_hint = false} : vector<64x10000xf32>, vector<10000x64xf32>, vector<64x64xf32> -> vector<64x64xf32>
    %get3A_26 = arith.constant 0 : index
    %get3A_27 = arith.constant 0 : index
    %get3A_28 = vector.load %arg4[%get3A_26, %get3A_27] : memref<10000x64xf32, #tpu.memory_space<vmem>>, vector<10000x64xf32>
    %dot_general3A_29 = arith.constant dense<0.000000e+00> : vector<64x64xf32>
    %dot_general3A_30 = tpu.matmul %convert_element_type3A_21, %get3A_28, %dot_general3A_29 {dimension_numbers = #tpu.dot_dimension_numbers<[1], [0], [0], [1], [0, 0, 1, 1], [], []>, transpose_lhs_hint = false} : vector<64x10000xf32>, vector<10000x64xf32>, vector<64x64xf32> -> vector<64x64xf32>
    %get3A_31 = arith.constant 0 : index
    %get3A_32 = arith.constant 0 : index
    %get3A_33 = vector.load %arg5[%get3A_31, %get3A_32] : memref<10000x64xf32, #tpu.memory_space<vmem>>, vector<10000x64xf32>
    %dot_general3A_34 = arith.constant dense<0.000000e+00> : vector<64x64xf32>
    %dot_general3A_35 = tpu.matmul %convert_element_type3A_21, %get3A_33, %dot_general3A_34 {dimension_numbers = #tpu.dot_dimension_numbers<[1], [0], [0], [1], [0, 0, 1, 1], [], []>, transpose_lhs_hint = false} : vector<64x10000xf32>, vector<10000x64xf32>, vector<64x64xf32> -> vector<64x64xf32>
    %dot_general3A_36 = arith.constant dense<0.000000e+00> : vector<64x64xf32>
    %dot_general3A_37 = tpu.matmul %convert_element_type3A_21, %add3A_16, %dot_general3A_36 {dimension_numbers = #tpu.dot_dimension_numbers<[1], [0], [0], [1], [0, 0, 1, 1], [], []>, transpose_lhs_hint = false} : vector<64x10000xf32>, vector<10000x64xf32>, vector<64x64xf32> -> vector<64x64xf32>
    %reduce_sum3A = arith.constant dense<0.000000e+00> : vector<64xf32>
    %reduce_sum3A_38 = vector.multi_reduction <add>, %convert_element_type3A_21, %reduce_sum3A [1] : vector<64x10000xf32> to vector<64xf32>
    %broadcast_in_dim3A = vector.shape_cast %reduce_sum3A_38 : vector<64xf32> to vector<64x1xf32>
    %concatenate3A = tpu.concatenate %dot_general3A_25, %dot_general3A_30, %dot_general3A_35, %dot_general3A_37 in 1 : vector<64x64xf32>, vector<64x64xf32>, vector<64x64xf32>, vector<64x64xf32> -> vector<64x256xf32>
    %max3A = arith.constant 1.000000e+00 : f32
    %max3A_39 = vector.broadcast %max3A : f32 to vector<64x1xf32>
    %max3A_40 = arith.maximumf %broadcast_in_dim3A, %max3A_39 : vector<64x1xf32>
    %div3A = vector.broadcast %max3A_40 : vector<64x1xf32> to vector<64x256xf32>
    %div3A_41 = arith.divf %concatenate3A, %div3A : vector<64x256xf32>
    %get3A_42 = arith.constant 0 : index
    %get3A_43 = arith.constant 0 : index
    %get3A_44 = vector.load %arg7[%get3A_42, %get3A_43] : memref<256x64xf32, #tpu.memory_space<vmem>>, vector<256x64xf32>
    %dot_general3A_45 = arith.constant dense<0.000000e+00> : vector<64x64xf32>
    %dot_general3A_46 = tpu.matmul %div3A_41, %get3A_44, %dot_general3A_45 {dimension_numbers = #tpu.dot_dimension_numbers<[1], [0], [0], [1], [0, 0, 1, 1], [], []>, transpose_lhs_hint = false} : vector<64x256xf32>, vector<256x64xf32>, vector<64x64xf32> -> vector<64x64xf32>
    %get3A_47 = arith.constant 0 : index
    %get3A_48 = arith.constant 0 : index
    %get3A_49 = vector.load %arg8[%get3A_47, %get3A_48] : memref<1x64xf32, #tpu.memory_space<vmem>>, vector<1x64xf32>
    %add3A_50 = vector.broadcast %get3A_49 : vector<1x64xf32> to vector<64x64xf32>
    %add3A_51 = arith.addf %dot_general3A_46, %add3A_50 : vector<64x64xf32>
    %max3A_52 = arith.constant 0.000000e+00 : f32
    %max3A_53 = vector.broadcast %max3A_52 : f32 to vector<64x64xf32>
    %max3A_54 = arith.maximumf %add3A_51, %max3A_53 : vector<64x64xf32>
    %get3A_55 = arith.constant 0 : index
    %get3A_56 = arith.constant 0 : index
    %get3A_57 = vector.load %arg9[%get3A_55, %get3A_56] : memref<64x128xf32, #tpu.memory_space<vmem>>, vector<64x128xf32>
    %dot_general3A_58 = arith.constant dense<0.000000e+00> : vector<64x128xf32>
    %dot_general3A_59 = tpu.matmul %max3A_54, %get3A_57, %dot_general3A_58 {dimension_numbers = #tpu.dot_dimension_numbers<[1], [0], [0], [1], [0, 0, 1, 1], [], []>, transpose_lhs_hint = false} : vector<64x64xf32>, vector<64x128xf32>, vector<64x128xf32> -> vector<64x128xf32>
    %get3A_60 = arith.constant 0 : index
    %get3A_61 = arith.constant 0 : index
    %get3A_62 = vector.load %arg10[%get3A_60, %get3A_61] : memref<1x128xf32, #tpu.memory_space<vmem>>, vector<1x128xf32>
    %add3A_63 = vector.broadcast %get3A_62 : vector<1x128xf32> to vector<64x128xf32>
    %add3A_64 = arith.addf %dot_general3A_59, %add3A_63 : vector<64x128xf32>
    %swap3A = arith.constant 0 : index
    %swap3A_65 = arith.constant 0 : index
    %swap3A_66 = vector.load %arg11[%swap3A, %swap3A_65] : memref<64x128xf32, #tpu.memory_space<vmem>>, vector<64x128xf32>
    tpu.vector_store %arg11[%swap3A, %swap3A_65], %add3A_64 {strides = array<i32>} : memref<64x128xf32, #tpu.memory_space<vmem>>, vector<64x128xf32>,
    return
  }
}

</mosaic_0001>

<sc_bundles>
// kernel: kernel.11.cloned.1.call-start
scs
__scs_entry_jumppad:
0x0: {  	(pc) =	sbr.rel $0x88, $3  }
0x1: {  	(tag) =	ssettag $0x0;
	lr =	simm.s32 $0x1  }
0x2: {  	[smem:$0x3F8E] =	sst lr;
	_ =	strace $0xD0000000  }
0x3: {  	_ = 	snop  }
0x4: {  	_ = 	snop  }
0x5: {  	_ = 	snop  }
0x6: {  	_ = 	snop  }
0x7: {  	_ = 	snop  }
__scs_overlays_trampoline_lowered:
0x8: {  	[smem:$0x3F9D] =	sst s0  }
0x9: {  	[smem:$0x3F9E] =	sst s1  }
0xa: {  	[smem:$0x3F9F] =	sst s2  }
0xb: {  	[smem:$0x3FA0] =	sst s3  }
0xc: {  	[smem:$0x3FA1] =	sst s4  }
0xd: {  	[smem:$0x3FA2] =	sst s5  }
0xe: {  	[smem:$0x3FA3] =	sst s6  }
0xf: {  	[smem:$0x3FA4] =	sst s7  }
0x10: {  	[smem:$0x3FA5] =	sst s8  }
0x11: {  	[smem:$0x3FA6] =	sst s9;
	s0 =	simm.s32 @!p0 $0x0  }
0x12: {  	s1 =	sld [smem:$0x3F8C];
	s0 =	simm.s32 @p0 $0x1  }
0x13: {  	[smem:$0x3FA7] =	sst s0;
	s0 =	simm.s32 @!p1 $0x0  }
0x14: {  	s2 =	sld [smem:$0x3F8B];
	s0 =	simm.s32 @p1 $0x1  }
0x15: {  	[smem:$0x3FA8] =	sst s0;
	s0 =	simm.s32 @!p2 $0x0  }
0x16: {  	s3 =	sld [smem:$0x3FDB];
	s0 =	simm.s32 @p2 $0x1  }
0x17: {  	s4 =	simm.s32 $0x1BF5;
	[smem:$0x3FAA] =	sst s0  }
0x18: {  	s0 =	sld [smem:$0x3F8D];
	_ =	swait.ge [sflag:s4], $0x0  }
0x19: {  	s7 =	sld [smem:$0x3F8E]  }
0x1a: {  	s8 =	sadd.s32 $0xFFFFE003, lr  }
0x1b: {  	s9 =	sadd.s32 $0xFFFFFEF7, lr;
	s5 =	simm.s32 $0xFFFFFFFF;
	p2 =	slt.u32 s8, $0xFFFFF086  }
0x1c: {  	p1 =	slt.u32 s9, $0xF7A;
	s5 =	simm.s32 @!p2 $0x0  }
0x1d: {  	s5 =	simm.s32 @p1 $0x1;
	p0 =	seq.s32 s7, s2  }
0x1e: {  	s7 =	smul.u32 @!p0 $0xF7A, s2;
	p2 =	seq.s32 @!p0 s5, $0x0  }
0x1f: {  	s9 =	smul.u32 $0xF7A, s1;
	s8 =	simm.s32 @!p0 $0x1BF5;
	p2 =	por !p2, p0  }
0x20: {  	[sflag:s8] =	ssyncset.s32 @!p0 $0xFFFFF086;
	s6 =	sadd.s32 @!p0 s3, s7;
	s7 =	simm.s32 @!p0 $0x108  }
0x21: {  	s3 =	sadd.s32 s3, s9;
	s6 =	sadd.s32 @!p0 $0x88, s6;
	s7 =	simm.s32 @p2 $0x1082  }
0x22: {  	[simem:s7], [sflag:s8] =	dma.local @!p0 [hbm:s6], $0xF7A  }
0x23: {  	s9 =	sor.u32 $0xD0000000, s2;
	s6 =	simm.s32 $0x108;
	_ =	swait.ge @!p0 [sflag:s8], $0x0  }
0x24: {  	s3 =	sadd.s32 $0x88, s3;
	s6 =	simm.s32 @!p1 $0x1082;
	[sflag:s4] =	ssyncset.s32 $0xFFFFF086  }
0x25: {  	[simem:s6], [sflag:s4] =	dma.local [hbm:s3], $0xF7A  }
0x26: {  	[smem:$0x3F8E] =	sst s1;
	(tag) =	ssettag s2;
	_ =	strace s9  }
0x27: {  	s1 =	sld [smem:$0x3F9E]  }
0x28: {  	s2 =	sld [smem:$0x3F9F]  }
0x29: {  	s4 =	sld [smem:$0x3FA1]  }
0x2a: {  	p0 =	seq.s32 s5, $0x0;
	s5 =	sld [smem:$0x3FA2]  }
0x2b: {  	s6 =	sld [smem:$0x3FA3]  }
0x2c: {  	s7 =	sld [smem:$0x3FA4]  }
0x2d: {  	s3 =	simm.s32 $0x108;
	s8 =	sld [smem:$0x3FA5]  }
0x2e: {  	s3 =	simm.s32 @!p0 $0x1082;
	s9 =	sld [smem:$0x3FA6]  }
0x2f: {  	lr =	sadd.s32 s0, s3;
	s0 =	sld [smem:$0x3F9D]  }
0x30: {  	s3 =	sld [smem:$0x3FA0]  }
0x31: {  	[smem:$0x3FA9] =	sst s10  }
0x32: {  	s10 =	sld [smem:$0x3FA7];
	_ =	sdelay $0x3  }
0x33: {  	p0 =	seq.s32 s10, $0x1;
	s10 =	sld [smem:$0x3FA9];
	_ =	sdelay $0x3  }
0x34: {  	[smem:$0x3FA9] =	sst s10  }
0x35: {  	s10 =	sld [smem:$0x3FA8];
	_ =	sdelay $0x3  }
0x36: {  	p1 =	seq.s32 s10, $0x1;
	s10 =	sld [smem:$0x3FA9];
	_ =	sdelay $0x3  }
0x37: {  	[smem:$0x3FA9] =	sst s10  }
0x38: {  	s10 =	sld [smem:$0x3FAA]  }
0x39: {  	_ = 	snop;
	(pc) =	sbr.ind lr, $3  }
0x3a: {  	_ = 	snop  }
0x3b: {  	_ = 	snop  }
0x3c: {  	p2 =	seq.s32 s10, $0x1;
	s10 =	sld [smem:$0x3FA9]  }
0x3d: {  	_ =	shalt  }
0x3e: {  	_ =	shalt  }
0x3f: {  	_ =	shalt  }
0x40: {  	_ =	shalt  }
0x41: {  	_ =	shalt  }
0x42: {  	_ =	shalt  }
0x43: {  	_ =	shalt  }
0x44: {  	_ =	shalt  }
0x45: {  	_ =	shalt  }
0x46: {  	_ =	shalt  }
0x47: {  	_ =	shalt  }
0x48: {  	_ =	shalt  }
0x49: {  	_ =	shalt  }
0x4a: {  	_ =	shalt  }
0x4b: {  	_ =	shalt  }
0x4c: {  	_ =	shalt  }
0x4d: {  	_ =	shalt  }
0x4e: {  	_ =	shalt  }
0x4f: {  	_ =	shalt  }
0x50: {  	_ =	shalt  }
0x51: {  	_ =	shalt  }
0x52: {  	_ =	shalt  }
0x53: {  	_ =	shalt  }
0x54: {  	_ =	shalt  }
0x55: {  	_ =	shalt  }
0x56: {  	_ =	shalt  }
0x57: {  	_ =	shalt  }
0x58: {  	_ =	shalt  }
0x59: {  	_ =	shalt  }
0x5a: {  	_ =	shalt  }
0x5b: {  	_ =	shalt  }
0x5c: {  	_ =	shalt  }
0x5d: {  	_ =	shalt  }
0x5e: {  	_ =	shalt  }
0x5f: {  	_ =	shalt  }
0x60: {  	_ =	shalt  }
0x61: {  	_ =	shalt  }
0x62: {  	_ =	shalt  }
0x63: {  	_ =	shalt  }
0x64: {  	_ =	shalt  }
0x65: {  	_ =	shalt  }
0x66: {  	_ =	shalt  }
0x67: {  	_ =	shalt  }
0x68: {  	_ =	shalt  }
0x69: {  	_ =	shalt  }
0x6a: {  	_ =	shalt  }
0x6b: {  	_ =	shalt  }
0x6c: {  	_ =	shalt  }
0x6d: {  	_ =	shalt  }
0x6e: {  	_ =	shalt  }
0x6f: {  	_ =	shalt  }
0x70: {  	_ =	shalt  }
0x71: {  	_ =	shalt  }
0x72: {  	_ =	shalt  }
0x73: {  	_ =	shalt  }
0x74: {  	_ =	shalt  }
0x75: {  	_ =	shalt  }
0x76: {  	_ =	shalt  }
0x77: {  	_ =	shalt  }
0x78: {  	_ =	shalt  }
0x79: {  	_ =	shalt  }
0x7a: {  	_ =	shalt  }
0x7b: {  	_ =	shalt  }
0x7c: {  	_ =	shalt  }
0x7d: {  	_ =	shalt  }
0x7e: {  	_ =	shalt  }
0x7f: {  	_ =	shalt  }
0x80: {  	_ =	shalt  }
0x81: {  	_ =	shalt  }
0x82: {  	_ =	shalt  }
0x83: {  	_ =	shalt  }
0x84: {  	_ =	shalt  }
0x85: {  	_ =	shalt  }
0x86: {  	_ =	shalt  }
0x87: {  	_ =	shalt  }
.Lfunc_end0:
.L_simem_size_0:
called_computation_lowered:
.L_overlay_start_0:
0x88: {  	s2 =	sld [smem:$0x3FD9]  }
0x89: {  	s3 =	sld [smem:$0x3FFE];
	_ =	sdelay $0x1  }
0x8a: {  	s1 =	srdreg.scid  }
0x8b: {  	s0 =	sand.u32 $0x1, s1  }
0x8c: {  	s17 =	sshll.u32 s0, $0xA;
	s2 =	sadd.s32 s3, s2  }
0x8d: {  	s2 =	sadd.s32 s2, s17  }
0x8e: {  	[smem:$0x3FB5] =	sst s2  }
0x8f: {  	_ = 	snop  }
0x90: {  	s2 =	sld [smem:$0x3FD0];
	(tm) =	ssettm $0x1  }
0x91: {  	s18 =	sld [smem:$0x3FFB];
	_ =	sdelay $0x3  }
0x92: {  	_ =	strace s18  }
0x93: {  	s3 =	sld [smem:$0x3FFC];
	_ =	sdelay $0x3  }
0x94: {  	_ =	strace s3  }
0x95: {  	s3 =	sld [smem:$0x3FFD];
	_ =	sdelay $0x3  }
0x96: {  	_ =	strace s3  }
0x97: {  	_ =	strace $0x8FFFFFFF  }
0x98: {  	s19 =	sld [smem:$0x3FDB];
	_ =	sdelay $0x1  }
0x99: {  	s4 =	simm.s32 $_scs_section_size  }
0x9a: {  	s5 =	simm.s32 $_size__tile_overlayer_lowered;
	s6 =	simm.s32 $_tile_overlayer_lowered  }
0x9b: {  	s22 =	simm.s32 $0x1BFF;
	s21 =	sshll.u32 s6, $0x1;
	s3 =	sadd.s32 s4, s19  }
0x9c: {  	s7 =	simm.s32 $0x0;
	s20 =	sshll.u32 s5, $0x1;
	s5 =	sadd.s32 s21, s3  }
0x9d: {  	[timem:s7], [sflag:s22] =	dma.local [hbm:s5], s20  }
0x9e: {  	_ =	swait.ge [sflag:s22], s20  }
0x9f: {  	s4 =	ssub.s32 $0x0, s20;
	[sflag:s22] =	ssyncset.done $0x0  }
0xa0: {  	[sflag:s22] =	ssyncadd.s32 s4;
	_ =	sdelay $0x1  }
0xa1: {  	s23 =	simm.s32 $0x1B8B  }
0xa2: {  	_ =	swait.ge [sflag:s23], $0x1  }
0xa3: {  	[sflag:s23] =	ssyncset.done $0x0  }
0xa4: {  	s25 =	simm.s32 $0x1B8E;
	s24 =	sld [smem:$0x3FFE];
	[sflag:s23] =	ssyncadd.s32 $0xFFFFFFFF  }
0xa5: {  	s26 =	simm.s32 $execute0_lowered;
	[smem:$0x3FD2] =	sst s25  }
0xa6: {  	s5 =	sshll.u32 s26, $0x1;
	_ =	strace $0x80000046;
	[dreg:$0x1] =	wrdreg $0xFFFFFFFF  }
0xa7: {  	s28 =	simm.s32 $_size_execute0_lowered;
	s3 =	sadd.s32 s3, s5;
	[dreg:$0x0] =	wrdreg $0x0  }
0xa8: {  	s5 =	sshll.u32 s28, $0x1;
	[dreg:$0x2] =	wrdreg s3  }
0xa9: {  	[dreg:$0x3] =	wrdreg s5  }
0xaa: {  	[dreg:$0x4] =	wrdreg $0xC0  }
0xab: {  	_ =	task [dreg:s7], $0x5FFFF  }
0xac: {  	[dreg:$0x1] =	wrdreg $0xFFFFFFFF  }
0xad: {  	[dreg:$0x0] =	wrdreg $0x60  }
0xae: {  	[dreg:$0x2] =	wrdreg s24  }
0xaf: {  	[dreg:$0x3] =	wrdreg s2  }
0xb0: {  	[dreg:$0x4] =	wrdreg $0x150000  }
0xb1: {  	[dreg:$0x5] =	wrdreg $0x1EE000  }
0xb2: {  	[dreg:$0x6] =	wrdreg $0x9  }
0xb3: {  	_ =	task.clear_ibuf [dreg:s7], $0x7FFFF;
	_ =	strace $0x90000046  }
0xb4: {  	s29 =	simm.s32 $0x9;
	_ =	strace $0x80000048  }
0xb5: {  	_ =	swait.ge [sflag:s29], $0x1  }
0xb6: {  	[sflag:s29] =	ssyncadd.s32 $0xFFFFFFFF  }
0xb7: {  	_ =	strace $0x90000048  }
0xb8: {  	_ =	sfence  }
0xb9: {  	s30 =	sld [smem:$0x0];
	_ =	sdelay $0x2  }
0xba: {  	s31 =	sshll.u32 s1, $0xD;
	s1 =	sshrl.u32 s1, $0x2  }
0xbb: {  	s3 =	sand.u32 $0x4000, s31;
	s1 =	sadd.s32 s1, s30  }
0xbc: {  	s0 =	sor.u32 s3, s0;
	s1 =	sshll.u32 s1, $0x11  }
0xbd: {  	s0 =	sor.u32 s1, s0  }
0xbe: {  	s0 =	sadd.s32 $0x8F2B, s0  }
0xbf: {  	[sflag:s0] =	ssyncadd.remote.s32 $0x1  }
0xc0: {  	_ =	sfence.sel $0xFFFF  }
0xc1: {  	[dreg:$0x0] =	wrdreg $0xFFFFFFFF;
	(pc) =	sbr.abs _section_cstart, $3  }
0xc2: {  	[dreg:$0x1] =	wrdreg $0xFFFFFFFF  }
0xc3: {  	_ =	task.clear_ibuf [dreg:s7], $0x2FFFF;
	_ =	strace $0x9FFFFFFF  }
0xc4: {  	(tm) =	ssettm $0x7FFFFFFF  }
0xc5: {  	_ =	shalt  }
tec
execute0_lowered:
.L_overlay_start_1:
0x0: {  	(tag) =	ssettag $0x1  }
0x1: {  	s1 =	rddreg [dreg:$0x0]  }
0x2: {  	s0 =	srdreg.scid;
	s3 =	rddreg [dreg:$0x2]  }
0x3: {  	s6 =	stileid.u32;
	s4 =	rddreg [dreg:$0x3]  }
0x4: {  	s24 =	simm.s32 $0x0;
	s30 =	simm.s32 $0x19;
	s17 =	simm.s32 $0x80  }
0x5: {  	s11 =	simm.s32 $0xA;
	s13 =	simm.s32 $0x12;
	s14 =	simm.s32 $0xB  }
0x6: {  	s12 =	simm.s32 $0x13;
	s15 =	simm.s32 $0xC;
	s16 =	simm.s32 $0xD  }
0x7: {  	s18 =	simm.s32 $0x15;
	s19 =	simm.s32 $0xE;
	s20 =	simm.s32 $0x16  }
0x8: {  	s21 =	simm.s32 $0xF;
	s28 =	simm.s32 $0x18;
	s29 =	simm.s32 $0x0  }
0x9: {  	s0 =	sand.u32 $0x1, s0;
	s5 =	smul.u32 $0x9E00, s6;
	[smem:$0x7FF] =	sst s24  }
0xa: {  	s8 =	smul.u32 $0x278, s6;
	s10 =	sadd.s32 $0x2C400, s1;
	s22 =	sadd.s32 $0x2D800, s1  }
0xb: {  	s7 =	smul.u32 $0x9E000, s0;
	_ =	strace $0x80000047;
	[dreg:$0x5] =	wrdreg s10  }
0xc: {  	s2 =	sshll.u32 s0, $0x4;
	s9 =	smul.u32 $0x2780, s0;
	[dreg:$0x6] =	wrdreg s22  }
0xd: {  	s0 =	ssub.s32 $0x2, s0;
	s22 =	simm.s32 $0x1F078;
	s10 =	simm.s32 $0x11  }
0xe: {  	s2 =	sor.u32 s6, s2;
	s6 =	sadd.s32 $0x4800, s1;
	s23 =	sshrl.u32 s0, $0x1  }
0xf: {  	s26 =	sadd.s32 s5, s3;
	s2 =	smul.u32 $0x500, s2;
	s7 =	sadd.s32 s5, s7  }
0x10: {  	s9 =	sadd.s32 s8, s9;
	s0 =	ssub.s32 s0, s23;
	[dreg:$0x9] =	wrdreg s26  }
0x11: {  	s8 =	sadd.s32 s8, s4;
	s5 =	simm.s32 $0x14;
	s7 =	sshrl.u32 s7, $0x3  }
0x12: {  	s0 =	smax.u32 s0, $0x1;
	[dreg:$0xa] =	wrdreg s8;
	s2 =	sadd.s32 s2, s1  }
0x13: {  	s9 =	sshrl.u32 s9, $0x3;
	[dreg:$0xd] =	wrdreg s0;
	s25 =	sadd.s32 $0x22400, s2  }
0x14: {  	s7 =	sadd.s32 s7, s1;
	s2 =	sadd.s32 $0x18400, s2;
	[dreg:$0x7] =	wrdreg s25  }
0x15: {  	s1 =	sadd.s32 s9, s1;
	s31 =	sadd.s32 $0x2E400, s7;
	[dreg:$0x8] =	wrdreg s2  }
0x16: {  	s23 =	simm.s32 $0x17;
	s1 =	sadd.s32 $0x2DA00, s1;
	[dreg:$0xb] =	wrdreg s31  }
0x17: {  	s9 =	simm.s32 $0x9;
	[dreg:$0xc] =	wrdreg s1;
	s25 =	simm.s32 $0x10  }
.LBB2_1:
0x18: {  	[dreg:$0xe] =	wrdreg s29  }
0x19: {  	s1 =	rddreg [dreg:$0x7]  }
0x1a: {  	[tilespmem:s24], [sflag:$0x19] =	stream.linear.gather [hbm4b:s1+s24], $0x2800, $0x38;
	[tilespmem:$0x1F370] =	vst v63  }
0x1b: {  	_ =	swait.ge [sflag:s30], $0x2800  }
0x1c: {  	[sflag:s30] =	ssyncset.done $0x0  }
0x1d: {  	s31 =	simm.s32 $0x5000;
	[sflag:s30] =	ssyncadd.s32 $0xFFFFD800  }
0x1e: {  	[tilespmem:s31], [sflag:$0x1] =	stream.indirect.gather [hbm4b:s6+s17], $0x40, s24, s17, $0xb8;
	[tilespmem:$0x1F370] =	vst v63  }
0x1f: {  	s2 =	simm.s32 $0x7000  }
0x20: {  	[tilespmem:s2], [sflag:$0x2] =	stream.indirect.gather [hbm4b:s6+s17], $0x40, s17, s17, $0xb8;
	[tilespmem:$0x1F370] =	vst v63  }
0x21: {  	s26 =	simm.s32 $0x100;
	s7 =	simm.s32 $0x9000  }
0x22: {  	[tilespmem:s7], [sflag:$0x3] =	stream.indirect.gather [hbm4b:s6+s17], $0x40, s26, s17, $0xb8;
	[tilespmem:$0x1F370] =	vst v63  }
0x23: {  	s29 =	simm.s32 $0x180;
	s0 =	simm.s32 $0xB000  }
0x24: {  	[tilespmem:s0], [sflag:$0x4] =	stream.indirect.gather [hbm4b:s6+s17], $0x40, s29, s17, $0xb8;
	[tilespmem:$0x1F370] =	vst v63  }
0x25: {  	s26 =	simm.s32 $0x200;
	s29 =	simm.s32 $0xD000  }
0x26: {  	[tilespmem:s29], [sflag:$0x5] =	stream.indirect.gather [hbm4b:s6+s17], $0x40, s26, s17, $0xb8;
	[tilespmem:$0x1F370] =	vst v63  }
0x27: {  	s0 =	smov.u32 s8;
	s8 =	simm.s32 $0xF000;
	s26 =	simm.s32 $0x280  }
0x28: {  	[tilespmem:s8], [sflag:$0x6] =	stream.indirect.gather [hbm4b:s6+s17], $0x40, s26, s17, $0xb8;
	[tilespmem:$0x1F370] =	vst v63  }
0x29: {  	s29 =	simm.s32 $0x300;
	s26 =	simm.s32 $0x11000  }
0x2a: {  	[tilespmem:s26], [sflag:$0x7] =	stream.indirect.gather [hbm4b:s6+s17], $0x40, s29, s17, $0xb8;
	[tilespmem:$0x1F370] =	vst v63  }
0x2b: {  	s26 =	simm.s32 $0x380;
	s29 =	simm.s32 $0x13000  }
0x2c: {  	[tilespmem:s29], [sflag:$0x8] =	stream.indirect.gather [hbm4b:s6+s17], $0x40, s26, s17, $0xb8;
	[tilespmem:$0x1F370] =	vst v63  }
0x2d: {  	s1 =	rddreg [dreg:$0x8];
	s26 =	simm.s32 $0x2800  }
0x2e: {  	[tilespmem:s26], [sflag:$0x19] =	stream.linear.gather [hbm4b:s1+s24], $0x2800, $0x38;
	[tilespmem:$0x1F370] =	vst v63  }
0x2f: {  	s29 =	stileid.u32;
	_ =	swait.ge [sflag:s30], $0x2800  }
0x30: {  	s1 =	sshll.u32 s29, $0x6;
	s26 =	rddreg [dreg:$0x9]  }
0x31: {  	s29 =	sor.u32 $0x1C19, s1;
	s1 =	rddreg [dreg:$0x5]  }
0x32: {  	[sflag:s30] =	ssyncset.done $0x0;
	[dreg:$0xf] =	wrdreg s29;
	s26 =	sshrl.u32 s26, $0x3  }
0x33: {  	[sflag:s30] =	ssyncadd.s32 $0xFFFFD800;
	[dreg:$0x10] =	wrdreg s26  }
0x34: {  	[spmem:s26], [sflag:s29] =	dma.local [hbm:s1], $0x13C0  }
0x35: {  	_ =	swait.ge [sflag:s30], $0x13C0  }
0x36: {  	[sflag:s30] =	ssyncset.done $0x0  }
0x37: {  	[sflag:s30] =	ssyncadd.s32 $0xFFFFEC40  }
0x38: {  	s29 =	simm.s32 $0x1F0F8;
	s26 =	rddreg [dreg:$0x1]  }
0x39: {  	[tilespmem:s29], [sflag:$0x19] =	stream.linear.gather [hbm4b:s26+s24], $0x278, $0x38;
	[tilespmem:$0x1F370] =	vst v63  }
0x3a: {  	_ =	swait.ge [sflag:s30], $0x278  }
0x3b: {  	[sflag:s30] =	ssyncset.done $0x0  }
0x3c: {  	[sflag:s30] =	ssyncadd.s32 $0xFFFFFD88  }
0x3d: {  	[spmem:s0] =	stream.linear.scatter [tilespmem:s29], [sflag:$0x19], $0x278, $0x38;
	[tilespmem:$0x1F370] =	vst v63  }
0x3e: {  	_ =	swait.ge [sflag:s30], $0x278  }
0x3f: {  	[sflag:s30] =	ssyncset.done $0x0  }
0x40: {  	s29 =	rddreg [dreg:$0x6];
	[sflag:s30] =	ssyncadd.s32 $0xFFFFFD88  }
0x41: {  	[tilespmem:s22], [sflag:$0x19] =	stream.linear.gather [hbm4b:s29+s24], $0x80, $0x38;
	[tilespmem:$0x1F370] =	vst v63  }
0x42: {  	_ =	swait.ge [sflag:s30], $0x80  }
0x43: {  	[sflag:s30] =	ssyncset.done $0x0  }
0x44: {  	[sflag:s30] =	ssyncadd.s32 $0xFFFFFF80  }
0x45: {  	s0 =	simm.s32 $0x1;
	[bflag:$0x0] =	sbarrier.arrive $0xFFFF  }
0x46: {  	_ =	swait.ge [sflag:s0], $0x2000  }
0x47: {  	[sflag:s0] =	ssyncset.done $0x0  }
0x48: {  	s26 =	simm.s32 $0x2800;
	[sflag:s0] =	ssyncadd.s32 $0xFFFFE000  }
0x49: {  	[spmem:s3] =	stream.indirect.scatter.add.f32 [tilespmem:s31], [sflag:$0x9], $0x40, s26, s17, $0xb8;
	[tilespmem:$0x1F370] =	vst v63  }
0x4a: {  	s29 =	simm.s32 $0x2  }
0x4b: {  	[spmem:s4] =	stream.indirect.scatter.add.f32 [tilespmem:s22], [sflag:$0x11], $0x1, s26, s17, $0xb8;
	[tilespmem:$0x1F370] =	vst v63  }
0x4c: {  	_ =	swait.ge [sflag:s29], $0x2000  }
0x4d: {  	[sflag:s29] =	ssyncset.done $0x0  }
0x4e: {  	s0 =	simm.s32 $0x2880;
	[sflag:s29] =	ssyncadd.s32 $0xFFFFE000  }
0x4f: {  	[spmem:s3] =	stream.indirect.scatter.add.f32 [tilespmem:s2], [sflag:$0xA], $0x40, s0, s17, $0xb8;
	[tilespmem:$0x1F370] =	vst v63  }
0x50: {  	s26 =	simm.s32 $0x3  }
0x51: {  	[spmem:s4] =	stream.indirect.scatter.add.f32 [tilespmem:s22], [sflag:$0x12], $0x1, s0, s17, $0xb8;
	[tilespmem:$0x1F370] =	vst v63  }
0x52: {  	_ =	swait.ge [sflag:s26], $0x2000  }
0x53: {  	[sflag:s26] =	ssyncset.done $0x0  }
0x54: {  	s29 =	simm.s32 $0x2900;
	[sflag:s26] =	ssyncadd.s32 $0xFFFFE000  }
0x55: {  	[spmem:s3] =	stream.indirect.scatter.add.f32 [tilespmem:s7], [sflag:$0xB], $0x40, s29, s17, $0xb8;
	[tilespmem:$0x1F370] =	vst v63  }
0x56: {  	s0 =	simm.s32 $0x4  }
0x57: {  	[spmem:s4] =	stream.indirect.scatter.add.f32 [tilespmem:s22], [sflag:$0x13], $0x1, s29, s17, $0xb8;
	[tilespmem:$0x1F370] =	vst v63  }
0x58: {  	_ =	swait.ge [sflag:s0], $0x2000  }
0x59: {  	[sflag:s0] =	ssyncset.done $0x0  }
0x5a: {  	s26 =	simm.s32 $0x2980;
	[sflag:s0] =	ssyncadd.s32 $0xFFFFE000;
	s0 =	simm.s32 $0xB000  }
0x5b: {  	[spmem:s3] =	stream.indirect.scatter.add.f32 [tilespmem:s0], [sflag:$0xC], $0x40, s26, s17, $0xb8;
	[tilespmem:$0x1F370] =	vst v63  }
0x5c: {  	s29 =	simm.s32 $0x5  }
0x5d: {  	[spmem:s4] =	stream.indirect.scatter.add.f32 [tilespmem:s22], [sflag:$0x14], $0x1, s26, s17, $0xb8;
	[tilespmem:$0x1F370] =	vst v63  }
0x5e: {  	_ =	swait.ge [sflag:s29], $0x2000  }
0x5f: {  	[sflag:s29] =	ssyncset.done $0x0  }
0x60: {  	s26 =	simm.s32 $0x2A00;
	[sflag:s29] =	ssyncadd.s32 $0xFFFFE000;
	s29 =	simm.s32 $0xD000  }
0x61: {  	[spmem:s3] =	stream.indirect.scatter.add.f32 [tilespmem:s29], [sflag:$0xD], $0x40, s26, s17, $0xb8;
	[tilespmem:$0x1F370] =	vst v63  }
0x62: {  	_ = 	snop  }
0x63: {  	[spmem:s4] =	stream.indirect.scatter.add.f32 [tilespmem:s22], [sflag:$0x15], $0x1, s26, s17, $0xb8;
	[tilespmem:$0x1F370] =	vst v63  }
0x64: {  	s26 =	simm.s32 $0x6  }
0x65: {  	_ =	swait.ge [sflag:s26], $0x2000  }
0x66: {  	[sflag:s26] =	ssyncset.done $0x0  }
0x67: {  	[sflag:s26] =	ssyncadd.s32 $0xFFFFE000;
	s26 =	simm.s32 $0x2A80  }
0x68: {  	[spmem:s3] =	stream.indirect.scatter.add.f32 [tilespmem:s8], [sflag:$0xE], $0x40, s26, s17, $0xb8;
	[tilespmem:$0x1F370] =	vst v63  }
0x69: {  	_ = 	snop  }
0x6a: {  	[spmem:s4] =	stream.indirect.scatter.add.f32 [tilespmem:s22], [sflag:$0x16], $0x1, s26, s17, $0xb8;
	[tilespmem:$0x1F370] =	vst v63  }
0x6b: {  	s26 =	simm.s32 $0x7  }
0x6c: {  	_ =	swait.ge [sflag:s26], $0x2000  }
0x6d: {  	[sflag:s26] =	ssyncset.done $0x0  }
0x6e: {  	s1 =	simm.s32 $0x2B00;
	[sflag:s26] =	ssyncadd.s32 $0xFFFFE000;
	s26 =	simm.s32 $0x11000  }
0x6f: {  	[spmem:s3] =	stream.indirect.scatter.add.f32 [tilespmem:s26], [sflag:$0xF], $0x40, s1, s17, $0xb8;
	[tilespmem:$0x1F370] =	vst v63  }
0x70: {  	_ = 	snop  }
0x71: {  	[spmem:s4] =	stream.indirect.scatter.add.f32 [tilespmem:s22], [sflag:$0x17], $0x1, s1, s17, $0xb8;
	[tilespmem:$0x1F370] =	vst v63  }
0x72: {  	s1 =	simm.s32 $0x8  }
0x73: {  	_ =	swait.ge [sflag:s1], $0x2000  }
0x74: {  	[sflag:s1] =	ssyncset.done $0x0  }
0x75: {  	s30 =	simm.s32 $0x13000;
	[sflag:s1] =	ssyncadd.s32 $0xFFFFE000;
	s1 =	simm.s32 $0x2B80  }
0x76: {  	[spmem:s3] =	stream.indirect.scatter.add.f32 [tilespmem:s30], [sflag:$0x10], $0x40, s1, s17, $0xb8;
	[tilespmem:$0x1F370] =	vst v63  }
0x77: {  	_ = 	snop  }
0x78: {  	[spmem:s4] =	stream.indirect.scatter.add.f32 [tilespmem:s22], [sflag:$0x18], $0x1, s1, s17, $0xb8;
	[tilespmem:$0x1F370] =	vst v63  }
0x79: {  	_ =	swait.ge [sflag:s9], $0x2000  }
0x7a: {  	[sflag:s9] =	ssyncset.done $0x0  }
0x7b: {  	[sflag:s9] =	ssyncadd.s32 $0xFFFFE000  }
0x7c: {  	s9 =	smin.u32 s24, $0x47;
	_ =	swait.ge [sflag:s10], $0x80  }
0x7d: {  	s1 =	sshll.u32 s9, $0x7;
	[sflag:s10] =	ssyncset.done $0x0  }
0x7e: {  	s1 =	sadd.s32 $0x400, s1;
	[sflag:s10] =	ssyncadd.s32 $0xFFFFFF80  }
0x7f: {  	[tilespmem:s31], [sflag:$0x1] =	stream.indirect.gather [hbm4b:s6+s17], $0x40, s1, s17, $0xb8;
	[tilespmem:$0x1F370] =	vst v63  }
0x80: {  	_ =	swait.ge [sflag:s11], $0x2000  }
0x81: {  	[sflag:s11] =	ssyncset.done $0x0  }
0x82: {  	[sflag:s11] =	ssyncadd.s32 $0xFFFFE000  }
0x83: {  	s11 =	smin.u32 s24, $0x46;
	_ =	swait.ge [sflag:s13], $0x80  }
0x84: {  	s1 =	sshll.u32 s11, $0x7;
	[sflag:s13] =	ssyncset.done $0x0  }
0x85: {  	s1 =	sadd.s32 $0x480, s1;
	[sflag:s13] =	ssyncadd.s32 $0xFFFFFF80  }
0x86: {  	[tilespmem:s2], [sflag:$0x2] =	stream.indirect.gather [hbm4b:s6+s17], $0x40, s1, s17, $0xb8;
	[tilespmem:$0x1F370] =	vst v63  }
0x87: {  	_ =	swait.ge [sflag:s14], $0x2000  }
0x88: {  	[sflag:s14] =	ssyncset.done $0x0  }
0x89: {  	[sflag:s14] =	ssyncadd.s32 $0xFFFFE000  }
0x8a: {  	s14 =	smin.u32 s24, $0x45;
	_ =	swait.ge [sflag:s12], $0x80  }
0x8b: {  	s1 =	sshll.u32 s14, $0x7;
	[sflag:s12] =	ssyncset.done $0x0  }
0x8c: {  	s1 =	sadd.s32 $0x500, s1;
	[sflag:s12] =	ssyncadd.s32 $0xFFFFFF80  }
0x8d: {  	[tilespmem:s7], [sflag:$0x3] =	stream.indirect.gather [hbm4b:s6+s17], $0x40, s1, s17, $0xb8;
	[tilespmem:$0x1F370] =	vst v63  }
0x8e: {  	_ =	swait.ge [sflag:s15], $0x2000  }
0x8f: {  	[sflag:s15] =	ssyncset.done $0x0  }
0x90: {  	[sflag:s15] =	ssyncadd.s32 $0xFFFFE000  }
0x91: {  	s15 =	smin.u32 s24, $0x44;
	_ =	swait.ge [sflag:s5], $0x80  }
0x92: {  	s1 =	sshll.u32 s15, $0x7;
	[sflag:s5] =	ssyncset.done $0x0  }
0x93: {  	s1 =	sadd.s32 $0x580, s1;
	[sflag:s5] =	ssyncadd.s32 $0xFFFFFF80  }
0x94: {  	[tilespmem:s0], [sflag:$0x4] =	stream.indirect.gather [hbm4b:s6+s17], $0x40, s1, s17, $0xb8;
	[tilespmem:$0x1F370] =	vst v63  }
0x95: {  	_ =	swait.ge [sflag:s16], $0x2000  }
0x96: {  	[sflag:s16] =	ssyncset.done $0x0  }
0x97: {  	[sflag:s16] =	ssyncadd.s32 $0xFFFFE000  }
0x98: {  	s16 =	smin.u32 s24, $0x43;
	_ =	swait.ge [sflag:s18], $0x80  }
0x99: {  	s1 =	sshll.u32 s16, $0x7;
	[sflag:s18] =	ssyncset.done $0x0  }
0x9a: {  	s1 =	sadd.s32 $0x600, s1;
	[sflag:s18] =	ssyncadd.s32 $0xFFFFFF80  }
0x9b: {  	[tilespmem:s29], [sflag:$0x5] =	stream.indirect.gather [hbm4b:s6+s17], $0x40, s1, s17, $0xb8;
	[tilespmem:$0x1F370] =	vst v63  }
0x9c: {  	_ =	swait.ge [sflag:s19], $0x2000  }
0x9d: {  	[sflag:s19] =	ssyncset.done $0x0  }
0x9e: {  	[sflag:s19] =	ssyncadd.s32 $0xFFFFE000  }
0x9f: {  	s19 =	smin.u32 s24, $0x42;
	_ =	swait.ge [sflag:s20], $0x80  }
0xa0: {  	s1 =	sshll.u32 s19, $0x7;
	[sflag:s20] =	ssyncset.done $0x0  }
0xa1: {  	s1 =	sadd.s32 $0x680, s1;
	[sflag:s20] =	ssyncadd.s32 $0xFFFFFF80  }
0xa2: {  	[tilespmem:s8], [sflag:$0x6] =	stream.indirect.gather [hbm4b:s6+s17], $0x40, s1, s17, $0xb8;
	[tilespmem:$0x1F370] =	vst v63  }
0xa3: {  	_ =	swait.ge [sflag:s21], $0x2000  }
0xa4: {  	s30 =	simm.s32 $0x1000;
	s10 =	simm.s32 $0x9;
	[sflag:s21] =	ssyncset.done $0x0  }
0xa5: {  	s31 =	smin.u32 s24, $0x40;
	s11 =	simm.s32 $0x18;
	[sflag:s21] =	ssyncadd.s32 $0xFFFFE000  }
0xa6: {  	s13 =	simm.s32 $0xA;
	s29 =	smin.u32 s24, $0x41;
	_ =	swait.ge [sflag:s23], $0x80  }
0xa7: {  	s14 =	simm.s32 $0x12;
	s1 =	sshll.u32 s29, $0x7;
	[sflag:s23] =	ssyncset.done $0x0  }
0xa8: {  	s15 =	simm.s32 $0xB;
	s1 =	sadd.s32 $0x700, s1;
	[sflag:s23] =	ssyncadd.s32 $0xFFFFFF80  }
0xa9: {  	[tilespmem:s26], [sflag:$0x7] =	stream.indirect.gather [hbm4b:s6+s17], $0x40, s1, s17, $0xb8;
	[tilespmem:$0x1F370] =	vst v63  }
0xaa: {  	s5 =	simm.s32 $0x14;
	s16 =	simm.s32 $0xD;
	_ =	swait.ge [sflag:s25], $0x2000  }
0xab: {  	s18 =	simm.s32 $0x15;
	s19 =	simm.s32 $0xE;
	[sflag:s25] =	ssyncset.done $0x0  }
0xac: {  	s20 =	simm.s32 $0xC;
	s21 =	simm.s32 $0x16;
	[sflag:s25] =	ssyncadd.s32 $0xFFFFE000  }
0xad: {  	s23 =	simm.s32 $0xF;
	s1 =	sshll.u32 s31, $0x7;
	_ =	swait.ge [sflag:s28], $0x80  }
0xae: {  	s24 =	sadd.s32 $0x780, s1;
	s1 =	simm.s32 $0x8;
	[sflag:s28] =	ssyncset.done $0x0  }
0xaf: {  	s25 =	simm.s32 $0x17;
	[sflag:s28] =	ssyncadd.s32 $0xFFFFFF80;
	s28 =	simm.s32 $0x10  }
.LBB2_2:
0xb0: {  	s29 =	simm.s32 $0x13000  }
0xb1: {  	[tilespmem:s29], [sflag:$0x8] =	stream.indirect.gather [hbm4b:s6+s17], $0x40, s24, s17, $0xb8;
	[tilespmem:$0x1F370] =	vst v63  }
0xb2: {  	s26 =	simm.s32 $0x1;
	s24 =	smov.u32 s30  }
0xb3: {  	p0 =	sne.s32 s30, $0x9000;
	s30 =	sadd.s32 $0x1000, s30;
	_ =	swait.ge [sflag:s26], $0x2000  }
0xb4: {  	s24 =	sshra.s32 s24, $0x2;
	[sflag:s26] =	ssyncset.done $0x0  }
0xb5: {  	s31 =	simm.s32 $0x5000;
	[sflag:s26] =	ssyncadd.s32 $0xFFFFE000;
	s26 =	sadd.s32 $0x2800, s24  }
0xb6: {  	[spmem:s3] =	stream.indirect.scatter.add.f32 [tilespmem:s31], [sflag:$0x9], $0x40, s26, s17, $0xb8;
	[tilespmem:$0x1F370] =	vst v63  }
0xb7: {  	_ = 	snop  }
0xb8: {  	[spmem:s4] =	stream.indirect.scatter.add.f32 [tilespmem:s22], [sflag:$0x11], $0x1, s26, s17, $0xb8;
	[tilespmem:$0x1F370] =	vst v63  }
0xb9: {  	s26 =	simm.s32 $0x2  }
0xba: {  	_ =	swait.ge [sflag:s26], $0x2000  }
0xbb: {  	[sflag:s26] =	ssyncset.done $0x0  }
0xbc: {  	s2 =	simm.s32 $0x7000;
	[sflag:s26] =	ssyncadd.s32 $0xFFFFE000;
	s26 =	sadd.s32 $0x2880, s24  }
0xbd: {  	[spmem:s3] =	stream.indirect.scatter.add.f32 [tilespmem:s2], [sflag:$0xA], $0x40, s26, s17, $0xb8;
	[tilespmem:$0x1F370] =	vst v63  }
0xbe: {  	_ = 	snop  }
0xbf: {  	[spmem:s4] =	stream.indirect.scatter.add.f32 [tilespmem:s22], [sflag:$0x12], $0x1, s26, s17, $0xb8;
	[tilespmem:$0x1F370] =	vst v63  }
0xc0: {  	s26 =	simm.s32 $0x3  }
0xc1: {  	_ =	swait.ge [sflag:s26], $0x2000  }
0xc2: {  	[sflag:s26] =	ssyncset.done $0x0  }
0xc3: {  	s0 =	simm.s32 $0x9000;
	[sflag:s26] =	ssyncadd.s32 $0xFFFFE000;
	s26 =	sadd.s32 $0x2900, s24  }
0xc4: {  	[spmem:s3] =	stream.indirect.scatter.add.f32 [tilespmem:s0], [sflag:$0xB], $0x40, s26, s17, $0xb8;
	[tilespmem:$0x1F370] =	vst v63  }
0xc5: {  	_ = 	snop  }
0xc6: {  	[spmem:s4] =	stream.indirect.scatter.add.f32 [tilespmem:s22], [sflag:$0x13], $0x1, s26, s17, $0xb8;
	[tilespmem:$0x1F370] =	vst v63  }
0xc7: {  	s26 =	simm.s32 $0x4  }
0xc8: {  	_ =	swait.ge [sflag:s26], $0x2000  }
0xc9: {  	[sflag:s26] =	ssyncset.done $0x0  }
0xca: {  	s7 =	simm.s32 $0xB000;
	[sflag:s26] =	ssyncadd.s32 $0xFFFFE000;
	s26 =	sadd.s32 $0x2980, s24  }
0xcb: {  	[spmem:s3] =	stream.indirect.scatter.add.f32 [tilespmem:s7], [sflag:$0xC], $0x40, s26, s17, $0xb8;
	[tilespmem:$0x1F370] =	vst v63  }
0xcc: {  	_ = 	snop  }
0xcd: {  	[spmem:s4] =	stream.indirect.scatter.add.f32 [tilespmem:s22], [sflag:$0x14], $0x1, s26, s17, $0xb8;
	[tilespmem:$0x1F370] =	vst v63  }
0xce: {  	s26 =	simm.s32 $0x5  }
0xcf: {  	_ =	swait.ge [sflag:s26], $0x2000  }
0xd0: {  	[sflag:s26] =	ssyncset.done $0x0  }
0xd1: {  	s8 =	simm.s32 $0xD000;
	[sflag:s26] =	ssyncadd.s32 $0xFFFFE000;
	s26 =	sadd.s32 $0x2A00, s24  }
0xd2: {  	[spmem:s3] =	stream.indirect.scatter.add.f32 [tilespmem:s8], [sflag:$0xD], $0x40, s26, s17, $0xb8;
	[tilespmem:$0x1F370] =	vst v63  }
0xd3: {  	_ = 	snop  }
0xd4: {  	[spmem:s4] =	stream.indirect.scatter.add.f32 [tilespmem:s22], [sflag:$0x15], $0x1, s26, s17, $0xb8;
	[tilespmem:$0x1F370] =	vst v63  }
0xd5: {  	s26 =	simm.s32 $0x6  }
0xd6: {  	_ =	swait.ge [sflag:s26], $0x2000  }
0xd7: {  	[sflag:s26] =	ssyncset.done $0x0  }
0xd8: {  	s9 =	simm.s32 $0xF000;
	[sflag:s26] =	ssyncadd.s32 $0xFFFFE000;
	s26 =	sadd.s32 $0x2A80, s24  }
0xd9: {  	[spmem:s3] =	stream.indirect.scatter.add.f32 [tilespmem:s9], [sflag:$0xE], $0x40, s26, s17, $0xb8;
	[tilespmem:$0x1F370] =	vst v63  }
0xda: {  	_ = 	snop  }
0xdb: {  	[spmem:s4] =	stream.indirect.scatter.add.f32 [tilespmem:s22], [sflag:$0x16], $0x1, s26, s17, $0xb8;
	[tilespmem:$0x1F370] =	vst v63  }
0xdc: {  	s26 =	simm.s32 $0x7  }
0xdd: {  	_ =	swait.ge [sflag:s26], $0x2000  }
0xde: {  	[sflag:s26] =	ssyncset.done $0x0  }
0xdf: {  	s12 =	simm.s32 $0x11000;
	[sflag:s26] =	ssyncadd.s32 $0xFFFFE000;
	s26 =	sadd.s32 $0x2B00, s24  }
0xe0: {  	[spmem:s3] =	stream.indirect.scatter.add.f32 [tilespmem:s12], [sflag:$0xF], $0x40, s26, s17, $0xb8;
	[tilespmem:$0x1F370] =	vst v63  }
0xe1: {  	_ = 	snop  }
0xe2: {  	[spmem:s4] =	stream.indirect.scatter.add.f32 [tilespmem:s22], [sflag:$0x17], $0x1, s26, s17, $0xb8;
	[tilespmem:$0x1F370] =	vst v63  }
0xe3: {  	s26 =	simm.s32 $0x8  }
0xe4: {  	_ =	swait.ge [sflag:s26], $0x2000  }
0xe5: {  	[sflag:s26] =	ssyncset.done $0x0  }
0xe6: {  	s24 =	sadd.s32 $0x2B80, s24;
	[sflag:s26] =	ssyncadd.s32 $0xFFFFE000;
	s26 =	simm.s32 $0x13000  }
0xe7: {  	[spmem:s3] =	stream.indirect.scatter.add.f32 [tilespmem:s29], [sflag:$0x10], $0x40, s24, s17, $0xb8;
	[tilespmem:$0x1F370] =	vst v63  }
0xe8: {  	_ = 	snop  }
0xe9: {  	[spmem:s4] =	stream.indirect.scatter.add.f32 [tilespmem:s22], [sflag:$0x18], $0x1, s24, s17, $0xb8;
	[tilespmem:$0x1F370] =	vst v63  }
0xea: {  	_ =	swait.ge [sflag:s10], $0x2000  }
0xeb: {  	[sflag:s10] =	ssyncset.done $0x0  }
0xec: {  	s29 =	simm.s32 $0x11;
	[sflag:s10] =	ssyncadd.s32 $0xFFFFE000  }
0xed: {  	s24 =	smin.u32 s1, $0x47;
	_ =	swait.ge [sflag:s29], $0x80  }
0xee: {  	s24 =	sshll.u32 s24, $0x7;
	[sflag:s29] =	ssyncset.done $0x0  }
0xef: {  	s24 =	sadd.s32 $0x400, s24;
	[sflag:s29] =	ssyncadd.s32 $0xFFFFFF80  }
0xf0: {  	[tilespmem:s31], [sflag:$0x1] =	stream.indirect.gather [hbm4b:s6+s17], $0x40, s24, s17, $0xb8;
	[tilespmem:$0x1F370] =	vst v63  }
0xf1: {  	_ =	swait.ge [sflag:s13], $0x2000  }
0xf2: {  	[sflag:s13] =	ssyncset.done $0x0  }
0xf3: {  	[sflag:s13] =	ssyncadd.s32 $0xFFFFE000  }
0xf4: {  	s24 =	smin.u32 s1, $0x46;
	_ =	swait.ge [sflag:s14], $0x80  }
0xf5: {  	s24 =	sshll.u32 s24, $0x7;
	[sflag:s14] =	ssyncset.done $0x0  }
0xf6: {  	s24 =	sadd.s32 $0x480, s24;
	[sflag:s14] =	ssyncadd.s32 $0xFFFFFF80  }
0xf7: {  	[tilespmem:s2], [sflag:$0x2] =	stream.indirect.gather [hbm4b:s6+s17], $0x40, s24, s17, $0xb8;
	[tilespmem:$0x1F370] =	vst v63  }
0xf8: {  	_ =	swait.ge [sflag:s15], $0x2000  }
0xf9: {  	[sflag:s15] =	ssyncset.done $0x0  }
0xfa: {  	s2 =	simm.s32 $0x13;
	[sflag:s15] =	ssyncadd.s32 $0xFFFFE000  }
0xfb: {  	s24 =	smin.u32 s1, $0x45;
	_ =	swait.ge [sflag:s2], $0x80  }
0xfc: {  	s24 =	sshll.u32 s24, $0x7;
	[sflag:s2] =	ssyncset.done $0x0  }
0xfd: {  	s24 =	sadd.s32 $0x500, s24;
	[sflag:s2] =	ssyncadd.s32 $0xFFFFFF80  }
0xfe: {  	[tilespmem:s0], [sflag:$0x3] =	stream.indirect.gather [hbm4b:s6+s17], $0x40, s24, s17, $0xb8;
	[tilespmem:$0x1F370] =	vst v63  }
0xff: {  	_ =	swait.ge [sflag:s20], $0x2000  }
0x100: {  	[sflag:s20] =	ssyncset.done $0x0  }
0x101: {  	[sflag:s20] =	ssyncadd.s32 $0xFFFFE000  }
0x102: {  	s24 =	smin.u32 s1, $0x44;
	_ =	swait.ge [sflag:s5], $0x80  }
0x103: {  	s24 =	sshll.u32 s24, $0x7;
	[sflag:s5] =	ssyncset.done $0x0  }
0x104: {  	s24 =	sadd.s32 $0x580, s24;
	[sflag:s5] =	ssyncadd.s32 $0xFFFFFF80  }
0x105: {  	[tilespmem:s7], [sflag:$0x4] =	stream.indirect.gather [hbm4b:s6+s17], $0x40, s24, s17, $0xb8;
	[tilespmem:$0x1F370] =	vst v63  }
0x106: {  	_ =	swait.ge [sflag:s16], $0x2000  }
0x107: {  	[sflag:s16] =	ssyncset.done $0x0  }
0x108: {  	[sflag:s16] =	ssyncadd.s32 $0xFFFFE000  }
0x109: {  	s24 =	smin.u32 s1, $0x43;
	_ =	swait.ge [sflag:s18], $0x80  }
0x10a: {  	s24 =	sshll.u32 s24, $0x7;
	[sflag:s18] =	ssyncset.done $0x0  }
0x10b: {  	s24 =	sadd.s32 $0x600, s24;
	[sflag:s18] =	ssyncadd.s32 $0xFFFFFF80  }
0x10c: {  	[tilespmem:s8], [sflag:$0x5] =	stream.indirect.gather [hbm4b:s6+s17], $0x40, s24, s17, $0xb8;
	[tilespmem:$0x1F370] =	vst v63  }
0x10d: {  	_ =	swait.ge [sflag:s19], $0x2000  }
0x10e: {  	[sflag:s19] =	ssyncset.done $0x0  }
0x10f: {  	[sflag:s19] =	ssyncadd.s32 $0xFFFFE000  }
0x110: {  	s24 =	smin.u32 s1, $0x42;
	_ =	swait.ge [sflag:s21], $0x80  }
0x111: {  	s24 =	sshll.u32 s24, $0x7;
	[sflag:s21] =	ssyncset.done $0x0  }
0x112: {  	s24 =	sadd.s32 $0x680, s24;
	[sflag:s21] =	ssyncadd.s32 $0xFFFFFF80  }
0x113: {  	[tilespmem:s9], [sflag:$0x6] =	stream.indirect.gather [hbm4b:s6+s17], $0x40, s24, s17, $0xb8;
	[tilespmem:$0x1F370] =	vst v63  }
0x114: {  	_ =	swait.ge [sflag:s23], $0x2000  }
0x115: {  	[sflag:s23] =	ssyncset.done $0x0  }
0x116: {  	[sflag:s23] =	ssyncadd.s32 $0xFFFFE000  }
0x117: {  	s24 =	smin.u32 s1, $0x41;
	_ =	swait.ge [sflag:s25], $0x80  }
0x118: {  	s24 =	sshll.u32 s24, $0x7;
	[sflag:s25] =	ssyncset.done $0x0  }
0x119: {  	s24 =	sadd.s32 $0x700, s24;
	[sflag:s25] =	ssyncadd.s32 $0xFFFFFF80  }
0x11a: {  	[tilespmem:s12], [sflag:$0x7] =	stream.indirect.gather [hbm4b:s6+s17], $0x40, s24, s17, $0xb8;
	[tilespmem:$0x1F370] =	vst v63  }
0x11b: {  	_ =	swait.ge [sflag:s28], $0x2000  }
.Ltmp0:
0x11c: {  	[sflag:s28] =	ssyncset.done $0x0;
	(pc) =	sbr.rel @p0 .LBB2_2-.Ltmp0, $4  }
0x11d: {  	[sflag:s28] =	ssyncadd.s32 $0xFFFFE000  }
0x11e: {  	s24 =	smin.u32 s1, $0x40;
	_ =	swait.ge [sflag:s11], $0x80  }
0x11f: {  	s24 =	sshll.u32 s24, $0x7;
	[sflag:s11] =	ssyncset.done $0x0  }
0x120: {  	s1 =	sadd.s32 $0x8, s1;
	s24 =	sadd.s32 $0x780, s24;
	[sflag:s11] =	ssyncadd.s32 $0xFFFFFF80  }
0x121: {  	[tilespmem:s26], [sflag:$0x8] =	stream.indirect.gather [hbm4b:s6+s17], $0x40, s24, s17, $0xb8;
	[tilespmem:$0x1F370] =	vst v63  }
0x122: {  	s1 =	simm.s32 $0x1  }
0x123: {  	_ =	swait.ge [sflag:s1], $0x2000  }
0x124: {  	[sflag:s1] =	ssyncset.done $0x0  }
0x125: {  	s14 =	simm.s32 $0x2;
	[sflag:s1] =	ssyncadd.s32 $0xFFFFE000  }
0x126: {  	_ =	swait.ge [sflag:s14], $0x2000  }
0x127: {  	[sflag:s14] =	ssyncset.done $0x0  }
0x128: {  	s15 =	simm.s32 $0x3;
	[sflag:s14] =	ssyncadd.s32 $0xFFFFE000  }
0x129: {  	_ =	swait.ge [sflag:s15], $0x2000  }
0x12a: {  	[sflag:s15] =	ssyncset.done $0x0  }
0x12b: {  	s16 =	simm.s32 $0x4;
	[sflag:s15] =	ssyncadd.s32 $0xFFFFE000  }
0x12c: {  	_ =	swait.ge [sflag:s16], $0x2000  }
0x12d: {  	[sflag:s16] =	ssyncset.done $0x0  }
0x12e: {  	s18 =	simm.s32 $0x5;
	[sflag:s16] =	ssyncadd.s32 $0xFFFFE000  }
0x12f: {  	_ =	swait.ge [sflag:s18], $0x2000  }
0x130: {  	[sflag:s18] =	ssyncset.done $0x0  }
0x131: {  	s0 =	simm.s32 $0x6;
	[sflag:s18] =	ssyncadd.s32 $0xFFFFE000  }
0x132: {  	_ =	swait.ge [sflag:s0], $0x2000  }
0x133: {  	[sflag:s0] =	ssyncset.done $0x0  }
0x134: {  	s19 =	simm.s32 $0x7;
	[sflag:s0] =	ssyncadd.s32 $0xFFFFE000  }
0x135: {  	_ =	swait.ge [sflag:s19], $0x2000  }
0x136: {  	[sflag:s19] =	ssyncset.done $0x0  }
0x137: {  	s20 =	simm.s32 $0x8;
	[sflag:s19] =	ssyncadd.s32 $0xFFFFE000  }
0x138: {  	_ =	swait.ge [sflag:s20], $0x2000  }
0x139: {  	[sflag:s20] =	ssyncset.done $0x0  }
0x13a: {  	[sflag:s20] =	ssyncadd.s32 $0xFFFFE000  }
0x13b: {  	[bflag:$0x0] =	sbarrier.arrive $0xFFFF  }
0x13c: {  	s21 =	rddreg [dreg:$0xb]  }
0x13d: {  	s23 =	rddreg [dreg:$0xf]  }
0x13e: {  	s30 =	simm.s32 $0x19;
	s25 =	rddreg [dreg:$0x10]  }
0x13f: {  	[hbm:s21], [sflag:s23] =	dma.local [spmem:s25], $0x13C0  }
0x140: {  	_ =	swait.ge [sflag:s30], $0x13C0  }
0x141: {  	[sflag:s30] =	ssyncset.done $0x0  }
0x142: {  	s29 =	simm.s32 $0x1F0F8;
	s8 =	rddreg [dreg:$0xa];
	[sflag:s30] =	ssyncadd.s32 $0xFFFFEC40  }
0x143: {  	[tilespmem:s29], [sflag:$0x19] =	stream.linear.gather [spmem:s8], $0x278, $0x38;
	[tilespmem:$0x1F370] =	vst v63  }
0x144: {  	_ =	swait.ge [sflag:s30], $0x278  }
0x145: {  	[sflag:s30] =	ssyncset.done $0x0  }
0x146: {  	s24 =	simm.s32 $0x0;
	s26 =	rddreg [dreg:$0xc];
	[sflag:s30] =	ssyncadd.s32 $0xFFFFFD88  }
0x147: {  	[hbm4b:s26+s24] =	stream.linear.scatter [tilespmem:s29], [sflag:$0x19], $0x278, $0x38;
	[tilespmem:$0x1F370] =	vst v63  }
0x148: {  	_ =	swait.ge [sflag:s30], $0x278  }
0x149: {  	s9 =	simm.s32 $0x9;
	s29 =	rddreg [dreg:$0xe]  }
0x14a: {  	s10 =	simm.s32 $0x11;
	s31 =	rddreg [dreg:$0xd];
	s29 =	sadd.s32 $0x1, s29  }
0x14b: {  	s11 =	simm.s32 $0xA;
	s13 =	simm.s32 $0x12;
	p0 =	sne.s32 s29, s31  }
.Ltmp1:
0x14c: {  	s12 =	simm.s32 $0x13;
	s5 =	simm.s32 $0x14;
	(pc) =	sbr.rel @p0 .LBB2_1-.Ltmp1, $4  }
0x14d: {  	s28 =	simm.s32 $0x18;
	s14 =	simm.s32 $0xB;
	s15 =	simm.s32 $0xC  }
0x14e: {  	s16 =	simm.s32 $0xD;
	s18 =	simm.s32 $0x15;
	s19 =	simm.s32 $0xE  }
0x14f: {  	s20 =	simm.s32 $0x16;
	s21 =	simm.s32 $0xF;
	[sflag:s30] =	ssyncset.done $0x0  }
0x150: {  	s23 =	simm.s32 $0x17;
	s25 =	simm.s32 $0x10;
	[sflag:s30] =	ssyncadd.s32 $0xFFFFFD88  }
0x151: {  	_ =	sfence.sel $0x180000  }
0x152: {  	[bflag:$0x0] =	sbarrier.arrive $0xFFFF  }
0x153: {  	_ =	strace $0x90000047  }
0x154: {  	s0 =	stileid.u32;
	[bflag:$0x2] =	sbarrier.arrive $0xFFFF  }
0x155: {  	p0 =	sne.s32 s0, $0x0;
	s0 =	rddreg [dreg:$0x4]  }
0x156: {  	s0 =	sadd.s32 @!p0 $0x100000, s0  }
0x157: {  	[sflag:s0] =	ssyncadd.tile.s32 @!p0 $0x1;
	_ =	shalt  }
.Lfunc_end2:
_tile_overlayer_lowered:
.L_overlay_start_2:
0x158: {  	(tag) =	ssettag $0x2  }
0x159: {  	s0 =	rddreg [dreg:$0x0];
	s2 =	stileid.u32  }
0x15a: {  	s1 =	rddreg [dreg:$0x1];
	p0 =	sne.s32 s2, $0x0  }
0x15b: {  	s3 =	rddreg [dreg:$0x2];
	[bflag:$0x3] =	sbarrier.arrive $0xFFFF;
	s2 =	simm.s32 @!p0 $0x1C19  }
0x15c: {  	[timem:s3], [sflag:s2] =	dma.local @!p0 [hbm:s0], s1  }
0x15d: {  	s0 =	simm.s32 @!p0 $0x19  }
0x15e: {  	_ =	swait.ge @!p0 [sflag:s0], s1  }
0x15f: {  	s1 =	ssub.s32 @!p0 $0x0, s1;
	[sflag:s0] =	ssyncset.done @!p0 $0x0  }
0x160: {  	[sflag:s0] =	ssyncadd.s32 @!p0 s1  }
0x161: {  	[bflag:$0x3] =	sbarrier.arrive $0xFFFF  }
0x162: {  	_ =	shalt  }

// kernel: kernel.14.cloned.1.call-start
scs
__scs_entry_jumppad:
0x0: {  	(pc) =	sbr.rel $0x88, $3  }
0x1: {  	(tag) =	ssettag $0x0;
	lr =	simm.s32 $0x1  }
0x2: {  	[smem:$0x3F8E] =	sst lr;
	_ =	strace $0xD0000000  }
0x3: {  	_ = 	snop  }
0x4: {  	_ = 	snop  }
0x5: {  	_ = 	snop  }
0x6: {  	_ = 	snop  }
0x7: {  	_ = 	snop  }
__scs_overlays_trampoline_lowered:
0x8: {  	[smem:$0x3F9D] =	sst s0  }
0x9: {  	[smem:$0x3F9E] =	sst s1  }
0xa: {  	[smem:$0x3F9F] =	sst s2  }
0xb: {  	[smem:$0x3FA0] =	sst s3  }
0xc: {  	[smem:$0x3FA1] =	sst s4  }
0xd: {  	[smem:$0x3FA2] =	sst s5  }
0xe: {  	[smem:$0x3FA3] =	sst s6  }
0xf: {  	[smem:$0x3FA4] =	sst s7  }
0x10: {  	[smem:$0x3FA5] =	sst s8  }
0x11: {  	[smem:$0x3FA6] =	sst s9;
	s0 =	simm.s32 @!p0 $0x0  }
0x12: {  	s1 =	sld [smem:$0x3F8C];
	s0 =	simm.s32 @p0 $0x1  }
0x13: {  	[smem:$0x3FA7] =	sst s0;
	s0 =	simm.s32 @!p1 $0x0  }
0x14: {  	s2 =	sld [smem:$0x3F8B];
	s0 =	simm.s32 @p1 $0x1  }
0x15: {  	[smem:$0x3FA8] =	sst s0;
	s0 =	simm.s32 @!p2 $0x0  }
0x16: {  	s3 =	sld [smem:$0x3FDB];
	s0 =	simm.s32 @p2 $0x1  }
0x17: {  	s4 =	simm.s32 $0x1BF5;
	[smem:$0x3FAA] =	sst s0  }
0x18: {  	s0 =	sld [smem:$0x3F8D];
	_ =	swait.ge [sflag:s4], $0x0  }
0x19: {  	s7 =	sld [smem:$0x3F8E]  }
0x1a: {  	s8 =	sadd.s32 $0xFFFFE003, lr  }
0x1b: {  	s9 =	sadd.s32 $0xFFFFFEF7, lr;
	s5 =	simm.s32 $0xFFFFFFFF;
	p2 =	slt.u32 s8, $0xFFFFF086  }
0x1c: {  	p1 =	slt.u32 s9, $0xF7A;
	s5 =	simm.s32 @!p2 $0x0  }
0x1d: {  	s5 =	simm.s32 @p1 $0x1;
	p0 =	seq.s32 s7, s2  }
0x1e: {  	s7 =	smul.u32 @!p0 $0xF7A, s2;
	p2 =	seq.s32 @!p0 s5, $0x0  }
0x1f: {  	s9 =	smul.u32 $0xF7A, s1;
	s8 =	simm.s32 @!p0 $0x1BF5;
	p2 =	por !p2, p0  }
0x20: {  	[sflag:s8] =	ssyncset.s32 @!p0 $0xFFFFF086;
	s6 =	sadd.s32 @!p0 s3, s7;
	s7 =	simm.s32 @!p0 $0x108  }
0x21: {  	s3 =	sadd.s32 s3, s9;
	s6 =	sadd.s32 @!p0 $0x88, s6;
	s7 =	simm.s32 @p2 $0x1082  }
0x22: {  	[simem:s7], [sflag:s8] =	dma.local @!p0 [hbm:s6], $0xF7A  }
0x23: {  	s9 =	sor.u32 $0xD0000000, s2;
	s6 =	simm.s32 $0x108;
	_ =	swait.ge @!p0 [sflag:s8], $0x0  }
0x24: {  	s3 =	sadd.s32 $0x88, s3;
	s6 =	simm.s32 @!p1 $0x1082;
	[sflag:s4] =	ssyncset.s32 $0xFFFFF086  }
0x25: {  	[simem:s6], [sflag:s4] =	dma.local [hbm:s3], $0xF7A  }
0x26: {  	[smem:$0x3F8E] =	sst s1;
	(tag) =	ssettag s2;
	_ =	strace s9  }
0x27: {  	s1 =	sld [smem:$0x3F9E]  }
0x28: {  	s2 =	sld [smem:$0x3F9F]  }
0x29: {  	s4 =	sld [smem:$0x3FA1]  }
0x2a: {  	p0 =	seq.s32 s5, $0x0;
	s5 =	sld [smem:$0x3FA2]  }
0x2b: {  	s6 =	sld [smem:$0x3FA3]  }
0x2c: {  	s7 =	sld [smem:$0x3FA4]  }
0x2d: {  	s3 =	simm.s32 $0x108;
	s8 =	sld [smem:$0x3FA5]  }
0x2e: {  	s3 =	simm.s32 @!p0 $0x1082;
	s9 =	sld [smem:$0x3FA6]  }
0x2f: {  	lr =	sadd.s32 s0, s3;
	s0 =	sld [smem:$0x3F9D]  }
0x30: {  	s3 =	sld [smem:$0x3FA0]  }
0x31: {  	[smem:$0x3FA9] =	sst s10  }
0x32: {  	s10 =	sld [smem:$0x3FA7];
	_ =	sdelay $0x3  }
0x33: {  	p0 =	seq.s32 s10, $0x1;
	s10 =	sld [smem:$0x3FA9];
	_ =	sdelay $0x3  }
0x34: {  	[smem:$0x3FA9] =	sst s10  }
0x35: {  	s10 =	sld [smem:$0x3FA8];
	_ =	sdelay $0x3  }
0x36: {  	p1 =	seq.s32 s10, $0x1;
	s10 =	sld [smem:$0x3FA9];
	_ =	sdelay $0x3  }
0x37: {  	[smem:$0x3FA9] =	sst s10  }
0x38: {  	s10 =	sld [smem:$0x3FAA]  }
0x39: {  	_ = 	snop;
	(pc) =	sbr.ind lr, $3  }
0x3a: {  	_ = 	snop  }
0x3b: {  	_ = 	snop  }
0x3c: {  	p2 =	seq.s32 s10, $0x1;
	s10 =	sld [smem:$0x3FA9]  }
0x3d: {  	_ =	shalt  }
0x3e: {  	_ =	shalt  }
0x3f: {  	_ =	shalt  }
0x40: {  	_ =	shalt  }
0x41: {  	_ =	shalt  }
0x42: {  	_ =	shalt  }
0x43: {  	_ =	shalt  }
0x44: {  	_ =	shalt  }
0x45: {  	_ =	shalt  }
0x46: {  	_ =	shalt  }
0x47: {  	_ =	shalt  }
0x48: {  	_ =	shalt  }
0x49: {  	_ =	shalt  }
0x4a: {  	_ =	shalt  }
0x4b: {  	_ =	shalt  }
0x4c: {  	_ =	shalt  }
0x4d: {  	_ =	shalt  }
0x4e: {  	_ =	shalt  }
0x4f: {  	_ =	shalt  }
0x50: {  	_ =	shalt  }
0x51: {  	_ =	shalt  }
0x52: {  	_ =	shalt  }
0x53: {  	_ =	shalt  }
0x54: {  	_ =	shalt  }
0x55: {  	_ =	shalt  }
0x56: {  	_ =	shalt  }
0x57: {  	_ =	shalt  }
0x58: {  	_ =	shalt  }
0x59: {  	_ =	shalt  }
0x5a: {  	_ =	shalt  }
0x5b: {  	_ =	shalt  }
0x5c: {  	_ =	shalt  }
0x5d: {  	_ =	shalt  }
0x5e: {  	_ =	shalt  }
0x5f: {  	_ =	shalt  }
0x60: {  	_ =	shalt  }
0x61: {  	_ =	shalt  }
0x62: {  	_ =	shalt  }
0x63: {  	_ =	shalt  }
0x64: {  	_ =	shalt  }
0x65: {  	_ =	shalt  }
0x66: {  	_ =	shalt  }
0x67: {  	_ =	shalt  }
0x68: {  	_ =	shalt  }
0x69: {  	_ =	shalt  }
0x6a: {  	_ =	shalt  }
0x6b: {  	_ =	shalt  }
0x6c: {  	_ =	shalt  }
0x6d: {  	_ =	shalt  }
0x6e: {  	_ =	shalt  }
0x6f: {  	_ =	shalt  }
0x70: {  	_ =	shalt  }
0x71: {  	_ =	shalt  }
0x72: {  	_ =	shalt  }
0x73: {  	_ =	shalt  }
0x74: {  	_ =	shalt  }
0x75: {  	_ =	shalt  }
0x76: {  	_ =	shalt  }
0x77: {  	_ =	shalt  }
0x78: {  	_ =	shalt  }
0x79: {  	_ =	shalt  }
0x7a: {  	_ =	shalt  }
0x7b: {  	_ =	shalt  }
0x7c: {  	_ =	shalt  }
0x7d: {  	_ =	shalt  }
0x7e: {  	_ =	shalt  }
0x7f: {  	_ =	shalt  }
0x80: {  	_ =	shalt  }
0x81: {  	_ =	shalt  }
0x82: {  	_ =	shalt  }
0x83: {  	_ =	shalt  }
0x84: {  	_ =	shalt  }
0x85: {  	_ =	shalt  }
0x86: {  	_ =	shalt  }
0x87: {  	_ =	shalt  }
.Lfunc_end0:
.L_simem_size_0:
called_computation.1_lowered:
.L_overlay_start_0:
0x88: {  	s2 =	sld [smem:$0x3FD9]  }
0x89: {  	s3 =	sld [smem:$0x3FFE];
	_ =	sdelay $0x1  }
0x8a: {  	s1 =	srdreg.scid  }
0x8b: {  	s0 =	sand.u32 $0x1, s1  }
0x8c: {  	s16 =	sshll.u32 s0, $0xA;
	s2 =	sadd.s32 s3, s2  }
0x8d: {  	s2 =	sadd.s32 s2, s16  }
0x8e: {  	[smem:$0x3FB5] =	sst s2  }
0x8f: {  	_ = 	snop  }
0x90: {  	(tm) =	ssettm $0x1  }
0x91: {  	s17 =	sld [smem:$0x3FFB];
	_ =	sdelay $0x3  }
0x92: {  	_ =	strace s17  }
0x93: {  	s2 =	sld [smem:$0x3FFC];
	_ =	sdelay $0x3  }
0x94: {  	_ =	strace s2  }
0x95: {  	s2 =	sld [smem:$0x3FFD];
	_ =	sdelay $0x3  }
0x96: {  	_ =	strace s2  }
0x97: {  	_ =	strace $0x8FFFFFFF  }
0x98: {  	s18 =	sld [smem:$0x3FDB];
	_ =	sdelay $0x1  }
0x99: {  	s19 =	simm.s32 $_scs_section_size  }
0x9a: {  	s4 =	simm.s32 $_size__tile_overlayer_lowered;
	s5 =	simm.s32 $_tile_overlayer_lowered  }
0x9b: {  	s22 =	simm.s32 $0x1BFF;
	s21 =	sshll.u32 s5, $0x1;
	s2 =	sadd.s32 s19, s18  }
0x9c: {  	s6 =	simm.s32 $0x0;
	s20 =	sshll.u32 s4, $0x1;
	s4 =	sadd.s32 s21, s2  }
0x9d: {  	[timem:s6], [sflag:s22] =	dma.local [hbm:s4], s20  }
0x9e: {  	_ =	swait.ge [sflag:s22], s20  }
0x9f: {  	s3 =	ssub.s32 $0x0, s20;
	[sflag:s22] =	ssyncset.done $0x0  }
0xa0: {  	[sflag:s22] =	ssyncadd.s32 s3;
	_ =	sdelay $0x1  }
0xa1: {  	s23 =	simm.s32 $0x1B8B  }
0xa2: {  	_ =	swait.ge [sflag:s23], $0x1  }
0xa3: {  	[sflag:s23] =	ssyncset.done $0x0  }
0xa4: {  	s25 =	simm.s32 $0x1B8E;
	s24 =	sld [smem:$0x3FFE];
	[sflag:s23] =	ssyncadd.s32 $0xFFFFFFFF  }
0xa5: {  	s26 =	simm.s32 $execute0_lowered;
	[smem:$0x3FD2] =	sst s25  }
0xa6: {  	s4 =	sshll.u32 s26, $0x1;
	_ =	strace $0x80000049;
	[dreg:$0x1] =	wrdreg $0xFFFFFFFF  }
0xa7: {  	s28 =	simm.s32 $_size_execute0_lowered;
	s2 =	sadd.s32 s2, s4;
	[dreg:$0x0] =	wrdreg $0x0  }
0xa8: {  	s4 =	sshll.u32 s28, $0x1;
	[dreg:$0x2] =	wrdreg s2  }
0xa9: {  	[dreg:$0x3] =	wrdreg s4  }
0xaa: {  	[dreg:$0x4] =	wrdreg $0xC0  }
0xab: {  	_ =	task [dreg:s6], $0x5FFFF  }
0xac: {  	[dreg:$0x1] =	wrdreg $0xFFFFFFFF  }
0xad: {  	[dreg:$0x0] =	wrdreg $0x60  }
0xae: {  	[dreg:$0x2] =	wrdreg s24  }
0xaf: {  	[dreg:$0x3] =	wrdreg $0x150000  }
0xb0: {  	[dreg:$0x4] =	wrdreg $0x9  }
0xb1: {  	_ =	task.clear_ibuf [dreg:s6], $0x5FFFF;
	_ =	strace $0x90000049  }
0xb2: {  	s29 =	simm.s32 $0x9;
	_ =	strace $0x8000004B  }
0xb3: {  	_ =	swait.ge [sflag:s29], $0x1  }
0xb4: {  	[sflag:s29] =	ssyncadd.s32 $0xFFFFFFFF  }
0xb5: {  	_ =	strace $0x9000004B  }
0xb6: {  	_ =	sfence  }
0xb7: {  	s30 =	sld [smem:$0x0];
	_ =	sdelay $0x2  }
0xb8: {  	s31 =	sshll.u32 s1, $0xD;
	s1 =	sshrl.u32 s1, $0x2  }
0xb9: {  	s3 =	sand.u32 $0x4000, s31;
	s1 =	sadd.s32 s1, s30  }
0xba: {  	s0 =	sor.u32 s3, s0;
	s1 =	sshll.u32 s1, $0x11  }
0xbb: {  	s0 =	sor.u32 s1, s0  }
0xbc: {  	s0 =	sadd.s32 $0x8F2B, s0  }
0xbd: {  	[sflag:s0] =	ssyncadd.remote.s32 $0x1  }
0xbe: {  	_ =	sfence.sel $0xFFFF  }
0xbf: {  	[dreg:$0x0] =	wrdreg $0xFFFFFFFF;
	(pc) =	sbr.abs _section_cstart, $3  }
0xc0: {  	[dreg:$0x1] =	wrdreg $0xFFFFFFFF  }
0xc1: {  	_ =	task.clear_ibuf [dreg:s6], $0x2FFFF;
	_ =	strace $0x9FFFFFFF  }
0xc2: {  	(tm) =	ssettm $0x7FFFFFFF  }
0xc3: {  	_ =	shalt  }
tec
execute0_lowered:
.L_overlay_start_1:
0x0: {  	(tag) =	ssettag $0x1  }
0x1: {  	s0 =	srdreg.scid  }
0x2: {  	s4 =	stileid.u32;
	s3 =	rddreg [dreg:$0x0]  }
0x3: {  	s2 =	rddreg [dreg:$0x1];
	s6 =	simm.s32 $0x0;
	s10 =	simm.s32 $0x11  }
0x4: {  	s12 =	simm.s32 $0x80;
	s13 =	simm.s32 $0x5000;
	s14 =	simm.s32 $0x7000  }
0x5: {  	s16 =	simm.s32 $0x9000;
	s18 =	simm.s32 $0xB000;
	s20 =	simm.s32 $0xD000  }
0x6: {  	s29 =	simm.s32 $0x1;
	s30 =	simm.s32 $0x2;
	s31 =	simm.s32 $0x3  }
0x7: {  	s15 =	simm.s32 $0x5;
	s17 =	simm.s32 $0x7;
	s19 =	simm.s32 $0x8  }
0x8: {  	s21 =	simm.s32 $0x9;
	s28 =	simm.s32 $0xC;
	s9 =	simm.s32 $0x0  }
0x9: {  	s0 =	sand.u32 $0x1, s0;
	s5 =	smul.u32 $0x9E00, s4;
	[smem:$0x7FF] =	sst s6  }
0xa: {  	s8 =	sadd.s32 $0x2C400, s3;
	s1 =	sshll.u32 s0, $0x4;
	s22 =	smul.u32 $0x9E000, s0  }
0xb: {  	_ =	strace $0x8000004A;
	s0 =	ssub.s32 $0x2, s0;
	[dreg:$0x3] =	wrdreg s8  }
0xc: {  	s8 =	simm.s32 $0x10;
	s1 =	sor.u32 s4, s1;
	s4 =	sadd.s32 $0x4800, s3  }
0xd: {  	s7 =	sshrl.u32 s0, $0x1;
	s25 =	sadd.s32 s5, s2;
	s1 =	smul.u32 $0x500, s1  }
0xe: {  	s23 =	sadd.s32 s5, s22;
	s0 =	ssub.s32 s0, s7;
	[dreg:$0x6] =	wrdreg s25  }
0xf: {  	s22 =	simm.s32 $0xF000;
	s25 =	simm.s32 $0xB;
	s5 =	simm.s32 $0xD  }
0x10: {  	s7 =	simm.s32 $0xF;
	s0 =	smax.u32 s0, $0x1;
	s1 =	sadd.s32 s1, s3  }
0x11: {  	s6 =	sshrl.u32 s23, $0x3;
	[dreg:$0x8] =	wrdreg s0;
	s24 =	sadd.s32 $0x22400, s1  }
0x12: {  	s3 =	sadd.s32 s6, s3;
	s1 =	sadd.s32 $0x18400, s1;
	[dreg:$0x4] =	wrdreg s24  }
0x13: {  	s23 =	simm.s32 $0xA;
	s26 =	sadd.s32 $0x2D800, s3;
	[dreg:$0x5] =	wrdreg s1  }
0x14: {  	s0 =	simm.s32 $0x6;
	s6 =	simm.s32 $0xE;
	[dreg:$0x7] =	wrdreg s26  }
0x15: {  	s24 =	simm.s32 $0x11000;
	s26 =	simm.s32 $0x13000;
	s1 =	simm.s32 $0x4  }
.LBB2_1:
0x16: {  	[dreg:$0x9] =	wrdreg s9  }
0x17: {  	s11 =	simm.s32 $0x0;
	s3 =	rddreg [dreg:$0x4]  }
0x18: {  	[tilespmem:s11], [sflag:$0x11] =	stream.linear.gather [hbm4b:s3+s11], $0x2800, $0x38;
	[tilespmem:$0x1EE00] =	vst v63  }
0x19: {  	_ =	swait.ge [sflag:s10], $0x2800  }
0x1a: {  	[sflag:s10] =	ssyncset.done $0x0  }
0x1b: {  	[sflag:s10] =	ssyncadd.s32 $0xFFFFD800  }
0x1c: {  	[tilespmem:s13], [sflag:$0x1] =	stream.indirect.gather [hbm4b:s4+s12], $0x40, s11, s12, $0xb8;
	[tilespmem:$0x1EE00] =	vst v63  }
0x1d: {  	_ = 	snop  }
0x1e: {  	[tilespmem:s14], [sflag:$0x2] =	stream.indirect.gather [hbm4b:s4+s12], $0x40, s12, s12, $0xb8;
	[tilespmem:$0x1EE00] =	vst v63  }
0x1f: {  	s11 =	simm.s32 $0x100  }
0x20: {  	[tilespmem:s16], [sflag:$0x3] =	stream.indirect.gather [hbm4b:s4+s12], $0x40, s11, s12, $0xb8;
	[tilespmem:$0x1EE00] =	vst v63  }
0x21: {  	s11 =	simm.s32 $0x180  }
0x22: {  	[tilespmem:s18], [sflag:$0x4] =	stream.indirect.gather [hbm4b:s4+s12], $0x40, s11, s12, $0xb8;
	[tilespmem:$0x1EE00] =	vst v63  }
0x23: {  	s11 =	simm.s32 $0x200  }
0x24: {  	[tilespmem:s20], [sflag:$0x5] =	stream.indirect.gather [hbm4b:s4+s12], $0x40, s11, s12, $0xb8;
	[tilespmem:$0x1EE00] =	vst v63  }
0x25: {  	s11 =	simm.s32 $0x280  }
0x26: {  	[tilespmem:s22], [sflag:$0x6] =	stream.indirect.gather [hbm4b:s4+s12], $0x40, s11, s12, $0xb8;
	[tilespmem:$0x1EE00] =	vst v63  }
0x27: {  	s11 =	simm.s32 $0x300  }
0x28: {  	[tilespmem:s24], [sflag:$0x7] =	stream.indirect.gather [hbm4b:s4+s12], $0x40, s11, s12, $0xb8;
	[tilespmem:$0x1EE00] =	vst v63  }
0x29: {  	s11 =	simm.s32 $0x380  }
0x2a: {  	[tilespmem:s26], [sflag:$0x8] =	stream.indirect.gather [hbm4b:s4+s12], $0x40, s11, s12, $0xb8;
	[tilespmem:$0x1EE00] =	vst v63  }
0x2b: {  	s9 =	simm.s32 $0x0;
	s3 =	rddreg [dreg:$0x5];
	s11 =	simm.s32 $0x2800  }
0x2c: {  	[tilespmem:s11], [sflag:$0x11] =	stream.linear.gather [hbm4b:s3+s9], $0x2800, $0x38;
	[tilespmem:$0x1EE00] =	vst v63  }
0x2d: {  	s11 =	stileid.u32;
	_ =	swait.ge [sflag:s10], $0x2800  }
0x2e: {  	s3 =	sshll.u32 s11, $0x6;
	s9 =	rddreg [dreg:$0x6]  }
0x2f: {  	s11 =	sor.u32 $0x1C11, s3;
	s3 =	rddreg [dreg:$0x3]  }
0x30: {  	[sflag:s10] =	ssyncset.done $0x0;
	s9 =	sshrl.u32 s9, $0x3;
	[dreg:$0xa] =	wrdreg s11  }
0x31: {  	[sflag:s10] =	ssyncadd.s32 $0xFFFFD800;
	[dreg:$0xb] =	wrdreg s9  }
0x32: {  	[spmem:s9], [sflag:s11] =	dma.local [hbm:s3], $0x13C0  }
0x33: {  	_ =	swait.ge [sflag:s10], $0x13C0  }
0x34: {  	[sflag:s10] =	ssyncset.done $0x0  }
0x35: {  	[sflag:s10] =	ssyncadd.s32 $0xFFFFEC40  }
0x36: {  	[bflag:$0x0] =	sbarrier.arrive $0xFFFF  }
0x37: {  	_ =	swait.ge [sflag:s29], $0x2000  }
0x38: {  	[sflag:s29] =	ssyncset.done $0x0  }
0x39: {  	s11 =	simm.s32 $0x2800;
	[sflag:s29] =	ssyncadd.s32 $0xFFFFE000  }
0x3a: {  	[spmem:s2] =	stream.indirect.scatter.add.f32 [tilespmem:s13], [sflag:$0x9], $0x40, s11, s12, $0xb8;
	[tilespmem:$0x1EE00] =	vst v63  }
0x3b: {  	_ =	swait.ge [sflag:s30], $0x2000  }
0x3c: {  	[sflag:s30] =	ssyncset.done $0x0  }
0x3d: {  	s9 =	simm.s32 $0x2880;
	[sflag:s30] =	ssyncadd.s32 $0xFFFFE000  }
0x3e: {  	[spmem:s2] =	stream.indirect.scatter.add.f32 [tilespmem:s14], [sflag:$0xA], $0x40, s9, s12, $0xb8;
	[tilespmem:$0x1EE00] =	vst v63  }
0x3f: {  	_ =	swait.ge [sflag:s31], $0x2000  }
0x40: {  	[sflag:s31] =	ssyncset.done $0x0  }
0x41: {  	s10 =	simm.s32 $0x2900;
	[sflag:s31] =	ssyncadd.s32 $0xFFFFE000  }
0x42: {  	[spmem:s2] =	stream.indirect.scatter.add.f32 [tilespmem:s16], [sflag:$0xB], $0x40, s10, s12, $0xb8;
	[tilespmem:$0x1EE00] =	vst v63  }
0x43: {  	_ =	swait.ge [sflag:s1], $0x2000  }
0x44: {  	[sflag:s1] =	ssyncset.done $0x0  }
0x45: {  	s11 =	simm.s32 $0x2980;
	[sflag:s1] =	ssyncadd.s32 $0xFFFFE000  }
0x46: {  	[spmem:s2] =	stream.indirect.scatter.add.f32 [tilespmem:s18], [sflag:$0xC], $0x40, s11, s12, $0xb8;
	[tilespmem:$0x1EE00] =	vst v63  }
0x47: {  	_ =	swait.ge [sflag:s15], $0x2000  }
0x48: {  	[sflag:s15] =	ssyncset.done $0x0  }
0x49: {  	s9 =	simm.s32 $0x2A00;
	[sflag:s15] =	ssyncadd.s32 $0xFFFFE000  }
0x4a: {  	[spmem:s2] =	stream.indirect.scatter.add.f32 [tilespmem:s20], [sflag:$0xD], $0x40, s9, s12, $0xb8;
	[tilespmem:$0x1EE00] =	vst v63  }
0x4b: {  	_ =	swait.ge [sflag:s0], $0x2000  }
0x4c: {  	[sflag:s0] =	ssyncset.done $0x0  }
0x4d: {  	s10 =	simm.s32 $0x2A80;
	[sflag:s0] =	ssyncadd.s32 $0xFFFFE000  }
0x4e: {  	[spmem:s2] =	stream.indirect.scatter.add.f32 [tilespmem:s22], [sflag:$0xE], $0x40, s10, s12, $0xb8;
	[tilespmem:$0x1EE00] =	vst v63  }
0x4f: {  	_ =	swait.ge [sflag:s17], $0x2000  }
0x50: {  	[sflag:s17] =	ssyncset.done $0x0  }
0x51: {  	s11 =	simm.s32 $0x2B00;
	[sflag:s17] =	ssyncadd.s32 $0xFFFFE000  }
0x52: {  	[spmem:s2] =	stream.indirect.scatter.add.f32 [tilespmem:s24], [sflag:$0xF], $0x40, s11, s12, $0xb8;
	[tilespmem:$0x1EE00] =	vst v63  }
0x53: {  	_ =	swait.ge [sflag:s19], $0x2000  }
0x54: {  	[sflag:s19] =	ssyncset.done $0x0  }
0x55: {  	s9 =	simm.s32 $0x2B80;
	[sflag:s19] =	ssyncadd.s32 $0xFFFFE000  }
0x56: {  	[spmem:s2] =	stream.indirect.scatter.add.f32 [tilespmem:s26], [sflag:$0x10], $0x40, s9, s12, $0xb8;
	[tilespmem:$0x1EE00] =	vst v63  }
0x57: {  	s9 =	simm.s32 $0x0  }
0x58: {  	_ =	swait.ge [sflag:s21], $0x2000;
	s10 =	smin.u32 s9, $0x47  }
0x59: {  	[sflag:s21] =	ssyncset.done $0x0;
	s3 =	sshll.u32 s10, $0x7  }
0x5a: {  	[sflag:s21] =	ssyncadd.s32 $0xFFFFE000;
	s3 =	sadd.s32 $0x400, s3  }
0x5b: {  	[tilespmem:s13], [sflag:$0x1] =	stream.indirect.gather [hbm4b:s4+s12], $0x40, s3, s12, $0xb8;
	[tilespmem:$0x1EE00] =	vst v63  }
0x5c: {  	s11 =	smin.u32 s9, $0x46;
	_ =	swait.ge [sflag:s23], $0x2000  }
0x5d: {  	s3 =	sshll.u32 s11, $0x7;
	[sflag:s23] =	ssyncset.done $0x0  }
0x5e: {  	s3 =	sadd.s32 $0x480, s3;
	[sflag:s23] =	ssyncadd.s32 $0xFFFFE000  }
0x5f: {  	[tilespmem:s14], [sflag:$0x2] =	stream.indirect.gather [hbm4b:s4+s12], $0x40, s3, s12, $0xb8;
	[tilespmem:$0x1EE00] =	vst v63  }
0x60: {  	s10 =	smin.u32 s9, $0x45;
	_ =	swait.ge [sflag:s25], $0x2000  }
0x61: {  	s3 =	sshll.u32 s10, $0x7;
	[sflag:s25] =	ssyncset.done $0x0  }
0x62: {  	s3 =	sadd.s32 $0x500, s3;
	[sflag:s25] =	ssyncadd.s32 $0xFFFFE000  }
0x63: {  	[tilespmem:s16], [sflag:$0x3] =	stream.indirect.gather [hbm4b:s4+s12], $0x40, s3, s12, $0xb8;
	[tilespmem:$0x1EE00] =	vst v63  }
0x64: {  	s11 =	smin.u32 s9, $0x44;
	_ =	swait.ge [sflag:s28], $0x2000  }
0x65: {  	s3 =	sshll.u32 s11, $0x7;
	[sflag:s28] =	ssyncset.done $0x0  }
0x66: {  	s3 =	sadd.s32 $0x580, s3;
	[sflag:s28] =	ssyncadd.s32 $0xFFFFE000  }
0x67: {  	[tilespmem:s18], [sflag:$0x4] =	stream.indirect.gather [hbm4b:s4+s12], $0x40, s3, s12, $0xb8;
	[tilespmem:$0x1EE00] =	vst v63  }
0x68: {  	s10 =	smin.u32 s9, $0x43;
	_ =	swait.ge [sflag:s5], $0x2000  }
0x69: {  	s3 =	sshll.u32 s10, $0x7;
	[sflag:s5] =	ssyncset.done $0x0  }
0x6a: {  	s3 =	sadd.s32 $0x600, s3;
	[sflag:s5] =	ssyncadd.s32 $0xFFFFE000  }
0x6b: {  	[tilespmem:s20], [sflag:$0x5] =	stream.indirect.gather [hbm4b:s4+s12], $0x40, s3, s12, $0xb8;
	[tilespmem:$0x1EE00] =	vst v63  }
0x6c: {  	s11 =	smin.u32 s9, $0x42;
	_ =	swait.ge [sflag:s6], $0x2000  }
0x6d: {  	s3 =	sshll.u32 s11, $0x7;
	[sflag:s6] =	ssyncset.done $0x0  }
0x6e: {  	s3 =	sadd.s32 $0x680, s3;
	[sflag:s6] =	ssyncadd.s32 $0xFFFFE000  }
0x6f: {  	[tilespmem:s22], [sflag:$0x6] =	stream.indirect.gather [hbm4b:s4+s12], $0x40, s3, s12, $0xb8;
	[tilespmem:$0x1EE00] =	vst v63  }
0x70: {  	s9 =	smin.u32 s9, $0x41;
	_ =	swait.ge [sflag:s7], $0x2000  }
0x71: {  	s3 =	sshll.u32 s9, $0x7;
	[sflag:s7] =	ssyncset.done $0x0  }
0x72: {  	s10 =	simm.s32 $0x0;
	s3 =	sadd.s32 $0x700, s3;
	[sflag:s7] =	ssyncadd.s32 $0xFFFFE000  }
0x73: {  	[tilespmem:s24], [sflag:$0x7] =	stream.indirect.gather [hbm4b:s4+s12], $0x40, s3, s12, $0xb8;
	[tilespmem:$0x1EE00] =	vst v63  }
0x74: {  	s11 =	smin.u32 s10, $0x40;
	_ =	swait.ge [sflag:s8], $0x2000  }
0x75: {  	s10 =	simm.s32 $0x1000;
	s3 =	sshll.u32 s11, $0x7;
	[sflag:s8] =	ssyncset.done $0x0  }
0x76: {  	s11 =	sadd.s32 $0x780, s3;
	s3 =	simm.s32 $0x8;
	[sflag:s8] =	ssyncadd.s32 $0xFFFFE000  }
.LBB2_2:
0x77: {  	[tilespmem:s26], [sflag:$0x8] =	stream.indirect.gather [hbm4b:s4+s12], $0x40, s11, s12, $0xb8;
	[tilespmem:$0x1EE00] =	vst v63  }
0x78: {  	s11 =	smov.u32 s10  }
0x79: {  	p0 =	sne.s32 s10, $0x9000;
	s10 =	sadd.s32 $0x1000, s10;
	_ =	swait.ge [sflag:s29], $0x2000  }
0x7a: {  	s11 =	sshra.s32 s11, $0x2;
	[sflag:s29] =	ssyncset.done $0x0  }
0x7b: {  	s9 =	sadd.s32 $0x2800, s11;
	[sflag:s29] =	ssyncadd.s32 $0xFFFFE000  }
0x7c: {  	[spmem:s2] =	stream.indirect.scatter.add.f32 [tilespmem:s13], [sflag:$0x9], $0x40, s9, s12, $0xb8;
	[tilespmem:$0x1EE00] =	vst v63  }
0x7d: {  	_ =	swait.ge [sflag:s30], $0x2000  }
0x7e: {  	[sflag:s30] =	ssyncset.done $0x0  }
0x7f: {  	s9 =	sadd.s32 $0x2880, s11;
	[sflag:s30] =	ssyncadd.s32 $0xFFFFE000  }
0x80: {  	[spmem:s2] =	stream.indirect.scatter.add.f32 [tilespmem:s14], [sflag:$0xA], $0x40, s9, s12, $0xb8;
	[tilespmem:$0x1EE00] =	vst v63  }
0x81: {  	_ =	swait.ge [sflag:s31], $0x2000  }
0x82: {  	[sflag:s31] =	ssyncset.done $0x0  }
0x83: {  	s9 =	sadd.s32 $0x2900, s11;
	[sflag:s31] =	ssyncadd.s32 $0xFFFFE000  }
0x84: {  	[spmem:s2] =	stream.indirect.scatter.add.f32 [tilespmem:s16], [sflag:$0xB], $0x40, s9, s12, $0xb8;
	[tilespmem:$0x1EE00] =	vst v63  }
0x85: {  	_ =	swait.ge [sflag:s1], $0x2000  }
0x86: {  	[sflag:s1] =	ssyncset.done $0x0  }
0x87: {  	s9 =	sadd.s32 $0x2980, s11;
	[sflag:s1] =	ssyncadd.s32 $0xFFFFE000  }
0x88: {  	[spmem:s2] =	stream.indirect.scatter.add.f32 [tilespmem:s18], [sflag:$0xC], $0x40, s9, s12, $0xb8;
	[tilespmem:$0x1EE00] =	vst v63  }
0x89: {  	_ =	swait.ge [sflag:s15], $0x2000  }
0x8a: {  	[sflag:s15] =	ssyncset.done $0x0  }
0x8b: {  	s9 =	sadd.s32 $0x2A00, s11;
	[sflag:s15] =	ssyncadd.s32 $0xFFFFE000  }
0x8c: {  	[spmem:s2] =	stream.indirect.scatter.add.f32 [tilespmem:s20], [sflag:$0xD], $0x40, s9, s12, $0xb8;
	[tilespmem:$0x1EE00] =	vst v63  }
0x8d: {  	_ =	swait.ge [sflag:s0], $0x2000  }
0x8e: {  	[sflag:s0] =	ssyncset.done $0x0  }
0x8f: {  	s9 =	sadd.s32 $0x2A80, s11;
	[sflag:s0] =	ssyncadd.s32 $0xFFFFE000  }
0x90: {  	[spmem:s2] =	stream.indirect.scatter.add.f32 [tilespmem:s22], [sflag:$0xE], $0x40, s9, s12, $0xb8;
	[tilespmem:$0x1EE00] =	vst v63  }
0x91: {  	_ =	swait.ge [sflag:s17], $0x2000  }
0x92: {  	[sflag:s17] =	ssyncset.done $0x0  }
0x93: {  	s9 =	sadd.s32 $0x2B00, s11;
	[sflag:s17] =	ssyncadd.s32 $0xFFFFE000  }
0x94: {  	[spmem:s2] =	stream.indirect.scatter.add.f32 [tilespmem:s24], [sflag:$0xF], $0x40, s9, s12, $0xb8;
	[tilespmem:$0x1EE00] =	vst v63  }
0x95: {  	_ =	swait.ge [sflag:s19], $0x2000  }
0x96: {  	[sflag:s19] =	ssyncset.done $0x0  }
0x97: {  	s9 =	sadd.s32 $0x2B80, s11;
	[sflag:s19] =	ssyncadd.s32 $0xFFFFE000  }
0x98: {  	[spmem:s2] =	stream.indirect.scatter.add.f32 [tilespmem:s26], [sflag:$0x10], $0x40, s9, s12, $0xb8;
	[tilespmem:$0x1EE00] =	vst v63  }
0x99: {  	s9 =	smin.u32 s3, $0x47;
	_ =	swait.ge [sflag:s21], $0x2000  }
0x9a: {  	s9 =	sshll.u32 s9, $0x7;
	[sflag:s21] =	ssyncset.done $0x0  }
0x9b: {  	s9 =	sadd.s32 $0x400, s9;
	[sflag:s21] =	ssyncadd.s32 $0xFFFFE000  }
0x9c: {  	[tilespmem:s13], [sflag:$0x1] =	stream.indirect.gather [hbm4b:s4+s12], $0x40, s9, s12, $0xb8;
	[tilespmem:$0x1EE00] =	vst v63  }
0x9d: {  	s9 =	smin.u32 s3, $0x46;
	_ =	swait.ge [sflag:s23], $0x2000  }
0x9e: {  	s9 =	sshll.u32 s9, $0x7;
	[sflag:s23] =	ssyncset.done $0x0  }
0x9f: {  	s9 =	sadd.s32 $0x480, s9;
	[sflag:s23] =	ssyncadd.s32 $0xFFFFE000  }
0xa0: {  	[tilespmem:s14], [sflag:$0x2] =	stream.indirect.gather [hbm4b:s4+s12], $0x40, s9, s12, $0xb8;
	[tilespmem:$0x1EE00] =	vst v63  }
0xa1: {  	s9 =	smin.u32 s3, $0x45;
	_ =	swait.ge [sflag:s25], $0x2000  }
0xa2: {  	s9 =	sshll.u32 s9, $0x7;
	[sflag:s25] =	ssyncset.done $0x0  }
0xa3: {  	s9 =	sadd.s32 $0x500, s9;
	[sflag:s25] =	ssyncadd.s32 $0xFFFFE000  }
0xa4: {  	[tilespmem:s16], [sflag:$0x3] =	stream.indirect.gather [hbm4b:s4+s12], $0x40, s9, s12, $0xb8;
	[tilespmem:$0x1EE00] =	vst v63  }
0xa5: {  	s9 =	smin.u32 s3, $0x44;
	_ =	swait.ge [sflag:s28], $0x2000  }
0xa6: {  	s9 =	sshll.u32 s9, $0x7;
	[sflag:s28] =	ssyncset.done $0x0  }
0xa7: {  	s9 =	sadd.s32 $0x580, s9;
	[sflag:s28] =	ssyncadd.s32 $0xFFFFE000  }
0xa8: {  	[tilespmem:s18], [sflag:$0x4] =	stream.indirect.gather [hbm4b:s4+s12], $0x40, s9, s12, $0xb8;
	[tilespmem:$0x1EE00] =	vst v63  }
0xa9: {  	s9 =	smin.u32 s3, $0x43;
	_ =	swait.ge [sflag:s5], $0x2000  }
0xaa: {  	s9 =	sshll.u32 s9, $0x7;
	[sflag:s5] =	ssyncset.done $0x0  }
0xab: {  	s9 =	sadd.s32 $0x600, s9;
	[sflag:s5] =	ssyncadd.s32 $0xFFFFE000  }
0xac: {  	[tilespmem:s20], [sflag:$0x5] =	stream.indirect.gather [hbm4b:s4+s12], $0x40, s9, s12, $0xb8;
	[tilespmem:$0x1EE00] =	vst v63  }
0xad: {  	s9 =	smin.u32 s3, $0x42;
	_ =	swait.ge [sflag:s6], $0x2000  }
0xae: {  	s9 =	sshll.u32 s9, $0x7;
	[sflag:s6] =	ssyncset.done $0x0  }
0xaf: {  	s9 =	sadd.s32 $0x680, s9;
	[sflag:s6] =	ssyncadd.s32 $0xFFFFE000  }
0xb0: {  	[tilespmem:s22], [sflag:$0x6] =	stream.indirect.gather [hbm4b:s4+s12], $0x40, s9, s12, $0xb8;
	[tilespmem:$0x1EE00] =	vst v63  }
0xb1: {  	s9 =	smin.u32 s3, $0x41;
	_ =	swait.ge [sflag:s7], $0x2000  }
0xb2: {  	s9 =	sshll.u32 s9, $0x7;
	[sflag:s7] =	ssyncset.done $0x0  }
.Ltmp0:
0xb3: {  	s9 =	sadd.s32 $0x700, s9;
	[sflag:s7] =	ssyncadd.s32 $0xFFFFE000;
	(pc) =	sbr.rel @p0 .LBB2_2-.Ltmp0, $4  }
0xb4: {  	[tilespmem:s24], [sflag:$0x7] =	stream.indirect.gather [hbm4b:s4+s12], $0x40, s9, s12, $0xb8;
	[tilespmem:$0x1EE00] =	vst v63  }
0xb5: {  	s9 =	smin.u32 s3, $0x40;
	_ =	swait.ge [sflag:s8], $0x2000  }
0xb6: {  	s9 =	sshll.u32 s9, $0x7;
	[sflag:s8] =	ssyncset.done $0x0  }
0xb7: {  	s3 =	sadd.s32 $0x8, s3;
	s11 =	sadd.s32 $0x780, s9;
	[sflag:s8] =	ssyncadd.s32 $0xFFFFE000  }
0xb8: {  	[tilespmem:s26], [sflag:$0x8] =	stream.indirect.gather [hbm4b:s4+s12], $0x40, s11, s12, $0xb8;
	[tilespmem:$0x1EE00] =	vst v63  }
0xb9: {  	_ =	swait.ge [sflag:s29], $0x2000  }
0xba: {  	[sflag:s29] =	ssyncset.done $0x0  }
0xbb: {  	[sflag:s29] =	ssyncadd.s32 $0xFFFFE000  }
0xbc: {  	_ =	swait.ge [sflag:s30], $0x2000  }
0xbd: {  	[sflag:s30] =	ssyncset.done $0x0  }
0xbe: {  	[sflag:s30] =	ssyncadd.s32 $0xFFFFE000  }
0xbf: {  	_ =	swait.ge [sflag:s31], $0x2000  }
0xc0: {  	[sflag:s31] =	ssyncset.done $0x0  }
0xc1: {  	[sflag:s31] =	ssyncadd.s32 $0xFFFFE000  }
0xc2: {  	_ =	swait.ge [sflag:s1], $0x2000  }
0xc3: {  	[sflag:s1] =	ssyncset.done $0x0  }
0xc4: {  	[sflag:s1] =	ssyncadd.s32 $0xFFFFE000  }
0xc5: {  	_ =	swait.ge [sflag:s15], $0x2000  }
0xc6: {  	[sflag:s15] =	ssyncset.done $0x0  }
0xc7: {  	[sflag:s15] =	ssyncadd.s32 $0xFFFFE000  }
0xc8: {  	_ =	swait.ge [sflag:s0], $0x2000  }
0xc9: {  	[sflag:s0] =	ssyncset.done $0x0  }
0xca: {  	[sflag:s0] =	ssyncadd.s32 $0xFFFFE000  }
0xcb: {  	_ =	swait.ge [sflag:s17], $0x2000  }
0xcc: {  	[sflag:s17] =	ssyncset.done $0x0  }
0xcd: {  	[sflag:s17] =	ssyncadd.s32 $0xFFFFE000  }
0xce: {  	_ =	swait.ge [sflag:s19], $0x2000  }
0xcf: {  	[sflag:s19] =	ssyncset.done $0x0  }
0xd0: {  	[sflag:s19] =	ssyncadd.s32 $0xFFFFE000  }
0xd1: {  	[bflag:$0x0] =	sbarrier.arrive $0xFFFF  }
0xd2: {  	s3 =	rddreg [dreg:$0x7]  }
0xd3: {  	s9 =	rddreg [dreg:$0xa]  }
0xd4: {  	s10 =	rddreg [dreg:$0xb]  }
0xd5: {  	[hbm:s3], [sflag:s9] =	dma.local [spmem:s10], $0x13C0  }
0xd6: {  	s10 =	simm.s32 $0x11  }
0xd7: {  	_ =	swait.ge [sflag:s10], $0x13C0  }
0xd8: {  	s3 =	rddreg [dreg:$0x9]  }
0xd9: {  	s11 =	rddreg [dreg:$0x8];
	s9 =	sadd.s32 $0x1, s3  }
0xda: {  	p0 =	sne.s32 s9, s11  }
.Ltmp1:
0xdb: {  	_ = 	snop;
	(pc) =	sbr.rel @p0 .LBB2_1-.Ltmp1, $3  }
0xdc: {  	_ =	sdelay $0x1  }
0xdd: {  	[sflag:s10] =	ssyncset.done $0x0  }
0xde: {  	[sflag:s10] =	ssyncadd.s32 $0xFFFFEC40  }
0xdf: {  	_ =	sfence.sel $0x180000  }
0xe0: {  	[bflag:$0x0] =	sbarrier.arrive $0xFFFF  }
0xe1: {  	_ =	strace $0x9000004A  }
0xe2: {  	s0 =	stileid.u32;
	[bflag:$0x2] =	sbarrier.arrive $0xFFFF  }
0xe3: {  	p0 =	sne.s32 s0, $0x0;
	s0 =	rddreg [dreg:$0x2]  }
0xe4: {  	s0 =	sadd.s32 @!p0 $0x100000, s0  }
0xe5: {  	[sflag:s0] =	ssyncadd.tile.s32 @!p0 $0x1;
	_ =	shalt  }
.Lfunc_end2:
_tile_overlayer_lowered:
.L_overlay_start_2:
0xe6: {  	(tag) =	ssettag $0x2  }
0xe7: {  	s0 =	rddreg [dreg:$0x0];
	s2 =	stileid.u32  }
0xe8: {  	s1 =	rddreg [dreg:$0x1];
	p0 =	sne.s32 s2, $0x0  }
0xe9: {  	s3 =	rddreg [dreg:$0x2];
	[bflag:$0x3] =	sbarrier.arrive $0xFFFF;
	s2 =	simm.s32 @!p0 $0x1C11  }
0xea: {  	[timem:s3], [sflag:s2] =	dma.local @!p0 [hbm:s0], s1  }
0xeb: {  	s0 =	simm.s32 @!p0 $0x11  }
0xec: {  	_ =	swait.ge @!p0 [sflag:s0], s1  }
0xed: {  	s1 =	ssub.s32 @!p0 $0x0, s1;
	[sflag:s0] =	ssyncset.done @!p0 $0x0  }
0xee: {  	[sflag:s0] =	ssyncadd.s32 @!p0 s1  }
0xef: {  	[bflag:$0x3] =	sbarrier.arrive $0xFFFF  }
0xf0: {  	_ =	shalt  }

// kernel: kernel.17.cloned.1.call-start
scs
__scs_entry_jumppad:
0x0: {  	(pc) =	sbr.rel $0x88, $3  }
0x1: {  	(tag) =	ssettag $0x0;
	lr =	simm.s32 $0x1  }
0x2: {  	[smem:$0x3F8E] =	sst lr;
	_ =	strace $0xD0000000  }
0x3: {  	_ = 	snop  }
0x4: {  	_ = 	snop  }
0x5: {  	_ = 	snop  }
0x6: {  	_ = 	snop  }
0x7: {  	_ = 	snop  }
__scs_overlays_trampoline_lowered:
0x8: {  	[smem:$0x3F9D] =	sst s0  }
0x9: {  	[smem:$0x3F9E] =	sst s1  }
0xa: {  	[smem:$0x3F9F] =	sst s2  }
0xb: {  	[smem:$0x3FA0] =	sst s3  }
0xc: {  	[smem:$0x3FA1] =	sst s4  }
0xd: {  	[smem:$0x3FA2] =	sst s5  }
0xe: {  	[smem:$0x3FA3] =	sst s6  }
0xf: {  	[smem:$0x3FA4] =	sst s7  }
0x10: {  	[smem:$0x3FA5] =	sst s8  }
0x11: {  	[smem:$0x3FA6] =	sst s9;
	s0 =	simm.s32 @!p0 $0x0  }
0x12: {  	s1 =	sld [smem:$0x3F8C];
	s0 =	simm.s32 @p0 $0x1  }
0x13: {  	[smem:$0x3FA7] =	sst s0;
	s0 =	simm.s32 @!p1 $0x0  }
0x14: {  	s2 =	sld [smem:$0x3F8B];
	s0 =	simm.s32 @p1 $0x1  }
0x15: {  	[smem:$0x3FA8] =	sst s0;
	s0 =	simm.s32 @!p2 $0x0  }
0x16: {  	s3 =	sld [smem:$0x3FDB];
	s0 =	simm.s32 @p2 $0x1  }
0x17: {  	s4 =	simm.s32 $0x1BF5;
	[smem:$0x3FAA] =	sst s0  }
0x18: {  	s0 =	sld [smem:$0x3F8D];
	_ =	swait.ge [sflag:s4], $0x0  }
0x19: {  	s7 =	sld [smem:$0x3F8E]  }
0x1a: {  	s8 =	sadd.s32 $0xFFFFE003, lr  }
0x1b: {  	s9 =	sadd.s32 $0xFFFFFEF7, lr;
	s5 =	simm.s32 $0xFFFFFFFF;
	p2 =	slt.u32 s8, $0xFFFFF086  }
0x1c: {  	p1 =	slt.u32 s9, $0xF7A;
	s5 =	simm.s32 @!p2 $0x0  }
0x1d: {  	s5 =	simm.s32 @p1 $0x1;
	p0 =	seq.s32 s7, s2  }
0x1e: {  	s7 =	smul.u32 @!p0 $0xF7A, s2;
	p2 =	seq.s32 @!p0 s5, $0x0  }
0x1f: {  	s9 =	smul.u32 $0xF7A, s1;
	s8 =	simm.s32 @!p0 $0x1BF5;
	p2 =	por !p2, p0  }
0x20: {  	[sflag:s8] =	ssyncset.s32 @!p0 $0xFFFFF086;
	s6 =	sadd.s32 @!p0 s3, s7;
	s7 =	simm.s32 @!p0 $0x108  }
0x21: {  	s3 =	sadd.s32 s3, s9;
	s6 =	sadd.s32 @!p0 $0x88, s6;
	s7 =	simm.s32 @p2 $0x1082  }
0x22: {  	[simem:s7], [sflag:s8] =	dma.local @!p0 [hbm:s6], $0xF7A  }
0x23: {  	s9 =	sor.u32 $0xD0000000, s2;
	s6 =	simm.s32 $0x108;
	_ =	swait.ge @!p0 [sflag:s8], $0x0  }
0x24: {  	s3 =	sadd.s32 $0x88, s3;
	s6 =	simm.s32 @!p1 $0x1082;
	[sflag:s4] =	ssyncset.s32 $0xFFFFF086  }
0x25: {  	[simem:s6], [sflag:s4] =	dma.local [hbm:s3], $0xF7A  }
0x26: {  	[smem:$0x3F8E] =	sst s1;
	(tag) =	ssettag s2;
	_ =	strace s9  }
0x27: {  	s1 =	sld [smem:$0x3F9E]  }
0x28: {  	s2 =	sld [smem:$0x3F9F]  }
0x29: {  	s4 =	sld [smem:$0x3FA1]  }
0x2a: {  	p0 =	seq.s32 s5, $0x0;
	s5 =	sld [smem:$0x3FA2]  }
0x2b: {  	s6 =	sld [smem:$0x3FA3]  }
0x2c: {  	s7 =	sld [smem:$0x3FA4]  }
0x2d: {  	s3 =	simm.s32 $0x108;
	s8 =	sld [smem:$0x3FA5]  }
0x2e: {  	s3 =	simm.s32 @!p0 $0x1082;
	s9 =	sld [smem:$0x3FA6]  }
0x2f: {  	lr =	sadd.s32 s0, s3;
	s0 =	sld [smem:$0x3F9D]  }
0x30: {  	s3 =	sld [smem:$0x3FA0]  }
0x31: {  	[smem:$0x3FA9] =	sst s10  }
0x32: {  	s10 =	sld [smem:$0x3FA7];
	_ =	sdelay $0x3  }
0x33: {  	p0 =	seq.s32 s10, $0x1;
	s10 =	sld [smem:$0x3FA9];
	_ =	sdelay $0x3  }
0x34: {  	[smem:$0x3FA9] =	sst s10  }
0x35: {  	s10 =	sld [smem:$0x3FA8];
	_ =	sdelay $0x3  }
0x36: {  	p1 =	seq.s32 s10, $0x1;
	s10 =	sld [smem:$0x3FA9];
	_ =	sdelay $0x3  }
0x37: {  	[smem:$0x3FA9] =	sst s10  }
0x38: {  	s10 =	sld [smem:$0x3FAA]  }
0x39: {  	_ = 	snop;
	(pc) =	sbr.ind lr, $3  }
0x3a: {  	_ = 	snop  }
0x3b: {  	_ = 	snop  }
0x3c: {  	p2 =	seq.s32 s10, $0x1;
	s10 =	sld [smem:$0x3FA9]  }
0x3d: {  	_ =	shalt  }
0x3e: {  	_ =	shalt  }
0x3f: {  	_ =	shalt  }
0x40: {  	_ =	shalt  }
0x41: {  	_ =	shalt  }
0x42: {  	_ =	shalt  }
0x43: {  	_ =	shalt  }
0x44: {  	_ =	shalt  }
0x45: {  	_ =	shalt  }
0x46: {  	_ =	shalt  }
0x47: {  	_ =	shalt  }
0x48: {  	_ =	shalt  }
0x49: {  	_ =	shalt  }
0x4a: {  	_ =	shalt  }
0x4b: {  	_ =	shalt  }
0x4c: {  	_ =	shalt  }
0x4d: {  	_ =	shalt  }
0x4e: {  	_ =	shalt  }
0x4f: {  	_ =	shalt  }
0x50: {  	_ =	shalt  }
0x51: {  	_ =	shalt  }
0x52: {  	_ =	shalt  }
0x53: {  	_ =	shalt  }
0x54: {  	_ =	shalt  }
0x55: {  	_ =	shalt  }
0x56: {  	_ =	shalt  }
0x57: {  	_ =	shalt  }
0x58: {  	_ =	shalt  }
0x59: {  	_ =	shalt  }
0x5a: {  	_ =	shalt  }
0x5b: {  	_ =	shalt  }
0x5c: {  	_ =	shalt  }
0x5d: {  	_ =	shalt  }
0x5e: {  	_ =	shalt  }
0x5f: {  	_ =	shalt  }
0x60: {  	_ =	shalt  }
0x61: {  	_ =	shalt  }
0x62: {  	_ =	shalt  }
0x63: {  	_ =	shalt  }
0x64: {  	_ =	shalt  }
0x65: {  	_ =	shalt  }
0x66: {  	_ =	shalt  }
0x67: {  	_ =	shalt  }
0x68: {  	_ =	shalt  }
0x69: {  	_ =	shalt  }
0x6a: {  	_ =	shalt  }
0x6b: {  	_ =	shalt  }
0x6c: {  	_ =	shalt  }
0x6d: {  	_ =	shalt  }
0x6e: {  	_ =	shalt  }
0x6f: {  	_ =	shalt  }
0x70: {  	_ =	shalt  }
0x71: {  	_ =	shalt  }
0x72: {  	_ =	shalt  }
0x73: {  	_ =	shalt  }
0x74: {  	_ =	shalt  }
0x75: {  	_ =	shalt  }
0x76: {  	_ =	shalt  }
0x77: {  	_ =	shalt  }
0x78: {  	_ =	shalt  }
0x79: {  	_ =	shalt  }
0x7a: {  	_ =	shalt  }
0x7b: {  	_ =	shalt  }
0x7c: {  	_ =	shalt  }
0x7d: {  	_ =	shalt  }
0x7e: {  	_ =	shalt  }
0x7f: {  	_ =	shalt  }
0x80: {  	_ =	shalt  }
0x81: {  	_ =	shalt  }
0x82: {  	_ =	shalt  }
0x83: {  	_ =	shalt  }
0x84: {  	_ =	shalt  }
0x85: {  	_ =	shalt  }
0x86: {  	_ =	shalt  }
0x87: {  	_ =	shalt  }
.Lfunc_end0:
.L_simem_size_0:
called_computation.2_lowered:
.L_overlay_start_0:
0x88: {  	s2 =	sld [smem:$0x3FD9]  }
0x89: {  	s3 =	sld [smem:$0x3FFE];
	_ =	sdelay $0x1  }
0x8a: {  	s1 =	srdreg.scid  }
0x8b: {  	s0 =	sand.u32 $0x1, s1  }
0x8c: {  	s16 =	sshll.u32 s0, $0xA;
	s2 =	sadd.s32 s3, s2  }
0x8d: {  	s2 =	sadd.s32 s2, s16  }
0x8e: {  	[smem:$0x3FB5] =	sst s2  }
0x8f: {  	_ = 	snop  }
0x90: {  	(tm) =	ssettm $0x1  }
0x91: {  	s17 =	sld [smem:$0x3FFB];
	_ =	sdelay $0x3  }
0x92: {  	_ =	strace s17  }
0x93: {  	s2 =	sld [smem:$0x3FFC];
	_ =	sdelay $0x3  }
0x94: {  	_ =	strace s2  }
0x95: {  	s2 =	sld [smem:$0x3FFD];
	_ =	sdelay $0x3  }
0x96: {  	_ =	strace s2  }
0x97: {  	_ =	strace $0x8FFFFFFF  }
0x98: {  	s18 =	sld [smem:$0x3FDB];
	_ =	sdelay $0x1  }
0x99: {  	s19 =	simm.s32 $_scs_section_size  }
0x9a: {  	s4 =	simm.s32 $_size__tile_overlayer_lowered;
	s5 =	simm.s32 $_tile_overlayer_lowered  }
0x9b: {  	s22 =	simm.s32 $0x1BFF;
	s21 =	sshll.u32 s5, $0x1;
	s2 =	sadd.s32 s19, s18  }
0x9c: {  	s6 =	simm.s32 $0x0;
	s20 =	sshll.u32 s4, $0x1;
	s4 =	sadd.s32 s21, s2  }
0x9d: {  	[timem:s6], [sflag:s22] =	dma.local [hbm:s4], s20  }
0x9e: {  	_ =	swait.ge [sflag:s22], s20  }
0x9f: {  	s3 =	ssub.s32 $0x0, s20;
	[sflag:s22] =	ssyncset.done $0x0  }
0xa0: {  	[sflag:s22] =	ssyncadd.s32 s3;
	_ =	sdelay $0x1  }
0xa1: {  	s23 =	simm.s32 $0x1B8B  }
0xa2: {  	_ =	swait.ge [sflag:s23], $0x1  }
0xa3: {  	[sflag:s23] =	ssyncset.done $0x0  }
0xa4: {  	s25 =	simm.s32 $0x1B8E;
	s24 =	sld [smem:$0x3FFE];
	[sflag:s23] =	ssyncadd.s32 $0xFFFFFFFF  }
0xa5: {  	s26 =	simm.s32 $execute0_lowered;
	[smem:$0x3FD2] =	sst s25  }
0xa6: {  	s4 =	sshll.u32 s26, $0x1;
	_ =	strace $0x8000004C;
	[dreg:$0x1] =	wrdreg $0xFFFFFFFF  }
0xa7: {  	s28 =	simm.s32 $_size_execute0_lowered;
	s2 =	sadd.s32 s2, s4;
	[dreg:$0x0] =	wrdreg $0x0  }
0xa8: {  	s4 =	sshll.u32 s28, $0x1;
	[dreg:$0x2] =	wrdreg s2  }
0xa9: {  	[dreg:$0x3] =	wrdreg s4  }
0xaa: {  	[dreg:$0x4] =	wrdreg $0xC0  }
0xab: {  	_ =	task [dreg:s6], $0x5FFFF  }
0xac: {  	[dreg:$0x1] =	wrdreg $0xFFFFFFFF  }
0xad: {  	[dreg:$0x0] =	wrdreg $0x60  }
0xae: {  	[dreg:$0x2] =	wrdreg s24  }
0xaf: {  	[dreg:$0x3] =	wrdreg $0x150000  }
0xb0: {  	[dreg:$0x4] =	wrdreg $0x9  }
0xb1: {  	_ =	task.clear_ibuf [dreg:s6], $0x5FFFF;
	_ =	strace $0x9000004C  }
0xb2: {  	s29 =	simm.s32 $0x9;
	_ =	strace $0x8000004E  }
0xb3: {  	_ =	swait.ge [sflag:s29], $0x1  }
0xb4: {  	[sflag:s29] =	ssyncadd.s32 $0xFFFFFFFF  }
0xb5: {  	_ =	strace $0x9000004E  }
0xb6: {  	_ =	sfence  }
0xb7: {  	s30 =	sld [smem:$0x0];
	_ =	sdelay $0x2  }
0xb8: {  	s31 =	sshll.u32 s1, $0xD;
	s1 =	sshrl.u32 s1, $0x2  }
0xb9: {  	s3 =	sand.u32 $0x4000, s31;
	s1 =	sadd.s32 s1, s30  }
0xba: {  	s0 =	sor.u32 s3, s0;
	s1 =	sshll.u32 s1, $0x11  }
0xbb: {  	s0 =	sor.u32 s1, s0  }
0xbc: {  	s0 =	sadd.s32 $0x8F2B, s0  }
0xbd: {  	[sflag:s0] =	ssyncadd.remote.s32 $0x1  }
0xbe: {  	_ =	sfence.sel $0xFFFF  }
0xbf: {  	[dreg:$0x0] =	wrdreg $0xFFFFFFFF;
	(pc) =	sbr.abs _section_cstart, $3  }
0xc0: {  	[dreg:$0x1] =	wrdreg $0xFFFFFFFF  }
0xc1: {  	_ =	task.clear_ibuf [dreg:s6], $0x2FFFF;
	_ =	strace $0x9FFFFFFF  }
0xc2: {  	(tm) =	ssettm $0x7FFFFFFF  }
0xc3: {  	_ =	shalt  }
tec
execute0_lowered:
.L_overlay_start_1:
0x0: {  	(tag) =	ssettag $0x1  }
0x1: {  	s0 =	srdreg.scid  }
0x2: {  	s4 =	stileid.u32;
	s3 =	rddreg [dreg:$0x0]  }
0x3: {  	s2 =	rddreg [dreg:$0x1];
	s6 =	simm.s32 $0x0;
	s10 =	simm.s32 $0x11  }
0x4: {  	s12 =	simm.s32 $0x80;
	s13 =	simm.s32 $0x5000;
	s14 =	simm.s32 $0x7000  }
0x5: {  	s16 =	simm.s32 $0x9000;
	s18 =	simm.s32 $0xB000;
	s20 =	simm.s32 $0xD000  }
0x6: {  	s29 =	simm.s32 $0x1;
	s30 =	simm.s32 $0x2;
	s31 =	simm.s32 $0x3  }
0x7: {  	s15 =	simm.s32 $0x5;
	s17 =	simm.s32 $0x7;
	s19 =	simm.s32 $0x8  }
0x8: {  	s21 =	simm.s32 $0x9;
	s28 =	simm.s32 $0xC;
	s9 =	simm.s32 $0x0  }
0x9: {  	s0 =	sand.u32 $0x1, s0;
	s5 =	smul.u32 $0x9E00, s4;
	[smem:$0x7FF] =	sst s6  }
0xa: {  	s8 =	sadd.s32 $0x2C400, s3;
	s1 =	sshll.u32 s0, $0x4;
	s22 =	smul.u32 $0x9E000, s0  }
0xb: {  	_ =	strace $0x8000004D;
	s0 =	ssub.s32 $0x2, s0;
	[dreg:$0x3] =	wrdreg s8  }
0xc: {  	s8 =	simm.s32 $0x10;
	s1 =	sor.u32 s4, s1;
	s4 =	sadd.s32 $0x4800, s3  }
0xd: {  	s7 =	sshrl.u32 s0, $0x1;
	s25 =	sadd.s32 s5, s2;
	s1 =	smul.u32 $0x500, s1  }
0xe: {  	s23 =	sadd.s32 s5, s22;
	s0 =	ssub.s32 s0, s7;
	[dreg:$0x6] =	wrdreg s25  }
0xf: {  	s22 =	simm.s32 $0xF000;
	s25 =	simm.s32 $0xB;
	s5 =	simm.s32 $0xD  }
0x10: {  	s7 =	simm.s32 $0xF;
	s0 =	smax.u32 s0, $0x1;
	s1 =	sadd.s32 s1, s3  }
0x11: {  	s6 =	sshrl.u32 s23, $0x3;
	[dreg:$0x8] =	wrdreg s0;
	s24 =	sadd.s32 $0x22400, s1  }
0x12: {  	s3 =	sadd.s32 s6, s3;
	s1 =	sadd.s32 $0x18400, s1;
	[dreg:$0x4] =	wrdreg s24  }
0x13: {  	s23 =	simm.s32 $0xA;
	s26 =	sadd.s32 $0x2D800, s3;
	[dreg:$0x5] =	wrdreg s1  }
0x14: {  	s0 =	simm.s32 $0x6;
	s6 =	simm.s32 $0xE;
	[dreg:$0x7] =	wrdreg s26  }
0x15: {  	s24 =	simm.s32 $0x11000;
	s26 =	simm.s32 $0x13000;
	s1 =	simm.s32 $0x4  }
.LBB2_1:
0x16: {  	[dreg:$0x9] =	wrdreg s9  }
0x17: {  	s11 =	simm.s32 $0x0;
	s3 =	rddreg [dreg:$0x4]  }
0x18: {  	[tilespmem:s11], [sflag:$0x11] =	stream.linear.gather [hbm4b:s3+s11], $0x2800, $0x38;
	[tilespmem:$0x1EE00] =	vst v63  }
0x19: {  	_ =	swait.ge [sflag:s10], $0x2800  }
0x1a: {  	[sflag:s10] =	ssyncset.done $0x0  }
0x1b: {  	[sflag:s10] =	ssyncadd.s32 $0xFFFFD800  }
0x1c: {  	[tilespmem:s13], [sflag:$0x1] =	stream.indirect.gather [hbm4b:s4+s12], $0x40, s11, s12, $0xb8;
	[tilespmem:$0x1EE00] =	vst v63  }
0x1d: {  	_ = 	snop  }
0x1e: {  	[tilespmem:s14], [sflag:$0x2] =	stream.indirect.gather [hbm4b:s4+s12], $0x40, s12, s12, $0xb8;
	[tilespmem:$0x1EE00] =	vst v63  }
0x1f: {  	s11 =	simm.s32 $0x100  }
0x20: {  	[tilespmem:s16], [sflag:$0x3] =	stream.indirect.gather [hbm4b:s4+s12], $0x40, s11, s12, $0xb8;
	[tilespmem:$0x1EE00] =	vst v63  }
0x21: {  	s11 =	simm.s32 $0x180  }
0x22: {  	[tilespmem:s18], [sflag:$0x4] =	stream.indirect.gather [hbm4b:s4+s12], $0x40, s11, s12, $0xb8;
	[tilespmem:$0x1EE00] =	vst v63  }
0x23: {  	s11 =	simm.s32 $0x200  }
0x24: {  	[tilespmem:s20], [sflag:$0x5] =	stream.indirect.gather [hbm4b:s4+s12], $0x40, s11, s12, $0xb8;
	[tilespmem:$0x1EE00] =	vst v63  }
0x25: {  	s11 =	simm.s32 $0x280  }
0x26: {  	[tilespmem:s22], [sflag:$0x6] =	stream.indirect.gather [hbm4b:s4+s12], $0x40, s11, s12, $0xb8;
	[tilespmem:$0x1EE00] =	vst v63  }
0x27: {  	s11 =	simm.s32 $0x300  }
0x28: {  	[tilespmem:s24], [sflag:$0x7] =	stream.indirect.gather [hbm4b:s4+s12], $0x40, s11, s12, $0xb8;
	[tilespmem:$0x1EE00] =	vst v63  }
0x29: {  	s11 =	simm.s32 $0x380  }
0x2a: {  	[tilespmem:s26], [sflag:$0x8] =	stream.indirect.gather [hbm4b:s4+s12], $0x40, s11, s12, $0xb8;
	[tilespmem:$0x1EE00] =	vst v63  }
0x2b: {  	s9 =	simm.s32 $0x0;
	s3 =	rddreg [dreg:$0x5];
	s11 =	simm.s32 $0x2800  }
0x2c: {  	[tilespmem:s11], [sflag:$0x11] =	stream.linear.gather [hbm4b:s3+s9], $0x2800, $0x38;
	[tilespmem:$0x1EE00] =	vst v63  }
0x2d: {  	s11 =	stileid.u32;
	_ =	swait.ge [sflag:s10], $0x2800  }
0x2e: {  	s3 =	sshll.u32 s11, $0x6;
	s9 =	rddreg [dreg:$0x6]  }
0x2f: {  	s11 =	sor.u32 $0x1C11, s3;
	s3 =	rddreg [dreg:$0x3]  }
0x30: {  	[sflag:s10] =	ssyncset.done $0x0;
	s9 =	sshrl.u32 s9, $0x3;
	[dreg:$0xa] =	wrdreg s11  }
0x31: {  	[sflag:s10] =	ssyncadd.s32 $0xFFFFD800;
	[dreg:$0xb] =	wrdreg s9  }
0x32: {  	[spmem:s9], [sflag:s11] =	dma.local [hbm:s3], $0x13C0  }
0x33: {  	_ =	swait.ge [sflag:s10], $0x13C0  }
0x34: {  	[sflag:s10] =	ssyncset.done $0x0  }
0x35: {  	[sflag:s10] =	ssyncadd.s32 $0xFFFFEC40  }
0x36: {  	[bflag:$0x0] =	sbarrier.arrive $0xFFFF  }
0x37: {  	_ =	swait.ge [sflag:s29], $0x2000  }
0x38: {  	[sflag:s29] =	ssyncset.done $0x0  }
0x39: {  	s11 =	simm.s32 $0x2800;
	[sflag:s29] =	ssyncadd.s32 $0xFFFFE000  }
0x3a: {  	[spmem:s2] =	stream.indirect.scatter.add.f32 [tilespmem:s13], [sflag:$0x9], $0x40, s11, s12, $0xb8;
	[tilespmem:$0x1EE00] =	vst v63  }
0x3b: {  	_ =	swait.ge [sflag:s30], $0x2000  }
0x3c: {  	[sflag:s30] =	ssyncset.done $0x0  }
0x3d: {  	s9 =	simm.s32 $0x2880;
	[sflag:s30] =	ssyncadd.s32 $0xFFFFE000  }
0x3e: {  	[spmem:s2] =	stream.indirect.scatter.add.f32 [tilespmem:s14], [sflag:$0xA], $0x40, s9, s12, $0xb8;
	[tilespmem:$0x1EE00] =	vst v63  }
0x3f: {  	_ =	swait.ge [sflag:s31], $0x2000  }
0x40: {  	[sflag:s31] =	ssyncset.done $0x0  }
0x41: {  	s10 =	simm.s32 $0x2900;
	[sflag:s31] =	ssyncadd.s32 $0xFFFFE000  }
0x42: {  	[spmem:s2] =	stream.indirect.scatter.add.f32 [tilespmem:s16], [sflag:$0xB], $0x40, s10, s12, $0xb8;
	[tilespmem:$0x1EE00] =	vst v63  }
0x43: {  	_ =	swait.ge [sflag:s1], $0x2000  }
0x44: {  	[sflag:s1] =	ssyncset.done $0x0  }
0x45: {  	s11 =	simm.s32 $0x2980;
	[sflag:s1] =	ssyncadd.s32 $0xFFFFE000  }
0x46: {  	[spmem:s2] =	stream.indirect.scatter.add.f32 [tilespmem:s18], [sflag:$0xC], $0x40, s11, s12, $0xb8;
	[tilespmem:$0x1EE00] =	vst v63  }
0x47: {  	_ =	swait.ge [sflag:s15], $0x2000  }
0x48: {  	[sflag:s15] =	ssyncset.done $0x0  }
0x49: {  	s9 =	simm.s32 $0x2A00;
	[sflag:s15] =	ssyncadd.s32 $0xFFFFE000  }
0x4a: {  	[spmem:s2] =	stream.indirect.scatter.add.f32 [tilespmem:s20], [sflag:$0xD], $0x40, s9, s12, $0xb8;
	[tilespmem:$0x1EE00] =	vst v63  }
0x4b: {  	_ =	swait.ge [sflag:s0], $0x2000  }
0x4c: {  	[sflag:s0] =	ssyncset.done $0x0  }
0x4d: {  	s10 =	simm.s32 $0x2A80;
	[sflag:s0] =	ssyncadd.s32 $0xFFFFE000  }
0x4e: {  	[spmem:s2] =	stream.indirect.scatter.add.f32 [tilespmem:s22], [sflag:$0xE], $0x40, s10, s12, $0xb8;
	[tilespmem:$0x1EE00] =	vst v63  }
0x4f: {  	_ =	swait.ge [sflag:s17], $0x2000  }
0x50: {  	[sflag:s17] =	ssyncset.done $0x0  }
0x51: {  	s11 =	simm.s32 $0x2B00;
	[sflag:s17] =	ssyncadd.s32 $0xFFFFE000  }
0x52: {  	[spmem:s2] =	stream.indirect.scatter.add.f32 [tilespmem:s24], [sflag:$0xF], $0x40, s11, s12, $0xb8;
	[tilespmem:$0x1EE00] =	vst v63  }
0x53: {  	_ =	swait.ge [sflag:s19], $0x2000  }
0x54: {  	[sflag:s19] =	ssyncset.done $0x0  }
0x55: {  	s9 =	simm.s32 $0x2B80;
	[sflag:s19] =	ssyncadd.s32 $0xFFFFE000  }
0x56: {  	[spmem:s2] =	stream.indirect.scatter.add.f32 [tilespmem:s26], [sflag:$0x10], $0x40, s9, s12, $0xb8;
	[tilespmem:$0x1EE00] =	vst v63  }
0x57: {  	s9 =	simm.s32 $0x0  }
0x58: {  	_ =	swait.ge [sflag:s21], $0x2000;
	s10 =	smin.u32 s9, $0x47  }
0x59: {  	[sflag:s21] =	ssyncset.done $0x0;
	s3 =	sshll.u32 s10, $0x7  }
0x5a: {  	[sflag:s21] =	ssyncadd.s32 $0xFFFFE000;
	s3 =	sadd.s32 $0x400, s3  }
0x5b: {  	[tilespmem:s13], [sflag:$0x1] =	stream.indirect.gather [hbm4b:s4+s12], $0x40, s3, s12, $0xb8;
	[tilespmem:$0x1EE00] =	vst v63  }
0x5c: {  	s11 =	smin.u32 s9, $0x46;
	_ =	swait.ge [sflag:s23], $0x2000  }
0x5d: {  	s3 =	sshll.u32 s11, $0x7;
	[sflag:s23] =	ssyncset.done $0x0  }
0x5e: {  	s3 =	sadd.s32 $0x480, s3;
	[sflag:s23] =	ssyncadd.s32 $0xFFFFE000  }
0x5f: {  	[tilespmem:s14], [sflag:$0x2] =	stream.indirect.gather [hbm4b:s4+s12], $0x40, s3, s12, $0xb8;
	[tilespmem:$0x1EE00] =	vst v63  }
0x60: {  	s10 =	smin.u32 s9, $0x45;
	_ =	swait.ge [sflag:s25], $0x2000  }
0x61: {  	s3 =	sshll.u32 s10, $0x7;
	[sflag:s25] =	ssyncset.done $0x0  }
0x62: {  	s3 =	sadd.s32 $0x500, s3;
	[sflag:s25] =	ssyncadd.s32 $0xFFFFE000  }
0x63: {  	[tilespmem:s16], [sflag:$0x3] =	stream.indirect.gather [hbm4b:s4+s12], $0x40, s3, s12, $0xb8;
	[tilespmem:$0x1EE00] =	vst v63  }
0x64: {  	s11 =	smin.u32 s9, $0x44;
	_ =	swait.ge [sflag:s28], $0x2000  }
0x65: {  	s3 =	sshll.u32 s11, $0x7;
	[sflag:s28] =	ssyncset.done $0x0  }
0x66: {  	s3 =	sadd.s32 $0x580, s3;
	[sflag:s28] =	ssyncadd.s32 $0xFFFFE000  }
0x67: {  	[tilespmem:s18], [sflag:$0x4] =	stream.indirect.gather [hbm4b:s4+s12], $0x40, s3, s12, $0xb8;
	[tilespmem:$0x1EE00] =	vst v63  }
0x68: {  	s10 =	smin.u32 s9, $0x43;
	_ =	swait.ge [sflag:s5], $0x2000  }
0x69: {  	s3 =	sshll.u32 s10, $0x7;
	[sflag:s5] =	ssyncset.done $0x0  }
0x6a: {  	s3 =	sadd.s32 $0x600, s3;
	[sflag:s5] =	ssyncadd.s32 $0xFFFFE000  }
0x6b: {  	[tilespmem:s20], [sflag:$0x5] =	stream.indirect.gather [hbm4b:s4+s12], $0x40, s3, s12, $0xb8;
	[tilespmem:$0x1EE00] =	vst v63  }
0x6c: {  	s11 =	smin.u32 s9, $0x42;
	_ =	swait.ge [sflag:s6], $0x2000  }
0x6d: {  	s3 =	sshll.u32 s11, $0x7;
	[sflag:s6] =	ssyncset.done $0x0  }
0x6e: {  	s3 =	sadd.s32 $0x680, s3;
	[sflag:s6] =	ssyncadd.s32 $0xFFFFE000  }
0x6f: {  	[tilespmem:s22], [sflag:$0x6] =	stream.indirect.gather [hbm4b:s4+s12], $0x40, s3, s12, $0xb8;
	[tilespmem:$0x1EE00] =	vst v63  }
0x70: {  	s9 =	smin.u32 s9, $0x41;
	_ =	swait.ge [sflag:s7], $0x2000  }
0x71: {  	s3 =	sshll.u32 s9, $0x7;
	[sflag:s7] =	ssyncset.done $0x0  }
0x72: {  	s10 =	simm.s32 $0x0;
	s3 =	sadd.s32 $0x700, s3;
	[sflag:s7] =	ssyncadd.s32 $0xFFFFE000  }
0x73: {  	[tilespmem:s24], [sflag:$0x7] =	stream.indirect.gather [hbm4b:s4+s12], $0x40, s3, s12, $0xb8;
	[tilespmem:$0x1EE00] =	vst v63  }
0x74: {  	s11 =	smin.u32 s10, $0x40;
	_ =	swait.ge [sflag:s8], $0x2000  }
0x75: {  	s10 =	simm.s32 $0x1000;
	s3 =	sshll.u32 s11, $0x7;
	[sflag:s8] =	ssyncset.done $0x0  }
0x76: {  	s11 =	sadd.s32 $0x780, s3;
	s3 =	simm.s32 $0x8;
	[sflag:s8] =	ssyncadd.s32 $0xFFFFE000  }
.LBB2_2:
0x77: {  	[tilespmem:s26], [sflag:$0x8] =	stream.indirect.gather [hbm4b:s4+s12], $0x40, s11, s12, $0xb8;
	[tilespmem:$0x1EE00] =	vst v63  }
0x78: {  	s11 =	smov.u32 s10  }
0x79: {  	p0 =	sne.s32 s10, $0x9000;
	s10 =	sadd.s32 $0x1000, s10;
	_ =	swait.ge [sflag:s29], $0x2000  }
0x7a: {  	s11 =	sshra.s32 s11, $0x2;
	[sflag:s29] =	ssyncset.done $0x0  }
0x7b: {  	s9 =	sadd.s32 $0x2800, s11;
	[sflag:s29] =	ssyncadd.s32 $0xFFFFE000  }
0x7c: {  	[spmem:s2] =	stream.indirect.scatter.add.f32 [tilespmem:s13], [sflag:$0x9], $0x40, s9, s12, $0xb8;
	[tilespmem:$0x1EE00] =	vst v63  }
0x7d: {  	_ =	swait.ge [sflag:s30], $0x2000  }
0x7e: {  	[sflag:s30] =	ssyncset.done $0x0  }
0x7f: {  	s9 =	sadd.s32 $0x2880, s11;
	[sflag:s30] =	ssyncadd.s32 $0xFFFFE000  }
0x80: {  	[spmem:s2] =	stream.indirect.scatter.add.f32 [tilespmem:s14], [sflag:$0xA], $0x40, s9, s12, $0xb8;
	[tilespmem:$0x1EE00] =	vst v63  }
0x81: {  	_ =	swait.ge [sflag:s31], $0x2000  }
0x82: {  	[sflag:s31] =	ssyncset.done $0x0  }
0x83: {  	s9 =	sadd.s32 $0x2900, s11;
	[sflag:s31] =	ssyncadd.s32 $0xFFFFE000  }
0x84: {  	[spmem:s2] =	stream.indirect.scatter.add.f32 [tilespmem:s16], [sflag:$0xB], $0x40, s9, s12, $0xb8;
	[tilespmem:$0x1EE00] =	vst v63  }
0x85: {  	_ =	swait.ge [sflag:s1], $0x2000  }
0x86: {  	[sflag:s1] =	ssyncset.done $0x0  }
0x87: {  	s9 =	sadd.s32 $0x2980, s11;
	[sflag:s1] =	ssyncadd.s32 $0xFFFFE000  }
0x88: {  	[spmem:s2] =	stream.indirect.scatter.add.f32 [tilespmem:s18], [sflag:$0xC], $0x40, s9, s12, $0xb8;
	[tilespmem:$0x1EE00] =	vst v63  }
0x89: {  	_ =	swait.ge [sflag:s15], $0x2000  }
0x8a: {  	[sflag:s15] =	ssyncset.done $0x0  }
0x8b: {  	s9 =	sadd.s32 $0x2A00, s11;
	[sflag:s15] =	ssyncadd.s32 $0xFFFFE000  }
0x8c: {  	[spmem:s2] =	stream.indirect.scatter.add.f32 [tilespmem:s20], [sflag:$0xD], $0x40, s9, s12, $0xb8;
	[tilespmem:$0x1EE00] =	vst v63  }
0x8d: {  	_ =	swait.ge [sflag:s0], $0x2000  }
0x8e: {  	[sflag:s0] =	ssyncset.done $0x0  }
0x8f: {  	s9 =	sadd.s32 $0x2A80, s11;
	[sflag:s0] =	ssyncadd.s32 $0xFFFFE000  }
0x90: {  	[spmem:s2] =	stream.indirect.scatter.add.f32 [tilespmem:s22], [sflag:$0xE], $0x40, s9, s12, $0xb8;
	[tilespmem:$0x1EE00] =	vst v63  }
0x91: {  	_ =	swait.ge [sflag:s17], $0x2000  }
0x92: {  	[sflag:s17] =	ssyncset.done $0x0  }
0x93: {  	s9 =	sadd.s32 $0x2B00, s11;
	[sflag:s17] =	ssyncadd.s32 $0xFFFFE000  }
0x94: {  	[spmem:s2] =	stream.indirect.scatter.add.f32 [tilespmem:s24], [sflag:$0xF], $0x40, s9, s12, $0xb8;
	[tilespmem:$0x1EE00] =	vst v63  }
0x95: {  	_ =	swait.ge [sflag:s19], $0x2000  }
0x96: {  	[sflag:s19] =	ssyncset.done $0x0  }
0x97: {  	s9 =	sadd.s32 $0x2B80, s11;
	[sflag:s19] =	ssyncadd.s32 $0xFFFFE000  }
0x98: {  	[spmem:s2] =	stream.indirect.scatter.add.f32 [tilespmem:s26], [sflag:$0x10], $0x40, s9, s12, $0xb8;
	[tilespmem:$0x1EE00] =	vst v63  }
0x99: {  	s9 =	smin.u32 s3, $0x47;
	_ =	swait.ge [sflag:s21], $0x2000  }
0x9a: {  	s9 =	sshll.u32 s9, $0x7;
	[sflag:s21] =	ssyncset.done $0x0  }
0x9b: {  	s9 =	sadd.s32 $0x400, s9;
	[sflag:s21] =	ssyncadd.s32 $0xFFFFE000  }
0x9c: {  	[tilespmem:s13], [sflag:$0x1] =	stream.indirect.gather [hbm4b:s4+s12], $0x40, s9, s12, $0xb8;
	[tilespmem:$0x1EE00] =	vst v63  }
0x9d: {  	s9 =	smin.u32 s3, $0x46;
	_ =	swait.ge [sflag:s23], $0x2000  }
0x9e: {  	s9 =	sshll.u32 s9, $0x7;
	[sflag:s23] =	ssyncset.done $0x0  }
0x9f: {  	s9 =	sadd.s32 $0x480, s9;
	[sflag:s23] =	ssyncadd.s32 $0xFFFFE000  }
0xa0: {  	[tilespmem:s14], [sflag:$0x2] =	stream.indirect.gather [hbm4b:s4+s12], $0x40, s9, s12, $0xb8;
	[tilespmem:$0x1EE00] =	vst v63  }
0xa1: {  	s9 =	smin.u32 s3, $0x45;
	_ =	swait.ge [sflag:s25], $0x2000  }
0xa2: {  	s9 =	sshll.u32 s9, $0x7;
	[sflag:s25] =	ssyncset.done $0x0  }
0xa3: {  	s9 =	sadd.s32 $0x500, s9;
	[sflag:s25] =	ssyncadd.s32 $0xFFFFE000  }
0xa4: {  	[tilespmem:s16], [sflag:$0x3] =	stream.indirect.gather [hbm4b:s4+s12], $0x40, s9, s12, $0xb8;
	[tilespmem:$0x1EE00] =	vst v63  }
0xa5: {  	s9 =	smin.u32 s3, $0x44;
	_ =	swait.ge [sflag:s28], $0x2000  }
0xa6: {  	s9 =	sshll.u32 s9, $0x7;
	[sflag:s28] =	ssyncset.done $0x0  }
0xa7: {  	s9 =	sadd.s32 $0x580, s9;
	[sflag:s28] =	ssyncadd.s32 $0xFFFFE000  }
0xa8: {  	[tilespmem:s18], [sflag:$0x4] =	stream.indirect.gather [hbm4b:s4+s12], $0x40, s9, s12, $0xb8;
	[tilespmem:$0x1EE00] =	vst v63  }
0xa9: {  	s9 =	smin.u32 s3, $0x43;
	_ =	swait.ge [sflag:s5], $0x2000  }
0xaa: {  	s9 =	sshll.u32 s9, $0x7;
	[sflag:s5] =	ssyncset.done $0x0  }
0xab: {  	s9 =	sadd.s32 $0x600, s9;
	[sflag:s5] =	ssyncadd.s32 $0xFFFFE000  }
0xac: {  	[tilespmem:s20], [sflag:$0x5] =	stream.indirect.gather [hbm4b:s4+s12], $0x40, s9, s12, $0xb8;
	[tilespmem:$0x1EE00] =	vst v63  }
0xad: {  	s9 =	smin.u32 s3, $0x42;
	_ =	swait.ge [sflag:s6], $0x2000  }
0xae: {  	s9 =	sshll.u32 s9, $0x7;
	[sflag:s6] =	ssyncset.done $0x0  }
0xaf: {  	s9 =	sadd.s32 $0x680, s9;
	[sflag:s6] =	ssyncadd.s32 $0xFFFFE000  }
0xb0: {  	[tilespmem:s22], [sflag:$0x6] =	stream.indirect.gather [hbm4b:s4+s12], $0x40, s9, s12, $0xb8;
	[tilespmem:$0x1EE00] =	vst v63  }
0xb1: {  	s9 =	smin.u32 s3, $0x41;
	_ =	swait.ge [sflag:s7], $0x2000  }
0xb2: {  	s9 =	sshll.u32 s9, $0x7;
	[sflag:s7] =	ssyncset.done $0x0  }
.Ltmp0:
0xb3: {  	s9 =	sadd.s32 $0x700, s9;
	[sflag:s7] =	ssyncadd.s32 $0xFFFFE000;
	(pc) =	sbr.rel @p0 .LBB2_2-.Ltmp0, $4  }
0xb4: {  	[tilespmem:s24], [sflag:$0x7] =	stream.indirect.gather [hbm4b:s4+s12], $0x40, s9, s12, $0xb8;
	[tilespmem:$0x1EE00] =	vst v63  }
0xb5: {  	s9 =	smin.u32 s3, $0x40;
	_ =	swait.ge [sflag:s8], $0x2000  }
0xb6: {  	s9 =	sshll.u32 s9, $0x7;
	[sflag:s8] =	ssyncset.done $0x0  }
0xb7: {  	s3 =	sadd.s32 $0x8, s3;
	s11 =	sadd.s32 $0x780, s9;
	[sflag:s8] =	ssyncadd.s32 $0xFFFFE000  }
0xb8: {  	[tilespmem:s26], [sflag:$0x8] =	stream.indirect.gather [hbm4b:s4+s12], $0x40, s11, s12, $0xb8;
	[tilespmem:$0x1EE00] =	vst v63  }
0xb9: {  	_ =	swait.ge [sflag:s29], $0x2000  }
0xba: {  	[sflag:s29] =	ssyncset.done $0x0  }
0xbb: {  	[sflag:s29] =	ssyncadd.s32 $0xFFFFE000  }
0xbc: {  	_ =	swait.ge [sflag:s30], $0x2000  }
0xbd: {  	[sflag:s30] =	ssyncset.done $0x0  }
0xbe: {  	[sflag:s30] =	ssyncadd.s32 $0xFFFFE000  }
0xbf: {  	_ =	swait.ge [sflag:s31], $0x2000  }
0xc0: {  	[sflag:s31] =	ssyncset.done $0x0  }
0xc1: {  	[sflag:s31] =	ssyncadd.s32 $0xFFFFE000  }
0xc2: {  	_ =	swait.ge [sflag:s1], $0x2000  }
0xc3: {  	[sflag:s1] =	ssyncset.done $0x0  }
0xc4: {  	[sflag:s1] =	ssyncadd.s32 $0xFFFFE000  }
0xc5: {  	_ =	swait.ge [sflag:s15], $0x2000  }
0xc6: {  	[sflag:s15] =	ssyncset.done $0x0  }
0xc7: {  	[sflag:s15] =	ssyncadd.s32 $0xFFFFE000  }
0xc8: {  	_ =	swait.ge [sflag:s0], $0x2000  }
0xc9: {  	[sflag:s0] =	ssyncset.done $0x0  }
0xca: {  	[sflag:s0] =	ssyncadd.s32 $0xFFFFE000  }
0xcb: {  	_ =	swait.ge [sflag:s17], $0x2000  }
0xcc: {  	[sflag:s17] =	ssyncset.done $0x0  }
0xcd: {  	[sflag:s17] =	ssyncadd.s32 $0xFFFFE000  }
0xce: {  	_ =	swait.ge [sflag:s19], $0x2000  }
0xcf: {  	[sflag:s19] =	ssyncset.done $0x0  }
0xd0: {  	[sflag:s19] =	ssyncadd.s32 $0xFFFFE000  }
0xd1: {  	[bflag:$0x0] =	sbarrier.arrive $0xFFFF  }
0xd2: {  	s3 =	rddreg [dreg:$0x7]  }
0xd3: {  	s9 =	rddreg [dreg:$0xa]  }
0xd4: {  	s10 =	rddreg [dreg:$0xb]  }
0xd5: {  	[hbm:s3], [sflag:s9] =	dma.local [spmem:s10], $0x13C0  }
0xd6: {  	s10 =	simm.s32 $0x11  }
0xd7: {  	_ =	swait.ge [sflag:s10], $0x13C0  }
0xd8: {  	s3 =	rddreg [dreg:$0x9]  }
0xd9: {  	s11 =	rddreg [dreg:$0x8];
	s9 =	sadd.s32 $0x1, s3  }
0xda: {  	p0 =	sne.s32 s9, s11  }
.Ltmp1:
0xdb: {  	_ = 	snop;
	(pc) =	sbr.rel @p0 .LBB2_1-.Ltmp1, $3  }
0xdc: {  	_ =	sdelay $0x1  }
0xdd: {  	[sflag:s10] =	ssyncset.done $0x0  }
0xde: {  	[sflag:s10] =	ssyncadd.s32 $0xFFFFEC40  }
0xdf: {  	_ =	sfence.sel $0x180000  }
0xe0: {  	[bflag:$0x0] =	sbarrier.arrive $0xFFFF  }
0xe1: {  	_ =	strace $0x9000004D  }
0xe2: {  	s0 =	stileid.u32;
	[bflag:$0x2] =	sbarrier.arrive $0xFFFF  }
0xe3: {  	p0 =	sne.s32 s0, $0x0;
	s0 =	rddreg [dreg:$0x2]  }
0xe4: {  	s0 =	sadd.s32 @!p0 $0x100000, s0  }
0xe5: {  	[sflag:s0] =	ssyncadd.tile.s32 @!p0 $0x1;
	_ =	shalt  }
.Lfunc_end2:
_tile_overlayer_lowered:
.L_overlay_start_2:
0xe6: {  	(tag) =	ssettag $0x2  }
0xe7: {  	s0 =	rddreg [dreg:$0x0];
	s2 =	stileid.u32  }
0xe8: {  	s1 =	rddreg [dreg:$0x1];
	p0 =	sne.s32 s2, $0x0  }
0xe9: {  	s3 =	rddreg [dreg:$0x2];
	[bflag:$0x3] =	sbarrier.arrive $0xFFFF;
	s2 =	simm.s32 @!p0 $0x1C11  }
0xea: {  	[timem:s3], [sflag:s2] =	dma.local @!p0 [hbm:s0], s1  }
0xeb: {  	s0 =	simm.s32 @!p0 $0x11  }
0xec: {  	_ =	swait.ge @!p0 [sflag:s0], s1  }
0xed: {  	s1 =	ssub.s32 @!p0 $0x0, s1;
	[sflag:s0] =	ssyncset.done @!p0 $0x0  }
0xee: {  	[sflag:s0] =	ssyncadd.s32 @!p0 s1  }
0xef: {  	[bflag:$0x3] =	sbarrier.arrive $0xFFFF  }
0xf0: {  	_ =	shalt  }

// kernel: kernel.20.cloned.1.call-start
scs
__scs_entry_jumppad:
0x0: {  	(pc) =	sbr.rel $0x88, $3  }
0x1: {  	(tag) =	ssettag $0x0;
	lr =	simm.s32 $0x1  }
0x2: {  	[smem:$0x3F8E] =	sst lr;
	_ =	strace $0xD0000000  }
0x3: {  	_ = 	snop  }
0x4: {  	_ = 	snop  }
0x5: {  	_ = 	snop  }
0x6: {  	_ = 	snop  }
0x7: {  	_ = 	snop  }
__scs_overlays_trampoline_lowered:
0x8: {  	[smem:$0x3F9D] =	sst s0  }
0x9: {  	[smem:$0x3F9E] =	sst s1  }
0xa: {  	[smem:$0x3F9F] =	sst s2  }
0xb: {  	[smem:$0x3FA0] =	sst s3  }
0xc: {  	[smem:$0x3FA1] =	sst s4  }
0xd: {  	[smem:$0x3FA2] =	sst s5  }
0xe: {  	[smem:$0x3FA3] =	sst s6  }
0xf: {  	[smem:$0x3FA4] =	sst s7  }
0x10: {  	[smem:$0x3FA5] =	sst s8  }
0x11: {  	[smem:$0x3FA6] =	sst s9;
	s0 =	simm.s32 @!p0 $0x0  }
0x12: {  	s1 =	sld [smem:$0x3F8C];
	s0 =	simm.s32 @p0 $0x1  }
0x13: {  	[smem:$0x3FA7] =	sst s0;
	s0 =	simm.s32 @!p1 $0x0  }
0x14: {  	s2 =	sld [smem:$0x3F8B];
	s0 =	simm.s32 @p1 $0x1  }
0x15: {  	[smem:$0x3FA8] =	sst s0;
	s0 =	simm.s32 @!p2 $0x0  }
0x16: {  	s3 =	sld [smem:$0x3FDB];
	s0 =	simm.s32 @p2 $0x1  }
0x17: {  	s4 =	simm.s32 $0x1BF5;
	[smem:$0x3FAA] =	sst s0  }
0x18: {  	s0 =	sld [smem:$0x3F8D];
	_ =	swait.ge [sflag:s4], $0x0  }
0x19: {  	s7 =	sld [smem:$0x3F8E]  }
0x1a: {  	s8 =	sadd.s32 $0xFFFFE003, lr  }
0x1b: {  	s9 =	sadd.s32 $0xFFFFFEF7, lr;
	s5 =	simm.s32 $0xFFFFFFFF;
	p2 =	slt.u32 s8, $0xFFFFF086  }
0x1c: {  	p1 =	slt.u32 s9, $0xF7A;
	s5 =	simm.s32 @!p2 $0x0  }
0x1d: {  	s5 =	simm.s32 @p1 $0x1;
	p0 =	seq.s32 s7, s2  }
0x1e: {  	s7 =	smul.u32 @!p0 $0xF7A, s2;
	p2 =	seq.s32 @!p0 s5, $0x0  }
0x1f: {  	s9 =	smul.u32 $0xF7A, s1;
	s8 =	simm.s32 @!p0 $0x1BF5;
	p2 =	por !p2, p0  }
0x20: {  	[sflag:s8] =	ssyncset.s32 @!p0 $0xFFFFF086;
	s6 =	sadd.s32 @!p0 s3, s7;
	s7 =	simm.s32 @!p0 $0x108  }
0x21: {  	s3 =	sadd.s32 s3, s9;
	s6 =	sadd.s32 @!p0 $0x88, s6;
	s7 =	simm.s32 @p2 $0x1082  }
0x22: {  	[simem:s7], [sflag:s8] =	dma.local @!p0 [hbm:s6], $0xF7A  }
0x23: {  	s9 =	sor.u32 $0xD0000000, s2;
	s6 =	simm.s32 $0x108;
	_ =	swait.ge @!p0 [sflag:s8], $0x0  }
0x24: {  	s3 =	sadd.s32 $0x88, s3;
	s6 =	simm.s32 @!p1 $0x1082;
	[sflag:s4] =	ssyncset.s32 $0xFFFFF086  }
0x25: {  	[simem:s6], [sflag:s4] =	dma.local [hbm:s3], $0xF7A  }
0x26: {  	[smem:$0x3F8E] =	sst s1;
	(tag) =	ssettag s2;
	_ =	strace s9  }
0x27: {  	s1 =	sld [smem:$0x3F9E]  }
0x28: {  	s2 =	sld [smem:$0x3F9F]  }
0x29: {  	s4 =	sld [smem:$0x3FA1]  }
0x2a: {  	p0 =	seq.s32 s5, $0x0;
	s5 =	sld [smem:$0x3FA2]  }
0x2b: {  	s6 =	sld [smem:$0x3FA3]  }
0x2c: {  	s7 =	sld [smem:$0x3FA4]  }
0x2d: {  	s3 =	simm.s32 $0x108;
	s8 =	sld [smem:$0x3FA5]  }
0x2e: {  	s3 =	simm.s32 @!p0 $0x1082;
	s9 =	sld [smem:$0x3FA6]  }
0x2f: {  	lr =	sadd.s32 s0, s3;
	s0 =	sld [smem:$0x3F9D]  }
0x30: {  	s3 =	sld [smem:$0x3FA0]  }
0x31: {  	[smem:$0x3FA9] =	sst s10  }
0x32: {  	s10 =	sld [smem:$0x3FA7];
	_ =	sdelay $0x3  }
0x33: {  	p0 =	seq.s32 s10, $0x1;
	s10 =	sld [smem:$0x3FA9];
	_ =	sdelay $0x3  }
0x34: {  	[smem:$0x3FA9] =	sst s10  }
0x35: {  	s10 =	sld [smem:$0x3FA8];
	_ =	sdelay $0x3  }
0x36: {  	p1 =	seq.s32 s10, $0x1;
	s10 =	sld [smem:$0x3FA9];
	_ =	sdelay $0x3  }
0x37: {  	[smem:$0x3FA9] =	sst s10  }
0x38: {  	s10 =	sld [smem:$0x3FAA]  }
0x39: {  	_ = 	snop;
	(pc) =	sbr.ind lr, $3  }
0x3a: {  	_ = 	snop  }
0x3b: {  	_ = 	snop  }
0x3c: {  	p2 =	seq.s32 s10, $0x1;
	s10 =	sld [smem:$0x3FA9]  }
0x3d: {  	_ =	shalt  }
0x3e: {  	_ =	shalt  }
0x3f: {  	_ =	shalt  }
0x40: {  	_ =	shalt  }
0x41: {  	_ =	shalt  }
0x42: {  	_ =	shalt  }
0x43: {  	_ =	shalt  }
0x44: {  	_ =	shalt  }
0x45: {  	_ =	shalt  }
0x46: {  	_ =	shalt  }
0x47: {  	_ =	shalt  }
0x48: {  	_ =	shalt  }
0x49: {  	_ =	shalt  }
0x4a: {  	_ =	shalt  }
0x4b: {  	_ =	shalt  }
0x4c: {  	_ =	shalt  }
0x4d: {  	_ =	shalt  }
0x4e: {  	_ =	shalt  }
0x4f: {  	_ =	shalt  }
0x50: {  	_ =	shalt  }
0x51: {  	_ =	shalt  }
0x52: {  	_ =	shalt  }
0x53: {  	_ =	shalt  }
0x54: {  	_ =	shalt  }
0x55: {  	_ =	shalt  }
0x56: {  	_ =	shalt  }
0x57: {  	_ =	shalt  }
0x58: {  	_ =	shalt  }
0x59: {  	_ =	shalt  }
0x5a: {  	_ =	shalt  }
0x5b: {  	_ =	shalt  }
0x5c: {  	_ =	shalt  }
0x5d: {  	_ =	shalt  }
0x5e: {  	_ =	shalt  }
0x5f: {  	_ =	shalt  }
0x60: {  	_ =	shalt  }
0x61: {  	_ =	shalt  }
0x62: {  	_ =	shalt  }
0x63: {  	_ =	shalt  }
0x64: {  	_ =	shalt  }
0x65: {  	_ =	shalt  }
0x66: {  	_ =	shalt  }
0x67: {  	_ =	shalt  }
0x68: {  	_ =	shalt  }
0x69: {  	_ =	shalt  }
0x6a: {  	_ =	shalt  }
0x6b: {  	_ =	shalt  }
0x6c: {  	_ =	shalt  }
0x6d: {  	_ =	shalt  }
0x6e: {  	_ =	shalt  }
0x6f: {  	_ =	shalt  }
0x70: {  	_ =	shalt  }
0x71: {  	_ =	shalt  }
0x72: {  	_ =	shalt  }
0x73: {  	_ =	shalt  }
0x74: {  	_ =	shalt  }
0x75: {  	_ =	shalt  }
0x76: {  	_ =	shalt  }
0x77: {  	_ =	shalt  }
0x78: {  	_ =	shalt  }
0x79: {  	_ =	shalt  }
0x7a: {  	_ =	shalt  }
0x7b: {  	_ =	shalt  }
0x7c: {  	_ =	shalt  }
0x7d: {  	_ =	shalt  }
0x7e: {  	_ =	shalt  }
0x7f: {  	_ =	shalt  }
0x80: {  	_ =	shalt  }
0x81: {  	_ =	shalt  }
0x82: {  	_ =	shalt  }
0x83: {  	_ =	shalt  }
0x84: {  	_ =	shalt  }
0x85: {  	_ =	shalt  }
0x86: {  	_ =	shalt  }
0x87: {  	_ =	shalt  }
.Lfunc_end0:
.L_simem_size_0:
called_computation.3_lowered:
.L_overlay_start_0:
0x88: {  	s2 =	sld [smem:$0x3FD9]  }
0x89: {  	s3 =	sld [smem:$0x3FFE];
	_ =	sdelay $0x1  }
0x8a: {  	s1 =	srdreg.scid  }
0x8b: {  	s0 =	sand.u32 $0x1, s1  }
0x8c: {  	s16 =	sshll.u32 s0, $0xA;
	s2 =	sadd.s32 s3, s2  }
0x8d: {  	s2 =	sadd.s32 s2, s16  }
0x8e: {  	[smem:$0x3FB5] =	sst s2  }
0x8f: {  	_ = 	snop  }
0x90: {  	(tm) =	ssettm $0x1  }
0x91: {  	s17 =	sld [smem:$0x3FFB];
	_ =	sdelay $0x3  }
0x92: {  	_ =	strace s17  }
0x93: {  	s2 =	sld [smem:$0x3FFC];
	_ =	sdelay $0x3  }
0x94: {  	_ =	strace s2  }
0x95: {  	s2 =	sld [smem:$0x3FFD];
	_ =	sdelay $0x3  }
0x96: {  	_ =	strace s2  }
0x97: {  	_ =	strace $0x8FFFFFFF  }
0x98: {  	s18 =	sld [smem:$0x3FDB];
	_ =	sdelay $0x1  }
0x99: {  	s19 =	simm.s32 $_scs_section_size  }
0x9a: {  	s4 =	simm.s32 $_size__tile_overlayer_lowered;
	s5 =	simm.s32 $_tile_overlayer_lowered  }
0x9b: {  	s22 =	simm.s32 $0x1BFF;
	s21 =	sshll.u32 s5, $0x1;
	s2 =	sadd.s32 s19, s18  }
0x9c: {  	s6 =	simm.s32 $0x0;
	s20 =	sshll.u32 s4, $0x1;
	s4 =	sadd.s32 s21, s2  }
0x9d: {  	[timem:s6], [sflag:s22] =	dma.local [hbm:s4], s20  }
0x9e: {  	_ =	swait.ge [sflag:s22], s20  }
0x9f: {  	s3 =	ssub.s32 $0x0, s20;
	[sflag:s22] =	ssyncset.done $0x0  }
0xa0: {  	[sflag:s22] =	ssyncadd.s32 s3;
	_ =	sdelay $0x1  }
0xa1: {  	s23 =	simm.s32 $0x1B8B  }
0xa2: {  	_ =	swait.ge [sflag:s23], $0x1  }
0xa3: {  	[sflag:s23] =	ssyncset.done $0x0  }
0xa4: {  	s25 =	simm.s32 $0x1B8E;
	s24 =	sld [smem:$0x3FFE];
	[sflag:s23] =	ssyncadd.s32 $0xFFFFFFFF  }
0xa5: {  	s26 =	simm.s32 $execute0_lowered;
	[smem:$0x3FD2] =	sst s25  }
0xa6: {  	s4 =	sshll.u32 s26, $0x1;
	_ =	strace $0x8000004F;
	[dreg:$0x1] =	wrdreg $0xFFFFFFFF  }
0xa7: {  	s28 =	simm.s32 $_size_execute0_lowered;
	s2 =	sadd.s32 s2, s4;
	[dreg:$0x0] =	wrdreg $0x0  }
0xa8: {  	s4 =	sshll.u32 s28, $0x1;
	[dreg:$0x2] =	wrdreg s2  }
0xa9: {  	[dreg:$0x3] =	wrdreg s4  }
0xaa: {  	[dreg:$0x4] =	wrdreg $0xC0  }
0xab: {  	_ =	task [dreg:s6], $0x5FFFF  }
0xac: {  	[dreg:$0x1] =	wrdreg $0xFFFFFFFF  }
0xad: {  	[dreg:$0x0] =	wrdreg $0x60  }
0xae: {  	[dreg:$0x2] =	wrdreg s24  }
0xaf: {  	[dreg:$0x3] =	wrdreg $0x150000  }
0xb0: {  	[dreg:$0x4] =	wrdreg $0x9  }
0xb1: {  	_ =	task.clear_ibuf [dreg:s6], $0x5FFFF;
	_ =	strace $0x9000004F  }
0xb2: {  	s29 =	simm.s32 $0x9;
	_ =	strace $0x80000051  }
0xb3: {  	_ =	swait.ge [sflag:s29], $0x1  }
0xb4: {  	[sflag:s29] =	ssyncadd.s32 $0xFFFFFFFF  }
0xb5: {  	_ =	strace $0x90000051  }
0xb6: {  	_ =	sfence  }
0xb7: {  	s30 =	sld [smem:$0x0];
	_ =	sdelay $0x2  }
0xb8: {  	s31 =	sshll.u32 s1, $0xD;
	s1 =	sshrl.u32 s1, $0x2  }
0xb9: {  	s3 =	sand.u32 $0x4000, s31;
	s1 =	sadd.s32 s1, s30  }
0xba: {  	s0 =	sor.u32 s3, s0;
	s1 =	sshll.u32 s1, $0x11  }
0xbb: {  	s0 =	sor.u32 s1, s0  }
0xbc: {  	s0 =	sadd.s32 $0x8F2B, s0  }
0xbd: {  	[sflag:s0] =	ssyncadd.remote.s32 $0x1  }
0xbe: {  	_ =	sfence.sel $0xFFFF  }
0xbf: {  	[dreg:$0x0] =	wrdreg $0xFFFFFFFF;
	(pc) =	sbr.abs _section_cstart, $3  }
0xc0: {  	[dreg:$0x1] =	wrdreg $0xFFFFFFFF  }
0xc1: {  	_ =	task.clear_ibuf [dreg:s6], $0x2FFFF;
	_ =	strace $0x9FFFFFFF  }
0xc2: {  	(tm) =	ssettm $0x7FFFFFFF  }
0xc3: {  	_ =	shalt  }
tec
execute0_lowered:
.L_overlay_start_1:
0x0: {  	(tag) =	ssettag $0x1  }
0x1: {  	s0 =	srdreg.scid  }
0x2: {  	s4 =	stileid.u32;
	s3 =	rddreg [dreg:$0x0]  }
0x3: {  	s2 =	rddreg [dreg:$0x1];
	s6 =	simm.s32 $0x0;
	s10 =	simm.s32 $0x11  }
0x4: {  	s12 =	simm.s32 $0x80;
	s13 =	simm.s32 $0x5000;
	s14 =	simm.s32 $0x7000  }
0x5: {  	s16 =	simm.s32 $0x9000;
	s18 =	simm.s32 $0xB000;
	s20 =	simm.s32 $0xD000  }
0x6: {  	s29 =	simm.s32 $0x1;
	s30 =	simm.s32 $0x2;
	s31 =	simm.s32 $0x3  }
0x7: {  	s15 =	simm.s32 $0x5;
	s17 =	simm.s32 $0x7;
	s19 =	simm.s32 $0x8  }
0x8: {  	s21 =	simm.s32 $0x9;
	s28 =	simm.s32 $0xC;
	s9 =	simm.s32 $0x0  }
0x9: {  	s0 =	sand.u32 $0x1, s0;
	s5 =	smul.u32 $0x9E00, s4;
	[smem:$0x7FF] =	sst s6  }
0xa: {  	s8 =	sadd.s32 $0x2C400, s3;
	s1 =	sshll.u32 s0, $0x4;
	s22 =	smul.u32 $0x9E000, s0  }
0xb: {  	_ =	strace $0x80000050;
	s0 =	ssub.s32 $0x2, s0;
	[dreg:$0x3] =	wrdreg s8  }
0xc: {  	s8 =	simm.s32 $0x10;
	s1 =	sor.u32 s4, s1;
	s4 =	sadd.s32 $0x4800, s3  }
0xd: {  	s7 =	sshrl.u32 s0, $0x1;
	s25 =	sadd.s32 s5, s2;
	s1 =	smul.u32 $0x500, s1  }
0xe: {  	s23 =	sadd.s32 s5, s22;
	s0 =	ssub.s32 s0, s7;
	[dreg:$0x6] =	wrdreg s25  }
0xf: {  	s22 =	simm.s32 $0xF000;
	s25 =	simm.s32 $0xB;
	s5 =	simm.s32 $0xD  }
0x10: {  	s7 =	simm.s32 $0xF;
	s0 =	smax.u32 s0, $0x1;
	s1 =	sadd.s32 s1, s3  }
0x11: {  	s6 =	sshrl.u32 s23, $0x3;
	[dreg:$0x8] =	wrdreg s0;
	s24 =	sadd.s32 $0x22400, s1  }
0x12: {  	s3 =	sadd.s32 s6, s3;
	s1 =	sadd.s32 $0x18400, s1;
	[dreg:$0x4] =	wrdreg s24  }
0x13: {  	s23 =	simm.s32 $0xA;
	s26 =	sadd.s32 $0x2D800, s3;
	[dreg:$0x5] =	wrdreg s1  }
0x14: {  	s0 =	simm.s32 $0x6;
	s6 =	simm.s32 $0xE;
	[dreg:$0x7] =	wrdreg s26  }
0x15: {  	s24 =	simm.s32 $0x11000;
	s26 =	simm.s32 $0x13000;
	s1 =	simm.s32 $0x4  }
.LBB2_1:
0x16: {  	[dreg:$0x9] =	wrdreg s9  }
0x17: {  	s11 =	simm.s32 $0x0;
	s3 =	rddreg [dreg:$0x4]  }
0x18: {  	[tilespmem:s11], [sflag:$0x11] =	stream.linear.gather [hbm4b:s3+s11], $0x2800, $0x38;
	[tilespmem:$0x1EE00] =	vst v63  }
0x19: {  	_ =	swait.ge [sflag:s10], $0x2800  }
0x1a: {  	[sflag:s10] =	ssyncset.done $0x0  }
0x1b: {  	[sflag:s10] =	ssyncadd.s32 $0xFFFFD800  }
0x1c: {  	[tilespmem:s13], [sflag:$0x1] =	stream.indirect.gather [hbm4b:s4+s12], $0x40, s11, s12, $0xb8;
	[tilespmem:$0x1EE00] =	vst v63  }
0x1d: {  	_ = 	snop  }
0x1e: {  	[tilespmem:s14], [sflag:$0x2] =	stream.indirect.gather [hbm4b:s4+s12], $0x40, s12, s12, $0xb8;
	[tilespmem:$0x1EE00] =	vst v63  }
0x1f: {  	s11 =	simm.s32 $0x100  }
0x20: {  	[tilespmem:s16], [sflag:$0x3] =	stream.indirect.gather [hbm4b:s4+s12], $0x40, s11, s12, $0xb8;
	[tilespmem:$0x1EE00] =	vst v63  }
0x21: {  	s11 =	simm.s32 $0x180  }
0x22: {  	[tilespmem:s18], [sflag:$0x4] =	stream.indirect.gather [hbm4b:s4+s12], $0x40, s11, s12, $0xb8;
	[tilespmem:$0x1EE00] =	vst v63  }
0x23: {  	s11 =	simm.s32 $0x200  }
0x24: {  	[tilespmem:s20], [sflag:$0x5] =	stream.indirect.gather [hbm4b:s4+s12], $0x40, s11, s12, $0xb8;
	[tilespmem:$0x1EE00] =	vst v63  }
0x25: {  	s11 =	simm.s32 $0x280  }
0x26: {  	[tilespmem:s22], [sflag:$0x6] =	stream.indirect.gather [hbm4b:s4+s12], $0x40, s11, s12, $0xb8;
	[tilespmem:$0x1EE00] =	vst v63  }
0x27: {  	s11 =	simm.s32 $0x300  }
0x28: {  	[tilespmem:s24], [sflag:$0x7] =	stream.indirect.gather [hbm4b:s4+s12], $0x40, s11, s12, $0xb8;
	[tilespmem:$0x1EE00] =	vst v63  }
0x29: {  	s11 =	simm.s32 $0x380  }
0x2a: {  	[tilespmem:s26], [sflag:$0x8] =	stream.indirect.gather [hbm4b:s4+s12], $0x40, s11, s12, $0xb8;
	[tilespmem:$0x1EE00] =	vst v63  }
0x2b: {  	s9 =	simm.s32 $0x0;
	s3 =	rddreg [dreg:$0x5];
	s11 =	simm.s32 $0x2800  }
0x2c: {  	[tilespmem:s11], [sflag:$0x11] =	stream.linear.gather [hbm4b:s3+s9], $0x2800, $0x38;
	[tilespmem:$0x1EE00] =	vst v63  }
0x2d: {  	s11 =	stileid.u32;
	_ =	swait.ge [sflag:s10], $0x2800  }
0x2e: {  	s3 =	sshll.u32 s11, $0x6;
	s9 =	rddreg [dreg:$0x6]  }
0x2f: {  	s11 =	sor.u32 $0x1C11, s3;
	s3 =	rddreg [dreg:$0x3]  }
0x30: {  	[sflag:s10] =	ssyncset.done $0x0;
	s9 =	sshrl.u32 s9, $0x3;
	[dreg:$0xa] =	wrdreg s11  }
0x31: {  	[sflag:s10] =	ssyncadd.s32 $0xFFFFD800;
	[dreg:$0xb] =	wrdreg s9  }
0x32: {  	[spmem:s9], [sflag:s11] =	dma.local [hbm:s3], $0x13C0  }
0x33: {  	_ =	swait.ge [sflag:s10], $0x13C0  }
0x34: {  	[sflag:s10] =	ssyncset.done $0x0  }
0x35: {  	[sflag:s10] =	ssyncadd.s32 $0xFFFFEC40  }
0x36: {  	[bflag:$0x0] =	sbarrier.arrive $0xFFFF  }
0x37: {  	_ =	swait.ge [sflag:s29], $0x2000  }
0x38: {  	[sflag:s29] =	ssyncset.done $0x0  }
0x39: {  	s11 =	simm.s32 $0x2800;
	[sflag:s29] =	ssyncadd.s32 $0xFFFFE000  }
0x3a: {  	[spmem:s2] =	stream.indirect.scatter.add.f32 [tilespmem:s13], [sflag:$0x9], $0x40, s11, s12, $0xb8;
	[tilespmem:$0x1EE00] =	vst v63  }
0x3b: {  	_ =	swait.ge [sflag:s30], $0x2000  }
0x3c: {  	[sflag:s30] =	ssyncset.done $0x0  }
0x3d: {  	s9 =	simm.s32 $0x2880;
	[sflag:s30] =	ssyncadd.s32 $0xFFFFE000  }
0x3e: {  	[spmem:s2] =	stream.indirect.scatter.add.f32 [tilespmem:s14], [sflag:$0xA], $0x40, s9, s12, $0xb8;
	[tilespmem:$0x1EE00] =	vst v63  }
0x3f: {  	_ =	swait.ge [sflag:s31], $0x2000  }
0x40: {  	[sflag:s31] =	ssyncset.done $0x0  }
0x41: {  	s10 =	simm.s32 $0x2900;
	[sflag:s31] =	ssyncadd.s32 $0xFFFFE000  }
0x42: {  	[spmem:s2] =	stream.indirect.scatter.add.f32 [tilespmem:s16], [sflag:$0xB], $0x40, s10, s12, $0xb8;
	[tilespmem:$0x1EE00] =	vst v63  }
0x43: {  	_ =	swait.ge [sflag:s1], $0x2000  }
0x44: {  	[sflag:s1] =	ssyncset.done $0x0  }
0x45: {  	s11 =	simm.s32 $0x2980;
	[sflag:s1] =	ssyncadd.s32 $0xFFFFE000  }
0x46: {  	[spmem:s2] =	stream.indirect.scatter.add.f32 [tilespmem:s18], [sflag:$0xC], $0x40, s11, s12, $0xb8;
	[tilespmem:$0x1EE00] =	vst v63  }
0x47: {  	_ =	swait.ge [sflag:s15], $0x2000  }
0x48: {  	[sflag:s15] =	ssyncset.done $0x0  }
0x49: {  	s9 =	simm.s32 $0x2A00;
	[sflag:s15] =	ssyncadd.s32 $0xFFFFE000  }
0x4a: {  	[spmem:s2] =	stream.indirect.scatter.add.f32 [tilespmem:s20], [sflag:$0xD], $0x40, s9, s12, $0xb8;
	[tilespmem:$0x1EE00] =	vst v63  }
0x4b: {  	_ =	swait.ge [sflag:s0], $0x2000  }
0x4c: {  	[sflag:s0] =	ssyncset.done $0x0  }
0x4d: {  	s10 =	simm.s32 $0x2A80;
	[sflag:s0] =	ssyncadd.s32 $0xFFFFE000  }
0x4e: {  	[spmem:s2] =	stream.indirect.scatter.add.f32 [tilespmem:s22], [sflag:$0xE], $0x40, s10, s12, $0xb8;
	[tilespmem:$0x1EE00] =	vst v63  }
0x4f: {  	_ =	swait.ge [sflag:s17], $0x2000  }
0x50: {  	[sflag:s17] =	ssyncset.done $0x0  }
0x51: {  	s11 =	simm.s32 $0x2B00;
	[sflag:s17] =	ssyncadd.s32 $0xFFFFE000  }
0x52: {  	[spmem:s2] =	stream.indirect.scatter.add.f32 [tilespmem:s24], [sflag:$0xF], $0x40, s11, s12, $0xb8;
	[tilespmem:$0x1EE00] =	vst v63  }
0x53: {  	_ =	swait.ge [sflag:s19], $0x2000  }
0x54: {  	[sflag:s19] =	ssyncset.done $0x0  }
0x55: {  	s9 =	simm.s32 $0x2B80;
	[sflag:s19] =	ssyncadd.s32 $0xFFFFE000  }
0x56: {  	[spmem:s2] =	stream.indirect.scatter.add.f32 [tilespmem:s26], [sflag:$0x10], $0x40, s9, s12, $0xb8;
	[tilespmem:$0x1EE00] =	vst v63  }
0x57: {  	s9 =	simm.s32 $0x0  }
0x58: {  	_ =	swait.ge [sflag:s21], $0x2000;
	s10 =	smin.u32 s9, $0x47  }
0x59: {  	[sflag:s21] =	ssyncset.done $0x0;
	s3 =	sshll.u32 s10, $0x7  }
0x5a: {  	[sflag:s21] =	ssyncadd.s32 $0xFFFFE000;
	s3 =	sadd.s32 $0x400, s3  }
0x5b: {  	[tilespmem:s13], [sflag:$0x1] =	stream.indirect.gather [hbm4b:s4+s12], $0x40, s3, s12, $0xb8;
	[tilespmem:$0x1EE00] =	vst v63  }
0x5c: {  	s11 =	smin.u32 s9, $0x46;
	_ =	swait.ge [sflag:s23], $0x2000  }
0x5d: {  	s3 =	sshll.u32 s11, $0x7;
	[sflag:s23] =	ssyncset.done $0x0  }
0x5e: {  	s3 =	sadd.s32 $0x480, s3;
	[sflag:s23] =	ssyncadd.s32 $0xFFFFE000  }
0x5f: {  	[tilespmem:s14], [sflag:$0x2] =	stream.indirect.gather [hbm4b:s4+s12], $0x40, s3, s12, $0xb8;
	[tilespmem:$0x1EE00] =	vst v63  }
0x60: {  	s10 =	smin.u32 s9, $0x45;
	_ =	swait.ge [sflag:s25], $0x2000  }
0x61: {  	s3 =	sshll.u32 s10, $0x7;
	[sflag:s25] =	ssyncset.done $0x0  }
0x62: {  	s3 =	sadd.s32 $0x500, s3;
	[sflag:s25] =	ssyncadd.s32 $0xFFFFE000  }
0x63: {  	[tilespmem:s16], [sflag:$0x3] =	stream.indirect.gather [hbm4b:s4+s12], $0x40, s3, s12, $0xb8;
	[tilespmem:$0x1EE00] =	vst v63  }
0x64: {  	s11 =	smin.u32 s9, $0x44;
	_ =	swait.ge [sflag:s28], $0x2000  }
0x65: {  	s3 =	sshll.u32 s11, $0x7;
	[sflag:s28] =	ssyncset.done $0x0  }
0x66: {  	s3 =	sadd.s32 $0x580, s3;
	[sflag:s28] =	ssyncadd.s32 $0xFFFFE000  }
0x67: {  	[tilespmem:s18], [sflag:$0x4] =	stream.indirect.gather [hbm4b:s4+s12], $0x40, s3, s12, $0xb8;
	[tilespmem:$0x1EE00] =	vst v63  }
0x68: {  	s10 =	smin.u32 s9, $0x43;
	_ =	swait.ge [sflag:s5], $0x2000  }
0x69: {  	s3 =	sshll.u32 s10, $0x7;
	[sflag:s5] =	ssyncset.done $0x0  }
0x6a: {  	s3 =	sadd.s32 $0x600, s3;
	[sflag:s5] =	ssyncadd.s32 $0xFFFFE000  }
0x6b: {  	[tilespmem:s20], [sflag:$0x5] =	stream.indirect.gather [hbm4b:s4+s12], $0x40, s3, s12, $0xb8;
	[tilespmem:$0x1EE00] =	vst v63  }
0x6c: {  	s11 =	smin.u32 s9, $0x42;
	_ =	swait.ge [sflag:s6], $0x2000  }
0x6d: {  	s3 =	sshll.u32 s11, $0x7;
	[sflag:s6] =	ssyncset.done $0x0  }
0x6e: {  	s3 =	sadd.s32 $0x680, s3;
	[sflag:s6] =	ssyncadd.s32 $0xFFFFE000  }
0x6f: {  	[tilespmem:s22], [sflag:$0x6] =	stream.indirect.gather [hbm4b:s4+s12], $0x40, s3, s12, $0xb8;
	[tilespmem:$0x1EE00] =	vst v63  }
0x70: {  	s9 =	smin.u32 s9, $0x41;
	_ =	swait.ge [sflag:s7], $0x2000  }
0x71: {  	s3 =	sshll.u32 s9, $0x7;
	[sflag:s7] =	ssyncset.done $0x0  }
0x72: {  	s10 =	simm.s32 $0x0;
	s3 =	sadd.s32 $0x700, s3;
	[sflag:s7] =	ssyncadd.s32 $0xFFFFE000  }
0x73: {  	[tilespmem:s24], [sflag:$0x7] =	stream.indirect.gather [hbm4b:s4+s12], $0x40, s3, s12, $0xb8;
	[tilespmem:$0x1EE00] =	vst v63  }
0x74: {  	s11 =	smin.u32 s10, $0x40;
	_ =	swait.ge [sflag:s8], $0x2000  }
0x75: {  	s10 =	simm.s32 $0x1000;
	s3 =	sshll.u32 s11, $0x7;
	[sflag:s8] =	ssyncset.done $0x0  }
0x76: {  	s11 =	sadd.s32 $0x780, s3;
	s3 =	simm.s32 $0x8;
	[sflag:s8] =	ssyncadd.s32 $0xFFFFE000  }
.LBB2_2:
0x77: {  	[tilespmem:s26], [sflag:$0x8] =	stream.indirect.gather [hbm4b:s4+s12], $0x40, s11, s12, $0xb8;
	[tilespmem:$0x1EE00] =	vst v63  }
0x78: {  	s11 =	smov.u32 s10  }
0x79: {  	p0 =	sne.s32 s10, $0x9000;
	s10 =	sadd.s32 $0x1000, s10;
	_ =	swait.ge [sflag:s29], $0x2000  }
0x7a: {  	s11 =	sshra.s32 s11, $0x2;
	[sflag:s29] =	ssyncset.done $0x0  }
0x7b: {  	s9 =	sadd.s32 $0x2800, s11;
	[sflag:s29] =	ssyncadd.s32 $0xFFFFE000  }
0x7c: {  	[spmem:s2] =	stream.indirect.scatter.add.f32 [tilespmem:s13], [sflag:$0x9], $0x40, s9, s12, $0xb8;
	[tilespmem:$0x1EE00] =	vst v63  }
0x7d: {  	_ =	swait.ge [sflag:s30], $0x2000  }
0x7e: {  	[sflag:s30] =	ssyncset.done $0x0  }
0x7f: {  	s9 =	sadd.s32 $0x2880, s11;
	[sflag:s30] =	ssyncadd.s32 $0xFFFFE000  }
0x80: {  	[spmem:s2] =	stream.indirect.scatter.add.f32 [tilespmem:s14], [sflag:$0xA], $0x40, s9, s12, $0xb8;
	[tilespmem:$0x1EE00] =	vst v63  }
0x81: {  	_ =	swait.ge [sflag:s31], $0x2000  }
0x82: {  	[sflag:s31] =	ssyncset.done $0x0  }
0x83: {  	s9 =	sadd.s32 $0x2900, s11;
	[sflag:s31] =	ssyncadd.s32 $0xFFFFE000  }
0x84: {  	[spmem:s2] =	stream.indirect.scatter.add.f32 [tilespmem:s16], [sflag:$0xB], $0x40, s9, s12, $0xb8;
	[tilespmem:$0x1EE00] =	vst v63  }
0x85: {  	_ =	swait.ge [sflag:s1], $0x2000  }
0x86: {  	[sflag:s1] =	ssyncset.done $0x0  }
0x87: {  	s9 =	sadd.s32 $0x2980, s11;
	[sflag:s1] =	ssyncadd.s32 $0xFFFFE000  }
0x88: {  	[spmem:s2] =	stream.indirect.scatter.add.f32 [tilespmem:s18], [sflag:$0xC], $0x40, s9, s12, $0xb8;
	[tilespmem:$0x1EE00] =	vst v63  }
0x89: {  	_ =	swait.ge [sflag:s15], $0x2000  }
0x8a: {  	[sflag:s15] =	ssyncset.done $0x0  }
0x8b: {  	s9 =	sadd.s32 $0x2A00, s11;
	[sflag:s15] =	ssyncadd.s32 $0xFFFFE000  }
0x8c: {  	[spmem:s2] =	stream.indirect.scatter.add.f32 [tilespmem:s20], [sflag:$0xD], $0x40, s9, s12, $0xb8;
	[tilespmem:$0x1EE00] =	vst v63  }
0x8d: {  	_ =	swait.ge [sflag:s0], $0x2000  }
0x8e: {  	[sflag:s0] =	ssyncset.done $0x0  }
0x8f: {  	s9 =	sadd.s32 $0x2A80, s11;
	[sflag:s0] =	ssyncadd.s32 $0xFFFFE000  }
0x90: {  	[spmem:s2] =	stream.indirect.scatter.add.f32 [tilespmem:s22], [sflag:$0xE], $0x40, s9, s12, $0xb8;
	[tilespmem:$0x1EE00] =	vst v63  }
0x91: {  	_ =	swait.ge [sflag:s17], $0x2000  }
0x92: {  	[sflag:s17] =	ssyncset.done $0x0  }
0x93: {  	s9 =	sadd.s32 $0x2B00, s11;
	[sflag:s17] =	ssyncadd.s32 $0xFFFFE000  }
0x94: {  	[spmem:s2] =	stream.indirect.scatter.add.f32 [tilespmem:s24], [sflag:$0xF], $0x40, s9, s12, $0xb8;
	[tilespmem:$0x1EE00] =	vst v63  }
0x95: {  	_ =	swait.ge [sflag:s19], $0x2000  }
0x96: {  	[sflag:s19] =	ssyncset.done $0x0  }
0x97: {  	s9 =	sadd.s32 $0x2B80, s11;
	[sflag:s19] =	ssyncadd.s32 $0xFFFFE000  }
0x98: {  	[spmem:s2] =	stream.indirect.scatter.add.f32 [tilespmem:s26], [sflag:$0x10], $0x40, s9, s12, $0xb8;
	[tilespmem:$0x1EE00] =	vst v63  }
0x99: {  	s9 =	smin.u32 s3, $0x47;
	_ =	swait.ge [sflag:s21], $0x2000  }
0x9a: {  	s9 =	sshll.u32 s9, $0x7;
	[sflag:s21] =	ssyncset.done $0x0  }
0x9b: {  	s9 =	sadd.s32 $0x400, s9;
	[sflag:s21] =	ssyncadd.s32 $0xFFFFE000  }
0x9c: {  	[tilespmem:s13], [sflag:$0x1] =	stream.indirect.gather [hbm4b:s4+s12], $0x40, s9, s12, $0xb8;
	[tilespmem:$0x1EE00] =	vst v63  }
0x9d: {  	s9 =	smin.u32 s3, $0x46;
	_ =	swait.ge [sflag:s23], $0x2000  }
0x9e: {  	s9 =	sshll.u32 s9, $0x7;
	[sflag:s23] =	ssyncset.done $0x0  }
0x9f: {  	s9 =	sadd.s32 $0x480, s9;
	[sflag:s23] =	ssyncadd.s32 $0xFFFFE000  }
0xa0: {  	[tilespmem:s14], [sflag:$0x2] =	stream.indirect.gather [hbm4b:s4+s12], $0x40, s9, s12, $0xb8;
	[tilespmem:$0x1EE00] =	vst v63  }
0xa1: {  	s9 =	smin.u32 s3, $0x45;
	_ =	swait.ge [sflag:s25], $0x2000  }
0xa2: {  	s9 =	sshll.u32 s9, $0x7;
	[sflag:s25] =	ssyncset.done $0x0  }
0xa3: {  	s9 =	sadd.s32 $0x500, s9;
	[sflag:s25] =	ssyncadd.s32 $0xFFFFE000  }
0xa4: {  	[tilespmem:s16], [sflag:$0x3] =	stream.indirect.gather [hbm4b:s4+s12], $0x40, s9, s12, $0xb8;
	[tilespmem:$0x1EE00] =	vst v63  }
0xa5: {  	s9 =	smin.u32 s3, $0x44;
	_ =	swait.ge [sflag:s28], $0x2000  }
0xa6: {  	s9 =	sshll.u32 s9, $0x7;
	[sflag:s28] =	ssyncset.done $0x0  }
0xa7: {  	s9 =	sadd.s32 $0x580, s9;
	[sflag:s28] =	ssyncadd.s32 $0xFFFFE000  }
0xa8: {  	[tilespmem:s18], [sflag:$0x4] =	stream.indirect.gather [hbm4b:s4+s12], $0x40, s9, s12, $0xb8;
	[tilespmem:$0x1EE00] =	vst v63  }
0xa9: {  	s9 =	smin.u32 s3, $0x43;
	_ =	swait.ge [sflag:s5], $0x2000  }
0xaa: {  	s9 =	sshll.u32 s9, $0x7;
	[sflag:s5] =	ssyncset.done $0x0  }
0xab: {  	s9 =	sadd.s32 $0x600, s9;
	[sflag:s5] =	ssyncadd.s32 $0xFFFFE000  }
0xac: {  	[tilespmem:s20], [sflag:$0x5] =	stream.indirect.gather [hbm4b:s4+s12], $0x40, s9, s12, $0xb8;
	[tilespmem:$0x1EE00] =	vst v63  }
0xad: {  	s9 =	smin.u32 s3, $0x42;
	_ =	swait.ge [sflag:s6], $0x2000  }
0xae: {  	s9 =	sshll.u32 s9, $0x7;
	[sflag:s6] =	ssyncset.done $0x0  }
0xaf: {  	s9 =	sadd.s32 $0x680, s9;
	[sflag:s6] =	ssyncadd.s32 $0xFFFFE000  }
0xb0: {  	[tilespmem:s22], [sflag:$0x6] =	stream.indirect.gather [hbm4b:s4+s12], $0x40, s9, s12, $0xb8;
	[tilespmem:$0x1EE00] =	vst v63  }
0xb1: {  	s9 =	smin.u32 s3, $0x41;
	_ =	swait.ge [sflag:s7], $0x2000  }
0xb2: {  	s9 =	sshll.u32 s9, $0x7;
	[sflag:s7] =	ssyncset.done $0x0  }
.Ltmp0:
0xb3: {  	s9 =	sadd.s32 $0x700, s9;
	[sflag:s7] =	ssyncadd.s32 $0xFFFFE000;
	(pc) =	sbr.rel @p0 .LBB2_2-.Ltmp0, $4  }
0xb4: {  	[tilespmem:s24], [sflag:$0x7] =	stream.indirect.gather [hbm4b:s4+s12], $0x40, s9, s12, $0xb8;
	[tilespmem:$0x1EE00] =	vst v63  }
0xb5: {  	s9 =	smin.u32 s3, $0x40;
	_ =	swait.ge [sflag:s8], $0x2000  }
0xb6: {  	s9 =	sshll.u32 s9, $0x7;
	[sflag:s8] =	ssyncset.done $0x0  }
0xb7: {  	s3 =	sadd.s32 $0x8, s3;
	s11 =	sadd.s32 $0x780, s9;
	[sflag:s8] =	ssyncadd.s32 $0xFFFFE000  }
0xb8: {  	[tilespmem:s26], [sflag:$0x8] =	stream.indirect.gather [hbm4b:s4+s12], $0x40, s11, s12, $0xb8;
	[tilespmem:$0x1EE00] =	vst v63  }
0xb9: {  	_ =	swait.ge [sflag:s29], $0x2000  }
0xba: {  	[sflag:s29] =	ssyncset.done $0x0  }
0xbb: {  	[sflag:s29] =	ssyncadd.s32 $0xFFFFE000  }
0xbc: {  	_ =	swait.ge [sflag:s30], $0x2000  }
0xbd: {  	[sflag:s30] =	ssyncset.done $0x0  }
0xbe: {  	[sflag:s30] =	ssyncadd.s32 $0xFFFFE000  }
0xbf: {  	_ =	swait.ge [sflag:s31], $0x2000  }
0xc0: {  	[sflag:s31] =	ssyncset.done $0x0  }
0xc1: {  	[sflag:s31] =	ssyncadd.s32 $0xFFFFE000  }
0xc2: {  	_ =	swait.ge [sflag:s1], $0x2000  }
0xc3: {  	[sflag:s1] =	ssyncset.done $0x0  }
0xc4: {  	[sflag:s1] =	ssyncadd.s32 $0xFFFFE000  }
0xc5: {  	_ =	swait.ge [sflag:s15], $0x2000  }
0xc6: {  	[sflag:s15] =	ssyncset.done $0x0  }
0xc7: {  	[sflag:s15] =	ssyncadd.s32 $0xFFFFE000  }
0xc8: {  	_ =	swait.ge [sflag:s0], $0x2000  }
0xc9: {  	[sflag:s0] =	ssyncset.done $0x0  }
0xca: {  	[sflag:s0] =	ssyncadd.s32 $0xFFFFE000  }
0xcb: {  	_ =	swait.ge [sflag:s17], $0x2000  }
0xcc: {  	[sflag:s17] =	ssyncset.done $0x0  }
0xcd: {  	[sflag:s17] =	ssyncadd.s32 $0xFFFFE000  }
0xce: {  	_ =	swait.ge [sflag:s19], $0x2000  }
0xcf: {  	[sflag:s19] =	ssyncset.done $0x0  }
0xd0: {  	[sflag:s19] =	ssyncadd.s32 $0xFFFFE000  }
0xd1: {  	[bflag:$0x0] =	sbarrier.arrive $0xFFFF  }
0xd2: {  	s3 =	rddreg [dreg:$0x7]  }
0xd3: {  	s9 =	rddreg [dreg:$0xa]  }
0xd4: {  	s10 =	rddreg [dreg:$0xb]  }
0xd5: {  	[hbm:s3], [sflag:s9] =	dma.local [spmem:s10], $0x13C0  }
0xd6: {  	s10 =	simm.s32 $0x11  }
0xd7: {  	_ =	swait.ge [sflag:s10], $0x13C0  }
0xd8: {  	s3 =	rddreg [dreg:$0x9]  }
0xd9: {  	s11 =	rddreg [dreg:$0x8];
	s9 =	sadd.s32 $0x1, s3  }
0xda: {  	p0 =	sne.s32 s9, s11  }
.Ltmp1:
0xdb: {  	_ = 	snop;
	(pc) =	sbr.rel @p0 .LBB2_1-.Ltmp1, $3  }
0xdc: {  	_ =	sdelay $0x1  }
0xdd: {  	[sflag:s10] =	ssyncset.done $0x0  }
0xde: {  	[sflag:s10] =	ssyncadd.s32 $0xFFFFEC40  }
0xdf: {  	_ =	sfence.sel $0x180000  }
0xe0: {  	[bflag:$0x0] =	sbarrier.arrive $0xFFFF  }
0xe1: {  	_ =	strace $0x90000050  }
0xe2: {  	s0 =	stileid.u32;
	[bflag:$0x2] =	sbarrier.arrive $0xFFFF  }
0xe3: {  	p0 =	sne.s32 s0, $0x0;
	s0 =	rddreg [dreg:$0x2]  }
0xe4: {  	s0 =	sadd.s32 @!p0 $0x100000, s0  }
0xe5: {  	[sflag:s0] =	ssyncadd.tile.s32 @!p0 $0x1;
	_ =	shalt  }
.Lfunc_end2:
_tile_overlayer_lowered:
.L_overlay_start_2:
0xe6: {  	(tag) =	ssettag $0x2  }
0xe7: {  	s0 =	rddreg [dreg:$0x0];
	s2 =	stileid.u32  }
0xe8: {  	s1 =	rddreg [dreg:$0x1];
	p0 =	sne.s32 s2, $0x0  }
0xe9: {  	s3 =	rddreg [dreg:$0x2];
	[bflag:$0x3] =	sbarrier.arrive $0xFFFF;
	s2 =	simm.s32 @!p0 $0x1C11  }
0xea: {  	[timem:s3], [sflag:s2] =	dma.local @!p0 [hbm:s0], s1  }
0xeb: {  	s0 =	simm.s32 @!p0 $0x11  }
0xec: {  	_ =	swait.ge @!p0 [sflag:s0], s1  }
0xed: {  	s1 =	ssub.s32 @!p0 $0x0, s1;
	[sflag:s0] =	ssyncset.done @!p0 $0x0  }
0xee: {  	[sflag:s0] =	ssyncadd.s32 @!p0 s1  }
0xef: {  	[bflag:$0x3] =	sbarrier.arrive $0xFFFF  }
0xf0: {  	_ =	shalt  }

</sc_bundles>
